<compile_context>
chip_gen: v7x
topology: tpu7x:2x2x1
jax: 0.10.2.dev20260603
libtpu: 0.0.44.dev20260713+nightly
codegen_flags: <defaults>
</compile_context>

<pallas_src>
import functools

import jax
import jax.numpy as jnp
from jax import lax
from jax.experimental import pallas as pl
from jax.experimental.pallas import tpu as pltpu
from jax.experimental.pallas import tpu_sc as plsc

N_NODE = 10000
E_EDGE = 320000
F_HID = 32
F_OUT = 128

NC = 2
NS = 16
NW = NC * NS
EW = E_EDGE // NW
CH = 80
NCHUNK = EW // CH
GCH = 64
NGC = E_EDGE // GCH
HROWS = E_EDGE * F_HID // 128
ZROWS = 40
NUNIT = N_NODE // ZROWS



def _prep_body(u_ref, cp_ref, tp_ref, h_ref,
               wu_u, wu_cp, wu_tp, b1u,
               wh_h, wh_sp, wh_dp, b1h,
               cu_ref, ch_ref):
    f32 = jnp.float32
    au = (jnp.dot(cp_ref[...], wu_cp[...], preferred_element_type=f32)
          + jnp.dot(u_ref[...], wu_u[...], preferred_element_type=f32)
          + b1u[...])
    bu = jnp.dot(tp_ref[...], wu_tp[...], preferred_element_type=f32)
    ah = (jnp.dot(tp_ref[...], wh_sp[...], preferred_element_type=f32)
          + jnp.dot(h_ref[...], wh_h[...], preferred_element_type=f32)
          + b1h[...])
    bh = jnp.dot(tp_ref[...], wh_dp[...], preferred_element_type=f32)
    z = jnp.zeros((N_NODE, 2 * F_HID), f32)
    cu_ref[...] = jnp.concatenate([au, bu, z], axis=1)
    ch_ref[...] = jnp.concatenate([ah, bh, z], axis=1)


def _prep(u, cp, tp, h, wu_u, wu_cp, wu_tp, b1u, wh_h, wh_sp, wh_dp, b1h):
    out = [jax.ShapeDtypeStruct((N_NODE, 128), jnp.float32)] * 2
    return pl.pallas_call(
        _prep_body,
        out_shape=out,
    )(u, cp, tp, h, wu_u, wu_cp, wu_tp, b1u, wh_h, wh_sp, wh_dp, b1h)



NBUF = 3
GMAX = 157


def _gather_body(c_hbm, src_hbm, dst_hbm, out_hbm,
                 idxs, idxd, rows_a, rows_b, hids, gsems, osems):
    c = lax.axis_index("c")
    s = lax.axis_index("s")
    wid = s * NC + c
    nch = jnp.where(wid < 8, 157, 156)
    sw = 156 * wid + jnp.minimum(wid, 8)
    ebase = sw * GCH

    pltpu.sync_copy(src_hbm.at[pl.ds(ebase, GMAX * GCH)], idxs)
    pltpu.sync_copy(dst_hbm.at[pl.ds(ebase, GMAX * GCH)], idxd)

    def start_gather(i, b):
        off = i * GCH
        pltpu.async_copy(c_hbm.at[idxs.at[pl.ds(off, GCH)]], rows_a[b],
                         gsems[b])
        pltpu.async_copy(c_hbm.at[idxd.at[pl.ds(off, GCH)]], rows_b[b],
                         gsems[b])

    def wait_gather(b):
        pltpu.make_async_copy(c_hbm.at[idxs.at[pl.ds(0, GCH)]], rows_a[b],
                              gsems[b]).wait()
        pltpu.make_async_copy(c_hbm.at[idxs.at[pl.ds(0, GCH)]], rows_b[b],
                              gsems[b]).wait()

    def compute(b):
        def row(r, _):
            prow = r // 4
            pcol = (r % 4) * F_HID
            for half in range(2):
                sl = pl.ds(half * 16, 16)
                slb = pl.ds(F_HID + half * 16, 16)
                hids[b][prow, pl.ds(pcol + half * 16, 16)] = jnp.maximum(
                    rows_a[b][r, sl] + rows_b[b][r, slb], 0.0)
            return ()

        lax.fori_loop(0, GCH, row, ())

    def start_out(i, b):
        pltpu.async_copy(hids[b],
                         out_hbm.at[pl.ds((sw + i) * (GCH * F_HID // 128),
                                          GCH * F_HID // 128)],
                         osems[b])

    def wait_out(b):
        pltpu.make_async_copy(hids[b],
                              out_hbm.at[pl.ds(0, GCH * F_HID // 128)],
                              osems[b]).wait()

    start_gather(0, 0)
    start_gather(1, 1)

    def step(i, b):
        @pl.when(i < nch)
        def _():
            wait_gather(b)

            @pl.when(i + 2 < nch)
            def _():
                start_gather(i + 2, (b + 2) % NBUF)

            @pl.when(i >= NBUF)
            def _():
                wait_out(b)

            compute(b)
            start_out(i, b)

    def group(p, _):
        for b in range(NBUF):
            step(p * NBUF + b, b)
        return ()

    lax.fori_loop(0, (GMAX + NBUF - 1) // NBUF, group, ())
    for b in range(NBUF):
        wait_out(b)


def _sc_gather(c_tab, src, dst):
    f32 = jnp.float32
    mesh = plsc.VectorSubcoreMesh(core_axis_name="c", subcore_axis_name="s")
    k = functools.partial(
        pl.kernel,
        out_type=jax.ShapeDtypeStruct((HROWS, 128), f32),
        mesh=mesh,
        scratch_types=[
            pltpu.VMEM((GMAX * GCH,), jnp.int32),
            pltpu.VMEM((GMAX * GCH,), jnp.int32),
            [pltpu.VMEM((GCH, 128), f32)] * NBUF,
            [pltpu.VMEM((GCH, 128), f32)] * NBUF,
            [pltpu.VMEM((GCH * F_HID // 128, 128), f32)] * NBUF,
            [pltpu.SemaphoreType.DMA] * NBUF,
            [pltpu.SemaphoreType.DMA] * NBUF,
        ],
    )(_gather_body)
    return k(c_tab, src, dst)



def _msg_body(hid_ref, w2_ref, b2_ref, out_ref):
    m = jnp.dot(hid_ref[...], w2_ref[...], preferred_element_type=jnp.float32)
    m = jnp.tanh(m + b2_ref[...])
    out_ref[...] = jnp.reshape(m, (4 * m.shape[0], F_OUT))


def _tc_msg(hid, w2d, b2d):
    blk = 1000
    grid = (HROWS // blk,)
    return pl.pallas_call(
        _msg_body,
        grid=grid,
        in_specs=[
            pl.BlockSpec((blk, 128), lambda i: (i, 0)),
            pl.BlockSpec((128, 4 * F_OUT), lambda i: (0, 0)),
            pl.BlockSpec((1, 4 * F_OUT), lambda i: (0, 0)),
        ],
        out_specs=pl.BlockSpec((4 * blk, F_OUT), lambda i: (i, 0)),
        out_shape=jax.ShapeDtypeStruct((E_EDGE, F_OUT), jnp.float32),
    )(hid, w2d, b2d)



NBUF_S = 3


def _scatter_body(msg_hbm, dst2d_hbm, out_hbm, acc, idx2d, msgbs, zbuf,
                  msems, isems, ssems):
    c = lax.axis_index("c")
    s = lax.axis_index("s")
    wid = s * NC + c
    base = wid * EW

    def zrow(r, _):
        for q in range(F_OUT // 16):
            zbuf[r, pl.ds(q * 16, 16)] = jnp.zeros((16,), jnp.float32)
        return ()

    lax.fori_loop(0, ZROWS, zrow, ())

    def zcopy(t, _):
        unit = t * NS + s

        @pl.when(unit < NUNIT)
        def _():
            row = pl.multiple_of(unit * ZROWS, 8)
            pltpu.sync_copy(zbuf, acc.at[pl.ds(row, ZROWS)])

        return ()

    lax.fori_loop(0, (NUNIT + NS - 1) // NS, zcopy, ())
    plsc.subcore_barrier()

    def start_load(j, b):
        pltpu.async_copy(dst2d_hbm.at[pl.ds(wid * NCHUNK + j, 1)],
                         idx2d.at[pl.ds(b, 1)], isems[b])
        pltpu.async_copy(msg_hbm.at[pl.ds(base + j * CH, CH)], msgbs[b],
                         msems[b])

    def wait_load(b):
        pltpu.make_async_copy(dst2d_hbm.at[pl.ds(0, 1)],
                              idx2d.at[pl.ds(b, 1)], isems[b]).wait()
        pltpu.make_async_copy(msg_hbm.at[pl.ds(base, CH)], msgbs[b],
                              msems[b]).wait()

    def step(j, b):
        wait_load(b)
        pltpu.sync_copy(msgbs[b], acc.at[idx2d.at[b]], add=True)

        @pl.when(j + 2 < NCHUNK)
        def _():
            start_load(j + 2, (b + 2) % NBUF_S)

    start_load(0, 0)
    start_load(1, 1)

    def group(p, _):
        for b in range(NBUF_S):
            step(p * NBUF_S + b, b)
        return ()

    ntail = NCHUNK % NBUF_S
    lax.fori_loop(0, NCHUNK // NBUF_S, group, ())
    for t in range(ntail):
        step(NCHUNK - ntail + t, t)
    plsc.subcore_barrier()

    def wcopy(t, _):
        unit = t * NS + s

        @pl.when(unit < NUNIT)
        def _():
            row = pl.multiple_of(unit * ZROWS, 8)
            pltpu.sync_copy(acc.at[pl.ds(row, ZROWS)],
                            out_hbm.at[c, pl.ds(row, ZROWS)])

        return ()

    lax.fori_loop(0, (NUNIT + NS - 1) // NS, wcopy, ())


def _sc_scatter(msg, dst):
    f32 = jnp.float32
    mesh = plsc.VectorSubcoreMesh(core_axis_name="c", subcore_axis_name="s")
    k = functools.partial(
        pl.kernel,
        out_type=jax.ShapeDtypeStruct((NC, N_NODE, F_OUT), f32),
        mesh=mesh,
        scratch_types=[
            pltpu.VMEM_SHARED((N_NODE, F_OUT), f32),
            pltpu.VMEM((NBUF_S, CH), jnp.int32),
            [pltpu.VMEM((CH, F_OUT), f32)] * NBUF_S,
            pltpu.VMEM((ZROWS, F_OUT), f32),
            [pltpu.SemaphoreType.DMA] * NBUF_S,
            [pltpu.SemaphoreType.DMA] * NBUF_S,
            [pltpu.SemaphoreType.DMA] * NBUF_S,
        ],
    )(_scatter_body)
    return k(msg, dst.reshape(E_EDGE // CH, CH))



def _final_body(h_ref, q0_ref, q1_ref, s0_ref, s1_ref,
                wp_h, wp_q, wp_s, b1p, w2p, b2p, out_ref):
    f32 = jnp.float32
    q = q0_ref[...] + q1_ref[...]
    sh = s0_ref[...] + s1_ref[...]
    z = (jnp.dot(h_ref[...], wp_h[...], preferred_element_type=f32)
         + jnp.dot(q, wp_q[...], preferred_element_type=f32)
         + jnp.dot(sh, wp_s[...], preferred_element_type=f32)
         + b1p[...])
    hid = jnp.maximum(z, 0.0)
    out_ref[...] = jnp.tanh(
        jnp.dot(hid, w2p[...], preferred_element_type=f32) + b2p[...])


def _tc_final(h, q0, q1, s0, s1, wp_h, wp_q, wp_s, b1p, w2p, b2p):
    return pl.pallas_call(
        _final_body,
        out_shape=jax.ShapeDtypeStruct((N_NODE, F_OUT), jnp.float32),
    )(h, q0, q1, s0, s1, wp_h, wp_q, wp_s, b1p, w2p, b2p)



def kernel(h, u, control_pos, tc_pos, u2t_edge_index, t2t_edge_index,
           W1u, b1u, W2u, b2u, W1h, b1h, W2h, b2h, W1p, b1p, W2p, b2p):
    i32 = jnp.int32
    src_u = u2t_edge_index[0].astype(i32)
    dst_u = u2t_edge_index[1].astype(i32)
    src_t = t2t_edge_index[0].astype(i32)
    dst_t = t2t_edge_index[1].astype(i32)

    cp = jnp.pad(control_pos, ((0, 0), (0, 5)))
    tp = jnp.pad(tc_pos, ((0, 0), (0, 5)))
    wu_cp = jnp.pad(W1u[0:3], ((0, 5), (0, 0)))
    wu_tp = jnp.pad(W1u[3:6], ((0, 5), (0, 0)))
    wu_u = W1u[6:]
    wh_sp = jnp.pad(W1h[0:3], ((0, 5), (0, 0)))
    wh_dp = jnp.pad(W1h[3:6], ((0, 5), (0, 0)))
    wh_h = W1h[6:]

    cu, chh = _prep(u, cp, tp, h,
                    wu_u, wu_cp, wu_tp, b1u.reshape(1, F_HID),
                    wh_h, wh_sp, wh_dp, b1h.reshape(1, F_HID))

    src_u_p = jnp.pad(src_u, (0, GCH))
    dst_u_p = jnp.pad(dst_u, (0, GCH))
    src_t_p = jnp.pad(src_t, (0, GCH))
    dst_t_p = jnp.pad(dst_t, (0, GCH))
    hid_u = _sc_gather(cu, src_u_p, dst_u_p)
    hid_t = _sc_gather(chh, src_t_p, dst_t_p)

    z32 = jnp.zeros((F_HID, F_OUT), jnp.float32)
    w2ud = jnp.concatenate([
        jnp.concatenate([W2u, z32, z32, z32], axis=1),
        jnp.concatenate([z32, W2u, z32, z32], axis=1),
        jnp.concatenate([z32, z32, W2u, z32], axis=1),
        jnp.concatenate([z32, z32, z32, W2u], axis=1),
    ], axis=0)
    w2hd = jnp.concatenate([
        jnp.concatenate([W2h, z32, z32, z32], axis=1),
        jnp.concatenate([z32, W2h, z32, z32], axis=1),
        jnp.concatenate([z32, z32, W2h, z32], axis=1),
        jnp.concatenate([z32, z32, z32, W2h], axis=1),
    ], axis=0)
    msg_u = _tc_msg(hid_u, w2ud, jnp.tile(b2u, 4).reshape(1, 4 * F_OUT))
    msg_t = _tc_msg(hid_t, w2hd, jnp.tile(b2h, 4).reshape(1, 4 * F_OUT))
    qp = _sc_scatter(msg_u, dst_u)
    sp = _sc_scatter(msg_t, dst_t)

    return _tc_final(h, qp[0], qp[1], sp[0], sp[1],
                     W1p[0:128], W1p[128:256], W1p[256:384],
                     b1p.reshape(1, F_HID), W2p, b2p.reshape(1, F_OUT))

# --- scband reference (transcript-rebuilt; emitter-appended) ---
"""Pipeline reference for scband-predictor-180388626942 (READ-ONLY COPY).

The authoritative reference and input builder live on the scoring server;
editing this copy changes nothing except your own understanding.
"""

import jax, jax.numpy as jnp
import numpy as np

N_CONTROL = 10000
N_TC = 10000
E_U2T = 320000
E_T2T = 320000
U_DIM = 128
H_DIM = 128
MLP_H = 32

def _mlp(x, W1, b1, W2, b2):
    hid = jnp.maximum(x @ W1 + b1, 0.0)
    return jnp.tanh(hid @ W2 + b2)

def setup_inputs(seed: int = 0) -> dict:
    key = jax.random.key(seed)
    ks = jax.random.split(key, 20)
    inp = {}
    inp['h'] = jax.random.normal(ks[0], (N_TC, H_DIM), dtype=jnp.float32)
    inp['u'] = jax.random.normal(ks[1], (N_CONTROL, U_DIM), dtype=jnp.float32)
    inp['control_pos'] = jax.random.normal(ks[2], (N_CONTROL, 3), dtype=jnp.float32)
    inp['tc_pos'] = jax.random.normal(ks[3], (N_TC, 3), dtype=jnp.float32)
    inp['u2t_edge_index'] = jax.random.randint(ks[4], (2, E_U2T), 0, N_CONTROL, dtype=jnp.int32).astype(jnp.int64)
    inp['t2t_edge_index'] = jax.random.randint(ks[5], (2, E_T2T), 0, N_TC, dtype=jnp.int32).astype(jnp.int64)
    # u2h_enc params: Linear(u_dim+6, mlp_h), Linear(mlp_h, h_dim)
    inp['W1u'] = jax.random.normal(ks[6], (U_DIM + 6, MLP_H), dtype=jnp.float32) * 0.05
    inp['b1u'] = jnp.zeros((MLP_H,), dtype=jnp.float32)
    inp['W2u'] = jax.random.normal(ks[7], (MLP_H, H_DIM), dtype=jnp.float32) * 0.05
    inp['b2u'] = jnp.zeros((H_DIM,), dtype=jnp.float32)
    # h2h_enc params: Linear(h_dim+6, mlp_h), Linear(mlp_h, h_dim)
    inp['W1h'] = jax.random.normal(ks[8], (H_DIM + 6, MLP_H), dtype=jnp.float32) * 0.05
    inp['b1h'] = jnp.zeros((MLP_H,), dtype=jnp.float32)
    inp['W2h'] = jax.random.normal(ks[9], (MLP_H, H_DIM), dtype=jnp.float32) * 0.05
    inp['b2h'] = jnp.zeros((H_DIM,), dtype=jnp.float32)
    # h_updater params: Linear(h_dim*3, mlp_h), Linear(mlp_h, h_dim)
    inp['W1p'] = jax.random.normal(ks[10], (H_DIM * 3, MLP_H), dtype=jnp.float32) * 0.05
    inp['b1p'] = jnp.zeros((MLP_H,), dtype=jnp.float32)
    inp['W2p'] = jax.random.normal(ks[11], (MLP_H, H_DIM), dtype=jnp.float32) * 0.05
    inp['b2p'] = jnp.zeros((H_DIM,), dtype=jnp.float32)
    return inp

def reference(h, u, control_pos, tc_pos, u2t_edge_index, t2t_edge_index,
              W1u, b1u, W2u, b2u, W1h, b1h, W2h, b2h, W1p, b1p, W2p, b2p):
    # u2t messages: src is 'control' node, dst is 'tc' node
    src_u = u2t_edge_index[0]
    dst_u = u2t_edge_index[1]
    msg_u_inp = jnp.concatenate([control_pos[src_u], tc_pos[dst_u], u[src_u]], axis=-1)
    u2h_msg = _mlp(msg_u_inp, W1u, b1u, W2u, b2u)
    q = jax.ops.segment_sum(u2h_msg, dst_u, num_segments=N_TC)
    # t2t messages: src and dst are 'tc' nodes
    src_t = t2t_edge_index[0]
    dst_t = t2t_edge_index[1]
    msg_h_inp = jnp.concatenate([tc_pos[src_t], tc_pos[dst_t], h[src_t]], axis=-1)
    h2h_msg = _mlp(msg_h_inp, W1h, b1h, W2h, b2h)
    sum_h = jax.ops.segment_sum(h2h_msg, dst_t, num_segments=N_TC)
    inp = jnp.concatenate([h, q, sum_h], axis=-1)
    return _mlp(inp, W1p, b1p, W2p, b2p)

if __name__ == "__main__":
    import jax
    _d = setup_inputs()
    print(jax.jit(kernel)(*tuple(_d.values())))

</pallas_src>

<mosaic_0001>
#map = affine_map<(d0, d1) -> (0, 0)>
#map1 = affine_map<(d0, d1) -> (0)>
module attributes {stable_mosaic.version = 14 : i64} {
  func.func @_gather_body(%arg0: i32, %arg1: i32, %arg2: memref<10000x128xf32, #tpu.memory_space<hbm>>, %arg3: memref<320064xi32, #tpu.memory_space<hbm>>, %arg4: memref<320064xi32, #tpu.memory_space<hbm>>, %arg5: memref<80000x128xf32, #tpu.memory_space<hbm>>, %arg6: memref<10048xi32, #tpu.memory_space<vmem>>, %arg7: memref<10048xi32, #tpu.memory_space<vmem>>, %arg8: memref<64x128xf32, #tpu.memory_space<vmem>>, %arg9: memref<64x128xf32, #tpu.memory_space<vmem>>, %arg10: memref<64x128xf32, #tpu.memory_space<vmem>>, %arg11: memref<64x128xf32, #tpu.memory_space<vmem>>, %arg12: memref<64x128xf32, #tpu.memory_space<vmem>>, %arg13: memref<64x128xf32, #tpu.memory_space<vmem>>, %arg14: memref<16x128xf32, #tpu.memory_space<vmem>>, %arg15: memref<16x128xf32, #tpu.memory_space<vmem>>, %arg16: memref<16x128xf32, #tpu.memory_space<vmem>>, %arg17: memref<!tpu.dma_semaphore, #tpu.memory_space<semaphore_mem>>, %arg18: memref<!tpu.dma_semaphore, #tpu.memory_space<semaphore_mem>>, %arg19: memref<!tpu.dma_semaphore, #tpu.memory_space<semaphore_mem>>, %arg20: memref<!tpu.dma_semaphore, #tpu.memory_space<semaphore_mem>>, %arg21: memref<!tpu.dma_semaphore, #tpu.memory_space<semaphore_mem>>, %arg22: memref<!tpu.dma_semaphore, #tpu.memory_space<semaphore_mem>>) attributes {dimension_semantics = [#tpu.dimension_semantics<core_parallel>, #tpu.dimension_semantics<subcore_parallel>], iteration_bounds = array<i64: 2, 16>, scalar_prefetch = 0 : i64, scratch_operands = 17 : i64, tpu.core_type = #tpu.core_type<sc_vector_subcore>, window_params = [{transform_indices = #map}, {transform_indices = #map1}, {transform_indices = #map1}, {transform_indices = #map}]} {
    %mul3A = arith.constant 2 : i32
    %mul3A_0 = arith.muli %arg1, %mul3A : i32
    %add3A = arith.addi %mul3A_0, %arg0 : i32
    %lt3A = arith.constant 8 : i32
    %lt3A_1 = arith.cmpi slt, %add3A, %lt3A : i32
    %jit3A = arith.constant 157 : i32
    %jit3A_2 = arith.constant 156 : i32
    %select_n3A = arith.select %lt3A_1, %jit3A, %jit3A_2 : i32
    %mul3A_3 = arith.constant 156 : i32
    %mul3A_4 = arith.muli %mul3A_3, %add3A : i32
    %min3A = arith.constant 8 : i32
    %min3A_5 = arith.minsi %add3A, %min3A : i32
    %add3A_6 = arith.addi %mul3A_4, %min3A_5 : i32
    %mul3A_7 = arith.constant 64 : i32
    %mul3A_8 = arith.muli %add3A_6, %mul3A_7 : i32
    "tpu.region"() ({
      %run_scoped3A = tpu.sem_alloc : memref<!tpu.dma_semaphore, #tpu.memory_space<semaphore_mem>>
      %dma_start3A_49 = tpu.memref_slice %arg3[%mul3A_8] : memref<320064xi32, #tpu.memory_space<hbm>> -> memref<10048xi32, #tpu.memory_space<hbm>>
      %dma_start3A_50 = tpu.memref_slice %arg3[%mul3A_8] : memref<320064xi32, #tpu.memory_space<hbm>> -> memref<10048xi32, #tpu.memory_space<hbm>>
      tpu.enqueue_dma source(%dma_start3A_50 : memref<10048xi32, #tpu.memory_space<hbm>>) target(%arg6 : memref<10048xi32, #tpu.memory_space<vmem>>) target_semaphore(%run_scoped3A : memref<!tpu.dma_semaphore, #tpu.memory_space<semaphore_mem>>)
      %dma_wait3A_51 = tpu.memref_slice %arg3[%mul3A_8] : memref<320064xi32, #tpu.memory_space<hbm>> -> memref<10048xi32, #tpu.memory_space<hbm>>
      %dma_wait3A_52 = tpu.memref_slice %arg3[%mul3A_8] : memref<320064xi32, #tpu.memory_space<hbm>> -> memref<10048xi32, #tpu.memory_space<hbm>>
      tpu.wait_dma2 semaphore(%run_scoped3A : memref<!tpu.dma_semaphore, #tpu.memory_space<semaphore_mem>>) src(%dma_wait3A_52 : memref<10048xi32, #tpu.memory_space<hbm>>) dst(%arg6 : memref<10048xi32, #tpu.memory_space<vmem>>)
      tpu.yield
    }) : () -> ()
    "tpu.region"() ({
      %run_scoped3A = tpu.sem_alloc : memref<!tpu.dma_semaphore, #tpu.memory_space<semaphore_mem>>
      %dma_start3A_49 = tpu.memref_slice %arg4[%mul3A_8] : memref<320064xi32, #tpu.memory_space<hbm>> -> memref<10048xi32, #tpu.memory_space<hbm>>
      %dma_start3A_50 = tpu.memref_slice %arg4[%mul3A_8] : memref<320064xi32, #tpu.memory_space<hbm>> -> memref<10048xi32, #tpu.memory_space<hbm>>
      tpu.enqueue_dma source(%dma_start3A_50 : memref<10048xi32, #tpu.memory_space<hbm>>) target(%arg7 : memref<10048xi32, #tpu.memory_space<vmem>>) target_semaphore(%run_scoped3A : memref<!tpu.dma_semaphore, #tpu.memory_space<semaphore_mem>>)
      %dma_wait3A_51 = tpu.memref_slice %arg4[%mul3A_8] : memref<320064xi32, #tpu.memory_space<hbm>> -> memref<10048xi32, #tpu.memory_space<hbm>>
      %dma_wait3A_52 = tpu.memref_slice %arg4[%mul3A_8] : memref<320064xi32, #tpu.memory_space<hbm>> -> memref<10048xi32, #tpu.memory_space<hbm>>
      tpu.wait_dma2 semaphore(%run_scoped3A : memref<!tpu.dma_semaphore, #tpu.memory_space<semaphore_mem>>) src(%dma_wait3A_52 : memref<10048xi32, #tpu.memory_space<hbm>>) dst(%arg7 : memref<10048xi32, #tpu.memory_space<vmem>>)
      tpu.yield
    }) : () -> ()
    %dma_start3A = arith.constant 0 : i32
    %dma_start3A_9 = tpu.memref_slice %arg6[%dma_start3A] : memref<10048xi32, #tpu.memory_space<vmem>> -> memref<64xi32, #tpu.memory_space<vmem>>
    %dma_start3A_10 = arith.constant 0 : i32
    %dma_start3A_11 = arith.constant 0 : i32
    %dma_start3A_12 = tpu.memref_slice %arg2[%dma_start3A_10, %dma_start3A_11] : memref<10000x128xf32, #tpu.memory_space<hbm>> -> memref<10000x128xf32, #tpu.memory_space<hbm>>
    tpu.enqueue_indirect_dma source(%dma_start3A_12 : memref<10000x128xf32, #tpu.memory_space<hbm>>) target(%arg8 : memref<64x128xf32, #tpu.memory_space<vmem>>) offsets(%dma_start3A_9 : memref<64xi32, #tpu.memory_space<vmem>>) semaphore(%arg17 : memref<!tpu.dma_semaphore, #tpu.memory_space<semaphore_mem>>)
    %dma_start3A_13 = arith.constant 0 : i32
    %dma_start3A_14 = tpu.memref_slice %arg7[%dma_start3A_13] : memref<10048xi32, #tpu.memory_space<vmem>> -> memref<64xi32, #tpu.memory_space<vmem>>
    %dma_start3A_15 = arith.constant 0 : i32
    %dma_start3A_16 = arith.constant 0 : i32
    %dma_start3A_17 = tpu.memref_slice %arg2[%dma_start3A_15, %dma_start3A_16] : memref<10000x128xf32, #tpu.memory_space<hbm>> -> memref<10000x128xf32, #tpu.memory_space<hbm>>
    tpu.enqueue_indirect_dma source(%dma_start3A_17 : memref<10000x128xf32, #tpu.memory_space<hbm>>) target(%arg11 : memref<64x128xf32, #tpu.memory_space<vmem>>) offsets(%dma_start3A_14 : memref<64xi32, #tpu.memory_space<vmem>>) semaphore(%arg17 : memref<!tpu.dma_semaphore, #tpu.memory_space<semaphore_mem>>)
    %dma_start3A_18 = arith.constant 64 : i32
    %dma_start3A_19 = tpu.memref_slice %arg6[%dma_start3A_18] : memref<10048xi32, #tpu.memory_space<vmem>> -> memref<64xi32, #tpu.memory_space<vmem>>
    %dma_start3A_20 = arith.constant 0 : i32
    %dma_start3A_21 = arith.constant 0 : i32
    %dma_start3A_22 = tpu.memref_slice %arg2[%dma_start3A_20, %dma_start3A_21] : memref<10000x128xf32, #tpu.memory_space<hbm>> -> memref<10000x128xf32, #tpu.memory_space<hbm>>
    tpu.enqueue_indirect_dma source(%dma_start3A_22 : memref<10000x128xf32, #tpu.memory_space<hbm>>) target(%arg9 : memref<64x128xf32, #tpu.memory_space<vmem>>) offsets(%dma_start3A_19 : memref<64xi32, #tpu.memory_space<vmem>>) semaphore(%arg18 : memref<!tpu.dma_semaphore, #tpu.memory_space<semaphore_mem>>)
    %dma_start3A_23 = arith.constant 64 : i32
    %dma_start3A_24 = tpu.memref_slice %arg7[%dma_start3A_23] : memref<10048xi32, #tpu.memory_space<vmem>> -> memref<64xi32, #tpu.memory_space<vmem>>
    %dma_start3A_25 = arith.constant 0 : i32
    %dma_start3A_26 = arith.constant 0 : i32
    %dma_start3A_27 = tpu.memref_slice %arg2[%dma_start3A_25, %dma_start3A_26] : memref<10000x128xf32, #tpu.memory_space<hbm>> -> memref<10000x128xf32, #tpu.memory_space<hbm>>
    tpu.enqueue_indirect_dma source(%dma_start3A_27 : memref<10000x128xf32, #tpu.memory_space<hbm>>) target(%arg12 : memref<64x128xf32, #tpu.memory_space<vmem>>) offsets(%dma_start3A_24 : memref<64xi32, #tpu.memory_space<vmem>>) semaphore(%arg18 : memref<!tpu.dma_semaphore, #tpu.memory_space<semaphore_mem>>)
    %scan3A = arith.constant 0 : i32
    %scan3A_28 = arith.constant 53 : i32
    %scan3A_29 = arith.addi %scan3A, %scan3A_28 : i32
    %scan3A_30 = arith.constant 1 : i32
    scf.for %scan3A_49 = %scan3A to %scan3A_29 step %scan3A_30  : i32 {
      %mul3A_50 = arith.constant 3 : i32
      %mul3A_51 = arith.muli %scan3A_49, %mul3A_50 : i32
      %add3A_52 = arith.constant 0 : i32
      %add3A_53 = arith.addi %mul3A_51, %add3A_52 : i32
      %lt3A_54 = arith.cmpi slt, %add3A_53, %select_n3A : i32
      %convert_element_type3A = arith.extui %lt3A_54 : i1 to i32
      %cond3A = arith.constant 0 : i32
      %cond3A_55 = arith.cmpi ne, %convert_element_type3A, %cond3A : i32
      scf.if %cond3A_55 {
        %dma_wait3A_72 = arith.constant 0 : i32
        %dma_wait3A_73 = tpu.memref_slice %arg6[%dma_wait3A_72] : memref<10048xi32, #tpu.memory_space<vmem>> -> memref<64xi32, #tpu.memory_space<vmem>>
        %dma_wait3A_74 = arith.constant 0 : i32
        %dma_wait3A_75 = arith.constant 0 : i32
        %dma_wait3A_76 = tpu.memref_slice %arg2[%dma_wait3A_74, %dma_wait3A_75] : memref<10000x128xf32, #tpu.memory_space<hbm>> -> memref<10000x128xf32, #tpu.memory_space<hbm>>
        tpu.wait_indirect_dma semaphore(%arg17 : memref<!tpu.dma_semaphore, #tpu.memory_space<semaphore_mem>>) src(%dma_wait3A_76 : memref<10000x128xf32, #tpu.memory_space<hbm>>) dst(%arg8 : memref<64x128xf32, #tpu.memory_space<vmem>>)
        %dma_wait3A_77 = arith.constant 0 : i32
        %dma_wait3A_78 = tpu.memref_slice %arg6[%dma_wait3A_77] : memref<10048xi32, #tpu.memory_space<vmem>> -> memref<64xi32, #tpu.memory_space<vmem>>
        %dma_wait3A_79 = arith.constant 0 : i32
        %dma_wait3A_80 = arith.constant 0 : i32
        %dma_wait3A_81 = tpu.memref_slice %arg2[%dma_wait3A_79, %dma_wait3A_80] : memref<10000x128xf32, #tpu.memory_space<hbm>> -> memref<10000x128xf32, #tpu.memory_space<hbm>>
        tpu.wait_indirect_dma semaphore(%arg17 : memref<!tpu.dma_semaphore, #tpu.memory_space<semaphore_mem>>) src(%dma_wait3A_81 : memref<10000x128xf32, #tpu.memory_space<hbm>>) dst(%arg11 : memref<64x128xf32, #tpu.memory_space<vmem>>)
        %add3A_82 = arith.constant 2 : i32
        %add3A_83 = arith.addi %add3A_53, %add3A_82 : i32
        %lt3A_84 = arith.cmpi slt, %add3A_83, %select_n3A : i32
        %convert_element_type3A_85 = arith.extui %lt3A_84 : i1 to i32
        %cond3A_86 = arith.constant 0 : i32
        %cond3A_87 = arith.cmpi ne, %convert_element_type3A_85, %cond3A_86 : i32
        scf.if %cond3A_87 {
          %add3A_104 = arith.constant 2 : i32
          %add3A_105 = arith.addi %add3A_53, %add3A_104 : i32
          %mul3A_106 = arith.constant 64 : i32
          %mul3A_107 = arith.muli %add3A_105, %mul3A_106 : i32
          %dma_start3A_108 = tpu.memref_slice %arg6[%mul3A_107] : memref<10048xi32, #tpu.memory_space<vmem>> -> memref<64xi32, #tpu.memory_space<vmem>>
          %dma_start3A_109 = arith.constant 0 : i32
          %dma_start3A_110 = arith.constant 0 : i32
          %dma_start3A_111 = tpu.memref_slice %arg2[%dma_start3A_109, %dma_start3A_110] : memref<10000x128xf32, #tpu.memory_space<hbm>> -> memref<10000x128xf32, #tpu.memory_space<hbm>>
          tpu.enqueue_indirect_dma source(%dma_start3A_111 : memref<10000x128xf32, #tpu.memory_space<hbm>>) target(%arg10 : memref<64x128xf32, #tpu.memory_space<vmem>>) offsets(%dma_start3A_108 : memref<64xi32, #tpu.memory_space<vmem>>) semaphore(%arg19 : memref<!tpu.dma_semaphore, #tpu.memory_space<semaphore_mem>>)
          %dma_start3A_112 = tpu.memref_slice %arg7[%mul3A_107] : memref<10048xi32, #tpu.memory_space<vmem>> -> memref<64xi32, #tpu.memory_space<vmem>>
          %dma_start3A_113 = arith.constant 0 : i32
          %dma_start3A_114 = arith.constant 0 : i32
          %dma_start3A_115 = tpu.memref_slice %arg2[%dma_start3A_113, %dma_start3A_114] : memref<10000x128xf32, #tpu.memory_space<hbm>> -> memref<10000x128xf32, #tpu.memory_space<hbm>>
          tpu.enqueue_indirect_dma source(%dma_start3A_115 : memref<10000x128xf32, #tpu.memory_space<hbm>>) target(%arg13 : memref<64x128xf32, #tpu.memory_space<vmem>>) offsets(%dma_start3A_112 : memref<64xi32, #tpu.memory_space<vmem>>) semaphore(%arg19 : memref<!tpu.dma_semaphore, #tpu.memory_space<semaphore_mem>>)
        } else {
        }
        %ge3A = arith.constant 3 : i32
        %ge3A_88 = arith.cmpi sge, %add3A_53, %ge3A : i32
        %convert_element_type3A_89 = arith.extui %ge3A_88 : i1 to i32
        %cond3A_90 = arith.constant 0 : i32
        %cond3A_91 = arith.cmpi ne, %convert_element_type3A_89, %cond3A_90 : i32
        scf.if %cond3A_91 {
          %dma_wait3A_104 = arith.constant 0 : i32
          %dma_wait3A_105 = arith.constant 0 : i32
          %dma_wait3A_106 = tpu.memref_slice %arg5[%dma_wait3A_104, %dma_wait3A_105] : memref<80000x128xf32, #tpu.memory_space<hbm>> -> memref<16x128xf32, #tpu.memory_space<hbm>>
          %dma_wait3A_107 = arith.constant 0 : i32
          %dma_wait3A_108 = arith.constant 0 : i32
          %dma_wait3A_109 = tpu.memref_slice %arg5[%dma_wait3A_107, %dma_wait3A_108] : memref<80000x128xf32, #tpu.memory_space<hbm>> -> memref<16x128xf32, #tpu.memory_space<hbm>>
          tpu.wait_dma2 semaphore(%arg20 : memref<!tpu.dma_semaphore, #tpu.memory_space<semaphore_mem>>) src(%arg14 : memref<16x128xf32, #tpu.memory_space<vmem>>) dst(%dma_wait3A_109 : memref<16x128xf32, #tpu.memory_space<hbm>>)
        } else {
        }
        %scan3A_92 = arith.constant 0 : i32
        %scan3A_93 = arith.constant 64 : i32
        %scan3A_94 = arith.addi %scan3A_92, %scan3A_93 : i32
        %scan3A_95 = arith.constant 1 : i32
        scf.for %scan3A_104 = %scan3A_92 to %scan3A_94 step %scan3A_95  : i32 {
          %jit3A_105 = arith.constant 4 : i32
          %div3A = arith.divsi %scan3A_104, %jit3A_105 : i32
          %sign3A = arith.constant 0 : i32
          %sign3A_106 = arith.cmpi sgt, %scan3A_104, %sign3A : i32
          %sign3A_107 = arith.extui %sign3A_106 : i1 to i32
          %sign3A_108 = arith.constant 0 : i32
          %sign3A_109 = arith.cmpi slt, %scan3A_104, %sign3A_108 : i32
          %sign3A_110 = arith.extui %sign3A_109 : i1 to i32
          %sign3A_111 = arith.subi %sign3A_107, %sign3A_110 : i32
          %sign3A_112 = arith.constant 0 : i32
          %sign3A_113 = arith.cmpi sgt, %jit3A_105, %sign3A_112 : i32
          %sign3A_114 = arith.extui %sign3A_113 : i1 to i32
          %sign3A_115 = arith.constant 0 : i32
          %sign3A_116 = arith.cmpi slt, %jit3A_105, %sign3A_115 : i32
          %sign3A_117 = arith.extui %sign3A_116 : i1 to i32
          %sign3A_118 = arith.subi %sign3A_114, %sign3A_117 : i32
          %ne3A = arith.cmpi ne, %sign3A_111, %sign3A_118 : i32
          %rem3A = arith.remsi %scan3A_104, %jit3A_105 : i32
          %ne3A_119 = arith.constant 0 : i32
          %ne3A_120 = arith.cmpi ne, %rem3A, %ne3A_119 : i32
          %and3A = arith.andi %ne3A, %ne3A_120 : i1
          %sub3A = arith.constant 1 : i32
          %sub3A_121 = arith.subi %div3A, %sub3A : i32
          %select_n3A_122 = arith.select %and3A, %sub3A_121, %div3A : i32
          %jit3A_123 = arith.constant 4 : i32
          %eq3A = arith.constant 0 : i32
          %eq3A_124 = arith.cmpi eq, %jit3A_123, %eq3A : i32
          %jit3A_125 = arith.constant 1 : i32
          %select_n3A_126 = arith.select %eq3A_124, %jit3A_125, %jit3A_123 : i32
          %rem3A_127 = arith.remsi %scan3A_104, %select_n3A_126 : i32
          %ne3A_128 = arith.constant 0 : i32
          %ne3A_129 = arith.cmpi ne, %rem3A_127, %ne3A_128 : i32
          %lt3A_130 = arith.constant 0 : i32
          %lt3A_131 = arith.cmpi slt, %rem3A_127, %lt3A_130 : i32
          %lt3A_132 = arith.constant 0 : i32
          %lt3A_133 = arith.cmpi slt, %select_n3A_126, %lt3A_132 : i32
          %ne3A_134 = arith.xori %lt3A_131, %lt3A_133 : i1
          %and3A_135 = arith.andi %ne3A_134, %ne3A_129 : i1
          %add3A_136 = arith.addi %rem3A_127, %select_n3A_126 : i32
          %select_n3A_137 = arith.select %and3A_135, %add3A_136, %rem3A_127 : i32
          %mul3A_138 = arith.constant 32 : i32
          %mul3A_139 = arith.muli %select_n3A_137, %mul3A_138 : i32
          %get3A = arith.index_cast %scan3A_104 : i32 to index
          %get3A_140 = arith.constant 0 : index
          %get3A_141 = tpu.vector_load %arg8[%get3A, %get3A_140] {strides = array<i32>} : memref<64x128xf32, #tpu.memory_space<vmem>>, vector<1x16xf32>,
          %get3A_142 = vector.shape_cast %get3A_141 : vector<1x16xf32> to vector<16xf32>
          %get3A_143 = arith.index_cast %scan3A_104 : i32 to index
          %get3A_144 = arith.constant 32 : index
          %get3A_145 = tpu.vector_load %arg11[%get3A_143, %get3A_144] {strides = array<i32>} : memref<64x128xf32, #tpu.memory_space<vmem>>, vector<1x16xf32>,
          %get3A_146 = vector.shape_cast %get3A_145 : vector<1x16xf32> to vector<16xf32>
          %add3A_147 = arith.addf %get3A_142, %get3A_146 : vector<16xf32>
          %max3A = arith.constant 0.000000e+00 : f32
          %max3A_148 = vector.broadcast %max3A : f32 to vector<16xf32>
          %max3A_149 = arith.maximumf %add3A_147, %max3A_148 : vector<16xf32>
          %add3A_150 = arith.constant 0 : i32
          %add3A_151 = arith.addi %mul3A_139, %add3A_150 : i32
          %swap3A = arith.index_cast %select_n3A_122 : i32 to index
          %swap3A_152 = arith.index_cast %add3A_151 : i32 to index
          %swap3A_153 = tpu.vector_load %arg14[%swap3A, %swap3A_152] {strides = array<i32>} : memref<16x128xf32, #tpu.memory_space<vmem>>, vector<1x16xf32>,
          %swap3A_154 = vector.shape_cast %swap3A_153 : vector<1x16xf32> to vector<16xf32>
          %swap3A_155 = vector.shape_cast %max3A_149 : vector<16xf32> to vector<1x16xf32>
          tpu.vector_store %arg14[%swap3A, %swap3A_152], %swap3A_155 {strides = array<i32>} : memref<16x128xf32, #tpu.memory_space<vmem>>, vector<1x16xf32>,
          %get3A_156 = arith.index_cast %scan3A_104 : i32 to index
          %get3A_157 = arith.constant 16 : index
          %get3A_158 = tpu.vector_load %arg8[%get3A_156, %get3A_157] {strides = array<i32>} : memref<64x128xf32, #tpu.memory_space<vmem>>, vector<1x16xf32>,
          %get3A_159 = vector.shape_cast %get3A_158 : vector<1x16xf32> to vector<16xf32>
          %get3A_160 = arith.index_cast %scan3A_104 : i32 to index
          %get3A_161 = arith.constant 48 : index
          %get3A_162 = tpu.vector_load %arg11[%get3A_160, %get3A_161] {strides = array<i32>} : memref<64x128xf32, #tpu.memory_space<vmem>>, vector<1x16xf32>,
          %get3A_163 = vector.shape_cast %get3A_162 : vector<1x16xf32> to vector<16xf32>
          %add3A_164 = arith.addf %get3A_159, %get3A_163 : vector<16xf32>
          %max3A_165 = arith.constant 0.000000e+00 : f32
          %max3A_166 = vector.broadcast %max3A_165 : f32 to vector<16xf32>
          %max3A_167 = arith.maximumf %add3A_164, %max3A_166 : vector<16xf32>
          %add3A_168 = arith.constant 16 : i32
          %add3A_169 = arith.addi %mul3A_139, %add3A_168 : i32
          %swap3A_170 = arith.index_cast %select_n3A_122 : i32 to index
          %swap3A_171 = arith.index_cast %add3A_169 : i32 to index
          %swap3A_172 = tpu.vector_load %arg14[%swap3A_170, %swap3A_171] {strides = array<i32>} : memref<16x128xf32, #tpu.memory_space<vmem>>, vector<1x16xf32>,
          %swap3A_173 = vector.shape_cast %swap3A_172 : vector<1x16xf32> to vector<16xf32>
          %swap3A_174 = vector.shape_cast %max3A_167 : vector<16xf32> to vector<1x16xf32>
          tpu.vector_store %arg14[%swap3A_170, %swap3A_171], %swap3A_174 {strides = array<i32>} : memref<16x128xf32, #tpu.memory_space<vmem>>, vector<1x16xf32>,
        }
        %scan3A_96 = arith.constant 64 : i32
        %add3A_97 = arith.addi %add3A_6, %add3A_53 : i32
        %mul3A_98 = arith.constant 16 : i32
        %mul3A_99 = arith.muli %add3A_97, %mul3A_98 : i32
        %dma_start3A_100 = arith.constant 0 : i32
        %dma_start3A_101 = tpu.memref_slice %arg5[%mul3A_99, %dma_start3A_100] : memref<80000x128xf32, #tpu.memory_space<hbm>> -> memref<16x128xf32, #tpu.memory_space<hbm>>
        %dma_start3A_102 = arith.constant 0 : i32
        %dma_start3A_103 = tpu.memref_slice %arg5[%mul3A_99, %dma_start3A_102] : memref<80000x128xf32, #tpu.memory_space<hbm>> -> memref<16x128xf32, #tpu.memory_space<hbm>>
        tpu.enqueue_dma source(%arg14 : memref<16x128xf32, #tpu.memory_space<vmem>>) target(%dma_start3A_103 : memref<16x128xf32, #tpu.memory_space<hbm>>) target_semaphore(%arg20 : memref<!tpu.dma_semaphore, #tpu.memory_space<semaphore_mem>>)
      } else {
      }
      %mul3A_56 = arith.constant 3 : i32
      %mul3A_57 = arith.muli %scan3A_49, %mul3A_56 : i32
      %add3A_58 = arith.constant 1 : i32
      %add3A_59 = arith.addi %mul3A_57, %add3A_58 : i32
      %lt3A_60 = arith.cmpi slt, %add3A_59, %select_n3A : i32
      %convert_element_type3A_61 = arith.extui %lt3A_60 : i1 to i32
      %cond3A_62 = arith.constant 0 : i32
      %cond3A_63 = arith.cmpi ne, %convert_element_type3A_61, %cond3A_62 : i32
      scf.if %cond3A_63 {
        %dma_wait3A_72 = arith.constant 0 : i32
        %dma_wait3A_73 = tpu.memref_slice %arg6[%dma_wait3A_72] : memref<10048xi32, #tpu.memory_space<vmem>> -> memref<64xi32, #tpu.memory_space<vmem>>
        %dma_wait3A_74 = arith.constant 0 : i32
        %dma_wait3A_75 = arith.constant 0 : i32
        %dma_wait3A_76 = tpu.memref_slice %arg2[%dma_wait3A_74, %dma_wait3A_75] : memref<10000x128xf32, #tpu.memory_space<hbm>> -> memref<10000x128xf32, #tpu.memory_space<hbm>>
        tpu.wait_indirect_dma semaphore(%arg18 : memref<!tpu.dma_semaphore, #tpu.memory_space<semaphore_mem>>) src(%dma_wait3A_76 : memref<10000x128xf32, #tpu.memory_space<hbm>>) dst(%arg9 : memref<64x128xf32, #tpu.memory_space<vmem>>)
        %dma_wait3A_77 = arith.constant 0 : i32
        %dma_wait3A_78 = tpu.memref_slice %arg6[%dma_wait3A_77] : memref<10048xi32, #tpu.memory_space<vmem>> -> memref<64xi32, #tpu.memory_space<vmem>>
        %dma_wait3A_79 = arith.constant 0 : i32
        %dma_wait3A_80 = arith.constant 0 : i32
        %dma_wait3A_81 = tpu.memref_slice %arg2[%dma_wait3A_79, %dma_wait3A_80] : memref<10000x128xf32, #tpu.memory_space<hbm>> -> memref<10000x128xf32, #tpu.memory_space<hbm>>
        tpu.wait_indirect_dma semaphore(%arg18 : memref<!tpu.dma_semaphore, #tpu.memory_space<semaphore_mem>>) src(%dma_wait3A_81 : memref<10000x128xf32, #tpu.memory_space<hbm>>) dst(%arg12 : memref<64x128xf32, #tpu.memory_space<vmem>>)
        %add3A_82 = arith.constant 2 : i32
        %add3A_83 = arith.addi %add3A_59, %add3A_82 : i32
        %lt3A_84 = arith.cmpi slt, %add3A_83, %select_n3A : i32
        %convert_element_type3A_85 = arith.extui %lt3A_84 : i1 to i32
        %cond3A_86 = arith.constant 0 : i32
        %cond3A_87 = arith.cmpi ne, %convert_element_type3A_85, %cond3A_86 : i32
        scf.if %cond3A_87 {
          %add3A_104 = arith.constant 2 : i32
          %add3A_105 = arith.addi %add3A_59, %add3A_104 : i32
          %mul3A_106 = arith.constant 64 : i32
          %mul3A_107 = arith.muli %add3A_105, %mul3A_106 : i32
          %dma_start3A_108 = tpu.memref_slice %arg6[%mul3A_107] : memref<10048xi32, #tpu.memory_space<vmem>> -> memref<64xi32, #tpu.memory_space<vmem>>
          %dma_start3A_109 = arith.constant 0 : i32
          %dma_start3A_110 = arith.constant 0 : i32
          %dma_start3A_111 = tpu.memref_slice %arg2[%dma_start3A_109, %dma_start3A_110] : memref<10000x128xf32, #tpu.memory_space<hbm>> -> memref<10000x128xf32, #tpu.memory_space<hbm>>
          tpu.enqueue_indirect_dma source(%dma_start3A_111 : memref<10000x128xf32, #tpu.memory_space<hbm>>) target(%arg8 : memref<64x128xf32, #tpu.memory_space<vmem>>) offsets(%dma_start3A_108 : memref<64xi32, #tpu.memory_space<vmem>>) semaphore(%arg17 : memref<!tpu.dma_semaphore, #tpu.memory_space<semaphore_mem>>)
          %dma_start3A_112 = tpu.memref_slice %arg7[%mul3A_107] : memref<10048xi32, #tpu.memory_space<vmem>> -> memref<64xi32, #tpu.memory_space<vmem>>
          %dma_start3A_113 = arith.constant 0 : i32
          %dma_start3A_114 = arith.constant 0 : i32
          %dma_start3A_115 = tpu.memref_slice %arg2[%dma_start3A_113, %dma_start3A_114] : memref<10000x128xf32, #tpu.memory_space<hbm>> -> memref<10000x128xf32, #tpu.memory_space<hbm>>
          tpu.enqueue_indirect_dma source(%dma_start3A_115 : memref<10000x128xf32, #tpu.memory_space<hbm>>) target(%arg11 : memref<64x128xf32, #tpu.memory_space<vmem>>) offsets(%dma_start3A_112 : memref<64xi32, #tpu.memory_space<vmem>>) semaphore(%arg17 : memref<!tpu.dma_semaphore, #tpu.memory_space<semaphore_mem>>)
        } else {
        }
        %ge3A = arith.constant 3 : i32
        %ge3A_88 = arith.cmpi sge, %add3A_59, %ge3A : i32
        %convert_element_type3A_89 = arith.extui %ge3A_88 : i1 to i32
        %cond3A_90 = arith.constant 0 : i32
        %cond3A_91 = arith.cmpi ne, %convert_element_type3A_89, %cond3A_90 : i32
        scf.if %cond3A_91 {
          %dma_wait3A_104 = arith.constant 0 : i32
          %dma_wait3A_105 = arith.constant 0 : i32
          %dma_wait3A_106 = tpu.memref_slice %arg5[%dma_wait3A_104, %dma_wait3A_105] : memref<80000x128xf32, #tpu.memory_space<hbm>> -> memref<16x128xf32, #tpu.memory_space<hbm>>
          %dma_wait3A_107 = arith.constant 0 : i32
          %dma_wait3A_108 = arith.constant 0 : i32
          %dma_wait3A_109 = tpu.memref_slice %arg5[%dma_wait3A_107, %dma_wait3A_108] : memref<80000x128xf32, #tpu.memory_space<hbm>> -> memref<16x128xf32, #tpu.memory_space<hbm>>
          tpu.wait_dma2 semaphore(%arg21 : memref<!tpu.dma_semaphore, #tpu.memory_space<semaphore_mem>>) src(%arg15 : memref<16x128xf32, #tpu.memory_space<vmem>>) dst(%dma_wait3A_109 : memref<16x128xf32, #tpu.memory_space<hbm>>)
        } else {
        }
        %scan3A_92 = arith.constant 0 : i32
        %scan3A_93 = arith.constant 64 : i32
        %scan3A_94 = arith.addi %scan3A_92, %scan3A_93 : i32
        %scan3A_95 = arith.constant 1 : i32
        scf.for %scan3A_104 = %scan3A_92 to %scan3A_94 step %scan3A_95  : i32 {
          %jit3A_105 = arith.constant 4 : i32
          %div3A = arith.divsi %scan3A_104, %jit3A_105 : i32
          %sign3A = arith.constant 0 : i32
          %sign3A_106 = arith.cmpi sgt, %scan3A_104, %sign3A : i32
          %sign3A_107 = arith.extui %sign3A_106 : i1 to i32
          %sign3A_108 = arith.constant 0 : i32
          %sign3A_109 = arith.cmpi slt, %scan3A_104, %sign3A_108 : i32
          %sign3A_110 = arith.extui %sign3A_109 : i1 to i32
          %sign3A_111 = arith.subi %sign3A_107, %sign3A_110 : i32
          %sign3A_112 = arith.constant 0 : i32
          %sign3A_113 = arith.cmpi sgt, %jit3A_105, %sign3A_112 : i32
          %sign3A_114 = arith.extui %sign3A_113 : i1 to i32
          %sign3A_115 = arith.constant 0 : i32
          %sign3A_116 = arith.cmpi slt, %jit3A_105, %sign3A_115 : i32
          %sign3A_117 = arith.extui %sign3A_116 : i1 to i32
          %sign3A_118 = arith.subi %sign3A_114, %sign3A_117 : i32
          %ne3A = arith.cmpi ne, %sign3A_111, %sign3A_118 : i32
          %rem3A = arith.remsi %scan3A_104, %jit3A_105 : i32
          %ne3A_119 = arith.constant 0 : i32
          %ne3A_120 = arith.cmpi ne, %rem3A, %ne3A_119 : i32
          %and3A = arith.andi %ne3A, %ne3A_120 : i1
          %sub3A = arith.constant 1 : i32
          %sub3A_121 = arith.subi %div3A, %sub3A : i32
          %select_n3A_122 = arith.select %and3A, %sub3A_121, %div3A : i32
          %jit3A_123 = arith.constant 4 : i32
          %eq3A = arith.constant 0 : i32
          %eq3A_124 = arith.cmpi eq, %jit3A_123, %eq3A : i32
          %jit3A_125 = arith.constant 1 : i32
          %select_n3A_126 = arith.select %eq3A_124, %jit3A_125, %jit3A_123 : i32
          %rem3A_127 = arith.remsi %scan3A_104, %select_n3A_126 : i32
          %ne3A_128 = arith.constant 0 : i32
          %ne3A_129 = arith.cmpi ne, %rem3A_127, %ne3A_128 : i32
          %lt3A_130 = arith.constant 0 : i32
          %lt3A_131 = arith.cmpi slt, %rem3A_127, %lt3A_130 : i32
          %lt3A_132 = arith.constant 0 : i32
          %lt3A_133 = arith.cmpi slt, %select_n3A_126, %lt3A_132 : i32
          %ne3A_134 = arith.xori %lt3A_131, %lt3A_133 : i1
          %and3A_135 = arith.andi %ne3A_134, %ne3A_129 : i1
          %add3A_136 = arith.addi %rem3A_127, %select_n3A_126 : i32
          %select_n3A_137 = arith.select %and3A_135, %add3A_136, %rem3A_127 : i32
          %mul3A_138 = arith.constant 32 : i32
          %mul3A_139 = arith.muli %select_n3A_137, %mul3A_138 : i32
          %get3A = arith.index_cast %scan3A_104 : i32 to index
          %get3A_140 = arith.constant 0 : index
          %get3A_141 = tpu.vector_load %arg9[%get3A, %get3A_140] {strides = array<i32>} : memref<64x128xf32, #tpu.memory_space<vmem>>, vector<1x16xf32>,
          %get3A_142 = vector.shape_cast %get3A_141 : vector<1x16xf32> to vector<16xf32>
          %get3A_143 = arith.index_cast %scan3A_104 : i32 to index
          %get3A_144 = arith.constant 32 : index
          %get3A_145 = tpu.vector_load %arg12[%get3A_143, %get3A_144] {strides = array<i32>} : memref<64x128xf32, #tpu.memory_space<vmem>>, vector<1x16xf32>,
          %get3A_146 = vector.shape_cast %get3A_145 : vector<1x16xf32> to vector<16xf32>
          %add3A_147 = arith.addf %get3A_142, %get3A_146 : vector<16xf32>
          %max3A = arith.constant 0.000000e+00 : f32
          %max3A_148 = vector.broadcast %max3A : f32 to vector<16xf32>
          %max3A_149 = arith.maximumf %add3A_147, %max3A_148 : vector<16xf32>
          %add3A_150 = arith.constant 0 : i32
          %add3A_151 = arith.addi %mul3A_139, %add3A_150 : i32
          %swap3A = arith.index_cast %select_n3A_122 : i32 to index
          %swap3A_152 = arith.index_cast %add3A_151 : i32 to index
          %swap3A_153 = tpu.vector_load %arg15[%swap3A, %swap3A_152] {strides = array<i32>} : memref<16x128xf32, #tpu.memory_space<vmem>>, vector<1x16xf32>,
          %swap3A_154 = vector.shape_cast %swap3A_153 : vector<1x16xf32> to vector<16xf32>
          %swap3A_155 = vector.shape_cast %max3A_149 : vector<16xf32> to vector<1x16xf32>
          tpu.vector_store %arg15[%swap3A, %swap3A_152], %swap3A_155 {strides = array<i32>} : memref<16x128xf32, #tpu.memory_space<vmem>>, vector<1x16xf32>,
          %get3A_156 = arith.index_cast %scan3A_104 : i32 to index
          %get3A_157 = arith.constant 16 : index
          %get3A_158 = tpu.vector_load %arg9[%get3A_156, %get3A_157] {strides = array<i32>} : memref<64x128xf32, #tpu.memory_space<vmem>>, vector<1x16xf32>,
          %get3A_159 = vector.shape_cast %get3A_158 : vector<1x16xf32> to vector<16xf32>
          %get3A_160 = arith.index_cast %scan3A_104 : i32 to index
          %get3A_161 = arith.constant 48 : index
          %get3A_162 = tpu.vector_load %arg12[%get3A_160, %get3A_161] {strides = array<i32>} : memref<64x128xf32, #tpu.memory_space<vmem>>, vector<1x16xf32>,
          %get3A_163 = vector.shape_cast %get3A_162 : vector<1x16xf32> to vector<16xf32>
          %add3A_164 = arith.addf %get3A_159, %get3A_163 : vector<16xf32>
          %max3A_165 = arith.constant 0.000000e+00 : f32
          %max3A_166 = vector.broadcast %max3A_165 : f32 to vector<16xf32>
          %max3A_167 = arith.maximumf %add3A_164, %max3A_166 : vector<16xf32>
          %add3A_168 = arith.constant 16 : i32
          %add3A_169 = arith.addi %mul3A_139, %add3A_168 : i32
          %swap3A_170 = arith.index_cast %select_n3A_122 : i32 to index
          %swap3A_171 = arith.index_cast %add3A_169 : i32 to index
          %swap3A_172 = tpu.vector_load %arg15[%swap3A_170, %swap3A_171] {strides = array<i32>} : memref<16x128xf32, #tpu.memory_space<vmem>>, vector<1x16xf32>,
          %swap3A_173 = vector.shape_cast %swap3A_172 : vector<1x16xf32> to vector<16xf32>
          %swap3A_174 = vector.shape_cast %max3A_167 : vector<16xf32> to vector<1x16xf32>
          tpu.vector_store %arg15[%swap3A_170, %swap3A_171], %swap3A_174 {strides = array<i32>} : memref<16x128xf32, #tpu.memory_space<vmem>>, vector<1x16xf32>,
        }
        %scan3A_96 = arith.constant 64 : i32
        %add3A_97 = arith.addi %add3A_6, %add3A_59 : i32
        %mul3A_98 = arith.constant 16 : i32
        %mul3A_99 = arith.muli %add3A_97, %mul3A_98 : i32
        %dma_start3A_100 = arith.constant 0 : i32
        %dma_start3A_101 = tpu.memref_slice %arg5[%mul3A_99, %dma_start3A_100] : memref<80000x128xf32, #tpu.memory_space<hbm>> -> memref<16x128xf32, #tpu.memory_space<hbm>>
        %dma_start3A_102 = arith.constant 0 : i32
        %dma_start3A_103 = tpu.memref_slice %arg5[%mul3A_99, %dma_start3A_102] : memref<80000x128xf32, #tpu.memory_space<hbm>> -> memref<16x128xf32, #tpu.memory_space<hbm>>
        tpu.enqueue_dma source(%arg15 : memref<16x128xf32, #tpu.memory_space<vmem>>) target(%dma_start3A_103 : memref<16x128xf32, #tpu.memory_space<hbm>>) target_semaphore(%arg21 : memref<!tpu.dma_semaphore, #tpu.memory_space<semaphore_mem>>)
      } else {
      }
      %mul3A_64 = arith.constant 3 : i32
      %mul3A_65 = arith.muli %scan3A_49, %mul3A_64 : i32
      %add3A_66 = arith.constant 2 : i32
      %add3A_67 = arith.addi %mul3A_65, %add3A_66 : i32
      %lt3A_68 = arith.cmpi slt, %add3A_67, %select_n3A : i32
      %convert_element_type3A_69 = arith.extui %lt3A_68 : i1 to i32
      %cond3A_70 = arith.constant 0 : i32
      %cond3A_71 = arith.cmpi ne, %convert_element_type3A_69, %cond3A_70 : i32
      scf.if %cond3A_71 {
        %dma_wait3A_72 = arith.constant 0 : i32
        %dma_wait3A_73 = tpu.memref_slice %arg6[%dma_wait3A_72] : memref<10048xi32, #tpu.memory_space<vmem>> -> memref<64xi32, #tpu.memory_space<vmem>>
        %dma_wait3A_74 = arith.constant 0 : i32
        %dma_wait3A_75 = arith.constant 0 : i32
        %dma_wait3A_76 = tpu.memref_slice %arg2[%dma_wait3A_74, %dma_wait3A_75] : memref<10000x128xf32, #tpu.memory_space<hbm>> -> memref<10000x128xf32, #tpu.memory_space<hbm>>
        tpu.wait_indirect_dma semaphore(%arg19 : memref<!tpu.dma_semaphore, #tpu.memory_space<semaphore_mem>>) src(%dma_wait3A_76 : memref<10000x128xf32, #tpu.memory_space<hbm>>) dst(%arg10 : memref<64x128xf32, #tpu.memory_space<vmem>>)
        %dma_wait3A_77 = arith.constant 0 : i32
        %dma_wait3A_78 = tpu.memref_slice %arg6[%dma_wait3A_77] : memref<10048xi32, #tpu.memory_space<vmem>> -> memref<64xi32, #tpu.memory_space<vmem>>
        %dma_wait3A_79 = arith.constant 0 : i32
        %dma_wait3A_80 = arith.constant 0 : i32
        %dma_wait3A_81 = tpu.memref_slice %arg2[%dma_wait3A_79, %dma_wait3A_80] : memref<10000x128xf32, #tpu.memory_space<hbm>> -> memref<10000x128xf32, #tpu.memory_space<hbm>>
        tpu.wait_indirect_dma semaphore(%arg19 : memref<!tpu.dma_semaphore, #tpu.memory_space<semaphore_mem>>) src(%dma_wait3A_81 : memref<10000x128xf32, #tpu.memory_space<hbm>>) dst(%arg13 : memref<64x128xf32, #tpu.memory_space<vmem>>)
        %add3A_82 = arith.constant 2 : i32
        %add3A_83 = arith.addi %add3A_67, %add3A_82 : i32
        %lt3A_84 = arith.cmpi slt, %add3A_83, %select_n3A : i32
        %convert_element_type3A_85 = arith.extui %lt3A_84 : i1 to i32
        %cond3A_86 = arith.constant 0 : i32
        %cond3A_87 = arith.cmpi ne, %convert_element_type3A_85, %cond3A_86 : i32
        scf.if %cond3A_87 {
          %add3A_104 = arith.constant 2 : i32
          %add3A_105 = arith.addi %add3A_67, %add3A_104 : i32
          %mul3A_106 = arith.constant 64 : i32
          %mul3A_107 = arith.muli %add3A_105, %mul3A_106 : i32
          %dma_start3A_108 = tpu.memref_slice %arg6[%mul3A_107] : memref<10048xi32, #tpu.memory_space<vmem>> -> memref<64xi32, #tpu.memory_space<vmem>>
          %dma_start3A_109 = arith.constant 0 : i32
          %dma_start3A_110 = arith.constant 0 : i32
          %dma_start3A_111 = tpu.memref_slice %arg2[%dma_start3A_109, %dma_start3A_110] : memref<10000x128xf32, #tpu.memory_space<hbm>> -> memref<10000x128xf32, #tpu.memory_space<hbm>>
          tpu.enqueue_indirect_dma source(%dma_start3A_111 : memref<10000x128xf32, #tpu.memory_space<hbm>>) target(%arg9 : memref<64x128xf32, #tpu.memory_space<vmem>>) offsets(%dma_start3A_108 : memref<64xi32, #tpu.memory_space<vmem>>) semaphore(%arg18 : memref<!tpu.dma_semaphore, #tpu.memory_space<semaphore_mem>>)
          %dma_start3A_112 = tpu.memref_slice %arg7[%mul3A_107] : memref<10048xi32, #tpu.memory_space<vmem>> -> memref<64xi32, #tpu.memory_space<vmem>>
          %dma_start3A_113 = arith.constant 0 : i32
          %dma_start3A_114 = arith.constant 0 : i32
          %dma_start3A_115 = tpu.memref_slice %arg2[%dma_start3A_113, %dma_start3A_114] : memref<10000x128xf32, #tpu.memory_space<hbm>> -> memref<10000x128xf32, #tpu.memory_space<hbm>>
          tpu.enqueue_indirect_dma source(%dma_start3A_115 : memref<10000x128xf32, #tpu.memory_space<hbm>>) target(%arg12 : memref<64x128xf32, #tpu.memory_space<vmem>>) offsets(%dma_start3A_112 : memref<64xi32, #tpu.memory_space<vmem>>) semaphore(%arg18 : memref<!tpu.dma_semaphore, #tpu.memory_space<semaphore_mem>>)
        } else {
        }
        %ge3A = arith.constant 3 : i32
        %ge3A_88 = arith.cmpi sge, %add3A_67, %ge3A : i32
        %convert_element_type3A_89 = arith.extui %ge3A_88 : i1 to i32
        %cond3A_90 = arith.constant 0 : i32
        %cond3A_91 = arith.cmpi ne, %convert_element_type3A_89, %cond3A_90 : i32
        scf.if %cond3A_91 {
          %dma_wait3A_104 = arith.constant 0 : i32
          %dma_wait3A_105 = arith.constant 0 : i32
          %dma_wait3A_106 = tpu.memref_slice %arg5[%dma_wait3A_104, %dma_wait3A_105] : memref<80000x128xf32, #tpu.memory_space<hbm>> -> memref<16x128xf32, #tpu.memory_space<hbm>>
          %dma_wait3A_107 = arith.constant 0 : i32
          %dma_wait3A_108 = arith.constant 0 : i32
          %dma_wait3A_109 = tpu.memref_slice %arg5[%dma_wait3A_107, %dma_wait3A_108] : memref<80000x128xf32, #tpu.memory_space<hbm>> -> memref<16x128xf32, #tpu.memory_space<hbm>>
          tpu.wait_dma2 semaphore(%arg22 : memref<!tpu.dma_semaphore, #tpu.memory_space<semaphore_mem>>) src(%arg16 : memref<16x128xf32, #tpu.memory_space<vmem>>) dst(%dma_wait3A_109 : memref<16x128xf32, #tpu.memory_space<hbm>>)
        } else {
        }
        %scan3A_92 = arith.constant 0 : i32
        %scan3A_93 = arith.constant 64 : i32
        %scan3A_94 = arith.addi %scan3A_92, %scan3A_93 : i32
        %scan3A_95 = arith.constant 1 : i32
        scf.for %scan3A_104 = %scan3A_92 to %scan3A_94 step %scan3A_95  : i32 {
          %jit3A_105 = arith.constant 4 : i32
          %div3A = arith.divsi %scan3A_104, %jit3A_105 : i32
          %sign3A = arith.constant 0 : i32
          %sign3A_106 = arith.cmpi sgt, %scan3A_104, %sign3A : i32
          %sign3A_107 = arith.extui %sign3A_106 : i1 to i32
          %sign3A_108 = arith.constant 0 : i32
          %sign3A_109 = arith.cmpi slt, %scan3A_104, %sign3A_108 : i32
          %sign3A_110 = arith.extui %sign3A_109 : i1 to i32
          %sign3A_111 = arith.subi %sign3A_107, %sign3A_110 : i32
          %sign3A_112 = arith.constant 0 : i32
          %sign3A_113 = arith.cmpi sgt, %jit3A_105, %sign3A_112 : i32
          %sign3A_114 = arith.extui %sign3A_113 : i1 to i32
          %sign3A_115 = arith.constant 0 : i32
          %sign3A_116 = arith.cmpi slt, %jit3A_105, %sign3A_115 : i32
          %sign3A_117 = arith.extui %sign3A_116 : i1 to i32
          %sign3A_118 = arith.subi %sign3A_114, %sign3A_117 : i32
          %ne3A = arith.cmpi ne, %sign3A_111, %sign3A_118 : i32
          %rem3A = arith.remsi %scan3A_104, %jit3A_105 : i32
          %ne3A_119 = arith.constant 0 : i32
          %ne3A_120 = arith.cmpi ne, %rem3A, %ne3A_119 : i32
          %and3A = arith.andi %ne3A, %ne3A_120 : i1
          %sub3A = arith.constant 1 : i32
          %sub3A_121 = arith.subi %div3A, %sub3A : i32
          %select_n3A_122 = arith.select %and3A, %sub3A_121, %div3A : i32
          %jit3A_123 = arith.constant 4 : i32
          %eq3A = arith.constant 0 : i32
          %eq3A_124 = arith.cmpi eq, %jit3A_123, %eq3A : i32
          %jit3A_125 = arith.constant 1 : i32
          %select_n3A_126 = arith.select %eq3A_124, %jit3A_125, %jit3A_123 : i32
          %rem3A_127 = arith.remsi %scan3A_104, %select_n3A_126 : i32
          %ne3A_128 = arith.constant 0 : i32
          %ne3A_129 = arith.cmpi ne, %rem3A_127, %ne3A_128 : i32
          %lt3A_130 = arith.constant 0 : i32
          %lt3A_131 = arith.cmpi slt, %rem3A_127, %lt3A_130 : i32
          %lt3A_132 = arith.constant 0 : i32
          %lt3A_133 = arith.cmpi slt, %select_n3A_126, %lt3A_132 : i32
          %ne3A_134 = arith.xori %lt3A_131, %lt3A_133 : i1
          %and3A_135 = arith.andi %ne3A_134, %ne3A_129 : i1
          %add3A_136 = arith.addi %rem3A_127, %select_n3A_126 : i32
          %select_n3A_137 = arith.select %and3A_135, %add3A_136, %rem3A_127 : i32
          %mul3A_138 = arith.constant 32 : i32
          %mul3A_139 = arith.muli %select_n3A_137, %mul3A_138 : i32
          %get3A = arith.index_cast %scan3A_104 : i32 to index
          %get3A_140 = arith.constant 0 : index
          %get3A_141 = tpu.vector_load %arg10[%get3A, %get3A_140] {strides = array<i32>} : memref<64x128xf32, #tpu.memory_space<vmem>>, vector<1x16xf32>,
          %get3A_142 = vector.shape_cast %get3A_141 : vector<1x16xf32> to vector<16xf32>
          %get3A_143 = arith.index_cast %scan3A_104 : i32 to index
          %get3A_144 = arith.constant 32 : index
          %get3A_145 = tpu.vector_load %arg13[%get3A_143, %get3A_144] {strides = array<i32>} : memref<64x128xf32, #tpu.memory_space<vmem>>, vector<1x16xf32>,
          %get3A_146 = vector.shape_cast %get3A_145 : vector<1x16xf32> to vector<16xf32>
          %add3A_147 = arith.addf %get3A_142, %get3A_146 : vector<16xf32>
          %max3A = arith.constant 0.000000e+00 : f32
          %max3A_148 = vector.broadcast %max3A : f32 to vector<16xf32>
          %max3A_149 = arith.maximumf %add3A_147, %max3A_148 : vector<16xf32>
          %add3A_150 = arith.constant 0 : i32
          %add3A_151 = arith.addi %mul3A_139, %add3A_150 : i32
          %swap3A = arith.index_cast %select_n3A_122 : i32 to index
          %swap3A_152 = arith.index_cast %add3A_151 : i32 to index
          %swap3A_153 = tpu.vector_load %arg16[%swap3A, %swap3A_152] {strides = array<i32>} : memref<16x128xf32, #tpu.memory_space<vmem>>, vector<1x16xf32>,
          %swap3A_154 = vector.shape_cast %swap3A_153 : vector<1x16xf32> to vector<16xf32>
          %swap3A_155 = vector.shape_cast %max3A_149 : vector<16xf32> to vector<1x16xf32>
          tpu.vector_store %arg16[%swap3A, %swap3A_152], %swap3A_155 {strides = array<i32>} : memref<16x128xf32, #tpu.memory_space<vmem>>, vector<1x16xf32>,
          %get3A_156 = arith.index_cast %scan3A_104 : i32 to index
          %get3A_157 = arith.constant 16 : index
          %get3A_158 = tpu.vector_load %arg10[%get3A_156, %get3A_157] {strides = array<i32>} : memref<64x128xf32, #tpu.memory_space<vmem>>, vector<1x16xf32>,
          %get3A_159 = vector.shape_cast %get3A_158 : vector<1x16xf32> to vector<16xf32>
          %get3A_160 = arith.index_cast %scan3A_104 : i32 to index
          %get3A_161 = arith.constant 48 : index
          %get3A_162 = tpu.vector_load %arg13[%get3A_160, %get3A_161] {strides = array<i32>} : memref<64x128xf32, #tpu.memory_space<vmem>>, vector<1x16xf32>,
          %get3A_163 = vector.shape_cast %get3A_162 : vector<1x16xf32> to vector<16xf32>
          %add3A_164 = arith.addf %get3A_159, %get3A_163 : vector<16xf32>
          %max3A_165 = arith.constant 0.000000e+00 : f32
          %max3A_166 = vector.broadcast %max3A_165 : f32 to vector<16xf32>
          %max3A_167 = arith.maximumf %add3A_164, %max3A_166 : vector<16xf32>
          %add3A_168 = arith.constant 16 : i32
          %add3A_169 = arith.addi %mul3A_139, %add3A_168 : i32
          %swap3A_170 = arith.index_cast %select_n3A_122 : i32 to index
          %swap3A_171 = arith.index_cast %add3A_169 : i32 to index
          %swap3A_172 = tpu.vector_load %arg16[%swap3A_170, %swap3A_171] {strides = array<i32>} : memref<16x128xf32, #tpu.memory_space<vmem>>, vector<1x16xf32>,
          %swap3A_173 = vector.shape_cast %swap3A_172 : vector<1x16xf32> to vector<16xf32>
          %swap3A_174 = vector.shape_cast %max3A_167 : vector<16xf32> to vector<1x16xf32>
          tpu.vector_store %arg16[%swap3A_170, %swap3A_171], %swap3A_174 {strides = array<i32>} : memref<16x128xf32, #tpu.memory_space<vmem>>, vector<1x16xf32>,
        }
        %scan3A_96 = arith.constant 64 : i32
        %add3A_97 = arith.addi %add3A_6, %add3A_67 : i32
        %mul3A_98 = arith.constant 16 : i32
        %mul3A_99 = arith.muli %add3A_97, %mul3A_98 : i32
        %dma_start3A_100 = arith.constant 0 : i32
        %dma_start3A_101 = tpu.memref_slice %arg5[%mul3A_99, %dma_start3A_100] : memref<80000x128xf32, #tpu.memory_space<hbm>> -> memref<16x128xf32, #tpu.memory_space<hbm>>
        %dma_start3A_102 = arith.constant 0 : i32
        %dma_start3A_103 = tpu.memref_slice %arg5[%mul3A_99, %dma_start3A_102] : memref<80000x128xf32, #tpu.memory_space<hbm>> -> memref<16x128xf32, #tpu.memory_space<hbm>>
        tpu.enqueue_dma source(%arg16 : memref<16x128xf32, #tpu.memory_space<vmem>>) target(%dma_start3A_103 : memref<16x128xf32, #tpu.memory_space<hbm>>) target_semaphore(%arg22 : memref<!tpu.dma_semaphore, #tpu.memory_space<semaphore_mem>>)
      } else {
      }
    }
    %scan3A_31 = arith.constant 53 : i32
    %dma_wait3A = arith.constant 0 : i32
    %dma_wait3A_32 = arith.constant 0 : i32
    %dma_wait3A_33 = tpu.memref_slice %arg5[%dma_wait3A, %dma_wait3A_32] : memref<80000x128xf32, #tpu.memory_space<hbm>> -> memref<16x128xf32, #tpu.memory_space<hbm>>
    %dma_wait3A_34 = arith.constant 0 : i32
    %dma_wait3A_35 = arith.constant 0 : i32
    %dma_wait3A_36 = tpu.memref_slice %arg5[%dma_wait3A_34, %dma_wait3A_35] : memref<80000x128xf32, #tpu.memory_space<hbm>> -> memref<16x128xf32, #tpu.memory_space<hbm>>
    tpu.wait_dma2 semaphore(%arg20 : memref<!tpu.dma_semaphore, #tpu.memory_space<semaphore_mem>>) src(%arg14 : memref<16x128xf32, #tpu.memory_space<vmem>>) dst(%dma_wait3A_36 : memref<16x128xf32, #tpu.memory_space<hbm>>)
    %dma_wait3A_37 = arith.constant 0 : i32
    %dma_wait3A_38 = arith.constant 0 : i32
    %dma_wait3A_39 = tpu.memref_slice %arg5[%dma_wait3A_37, %dma_wait3A_38] : memref<80000x128xf32, #tpu.memory_space<hbm>> -> memref<16x128xf32, #tpu.memory_space<hbm>>
    %dma_wait3A_40 = arith.constant 0 : i32
    %dma_wait3A_41 = arith.constant 0 : i32
    %dma_wait3A_42 = tpu.memref_slice %arg5[%dma_wait3A_40, %dma_wait3A_41] : memref<80000x128xf32, #tpu.memory_space<hbm>> -> memref<16x128xf32, #tpu.memory_space<hbm>>
    tpu.wait_dma2 semaphore(%arg21 : memref<!tpu.dma_semaphore, #tpu.memory_space<semaphore_mem>>) src(%arg15 : memref<16x128xf32, #tpu.memory_space<vmem>>) dst(%dma_wait3A_42 : memref<16x128xf32, #tpu.memory_space<hbm>>)
    %dma_wait3A_43 = arith.constant 0 : i32
    %dma_wait3A_44 = arith.constant 0 : i32
    %dma_wait3A_45 = tpu.memref_slice %arg5[%dma_wait3A_43, %dma_wait3A_44] : memref<80000x128xf32, #tpu.memory_space<hbm>> -> memref<16x128xf32, #tpu.memory_space<hbm>>
    %dma_wait3A_46 = arith.constant 0 : i32
    %dma_wait3A_47 = arith.constant 0 : i32
    %dma_wait3A_48 = tpu.memref_slice %arg5[%dma_wait3A_46, %dma_wait3A_47] : memref<80000x128xf32, #tpu.memory_space<hbm>> -> memref<16x128xf32, #tpu.memory_space<hbm>>
    tpu.wait_dma2 semaphore(%arg22 : memref<!tpu.dma_semaphore, #tpu.memory_space<semaphore_mem>>) src(%arg16 : memref<16x128xf32, #tpu.memory_space<vmem>>) dst(%dma_wait3A_48 : memref<16x128xf32, #tpu.memory_space<hbm>>)
    return
  }
}

#map = affine_map<(d0, d1) -> (0, 0)>
#map1 = affine_map<(d0, d1) -> (0)>
module attributes {stable_mosaic.version = 14 : i64} {
  func.func @_gather_body(%arg0: i32, %arg1: i32, %arg2: memref<10000x128xf32, #tpu.memory_space<hbm>>, %arg3: memref<320064xi32, #tpu.memory_space<hbm>>, %arg4: memref<320064xi32, #tpu.memory_space<hbm>>, %arg5: memref<80000x128xf32, #tpu.memory_space<hbm>>, %arg6: memref<10048xi32, #tpu.memory_space<vmem>>, %arg7: memref<10048xi32, #tpu.memory_space<vmem>>, %arg8: memref<64x128xf32, #tpu.memory_space<vmem>>, %arg9: memref<64x128xf32, #tpu.memory_space<vmem>>, %arg10: memref<64x128xf32, #tpu.memory_space<vmem>>, %arg11: memref<64x128xf32, #tpu.memory_space<vmem>>, %arg12: memref<64x128xf32, #tpu.memory_space<vmem>>, %arg13: memref<64x128xf32, #tpu.memory_space<vmem>>, %arg14: memref<16x128xf32, #tpu.memory_space<vmem>>, %arg15: memref<16x128xf32, #tpu.memory_space<vmem>>, %arg16: memref<16x128xf32, #tpu.memory_space<vmem>>, %arg17: memref<!tpu.dma_semaphore, #tpu.memory_space<semaphore_mem>>, %arg18: memref<!tpu.dma_semaphore, #tpu.memory_space<semaphore_mem>>, %arg19: memref<!tpu.dma_semaphore, #tpu.memory_space<semaphore_mem>>, %arg20: memref<!tpu.dma_semaphore, #tpu.memory_space<semaphore_mem>>, %arg21: memref<!tpu.dma_semaphore, #tpu.memory_space<semaphore_mem>>, %arg22: memref<!tpu.dma_semaphore, #tpu.memory_space<semaphore_mem>>) attributes {dimension_semantics = [#tpu.dimension_semantics<core_parallel>, #tpu.dimension_semantics<subcore_parallel>], iteration_bounds = array<i64: 2, 16>, scalar_prefetch = 0 : i64, scratch_operands = 17 : i64, tpu.core_type = #tpu.core_type<sc_vector_subcore>, window_params = [{transform_indices = #map}, {transform_indices = #map1}, {transform_indices = #map1}, {transform_indices = #map}]} {
    %mul3A = arith.constant 2 : i32
    %mul3A_0 = arith.muli %arg1, %mul3A : i32
    %add3A = arith.addi %mul3A_0, %arg0 : i32
    %lt3A = arith.constant 8 : i32
    %lt3A_1 = arith.cmpi slt, %add3A, %lt3A : i32
    %jit3A = arith.constant 157 : i32
    %jit3A_2 = arith.constant 156 : i32
    %select_n3A = arith.select %lt3A_1, %jit3A, %jit3A_2 : i32
    %mul3A_3 = arith.constant 156 : i32
    %mul3A_4 = arith.muli %mul3A_3, %add3A : i32
    %min3A = arith.constant 8 : i32
    %min3A_5 = arith.minsi %add3A, %min3A : i32
    %add3A_6 = arith.addi %mul3A_4, %min3A_5 : i32
    %mul3A_7 = arith.constant 64 : i32
    %mul3A_8 = arith.muli %add3A_6, %mul3A_7 : i32
    "tpu.region"() ({
      %run_scoped3A = tpu.sem_alloc : memref<!tpu.dma_semaphore, #tpu.memory_space<semaphore_mem>>
      %dma_start3A_49 = tpu.memref_slice %arg3[%mul3A_8] : memref<320064xi32, #tpu.memory_space<hbm>> -> memref<10048xi32, #tpu.memory_space<hbm>>
      %dma_start3A_50 = tpu.memref_slice %arg3[%mul3A_8] : memref<320064xi32, #tpu.memory_space<hbm>> -> memref<10048xi32, #tpu.memory_space<hbm>>
      tpu.enqueue_dma source(%dma_start3A_50 : memref<10048xi32, #tpu.memory_space<hbm>>) target(%arg6 : memref<10048xi32, #tpu.memory_space<vmem>>) target_semaphore(%run_scoped3A : memref<!tpu.dma_semaphore, #tpu.memory_space<semaphore_mem>>)
      %dma_wait3A_51 = tpu.memref_slice %arg3[%mul3A_8] : memref<320064xi32, #tpu.memory_space<hbm>> -> memref<10048xi32, #tpu.memory_space<hbm>>
      %dma_wait3A_52 = tpu.memref_slice %arg3[%mul3A_8] : memref<320064xi32, #tpu.memory_space<hbm>> -> memref<10048xi32, #tpu.memory_space<hbm>>
      tpu.wait_dma2 semaphore(%run_scoped3A : memref<!tpu.dma_semaphore, #tpu.memory_space<semaphore_mem>>) src(%dma_wait3A_52 : memref<10048xi32, #tpu.memory_space<hbm>>) dst(%arg6 : memref<10048xi32, #tpu.memory_space<vmem>>)
      tpu.yield
    }) : () -> ()
    "tpu.region"() ({
      %run_scoped3A = tpu.sem_alloc : memref<!tpu.dma_semaphore, #tpu.memory_space<semaphore_mem>>
      %dma_start3A_49 = tpu.memref_slice %arg4[%mul3A_8] : memref<320064xi32, #tpu.memory_space<hbm>> -> memref<10048xi32, #tpu.memory_space<hbm>>
      %dma_start3A_50 = tpu.memref_slice %arg4[%mul3A_8] : memref<320064xi32, #tpu.memory_space<hbm>> -> memref<10048xi32, #tpu.memory_space<hbm>>
      tpu.enqueue_dma source(%dma_start3A_50 : memref<10048xi32, #tpu.memory_space<hbm>>) target(%arg7 : memref<10048xi32, #tpu.memory_space<vmem>>) target_semaphore(%run_scoped3A : memref<!tpu.dma_semaphore, #tpu.memory_space<semaphore_mem>>)
      %dma_wait3A_51 = tpu.memref_slice %arg4[%mul3A_8] : memref<320064xi32, #tpu.memory_space<hbm>> -> memref<10048xi32, #tpu.memory_space<hbm>>
      %dma_wait3A_52 = tpu.memref_slice %arg4[%mul3A_8] : memref<320064xi32, #tpu.memory_space<hbm>> -> memref<10048xi32, #tpu.memory_space<hbm>>
      tpu.wait_dma2 semaphore(%run_scoped3A : memref<!tpu.dma_semaphore, #tpu.memory_space<semaphore_mem>>) src(%dma_wait3A_52 : memref<10048xi32, #tpu.memory_space<hbm>>) dst(%arg7 : memref<10048xi32, #tpu.memory_space<vmem>>)
      tpu.yield
    }) : () -> ()
    %dma_start3A = arith.constant 0 : i32
    %dma_start3A_9 = tpu.memref_slice %arg6[%dma_start3A] : memref<10048xi32, #tpu.memory_space<vmem>> -> memref<64xi32, #tpu.memory_space<vmem>>
    %dma_start3A_10 = arith.constant 0 : i32
    %dma_start3A_11 = arith.constant 0 : i32
    %dma_start3A_12 = tpu.memref_slice %arg2[%dma_start3A_10, %dma_start3A_11] : memref<10000x128xf32, #tpu.memory_space<hbm>> -> memref<10000x128xf32, #tpu.memory_space<hbm>>
    tpu.enqueue_indirect_dma source(%dma_start3A_12 : memref<10000x128xf32, #tpu.memory_space<hbm>>) target(%arg8 : memref<64x128xf32, #tpu.memory_space<vmem>>) offsets(%dma_start3A_9 : memref<64xi32, #tpu.memory_space<vmem>>) semaphore(%arg17 : memref<!tpu.dma_semaphore, #tpu.memory_space<semaphore_mem>>)
    %dma_start3A_13 = arith.constant 0 : i32
    %dma_start3A_14 = tpu.memref_slice %arg7[%dma_start3A_13] : memref<10048xi32, #tpu.memory_space<vmem>> -> memref<64xi32, #tpu.memory_space<vmem>>
    %dma_start3A_15 = arith.constant 0 : i32
    %dma_start3A_16 = arith.constant 0 : i32
    %dma_start3A_17 = tpu.memref_slice %arg2[%dma_start3A_15, %dma_start3A_16] : memref<10000x128xf32, #tpu.memory_space<hbm>> -> memref<10000x128xf32, #tpu.memory_space<hbm>>
    tpu.enqueue_indirect_dma source(%dma_start3A_17 : memref<10000x128xf32, #tpu.memory_space<hbm>>) target(%arg11 : memref<64x128xf32, #tpu.memory_space<vmem>>) offsets(%dma_start3A_14 : memref<64xi32, #tpu.memory_space<vmem>>) semaphore(%arg17 : memref<!tpu.dma_semaphore, #tpu.memory_space<semaphore_mem>>)
    %dma_start3A_18 = arith.constant 64 : i32
    %dma_start3A_19 = tpu.memref_slice %arg6[%dma_start3A_18] : memref<10048xi32, #tpu.memory_space<vmem>> -> memref<64xi32, #tpu.memory_space<vmem>>
    %dma_start3A_20 = arith.constant 0 : i32
    %dma_start3A_21 = arith.constant 0 : i32
    %dma_start3A_22 = tpu.memref_slice %arg2[%dma_start3A_20, %dma_start3A_21] : memref<10000x128xf32, #tpu.memory_space<hbm>> -> memref<10000x128xf32, #tpu.memory_space<hbm>>
    tpu.enqueue_indirect_dma source(%dma_start3A_22 : memref<10000x128xf32, #tpu.memory_space<hbm>>) target(%arg9 : memref<64x128xf32, #tpu.memory_space<vmem>>) offsets(%dma_start3A_19 : memref<64xi32, #tpu.memory_space<vmem>>) semaphore(%arg18 : memref<!tpu.dma_semaphore, #tpu.memory_space<semaphore_mem>>)
    %dma_start3A_23 = arith.constant 64 : i32
    %dma_start3A_24 = tpu.memref_slice %arg7[%dma_start3A_23] : memref<10048xi32, #tpu.memory_space<vmem>> -> memref<64xi32, #tpu.memory_space<vmem>>
    %dma_start3A_25 = arith.constant 0 : i32
    %dma_start3A_26 = arith.constant 0 : i32
    %dma_start3A_27 = tpu.memref_slice %arg2[%dma_start3A_25, %dma_start3A_26] : memref<10000x128xf32, #tpu.memory_space<hbm>> -> memref<10000x128xf32, #tpu.memory_space<hbm>>
    tpu.enqueue_indirect_dma source(%dma_start3A_27 : memref<10000x128xf32, #tpu.memory_space<hbm>>) target(%arg12 : memref<64x128xf32, #tpu.memory_space<vmem>>) offsets(%dma_start3A_24 : memref<64xi32, #tpu.memory_space<vmem>>) semaphore(%arg18 : memref<!tpu.dma_semaphore, #tpu.memory_space<semaphore_mem>>)
    %scan3A = arith.constant 0 : i32
    %scan3A_28 = arith.constant 53 : i32
    %scan3A_29 = arith.addi %scan3A, %scan3A_28 : i32
    %scan3A_30 = arith.constant 1 : i32
    scf.for %scan3A_49 = %scan3A to %scan3A_29 step %scan3A_30  : i32 {
      %mul3A_50 = arith.constant 3 : i32
      %mul3A_51 = arith.muli %scan3A_49, %mul3A_50 : i32
      %add3A_52 = arith.constant 0 : i32
      %add3A_53 = arith.addi %mul3A_51, %add3A_52 : i32
      %lt3A_54 = arith.cmpi slt, %add3A_53, %select_n3A : i32
      %convert_element_type3A = arith.extui %lt3A_54 : i1 to i32
      %cond3A = arith.constant 0 : i32
      %cond3A_55 = arith.cmpi ne, %convert_element_type3A, %cond3A : i32
      scf.if %cond3A_55 {
        %dma_wait3A_72 = arith.constant 0 : i32
        %dma_wait3A_73 = tpu.memref_slice %arg6[%dma_wait3A_72] : memref<10048xi32, #tpu.memory_space<vmem>> -> memref<64xi32, #tpu.memory_space<vmem>>
        %dma_wait3A_74 = arith.constant 0 : i32
        %dma_wait3A_75 = arith.constant 0 : i32
        %dma_wait3A_76 = tpu.memref_slice %arg2[%dma_wait3A_74, %dma_wait3A_75] : memref<10000x128xf32, #tpu.memory_space<hbm>> -> memref<10000x128xf32, #tpu.memory_space<hbm>>
        tpu.wait_indirect_dma semaphore(%arg17 : memref<!tpu.dma_semaphore, #tpu.memory_space<semaphore_mem>>) src(%dma_wait3A_76 : memref<10000x128xf32, #tpu.memory_space<hbm>>) dst(%arg8 : memref<64x128xf32, #tpu.memory_space<vmem>>)
        %dma_wait3A_77 = arith.constant 0 : i32
        %dma_wait3A_78 = tpu.memref_slice %arg6[%dma_wait3A_77] : memref<10048xi32, #tpu.memory_space<vmem>> -> memref<64xi32, #tpu.memory_space<vmem>>
        %dma_wait3A_79 = arith.constant 0 : i32
        %dma_wait3A_80 = arith.constant 0 : i32
        %dma_wait3A_81 = tpu.memref_slice %arg2[%dma_wait3A_79, %dma_wait3A_80] : memref<10000x128xf32, #tpu.memory_space<hbm>> -> memref<10000x128xf32, #tpu.memory_space<hbm>>
        tpu.wait_indirect_dma semaphore(%arg17 : memref<!tpu.dma_semaphore, #tpu.memory_space<semaphore_mem>>) src(%dma_wait3A_81 : memref<10000x128xf32, #tpu.memory_space<hbm>>) dst(%arg11 : memref<64x128xf32, #tpu.memory_space<vmem>>)
        %add3A_82 = arith.constant 2 : i32
        %add3A_83 = arith.addi %add3A_53, %add3A_82 : i32
        %lt3A_84 = arith.cmpi slt, %add3A_83, %select_n3A : i32
        %convert_element_type3A_85 = arith.extui %lt3A_84 : i1 to i32
        %cond3A_86 = arith.constant 0 : i32
        %cond3A_87 = arith.cmpi ne, %convert_element_type3A_85, %cond3A_86 : i32
        scf.if %cond3A_87 {
          %add3A_104 = arith.constant 2 : i32
          %add3A_105 = arith.addi %add3A_53, %add3A_104 : i32
          %mul3A_106 = arith.constant 64 : i32
          %mul3A_107 = arith.muli %add3A_105, %mul3A_106 : i32
          %dma_start3A_108 = tpu.memref_slice %arg6[%mul3A_107] : memref<10048xi32, #tpu.memory_space<vmem>> -> memref<64xi32, #tpu.memory_space<vmem>>
          %dma_start3A_109 = arith.constant 0 : i32
          %dma_start3A_110 = arith.constant 0 : i32
          %dma_start3A_111 = tpu.memref_slice %arg2[%dma_start3A_109, %dma_start3A_110] : memref<10000x128xf32, #tpu.memory_space<hbm>> -> memref<10000x128xf32, #tpu.memory_space<hbm>>
          tpu.enqueue_indirect_dma source(%dma_start3A_111 : memref<10000x128xf32, #tpu.memory_space<hbm>>) target(%arg10 : memref<64x128xf32, #tpu.memory_space<vmem>>) offsets(%dma_start3A_108 : memref<64xi32, #tpu.memory_space<vmem>>) semaphore(%arg19 : memref<!tpu.dma_semaphore, #tpu.memory_space<semaphore_mem>>)
          %dma_start3A_112 = tpu.memref_slice %arg7[%mul3A_107] : memref<10048xi32, #tpu.memory_space<vmem>> -> memref<64xi32, #tpu.memory_space<vmem>>
          %dma_start3A_113 = arith.constant 0 : i32
          %dma_start3A_114 = arith.constant 0 : i32
          %dma_start3A_115 = tpu.memref_slice %arg2[%dma_start3A_113, %dma_start3A_114] : memref<10000x128xf32, #tpu.memory_space<hbm>> -> memref<10000x128xf32, #tpu.memory_space<hbm>>
          tpu.enqueue_indirect_dma source(%dma_start3A_115 : memref<10000x128xf32, #tpu.memory_space<hbm>>) target(%arg13 : memref<64x128xf32, #tpu.memory_space<vmem>>) offsets(%dma_start3A_112 : memref<64xi32, #tpu.memory_space<vmem>>) semaphore(%arg19 : memref<!tpu.dma_semaphore, #tpu.memory_space<semaphore_mem>>)
        } else {
        }
        %ge3A = arith.constant 3 : i32
        %ge3A_88 = arith.cmpi sge, %add3A_53, %ge3A : i32
        %convert_element_type3A_89 = arith.extui %ge3A_88 : i1 to i32
        %cond3A_90 = arith.constant 0 : i32
        %cond3A_91 = arith.cmpi ne, %convert_element_type3A_89, %cond3A_90 : i32
        scf.if %cond3A_91 {
          %dma_wait3A_104 = arith.constant 0 : i32
          %dma_wait3A_105 = arith.constant 0 : i32
          %dma_wait3A_106 = tpu.memref_slice %arg5[%dma_wait3A_104, %dma_wait3A_105] : memref<80000x128xf32, #tpu.memory_space<hbm>> -> memref<16x128xf32, #tpu.memory_space<hbm>>
          %dma_wait3A_107 = arith.constant 0 : i32
          %dma_wait3A_108 = arith.constant 0 : i32
          %dma_wait3A_109 = tpu.memref_slice %arg5[%dma_wait3A_107, %dma_wait3A_108] : memref<80000x128xf32, #tpu.memory_space<hbm>> -> memref<16x128xf32, #tpu.memory_space<hbm>>
          tpu.wait_dma2 semaphore(%arg20 : memref<!tpu.dma_semaphore, #tpu.memory_space<semaphore_mem>>) src(%arg14 : memref<16x128xf32, #tpu.memory_space<vmem>>) dst(%dma_wait3A_109 : memref<16x128xf32, #tpu.memory_space<hbm>>)
        } else {
        }
        %scan3A_92 = arith.constant 0 : i32
        %scan3A_93 = arith.constant 64 : i32
        %scan3A_94 = arith.addi %scan3A_92, %scan3A_93 : i32
        %scan3A_95 = arith.constant 1 : i32
        scf.for %scan3A_104 = %scan3A_92 to %scan3A_94 step %scan3A_95  : i32 {
          %jit3A_105 = arith.constant 4 : i32
          %div3A = arith.divsi %scan3A_104, %jit3A_105 : i32
          %sign3A = arith.constant 0 : i32
          %sign3A_106 = arith.cmpi sgt, %scan3A_104, %sign3A : i32
          %sign3A_107 = arith.extui %sign3A_106 : i1 to i32
          %sign3A_108 = arith.constant 0 : i32
          %sign3A_109 = arith.cmpi slt, %scan3A_104, %sign3A_108 : i32
          %sign3A_110 = arith.extui %sign3A_109 : i1 to i32
          %sign3A_111 = arith.subi %sign3A_107, %sign3A_110 : i32
          %sign3A_112 = arith.constant 0 : i32
          %sign3A_113 = arith.cmpi sgt, %jit3A_105, %sign3A_112 : i32
          %sign3A_114 = arith.extui %sign3A_113 : i1 to i32
          %sign3A_115 = arith.constant 0 : i32
          %sign3A_116 = arith.cmpi slt, %jit3A_105, %sign3A_115 : i32
          %sign3A_117 = arith.extui %sign3A_116 : i1 to i32
          %sign3A_118 = arith.subi %sign3A_114, %sign3A_117 : i32
          %ne3A = arith.cmpi ne, %sign3A_111, %sign3A_118 : i32
          %rem3A = arith.remsi %scan3A_104, %jit3A_105 : i32
          %ne3A_119 = arith.constant 0 : i32
          %ne3A_120 = arith.cmpi ne, %rem3A, %ne3A_119 : i32
          %and3A = arith.andi %ne3A, %ne3A_120 : i1
          %sub3A = arith.constant 1 : i32
          %sub3A_121 = arith.subi %div3A, %sub3A : i32
          %select_n3A_122 = arith.select %and3A, %sub3A_121, %div3A : i32
          %jit3A_123 = arith.constant 4 : i32
          %eq3A = arith.constant 0 : i32
          %eq3A_124 = arith.cmpi eq, %jit3A_123, %eq3A : i32
          %jit3A_125 = arith.constant 1 : i32
          %select_n3A_126 = arith.select %eq3A_124, %jit3A_125, %jit3A_123 : i32
          %rem3A_127 = arith.remsi %scan3A_104, %select_n3A_126 : i32
          %ne3A_128 = arith.constant 0 : i32
          %ne3A_129 = arith.cmpi ne, %rem3A_127, %ne3A_128 : i32
          %lt3A_130 = arith.constant 0 : i32
          %lt3A_131 = arith.cmpi slt, %rem3A_127, %lt3A_130 : i32
          %lt3A_132 = arith.constant 0 : i32
          %lt3A_133 = arith.cmpi slt, %select_n3A_126, %lt3A_132 : i32
          %ne3A_134 = arith.xori %lt3A_131, %lt3A_133 : i1
          %and3A_135 = arith.andi %ne3A_134, %ne3A_129 : i1
          %add3A_136 = arith.addi %rem3A_127, %select_n3A_126 : i32
          %select_n3A_137 = arith.select %and3A_135, %add3A_136, %rem3A_127 : i32
          %mul3A_138 = arith.constant 32 : i32
          %mul3A_139 = arith.muli %select_n3A_137, %mul3A_138 : i32
          %get3A = arith.index_cast %scan3A_104 : i32 to index
          %get3A_140 = arith.constant 0 : index
          %get3A_141 = tpu.vector_load %arg8[%get3A, %get3A_140] {strides = array<i32>} : memref<64x128xf32, #tpu.memory_space<vmem>>, vector<1x16xf32>,
          %get3A_142 = vector.shape_cast %get3A_141 : vector<1x16xf32> to vector<16xf32>
          %get3A_143 = arith.index_cast %scan3A_104 : i32 to index
          %get3A_144 = arith.constant 32 : index
          %get3A_145 = tpu.vector_load %arg11[%get3A_143, %get3A_144] {strides = array<i32>} : memref<64x128xf32, #tpu.memory_space<vmem>>, vector<1x16xf32>,
          %get3A_146 = vector.shape_cast %get3A_145 : vector<1x16xf32> to vector<16xf32>
          %add3A_147 = arith.addf %get3A_142, %get3A_146 : vector<16xf32>
          %max3A = arith.constant 0.000000e+00 : f32
          %max3A_148 = vector.broadcast %max3A : f32 to vector<16xf32>
          %max3A_149 = arith.maximumf %add3A_147, %max3A_148 : vector<16xf32>
          %add3A_150 = arith.constant 0 : i32
          %add3A_151 = arith.addi %mul3A_139, %add3A_150 : i32
          %swap3A = arith.index_cast %select_n3A_122 : i32 to index
          %swap3A_152 = arith.index_cast %add3A_151 : i32 to index
          %swap3A_153 = tpu.vector_load %arg14[%swap3A, %swap3A_152] {strides = array<i32>} : memref<16x128xf32, #tpu.memory_space<vmem>>, vector<1x16xf32>,
          %swap3A_154 = vector.shape_cast %swap3A_153 : vector<1x16xf32> to vector<16xf32>
          %swap3A_155 = vector.shape_cast %max3A_149 : vector<16xf32> to vector<1x16xf32>
          tpu.vector_store %arg14[%swap3A, %swap3A_152], %swap3A_155 {strides = array<i32>} : memref<16x128xf32, #tpu.memory_space<vmem>>, vector<1x16xf32>,
          %get3A_156 = arith.index_cast %scan3A_104 : i32 to index
          %get3A_157 = arith.constant 16 : index
          %get3A_158 = tpu.vector_load %arg8[%get3A_156, %get3A_157] {strides = array<i32>} : memref<64x128xf32, #tpu.memory_space<vmem>>, vector<1x16xf32>,
          %get3A_159 = vector.shape_cast %get3A_158 : vector<1x16xf32> to vector<16xf32>
          %get3A_160 = arith.index_cast %scan3A_104 : i32 to index
          %get3A_161 = arith.constant 48 : index
          %get3A_162 = tpu.vector_load %arg11[%get3A_160, %get3A_161] {strides = array<i32>} : memref<64x128xf32, #tpu.memory_space<vmem>>, vector<1x16xf32>,
          %get3A_163 = vector.shape_cast %get3A_162 : vector<1x16xf32> to vector<16xf32>
          %add3A_164 = arith.addf %get3A_159, %get3A_163 : vector<16xf32>
          %max3A_165 = arith.constant 0.000000e+00 : f32
          %max3A_166 = vector.broadcast %max3A_165 : f32 to vector<16xf32>
          %max3A_167 = arith.maximumf %add3A_164, %max3A_166 : vector<16xf32>
          %add3A_168 = arith.constant 16 : i32
          %add3A_169 = arith.addi %mul3A_139, %add3A_168 : i32
          %swap3A_170 = arith.index_cast %select_n3A_122 : i32 to index
          %swap3A_171 = arith.index_cast %add3A_169 : i32 to index
          %swap3A_172 = tpu.vector_load %arg14[%swap3A_170, %swap3A_171] {strides = array<i32>} : memref<16x128xf32, #tpu.memory_space<vmem>>, vector<1x16xf32>,
          %swap3A_173 = vector.shape_cast %swap3A_172 : vector<1x16xf32> to vector<16xf32>
          %swap3A_174 = vector.shape_cast %max3A_167 : vector<16xf32> to vector<1x16xf32>
          tpu.vector_store %arg14[%swap3A_170, %swap3A_171], %swap3A_174 {strides = array<i32>} : memref<16x128xf32, #tpu.memory_space<vmem>>, vector<1x16xf32>,
        }
        %scan3A_96 = arith.constant 64 : i32
        %add3A_97 = arith.addi %add3A_6, %add3A_53 : i32
        %mul3A_98 = arith.constant 16 : i32
        %mul3A_99 = arith.muli %add3A_97, %mul3A_98 : i32
        %dma_start3A_100 = arith.constant 0 : i32
        %dma_start3A_101 = tpu.memref_slice %arg5[%mul3A_99, %dma_start3A_100] : memref<80000x128xf32, #tpu.memory_space<hbm>> -> memref<16x128xf32, #tpu.memory_space<hbm>>
        %dma_start3A_102 = arith.constant 0 : i32
        %dma_start3A_103 = tpu.memref_slice %arg5[%mul3A_99, %dma_start3A_102] : memref<80000x128xf32, #tpu.memory_space<hbm>> -> memref<16x128xf32, #tpu.memory_space<hbm>>
        tpu.enqueue_dma source(%arg14 : memref<16x128xf32, #tpu.memory_space<vmem>>) target(%dma_start3A_103 : memref<16x128xf32, #tpu.memory_space<hbm>>) target_semaphore(%arg20 : memref<!tpu.dma_semaphore, #tpu.memory_space<semaphore_mem>>)
      } else {
      }
      %mul3A_56 = arith.constant 3 : i32
      %mul3A_57 = arith.muli %scan3A_49, %mul3A_56 : i32
      %add3A_58 = arith.constant 1 : i32
      %add3A_59 = arith.addi %mul3A_57, %add3A_58 : i32
      %lt3A_60 = arith.cmpi slt, %add3A_59, %select_n3A : i32
      %convert_element_type3A_61 = arith.extui %lt3A_60 : i1 to i32
      %cond3A_62 = arith.constant 0 : i32
      %cond3A_63 = arith.cmpi ne, %convert_element_type3A_61, %cond3A_62 : i32
      scf.if %cond3A_63 {
        %dma_wait3A_72 = arith.constant 0 : i32
        %dma_wait3A_73 = tpu.memref_slice %arg6[%dma_wait3A_72] : memref<10048xi32, #tpu.memory_space<vmem>> -> memref<64xi32, #tpu.memory_space<vmem>>
        %dma_wait3A_74 = arith.constant 0 : i32
        %dma_wait3A_75 = arith.constant 0 : i32
        %dma_wait3A_76 = tpu.memref_slice %arg2[%dma_wait3A_74, %dma_wait3A_75] : memref<10000x128xf32, #tpu.memory_space<hbm>> -> memref<10000x128xf32, #tpu.memory_space<hbm>>
        tpu.wait_indirect_dma semaphore(%arg18 : memref<!tpu.dma_semaphore, #tpu.memory_space<semaphore_mem>>) src(%dma_wait3A_76 : memref<10000x128xf32, #tpu.memory_space<hbm>>) dst(%arg9 : memref<64x128xf32, #tpu.memory_space<vmem>>)
        %dma_wait3A_77 = arith.constant 0 : i32
        %dma_wait3A_78 = tpu.memref_slice %arg6[%dma_wait3A_77] : memref<10048xi32, #tpu.memory_space<vmem>> -> memref<64xi32, #tpu.memory_space<vmem>>
        %dma_wait3A_79 = arith.constant 0 : i32
        %dma_wait3A_80 = arith.constant 0 : i32
        %dma_wait3A_81 = tpu.memref_slice %arg2[%dma_wait3A_79, %dma_wait3A_80] : memref<10000x128xf32, #tpu.memory_space<hbm>> -> memref<10000x128xf32, #tpu.memory_space<hbm>>
        tpu.wait_indirect_dma semaphore(%arg18 : memref<!tpu.dma_semaphore, #tpu.memory_space<semaphore_mem>>) src(%dma_wait3A_81 : memref<10000x128xf32, #tpu.memory_space<hbm>>) dst(%arg12 : memref<64x128xf32, #tpu.memory_space<vmem>>)
        %add3A_82 = arith.constant 2 : i32
        %add3A_83 = arith.addi %add3A_59, %add3A_82 : i32
        %lt3A_84 = arith.cmpi slt, %add3A_83, %select_n3A : i32
        %convert_element_type3A_85 = arith.extui %lt3A_84 : i1 to i32
        %cond3A_86 = arith.constant 0 : i32
        %cond3A_87 = arith.cmpi ne, %convert_element_type3A_85, %cond3A_86 : i32
        scf.if %cond3A_87 {
          %add3A_104 = arith.constant 2 : i32
          %add3A_105 = arith.addi %add3A_59, %add3A_104 : i32
          %mul3A_106 = arith.constant 64 : i32
          %mul3A_107 = arith.muli %add3A_105, %mul3A_106 : i32
          %dma_start3A_108 = tpu.memref_slice %arg6[%mul3A_107] : memref<10048xi32, #tpu.memory_space<vmem>> -> memref<64xi32, #tpu.memory_space<vmem>>
          %dma_start3A_109 = arith.constant 0 : i32
          %dma_start3A_110 = arith.constant 0 : i32
          %dma_start3A_111 = tpu.memref_slice %arg2[%dma_start3A_109, %dma_start3A_110] : memref<10000x128xf32, #tpu.memory_space<hbm>> -> memref<10000x128xf32, #tpu.memory_space<hbm>>
          tpu.enqueue_indirect_dma source(%dma_start3A_111 : memref<10000x128xf32, #tpu.memory_space<hbm>>) target(%arg8 : memref<64x128xf32, #tpu.memory_space<vmem>>) offsets(%dma_start3A_108 : memref<64xi32, #tpu.memory_space<vmem>>) semaphore(%arg17 : memref<!tpu.dma_semaphore, #tpu.memory_space<semaphore_mem>>)
          %dma_start3A_112 = tpu.memref_slice %arg7[%mul3A_107] : memref<10048xi32, #tpu.memory_space<vmem>> -> memref<64xi32, #tpu.memory_space<vmem>>
          %dma_start3A_113 = arith.constant 0 : i32
          %dma_start3A_114 = arith.constant 0 : i32
          %dma_start3A_115 = tpu.memref_slice %arg2[%dma_start3A_113, %dma_start3A_114] : memref<10000x128xf32, #tpu.memory_space<hbm>> -> memref<10000x128xf32, #tpu.memory_space<hbm>>
          tpu.enqueue_indirect_dma source(%dma_start3A_115 : memref<10000x128xf32, #tpu.memory_space<hbm>>) target(%arg11 : memref<64x128xf32, #tpu.memory_space<vmem>>) offsets(%dma_start3A_112 : memref<64xi32, #tpu.memory_space<vmem>>) semaphore(%arg17 : memref<!tpu.dma_semaphore, #tpu.memory_space<semaphore_mem>>)
        } else {
        }
        %ge3A = arith.constant 3 : i32
        %ge3A_88 = arith.cmpi sge, %add3A_59, %ge3A : i32
        %convert_element_type3A_89 = arith.extui %ge3A_88 : i1 to i32
        %cond3A_90 = arith.constant 0 : i32
        %cond3A_91 = arith.cmpi ne, %convert_element_type3A_89, %cond3A_90 : i32
        scf.if %cond3A_91 {
          %dma_wait3A_104 = arith.constant 0 : i32
          %dma_wait3A_105 = arith.constant 0 : i32
          %dma_wait3A_106 = tpu.memref_slice %arg5[%dma_wait3A_104, %dma_wait3A_105] : memref<80000x128xf32, #tpu.memory_space<hbm>> -> memref<16x128xf32, #tpu.memory_space<hbm>>
          %dma_wait3A_107 = arith.constant 0 : i32
          %dma_wait3A_108 = arith.constant 0 : i32
          %dma_wait3A_109 = tpu.memref_slice %arg5[%dma_wait3A_107, %dma_wait3A_108] : memref<80000x128xf32, #tpu.memory_space<hbm>> -> memref<16x128xf32, #tpu.memory_space<hbm>>
          tpu.wait_dma2 semaphore(%arg21 : memref<!tpu.dma_semaphore, #tpu.memory_space<semaphore_mem>>) src(%arg15 : memref<16x128xf32, #tpu.memory_space<vmem>>) dst(%dma_wait3A_109 : memref<16x128xf32, #tpu.memory_space<hbm>>)
        } else {
        }
        %scan3A_92 = arith.constant 0 : i32
        %scan3A_93 = arith.constant 64 : i32
        %scan3A_94 = arith.addi %scan3A_92, %scan3A_93 : i32
        %scan3A_95 = arith.constant 1 : i32
        scf.for %scan3A_104 = %scan3A_92 to %scan3A_94 step %scan3A_95  : i32 {
          %jit3A_105 = arith.constant 4 : i32
          %div3A = arith.divsi %scan3A_104, %jit3A_105 : i32
          %sign3A = arith.constant 0 : i32
          %sign3A_106 = arith.cmpi sgt, %scan3A_104, %sign3A : i32
          %sign3A_107 = arith.extui %sign3A_106 : i1 to i32
          %sign3A_108 = arith.constant 0 : i32
          %sign3A_109 = arith.cmpi slt, %scan3A_104, %sign3A_108 : i32
          %sign3A_110 = arith.extui %sign3A_109 : i1 to i32
          %sign3A_111 = arith.subi %sign3A_107, %sign3A_110 : i32
          %sign3A_112 = arith.constant 0 : i32
          %sign3A_113 = arith.cmpi sgt, %jit3A_105, %sign3A_112 : i32
          %sign3A_114 = arith.extui %sign3A_113 : i1 to i32
          %sign3A_115 = arith.constant 0 : i32
          %sign3A_116 = arith.cmpi slt, %jit3A_105, %sign3A_115 : i32
          %sign3A_117 = arith.extui %sign3A_116 : i1 to i32
          %sign3A_118 = arith.subi %sign3A_114, %sign3A_117 : i32
          %ne3A = arith.cmpi ne, %sign3A_111, %sign3A_118 : i32
          %rem3A = arith.remsi %scan3A_104, %jit3A_105 : i32
          %ne3A_119 = arith.constant 0 : i32
          %ne3A_120 = arith.cmpi ne, %rem3A, %ne3A_119 : i32
          %and3A = arith.andi %ne3A, %ne3A_120 : i1
          %sub3A = arith.constant 1 : i32
          %sub3A_121 = arith.subi %div3A, %sub3A : i32
          %select_n3A_122 = arith.select %and3A, %sub3A_121, %div3A : i32
          %jit3A_123 = arith.constant 4 : i32
          %eq3A = arith.constant 0 : i32
          %eq3A_124 = arith.cmpi eq, %jit3A_123, %eq3A : i32
          %jit3A_125 = arith.constant 1 : i32
          %select_n3A_126 = arith.select %eq3A_124, %jit3A_125, %jit3A_123 : i32
          %rem3A_127 = arith.remsi %scan3A_104, %select_n3A_126 : i32
          %ne3A_128 = arith.constant 0 : i32
          %ne3A_129 = arith.cmpi ne, %rem3A_127, %ne3A_128 : i32
          %lt3A_130 = arith.constant 0 : i32
          %lt3A_131 = arith.cmpi slt, %rem3A_127, %lt3A_130 : i32
          %lt3A_132 = arith.constant 0 : i32
          %lt3A_133 = arith.cmpi slt, %select_n3A_126, %lt3A_132 : i32
          %ne3A_134 = arith.xori %lt3A_131, %lt3A_133 : i1
          %and3A_135 = arith.andi %ne3A_134, %ne3A_129 : i1
          %add3A_136 = arith.addi %rem3A_127, %select_n3A_126 : i32
          %select_n3A_137 = arith.select %and3A_135, %add3A_136, %rem3A_127 : i32
          %mul3A_138 = arith.constant 32 : i32
          %mul3A_139 = arith.muli %select_n3A_137, %mul3A_138 : i32
          %get3A = arith.index_cast %scan3A_104 : i32 to index
          %get3A_140 = arith.constant 0 : index
          %get3A_141 = tpu.vector_load %arg9[%get3A, %get3A_140] {strides = array<i32>} : memref<64x128xf32, #tpu.memory_space<vmem>>, vector<1x16xf32>,
          %get3A_142 = vector.shape_cast %get3A_141 : vector<1x16xf32> to vector<16xf32>
          %get3A_143 = arith.index_cast %scan3A_104 : i32 to index
          %get3A_144 = arith.constant 32 : index
          %get3A_145 = tpu.vector_load %arg12[%get3A_143, %get3A_144] {strides = array<i32>} : memref<64x128xf32, #tpu.memory_space<vmem>>, vector<1x16xf32>,
          %get3A_146 = vector.shape_cast %get3A_145 : vector<1x16xf32> to vector<16xf32>
          %add3A_147 = arith.addf %get3A_142, %get3A_146 : vector<16xf32>
          %max3A = arith.constant 0.000000e+00 : f32
          %max3A_148 = vector.broadcast %max3A : f32 to vector<16xf32>
          %max3A_149 = arith.maximumf %add3A_147, %max3A_148 : vector<16xf32>
          %add3A_150 = arith.constant 0 : i32
          %add3A_151 = arith.addi %mul3A_139, %add3A_150 : i32
          %swap3A = arith.index_cast %select_n3A_122 : i32 to index
          %swap3A_152 = arith.index_cast %add3A_151 : i32 to index
          %swap3A_153 = tpu.vector_load %arg15[%swap3A, %swap3A_152] {strides = array<i32>} : memref<16x128xf32, #tpu.memory_space<vmem>>, vector<1x16xf32>,
          %swap3A_154 = vector.shape_cast %swap3A_153 : vector<1x16xf32> to vector<16xf32>
          %swap3A_155 = vector.shape_cast %max3A_149 : vector<16xf32> to vector<1x16xf32>
          tpu.vector_store %arg15[%swap3A, %swap3A_152], %swap3A_155 {strides = array<i32>} : memref<16x128xf32, #tpu.memory_space<vmem>>, vector<1x16xf32>,
          %get3A_156 = arith.index_cast %scan3A_104 : i32 to index
          %get3A_157 = arith.constant 16 : index
          %get3A_158 = tpu.vector_load %arg9[%get3A_156, %get3A_157] {strides = array<i32>} : memref<64x128xf32, #tpu.memory_space<vmem>>, vector<1x16xf32>,
          %get3A_159 = vector.shape_cast %get3A_158 : vector<1x16xf32> to vector<16xf32>
          %get3A_160 = arith.index_cast %scan3A_104 : i32 to index
          %get3A_161 = arith.constant 48 : index
          %get3A_162 = tpu.vector_load %arg12[%get3A_160, %get3A_161] {strides = array<i32>} : memref<64x128xf32, #tpu.memory_space<vmem>>, vector<1x16xf32>,
          %get3A_163 = vector.shape_cast %get3A_162 : vector<1x16xf32> to vector<16xf32>
          %add3A_164 = arith.addf %get3A_159, %get3A_163 : vector<16xf32>
          %max3A_165 = arith.constant 0.000000e+00 : f32
          %max3A_166 = vector.broadcast %max3A_165 : f32 to vector<16xf32>
          %max3A_167 = arith.maximumf %add3A_164, %max3A_166 : vector<16xf32>
          %add3A_168 = arith.constant 16 : i32
          %add3A_169 = arith.addi %mul3A_139, %add3A_168 : i32
          %swap3A_170 = arith.index_cast %select_n3A_122 : i32 to index
          %swap3A_171 = arith.index_cast %add3A_169 : i32 to index
          %swap3A_172 = tpu.vector_load %arg15[%swap3A_170, %swap3A_171] {strides = array<i32>} : memref<16x128xf32, #tpu.memory_space<vmem>>, vector<1x16xf32>,
          %swap3A_173 = vector.shape_cast %swap3A_172 : vector<1x16xf32> to vector<16xf32>
          %swap3A_174 = vector.shape_cast %max3A_167 : vector<16xf32> to vector<1x16xf32>
          tpu.vector_store %arg15[%swap3A_170, %swap3A_171], %swap3A_174 {strides = array<i32>} : memref<16x128xf32, #tpu.memory_space<vmem>>, vector<1x16xf32>,
        }
        %scan3A_96 = arith.constant 64 : i32
        %add3A_97 = arith.addi %add3A_6, %add3A_59 : i32
        %mul3A_98 = arith.constant 16 : i32
        %mul3A_99 = arith.muli %add3A_97, %mul3A_98 : i32
        %dma_start3A_100 = arith.constant 0 : i32
        %dma_start3A_101 = tpu.memref_slice %arg5[%mul3A_99, %dma_start3A_100] : memref<80000x128xf32, #tpu.memory_space<hbm>> -> memref<16x128xf32, #tpu.memory_space<hbm>>
        %dma_start3A_102 = arith.constant 0 : i32
        %dma_start3A_103 = tpu.memref_slice %arg5[%mul3A_99, %dma_start3A_102] : memref<80000x128xf32, #tpu.memory_space<hbm>> -> memref<16x128xf32, #tpu.memory_space<hbm>>
        tpu.enqueue_dma source(%arg15 : memref<16x128xf32, #tpu.memory_space<vmem>>) target(%dma_start3A_103 : memref<16x128xf32, #tpu.memory_space<hbm>>) target_semaphore(%arg21 : memref<!tpu.dma_semaphore, #tpu.memory_space<semaphore_mem>>)
      } else {
      }
      %mul3A_64 = arith.constant 3 : i32
      %mul3A_65 = arith.muli %scan3A_49, %mul3A_64 : i32
      %add3A_66 = arith.constant 2 : i32
      %add3A_67 = arith.addi %mul3A_65, %add3A_66 : i32
      %lt3A_68 = arith.cmpi slt, %add3A_67, %select_n3A : i32
      %convert_element_type3A_69 = arith.extui %lt3A_68 : i1 to i32
      %cond3A_70 = arith.constant 0 : i32
      %cond3A_71 = arith.cmpi ne, %convert_element_type3A_69, %cond3A_70 : i32
      scf.if %cond3A_71 {
        %dma_wait3A_72 = arith.constant 0 : i32
        %dma_wait3A_73 = tpu.memref_slice %arg6[%dma_wait3A_72] : memref<10048xi32, #tpu.memory_space<vmem>> -> memref<64xi32, #tpu.memory_space<vmem>>
        %dma_wait3A_74 = arith.constant 0 : i32
        %dma_wait3A_75 = arith.constant 0 : i32
        %dma_wait3A_76 = tpu.memref_slice %arg2[%dma_wait3A_74, %dma_wait3A_75] : memref<10000x128xf32, #tpu.memory_space<hbm>> -> memref<10000x128xf32, #tpu.memory_space<hbm>>
        tpu.wait_indirect_dma semaphore(%arg19 : memref<!tpu.dma_semaphore, #tpu.memory_space<semaphore_mem>>) src(%dma_wait3A_76 : memref<10000x128xf32, #tpu.memory_space<hbm>>) dst(%arg10 : memref<64x128xf32, #tpu.memory_space<vmem>>)
        %dma_wait3A_77 = arith.constant 0 : i32
        %dma_wait3A_78 = tpu.memref_slice %arg6[%dma_wait3A_77] : memref<10048xi32, #tpu.memory_space<vmem>> -> memref<64xi32, #tpu.memory_space<vmem>>
        %dma_wait3A_79 = arith.constant 0 : i32
        %dma_wait3A_80 = arith.constant 0 : i32
        %dma_wait3A_81 = tpu.memref_slice %arg2[%dma_wait3A_79, %dma_wait3A_80] : memref<10000x128xf32, #tpu.memory_space<hbm>> -> memref<10000x128xf32, #tpu.memory_space<hbm>>
        tpu.wait_indirect_dma semaphore(%arg19 : memref<!tpu.dma_semaphore, #tpu.memory_space<semaphore_mem>>) src(%dma_wait3A_81 : memref<10000x128xf32, #tpu.memory_space<hbm>>) dst(%arg13 : memref<64x128xf32, #tpu.memory_space<vmem>>)
        %add3A_82 = arith.constant 2 : i32
        %add3A_83 = arith.addi %add3A_67, %add3A_82 : i32
        %lt3A_84 = arith.cmpi slt, %add3A_83, %select_n3A : i32
        %convert_element_type3A_85 = arith.extui %lt3A_84 : i1 to i32
        %cond3A_86 = arith.constant 0 : i32
        %cond3A_87 = arith.cmpi ne, %convert_element_type3A_85, %cond3A_86 : i32
        scf.if %cond3A_87 {
          %add3A_104 = arith.constant 2 : i32
          %add3A_105 = arith.addi %add3A_67, %add3A_104 : i32
          %mul3A_106 = arith.constant 64 : i32
          %mul3A_107 = arith.muli %add3A_105, %mul3A_106 : i32
          %dma_start3A_108 = tpu.memref_slice %arg6[%mul3A_107] : memref<10048xi32, #tpu.memory_space<vmem>> -> memref<64xi32, #tpu.memory_space<vmem>>
          %dma_start3A_109 = arith.constant 0 : i32
          %dma_start3A_110 = arith.constant 0 : i32
          %dma_start3A_111 = tpu.memref_slice %arg2[%dma_start3A_109, %dma_start3A_110] : memref<10000x128xf32, #tpu.memory_space<hbm>> -> memref<10000x128xf32, #tpu.memory_space<hbm>>
          tpu.enqueue_indirect_dma source(%dma_start3A_111 : memref<10000x128xf32, #tpu.memory_space<hbm>>) target(%arg9 : memref<64x128xf32, #tpu.memory_space<vmem>>) offsets(%dma_start3A_108 : memref<64xi32, #tpu.memory_space<vmem>>) semaphore(%arg18 : memref<!tpu.dma_semaphore, #tpu.memory_space<semaphore_mem>>)
          %dma_start3A_112 = tpu.memref_slice %arg7[%mul3A_107] : memref<10048xi32, #tpu.memory_space<vmem>> -> memref<64xi32, #tpu.memory_space<vmem>>
          %dma_start3A_113 = arith.constant 0 : i32
          %dma_start3A_114 = arith.constant 0 : i32
          %dma_start3A_115 = tpu.memref_slice %arg2[%dma_start3A_113, %dma_start3A_114] : memref<10000x128xf32, #tpu.memory_space<hbm>> -> memref<10000x128xf32, #tpu.memory_space<hbm>>
          tpu.enqueue_indirect_dma source(%dma_start3A_115 : memref<10000x128xf32, #tpu.memory_space<hbm>>) target(%arg12 : memref<64x128xf32, #tpu.memory_space<vmem>>) offsets(%dma_start3A_112 : memref<64xi32, #tpu.memory_space<vmem>>) semaphore(%arg18 : memref<!tpu.dma_semaphore, #tpu.memory_space<semaphore_mem>>)
        } else {
        }
        %ge3A = arith.constant 3 : i32
        %ge3A_88 = arith.cmpi sge, %add3A_67, %ge3A : i32
        %convert_element_type3A_89 = arith.extui %ge3A_88 : i1 to i32
        %cond3A_90 = arith.constant 0 : i32
        %cond3A_91 = arith.cmpi ne, %convert_element_type3A_89, %cond3A_90 : i32
        scf.if %cond3A_91 {
          %dma_wait3A_104 = arith.constant 0 : i32
          %dma_wait3A_105 = arith.constant 0 : i32
          %dma_wait3A_106 = tpu.memref_slice %arg5[%dma_wait3A_104, %dma_wait3A_105] : memref<80000x128xf32, #tpu.memory_space<hbm>> -> memref<16x128xf32, #tpu.memory_space<hbm>>
          %dma_wait3A_107 = arith.constant 0 : i32
          %dma_wait3A_108 = arith.constant 0 : i32
          %dma_wait3A_109 = tpu.memref_slice %arg5[%dma_wait3A_107, %dma_wait3A_108] : memref<80000x128xf32, #tpu.memory_space<hbm>> -> memref<16x128xf32, #tpu.memory_space<hbm>>
          tpu.wait_dma2 semaphore(%arg22 : memref<!tpu.dma_semaphore, #tpu.memory_space<semaphore_mem>>) src(%arg16 : memref<16x128xf32, #tpu.memory_space<vmem>>) dst(%dma_wait3A_109 : memref<16x128xf32, #tpu.memory_space<hbm>>)
        } else {
        }
        %scan3A_92 = arith.constant 0 : i32
        %scan3A_93 = arith.constant 64 : i32
        %scan3A_94 = arith.addi %scan3A_92, %scan3A_93 : i32
        %scan3A_95 = arith.constant 1 : i32
        scf.for %scan3A_104 = %scan3A_92 to %scan3A_94 step %scan3A_95  : i32 {
          %jit3A_105 = arith.constant 4 : i32
          %div3A = arith.divsi %scan3A_104, %jit3A_105 : i32
          %sign3A = arith.constant 0 : i32
          %sign3A_106 = arith.cmpi sgt, %scan3A_104, %sign3A : i32
          %sign3A_107 = arith.extui %sign3A_106 : i1 to i32
          %sign3A_108 = arith.constant 0 : i32
          %sign3A_109 = arith.cmpi slt, %scan3A_104, %sign3A_108 : i32
          %sign3A_110 = arith.extui %sign3A_109 : i1 to i32
          %sign3A_111 = arith.subi %sign3A_107, %sign3A_110 : i32
          %sign3A_112 = arith.constant 0 : i32
          %sign3A_113 = arith.cmpi sgt, %jit3A_105, %sign3A_112 : i32
          %sign3A_114 = arith.extui %sign3A_113 : i1 to i32
          %sign3A_115 = arith.constant 0 : i32
          %sign3A_116 = arith.cmpi slt, %jit3A_105, %sign3A_115 : i32
          %sign3A_117 = arith.extui %sign3A_116 : i1 to i32
          %sign3A_118 = arith.subi %sign3A_114, %sign3A_117 : i32
          %ne3A = arith.cmpi ne, %sign3A_111, %sign3A_118 : i32
          %rem3A = arith.remsi %scan3A_104, %jit3A_105 : i32
          %ne3A_119 = arith.constant 0 : i32
          %ne3A_120 = arith.cmpi ne, %rem3A, %ne3A_119 : i32
          %and3A = arith.andi %ne3A, %ne3A_120 : i1
          %sub3A = arith.constant 1 : i32
          %sub3A_121 = arith.subi %div3A, %sub3A : i32
          %select_n3A_122 = arith.select %and3A, %sub3A_121, %div3A : i32
          %jit3A_123 = arith.constant 4 : i32
          %eq3A = arith.constant 0 : i32
          %eq3A_124 = arith.cmpi eq, %jit3A_123, %eq3A : i32
          %jit3A_125 = arith.constant 1 : i32
          %select_n3A_126 = arith.select %eq3A_124, %jit3A_125, %jit3A_123 : i32
          %rem3A_127 = arith.remsi %scan3A_104, %select_n3A_126 : i32
          %ne3A_128 = arith.constant 0 : i32
          %ne3A_129 = arith.cmpi ne, %rem3A_127, %ne3A_128 : i32
          %lt3A_130 = arith.constant 0 : i32
          %lt3A_131 = arith.cmpi slt, %rem3A_127, %lt3A_130 : i32
          %lt3A_132 = arith.constant 0 : i32
          %lt3A_133 = arith.cmpi slt, %select_n3A_126, %lt3A_132 : i32
          %ne3A_134 = arith.xori %lt3A_131, %lt3A_133 : i1
          %and3A_135 = arith.andi %ne3A_134, %ne3A_129 : i1
          %add3A_136 = arith.addi %rem3A_127, %select_n3A_126 : i32
          %select_n3A_137 = arith.select %and3A_135, %add3A_136, %rem3A_127 : i32
          %mul3A_138 = arith.constant 32 : i32
          %mul3A_139 = arith.muli %select_n3A_137, %mul3A_138 : i32
          %get3A = arith.index_cast %scan3A_104 : i32 to index
          %get3A_140 = arith.constant 0 : index
          %get3A_141 = tpu.vector_load %arg10[%get3A, %get3A_140] {strides = array<i32>} : memref<64x128xf32, #tpu.memory_space<vmem>>, vector<1x16xf32>,
          %get3A_142 = vector.shape_cast %get3A_141 : vector<1x16xf32> to vector<16xf32>
          %get3A_143 = arith.index_cast %scan3A_104 : i32 to index
          %get3A_144 = arith.constant 32 : index
          %get3A_145 = tpu.vector_load %arg13[%get3A_143, %get3A_144] {strides = array<i32>} : memref<64x128xf32, #tpu.memory_space<vmem>>, vector<1x16xf32>,
          %get3A_146 = vector.shape_cast %get3A_145 : vector<1x16xf32> to vector<16xf32>
          %add3A_147 = arith.addf %get3A_142, %get3A_146 : vector<16xf32>
          %max3A = arith.constant 0.000000e+00 : f32
          %max3A_148 = vector.broadcast %max3A : f32 to vector<16xf32>
          %max3A_149 = arith.maximumf %add3A_147, %max3A_148 : vector<16xf32>
          %add3A_150 = arith.constant 0 : i32
          %add3A_151 = arith.addi %mul3A_139, %add3A_150 : i32
          %swap3A = arith.index_cast %select_n3A_122 : i32 to index
          %swap3A_152 = arith.index_cast %add3A_151 : i32 to index
          %swap3A_153 = tpu.vector_load %arg16[%swap3A, %swap3A_152] {strides = array<i32>} : memref<16x128xf32, #tpu.memory_space<vmem>>, vector<1x16xf32>,
          %swap3A_154 = vector.shape_cast %swap3A_153 : vector<1x16xf32> to vector<16xf32>
          %swap3A_155 = vector.shape_cast %max3A_149 : vector<16xf32> to vector<1x16xf32>
          tpu.vector_store %arg16[%swap3A, %swap3A_152], %swap3A_155 {strides = array<i32>} : memref<16x128xf32, #tpu.memory_space<vmem>>, vector<1x16xf32>,
          %get3A_156 = arith.index_cast %scan3A_104 : i32 to index
          %get3A_157 = arith.constant 16 : index
          %get3A_158 = tpu.vector_load %arg10[%get3A_156, %get3A_157] {strides = array<i32>} : memref<64x128xf32, #tpu.memory_space<vmem>>, vector<1x16xf32>,
          %get3A_159 = vector.shape_cast %get3A_158 : vector<1x16xf32> to vector<16xf32>
          %get3A_160 = arith.index_cast %scan3A_104 : i32 to index
          %get3A_161 = arith.constant 48 : index
          %get3A_162 = tpu.vector_load %arg13[%get3A_160, %get3A_161] {strides = array<i32>} : memref<64x128xf32, #tpu.memory_space<vmem>>, vector<1x16xf32>,
          %get3A_163 = vector.shape_cast %get3A_162 : vector<1x16xf32> to vector<16xf32>
          %add3A_164 = arith.addf %get3A_159, %get3A_163 : vector<16xf32>
          %max3A_165 = arith.constant 0.000000e+00 : f32
          %max3A_166 = vector.broadcast %max3A_165 : f32 to vector<16xf32>
          %max3A_167 = arith.maximumf %add3A_164, %max3A_166 : vector<16xf32>
          %add3A_168 = arith.constant 16 : i32
          %add3A_169 = arith.addi %mul3A_139, %add3A_168 : i32
          %swap3A_170 = arith.index_cast %select_n3A_122 : i32 to index
          %swap3A_171 = arith.index_cast %add3A_169 : i32 to index
          %swap3A_172 = tpu.vector_load %arg16[%swap3A_170, %swap3A_171] {strides = array<i32>} : memref<16x128xf32, #tpu.memory_space<vmem>>, vector<1x16xf32>,
          %swap3A_173 = vector.shape_cast %swap3A_172 : vector<1x16xf32> to vector<16xf32>
          %swap3A_174 = vector.shape_cast %max3A_167 : vector<16xf32> to vector<1x16xf32>
          tpu.vector_store %arg16[%swap3A_170, %swap3A_171], %swap3A_174 {strides = array<i32>} : memref<16x128xf32, #tpu.memory_space<vmem>>, vector<1x16xf32>,
        }
        %scan3A_96 = arith.constant 64 : i32
        %add3A_97 = arith.addi %add3A_6, %add3A_67 : i32
        %mul3A_98 = arith.constant 16 : i32
        %mul3A_99 = arith.muli %add3A_97, %mul3A_98 : i32
        %dma_start3A_100 = arith.constant 0 : i32
        %dma_start3A_101 = tpu.memref_slice %arg5[%mul3A_99, %dma_start3A_100] : memref<80000x128xf32, #tpu.memory_space<hbm>> -> memref<16x128xf32, #tpu.memory_space<hbm>>
        %dma_start3A_102 = arith.constant 0 : i32
        %dma_start3A_103 = tpu.memref_slice %arg5[%mul3A_99, %dma_start3A_102] : memref<80000x128xf32, #tpu.memory_space<hbm>> -> memref<16x128xf32, #tpu.memory_space<hbm>>
        tpu.enqueue_dma source(%arg16 : memref<16x128xf32, #tpu.memory_space<vmem>>) target(%dma_start3A_103 : memref<16x128xf32, #tpu.memory_space<hbm>>) target_semaphore(%arg22 : memref<!tpu.dma_semaphore, #tpu.memory_space<semaphore_mem>>)
      } else {
      }
    }
    %scan3A_31 = arith.constant 53 : i32
    %dma_wait3A = arith.constant 0 : i32
    %dma_wait3A_32 = arith.constant 0 : i32
    %dma_wait3A_33 = tpu.memref_slice %arg5[%dma_wait3A, %dma_wait3A_32] : memref<80000x128xf32, #tpu.memory_space<hbm>> -> memref<16x128xf32, #tpu.memory_space<hbm>>
    %dma_wait3A_34 = arith.constant 0 : i32
    %dma_wait3A_35 = arith.constant 0 : i32
    %dma_wait3A_36 = tpu.memref_slice %arg5[%dma_wait3A_34, %dma_wait3A_35] : memref<80000x128xf32, #tpu.memory_space<hbm>> -> memref<16x128xf32, #tpu.memory_space<hbm>>
    tpu.wait_dma2 semaphore(%arg20 : memref<!tpu.dma_semaphore, #tpu.memory_space<semaphore_mem>>) src(%arg14 : memref<16x128xf32, #tpu.memory_space<vmem>>) dst(%dma_wait3A_36 : memref<16x128xf32, #tpu.memory_space<hbm>>)
    %dma_wait3A_37 = arith.constant 0 : i32
    %dma_wait3A_38 = arith.constant 0 : i32
    %dma_wait3A_39 = tpu.memref_slice %arg5[%dma_wait3A_37, %dma_wait3A_38] : memref<80000x128xf32, #tpu.memory_space<hbm>> -> memref<16x128xf32, #tpu.memory_space<hbm>>
    %dma_wait3A_40 = arith.constant 0 : i32
    %dma_wait3A_41 = arith.constant 0 : i32
    %dma_wait3A_42 = tpu.memref_slice %arg5[%dma_wait3A_40, %dma_wait3A_41] : memref<80000x128xf32, #tpu.memory_space<hbm>> -> memref<16x128xf32, #tpu.memory_space<hbm>>
    tpu.wait_dma2 semaphore(%arg21 : memref<!tpu.dma_semaphore, #tpu.memory_space<semaphore_mem>>) src(%arg15 : memref<16x128xf32, #tpu.memory_space<vmem>>) dst(%dma_wait3A_42 : memref<16x128xf32, #tpu.memory_space<hbm>>)
    %dma_wait3A_43 = arith.constant 0 : i32
    %dma_wait3A_44 = arith.constant 0 : i32
    %dma_wait3A_45 = tpu.memref_slice %arg5[%dma_wait3A_43, %dma_wait3A_44] : memref<80000x128xf32, #tpu.memory_space<hbm>> -> memref<16x128xf32, #tpu.memory_space<hbm>>
    %dma_wait3A_46 = arith.constant 0 : i32
    %dma_wait3A_47 = arith.constant 0 : i32
    %dma_wait3A_48 = tpu.memref_slice %arg5[%dma_wait3A_46, %dma_wait3A_47] : memref<80000x128xf32, #tpu.memory_space<hbm>> -> memref<16x128xf32, #tpu.memory_space<hbm>>
    tpu.wait_dma2 semaphore(%arg22 : memref<!tpu.dma_semaphore, #tpu.memory_space<semaphore_mem>>) src(%arg16 : memref<16x128xf32, #tpu.memory_space<vmem>>) dst(%dma_wait3A_48 : memref<16x128xf32, #tpu.memory_space<hbm>>)
    return
  }
}

#map = affine_map<(d0, d1) -> (0, 0)>
#map1 = affine_map<(d0, d1) -> (0, 0, 0)>
module attributes {stable_mosaic.version = 14 : i64} {
  func.func @_scatter_body(%arg0: i32, %arg1: i32, %arg2: memref<320000x128xf32, #tpu.memory_space<hbm>>, %arg3: memref<4000x80xi32, #tpu.memory_space<hbm>>, %arg4: memref<2x10000x128xf32, #tpu.memory_space<hbm>>, %arg5: memref<10000x128xf32, #tpu.memory_space<vmem_shared>>, %arg6: memref<3x80xi32, #tpu.memory_space<vmem>>, %arg7: memref<80x128xf32, #tpu.memory_space<vmem>>, %arg8: memref<80x128xf32, #tpu.memory_space<vmem>>, %arg9: memref<80x128xf32, #tpu.memory_space<vmem>>, %arg10: memref<40x128xf32, #tpu.memory_space<vmem>>, %arg11: memref<!tpu.dma_semaphore, #tpu.memory_space<semaphore_mem>>, %arg12: memref<!tpu.dma_semaphore, #tpu.memory_space<semaphore_mem>>, %arg13: memref<!tpu.dma_semaphore, #tpu.memory_space<semaphore_mem>>, %arg14: memref<!tpu.dma_semaphore, #tpu.memory_space<semaphore_mem>>, %arg15: memref<!tpu.dma_semaphore, #tpu.memory_space<semaphore_mem>>, %arg16: memref<!tpu.dma_semaphore, #tpu.memory_space<semaphore_mem>>, %arg17: memref<!tpu.dma_semaphore, #tpu.memory_space<semaphore_mem>>, %arg18: memref<!tpu.dma_semaphore, #tpu.memory_space<semaphore_mem>>, %arg19: memref<!tpu.dma_semaphore, #tpu.memory_space<semaphore_mem>>) attributes {dimension_semantics = [#tpu.dimension_semantics<core_parallel>, #tpu.dimension_semantics<subcore_parallel>], iteration_bounds = array<i64: 2, 16>, scalar_prefetch = 0 : i64, scratch_operands = 15 : i64, tpu.core_type = #tpu.core_type<sc_vector_subcore>, window_params = [{transform_indices = #map}, {transform_indices = #map}, {transform_indices = #map1}]} {
    %mul3A = arith.constant 2 : i32
    %mul3A_0 = arith.muli %arg1, %mul3A : i32
    %add3A = arith.addi %mul3A_0, %arg0 : i32
    %mul3A_1 = arith.constant 10000 : i32
    %mul3A_2 = arith.muli %add3A, %mul3A_1 : i32
    %scan3A = arith.constant 0 : i32
    %scan3A_3 = arith.constant 40 : i32
    %scan3A_4 = arith.addi %scan3A, %scan3A_3 : i32
    %scan3A_5 = arith.constant 1 : i32
    scf.for %scan3A_94 = %scan3A to %scan3A_4 step %scan3A_5  : i32 {
      %broadcast_in_dim3A = arith.constant 0.000000e+00 : f32
      %broadcast_in_dim3A_95 = vector.broadcast %broadcast_in_dim3A : f32 to vector<16xf32>
      %swap3A = arith.index_cast %scan3A_94 : i32 to index
      %swap3A_96 = arith.constant 0 : index
      %swap3A_97 = tpu.vector_load %arg10[%swap3A, %swap3A_96] {strides = array<i32>} : memref<40x128xf32, #tpu.memory_space<vmem>>, vector<1x16xf32>,
      %swap3A_98 = vector.shape_cast %swap3A_97 : vector<1x16xf32> to vector<16xf32>
      %swap3A_99 = vector.shape_cast %broadcast_in_dim3A_95 : vector<16xf32> to vector<1x16xf32>
      tpu.vector_store %arg10[%swap3A, %swap3A_96], %swap3A_99 {strides = array<i32>} : memref<40x128xf32, #tpu.memory_space<vmem>>, vector<1x16xf32>,
      %broadcast_in_dim3A_100 = arith.constant 0.000000e+00 : f32
      %broadcast_in_dim3A_101 = vector.broadcast %broadcast_in_dim3A_100 : f32 to vector<16xf32>
      %swap3A_102 = arith.index_cast %scan3A_94 : i32 to index
      %swap3A_103 = arith.constant 16 : index
      %swap3A_104 = tpu.vector_load %arg10[%swap3A_102, %swap3A_103] {strides = array<i32>} : memref<40x128xf32, #tpu.memory_space<vmem>>, vector<1x16xf32>,
      %swap3A_105 = vector.shape_cast %swap3A_104 : vector<1x16xf32> to vector<16xf32>
      %swap3A_106 = vector.shape_cast %broadcast_in_dim3A_101 : vector<16xf32> to vector<1x16xf32>
      tpu.vector_store %arg10[%swap3A_102, %swap3A_103], %swap3A_106 {strides = array<i32>} : memref<40x128xf32, #tpu.memory_space<vmem>>, vector<1x16xf32>,
      %broadcast_in_dim3A_107 = arith.constant 0.000000e+00 : f32
      %broadcast_in_dim3A_108 = vector.broadcast %broadcast_in_dim3A_107 : f32 to vector<16xf32>
      %swap3A_109 = arith.index_cast %scan3A_94 : i32 to index
      %swap3A_110 = arith.constant 32 : index
      %swap3A_111 = tpu.vector_load %arg10[%swap3A_109, %swap3A_110] {strides = array<i32>} : memref<40x128xf32, #tpu.memory_space<vmem>>, vector<1x16xf32>,
      %swap3A_112 = vector.shape_cast %swap3A_111 : vector<1x16xf32> to vector<16xf32>
      %swap3A_113 = vector.shape_cast %broadcast_in_dim3A_108 : vector<16xf32> to vector<1x16xf32>
      tpu.vector_store %arg10[%swap3A_109, %swap3A_110], %swap3A_113 {strides = array<i32>} : memref<40x128xf32, #tpu.memory_space<vmem>>, vector<1x16xf32>,
      %broadcast_in_dim3A_114 = arith.constant 0.000000e+00 : f32
      %broadcast_in_dim3A_115 = vector.broadcast %broadcast_in_dim3A_114 : f32 to vector<16xf32>
      %swap3A_116 = arith.index_cast %scan3A_94 : i32 to index
      %swap3A_117 = arith.constant 48 : index
      %swap3A_118 = tpu.vector_load %arg10[%swap3A_116, %swap3A_117] {strides = array<i32>} : memref<40x128xf32, #tpu.memory_space<vmem>>, vector<1x16xf32>,
      %swap3A_119 = vector.shape_cast %swap3A_118 : vector<1x16xf32> to vector<16xf32>
      %swap3A_120 = vector.shape_cast %broadcast_in_dim3A_115 : vector<16xf32> to vector<1x16xf32>
      tpu.vector_store %arg10[%swap3A_116, %swap3A_117], %swap3A_120 {strides = array<i32>} : memref<40x128xf32, #tpu.memory_space<vmem>>, vector<1x16xf32>,
      %broadcast_in_dim3A_121 = arith.constant 0.000000e+00 : f32
      %broadcast_in_dim3A_122 = vector.broadcast %broadcast_in_dim3A_121 : f32 to vector<16xf32>
      %swap3A_123 = arith.index_cast %scan3A_94 : i32 to index
      %swap3A_124 = arith.constant 64 : index
      %swap3A_125 = tpu.vector_load %arg10[%swap3A_123, %swap3A_124] {strides = array<i32>} : memref<40x128xf32, #tpu.memory_space<vmem>>, vector<1x16xf32>,
      %swap3A_126 = vector.shape_cast %swap3A_125 : vector<1x16xf32> to vector<16xf32>
      %swap3A_127 = vector.shape_cast %broadcast_in_dim3A_122 : vector<16xf32> to vector<1x16xf32>
      tpu.vector_store %arg10[%swap3A_123, %swap3A_124], %swap3A_127 {strides = array<i32>} : memref<40x128xf32, #tpu.memory_space<vmem>>, vector<1x16xf32>,
      %broadcast_in_dim3A_128 = arith.constant 0.000000e+00 : f32
      %broadcast_in_dim3A_129 = vector.broadcast %broadcast_in_dim3A_128 : f32 to vector<16xf32>
      %swap3A_130 = arith.index_cast %scan3A_94 : i32 to index
      %swap3A_131 = arith.constant 80 : index
      %swap3A_132 = tpu.vector_load %arg10[%swap3A_130, %swap3A_131] {strides = array<i32>} : memref<40x128xf32, #tpu.memory_space<vmem>>, vector<1x16xf32>,
      %swap3A_133 = vector.shape_cast %swap3A_132 : vector<1x16xf32> to vector<16xf32>
      %swap3A_134 = vector.shape_cast %broadcast_in_dim3A_129 : vector<16xf32> to vector<1x16xf32>
      tpu.vector_store %arg10[%swap3A_130, %swap3A_131], %swap3A_134 {strides = array<i32>} : memref<40x128xf32, #tpu.memory_space<vmem>>, vector<1x16xf32>,
      %broadcast_in_dim3A_135 = arith.constant 0.000000e+00 : f32
      %broadcast_in_dim3A_136 = vector.broadcast %broadcast_in_dim3A_135 : f32 to vector<16xf32>
      %swap3A_137 = arith.index_cast %scan3A_94 : i32 to index
      %swap3A_138 = arith.constant 96 : index
      %swap3A_139 = tpu.vector_load %arg10[%swap3A_137, %swap3A_138] {strides = array<i32>} : memref<40x128xf32, #tpu.memory_space<vmem>>, vector<1x16xf32>,
      %swap3A_140 = vector.shape_cast %swap3A_139 : vector<1x16xf32> to vector<16xf32>
      %swap3A_141 = vector.shape_cast %broadcast_in_dim3A_136 : vector<16xf32> to vector<1x16xf32>
      tpu.vector_store %arg10[%swap3A_137, %swap3A_138], %swap3A_141 {strides = array<i32>} : memref<40x128xf32, #tpu.memory_space<vmem>>, vector<1x16xf32>,
      %broadcast_in_dim3A_142 = arith.constant 0.000000e+00 : f32
      %broadcast_in_dim3A_143 = vector.broadcast %broadcast_in_dim3A_142 : f32 to vector<16xf32>
      %swap3A_144 = arith.index_cast %scan3A_94 : i32 to index
      %swap3A_145 = arith.constant 112 : index
      %swap3A_146 = tpu.vector_load %arg10[%swap3A_144, %swap3A_145] {strides = array<i32>} : memref<40x128xf32, #tpu.memory_space<vmem>>, vector<1x16xf32>,
      %swap3A_147 = vector.shape_cast %swap3A_146 : vector<1x16xf32> to vector<16xf32>
      %swap3A_148 = vector.shape_cast %broadcast_in_dim3A_143 : vector<16xf32> to vector<1x16xf32>
      tpu.vector_store %arg10[%swap3A_144, %swap3A_145], %swap3A_148 {strides = array<i32>} : memref<40x128xf32, #tpu.memory_space<vmem>>, vector<1x16xf32>,
    }
    %scan3A_6 = arith.constant 40 : i32
    %scan3A_7 = arith.constant 0 : i32
    %scan3A_8 = arith.constant 16 : i32
    %scan3A_9 = arith.addi %scan3A_7, %scan3A_8 : i32
    %scan3A_10 = arith.constant 1 : i32
    scf.for %scan3A_94 = %scan3A_7 to %scan3A_9 step %scan3A_10  : i32 {
      %mul3A_95 = arith.constant 16 : i32
      %mul3A_96 = arith.muli %scan3A_94, %mul3A_95 : i32
      %add3A_97 = arith.addi %mul3A_96, %arg1 : i32
      %lt3A = arith.constant 250 : i32
      %lt3A_98 = arith.cmpi slt, %add3A_97, %lt3A : i32
      %convert_element_type3A = arith.extui %lt3A_98 : i1 to i32
      %cond3A = arith.constant 0 : i32
      %cond3A_99 = arith.cmpi ne, %convert_element_type3A, %cond3A : i32
      scf.if %cond3A_99 {
        %mul3A_100 = arith.constant 40 : i32
        %mul3A_101 = arith.muli %add3A_97, %mul3A_100 : i32
        %multiple_of3A = tpu.assume_multiple %mul3A_101, 8 : i32
        "tpu.region"() ({
          %run_scoped3A_102 = tpu.sem_alloc : memref<!tpu.dma_semaphore, #tpu.memory_space<semaphore_mem>>
          %dma_start3A_103 = arith.constant 0 : i32
          %dma_start3A_104 = tpu.memref_slice %arg5[%multiple_of3A, %dma_start3A_103] : memref<10000x128xf32, #tpu.memory_space<vmem_shared>> -> memref<40x128xf32, #tpu.memory_space<vmem_shared>>
          %dma_start3A_105 = arith.constant 0 : i32
          %dma_start3A_106 = tpu.memref_slice %arg5[%multiple_of3A, %dma_start3A_105] : memref<10000x128xf32, #tpu.memory_space<vmem_shared>> -> memref<40x128xf32, #tpu.memory_space<vmem_shared>>
          tpu.enqueue_dma source(%arg10 : memref<40x128xf32, #tpu.memory_space<vmem>>) target(%dma_start3A_106 : memref<40x128xf32, #tpu.memory_space<vmem_shared>>) target_semaphore(%run_scoped3A_102 : memref<!tpu.dma_semaphore, #tpu.memory_space<semaphore_mem>>)
          %dma_wait3A_107 = arith.constant 0 : i32
          %dma_wait3A_108 = tpu.memref_slice %arg5[%multiple_of3A, %dma_wait3A_107] : memref<10000x128xf32, #tpu.memory_space<vmem_shared>> -> memref<40x128xf32, #tpu.memory_space<vmem_shared>>
          %dma_wait3A_109 = arith.constant 0 : i32
          %dma_wait3A_110 = tpu.memref_slice %arg5[%multiple_of3A, %dma_wait3A_109] : memref<10000x128xf32, #tpu.memory_space<vmem_shared>> -> memref<40x128xf32, #tpu.memory_space<vmem_shared>>
          tpu.wait_dma2 semaphore(%run_scoped3A_102 : memref<!tpu.dma_semaphore, #tpu.memory_space<semaphore_mem>>) src(%arg10 : memref<40x128xf32, #tpu.memory_space<vmem>>) dst(%dma_wait3A_110 : memref<40x128xf32, #tpu.memory_space<vmem_shared>>)
          tpu.yield
        }) : () -> ()
      } else {
      }
    }
    %scan3A_11 = arith.constant 16 : i32
    %barrier3A = arith.constant 0 : index
    tpu.barrier barrier_id(%barrier3A)
    %mul3A_12 = arith.constant 125 : i32
    %mul3A_13 = arith.muli %add3A, %mul3A_12 : i32
    %add3A_14 = arith.constant 0 : i32
    %add3A_15 = arith.addi %mul3A_13, %add3A_14 : i32
    %dma_start3A = arith.constant 0 : i32
    %dma_start3A_16 = arith.constant 0 : i32
    %dma_start3A_17 = tpu.memref_slice %arg6[%dma_start3A, %dma_start3A_16] : memref<3x80xi32, #tpu.memory_space<vmem>> -> memref<1x80xi32, #tpu.memory_space<vmem>>
    %dma_start3A_18 = arith.constant 0 : i32
    %dma_start3A_19 = tpu.memref_slice %arg3[%add3A_15, %dma_start3A_18] : memref<4000x80xi32, #tpu.memory_space<hbm>> -> memref<1x80xi32, #tpu.memory_space<hbm>>
    %dma_start3A_20 = arith.constant 0 : i32
    %dma_start3A_21 = arith.constant 0 : i32
    %dma_start3A_22 = tpu.memref_slice %arg6[%dma_start3A_20, %dma_start3A_21] : memref<3x80xi32, #tpu.memory_space<vmem>> -> memref<1x80xi32, #tpu.memory_space<vmem>>
    %dma_start3A_23 = arith.constant 0 : i32
    %dma_start3A_24 = tpu.memref_slice %arg3[%add3A_15, %dma_start3A_23] : memref<4000x80xi32, #tpu.memory_space<hbm>> -> memref<1x80xi32, #tpu.memory_space<hbm>>
    tpu.enqueue_dma source(%dma_start3A_24 : memref<1x80xi32, #tpu.memory_space<hbm>>) target(%dma_start3A_22 : memref<1x80xi32, #tpu.memory_space<vmem>>) target_semaphore(%arg14 : memref<!tpu.dma_semaphore, #tpu.memory_space<semaphore_mem>>)
    %add3A_25 = arith.constant 0 : i32
    %add3A_26 = arith.addi %mul3A_2, %add3A_25 : i32
    %dma_start3A_27 = arith.constant 0 : i32
    %dma_start3A_28 = tpu.memref_slice %arg2[%add3A_26, %dma_start3A_27] : memref<320000x128xf32, #tpu.memory_space<hbm>> -> memref<80x128xf32, #tpu.memory_space<hbm>>
    %dma_start3A_29 = arith.constant 0 : i32
    %dma_start3A_30 = tpu.memref_slice %arg2[%add3A_26, %dma_start3A_29] : memref<320000x128xf32, #tpu.memory_space<hbm>> -> memref<80x128xf32, #tpu.memory_space<hbm>>
    tpu.enqueue_dma source(%dma_start3A_30 : memref<80x128xf32, #tpu.memory_space<hbm>>) target(%arg7 : memref<80x128xf32, #tpu.memory_space<vmem>>) target_semaphore(%arg11 : memref<!tpu.dma_semaphore, #tpu.memory_space<semaphore_mem>>)
    %mul3A_31 = arith.constant 125 : i32
    %mul3A_32 = arith.muli %add3A, %mul3A_31 : i32
    %add3A_33 = arith.constant 1 : i32
    %add3A_34 = arith.addi %mul3A_32, %add3A_33 : i32
    %dma_start3A_35 = arith.constant 1 : i32
    %dma_start3A_36 = arith.constant 0 : i32
    %dma_start3A_37 = tpu.memref_slice %arg6[%dma_start3A_35, %dma_start3A_36] : memref<3x80xi32, #tpu.memory_space<vmem>> -> memref<1x80xi32, #tpu.memory_space<vmem>>
    %dma_start3A_38 = arith.constant 0 : i32
    %dma_start3A_39 = tpu.memref_slice %arg3[%add3A_34, %dma_start3A_38] : memref<4000x80xi32, #tpu.memory_space<hbm>> -> memref<1x80xi32, #tpu.memory_space<hbm>>
    %dma_start3A_40 = arith.constant 1 : i32
    %dma_start3A_41 = arith.constant 0 : i32
    %dma_start3A_42 = tpu.memref_slice %arg6[%dma_start3A_40, %dma_start3A_41] : memref<3x80xi32, #tpu.memory_space<vmem>> -> memref<1x80xi32, #tpu.memory_space<vmem>>
    %dma_start3A_43 = arith.constant 0 : i32
    %dma_start3A_44 = tpu.memref_slice %arg3[%add3A_34, %dma_start3A_43] : memref<4000x80xi32, #tpu.memory_space<hbm>> -> memref<1x80xi32, #tpu.memory_space<hbm>>
    tpu.enqueue_dma source(%dma_start3A_44 : memref<1x80xi32, #tpu.memory_space<hbm>>) target(%dma_start3A_42 : memref<1x80xi32, #tpu.memory_space<vmem>>) target_semaphore(%arg15 : memref<!tpu.dma_semaphore, #tpu.memory_space<semaphore_mem>>)
    %add3A_45 = arith.constant 80 : i32
    %add3A_46 = arith.addi %mul3A_2, %add3A_45 : i32
    %dma_start3A_47 = arith.constant 0 : i32
    %dma_start3A_48 = tpu.memref_slice %arg2[%add3A_46, %dma_start3A_47] : memref<320000x128xf32, #tpu.memory_space<hbm>> -> memref<80x128xf32, #tpu.memory_space<hbm>>
    %dma_start3A_49 = arith.constant 0 : i32
    %dma_start3A_50 = tpu.memref_slice %arg2[%add3A_46, %dma_start3A_49] : memref<320000x128xf32, #tpu.memory_space<hbm>> -> memref<80x128xf32, #tpu.memory_space<hbm>>
    tpu.enqueue_dma source(%dma_start3A_50 : memref<80x128xf32, #tpu.memory_space<hbm>>) target(%arg8 : memref<80x128xf32, #tpu.memory_space<vmem>>) target_semaphore(%arg12 : memref<!tpu.dma_semaphore, #tpu.memory_space<semaphore_mem>>)
    %scan3A_51 = arith.constant 0 : i32
    %scan3A_52 = arith.constant 41 : i32
    %scan3A_53 = arith.addi %scan3A_51, %scan3A_52 : i32
    %scan3A_54 = arith.constant 1 : i32
    scf.for %scan3A_94 = %scan3A_51 to %scan3A_53 step %scan3A_54  : i32 {
      %mul3A_95 = arith.constant 3 : i32
      %mul3A_96 = arith.muli %scan3A_94, %mul3A_95 : i32
      %add3A_97 = arith.constant 0 : i32
      %add3A_98 = arith.addi %mul3A_96, %add3A_97 : i32
      %dma_wait3A_99 = arith.constant 0 : i32
      %dma_wait3A_100 = arith.constant 0 : i32
      %dma_wait3A_101 = tpu.memref_slice %arg6[%dma_wait3A_99, %dma_wait3A_100] : memref<3x80xi32, #tpu.memory_space<vmem>> -> memref<1x80xi32, #tpu.memory_space<vmem>>
      %dma_wait3A_102 = arith.constant 0 : i32
      %dma_wait3A_103 = arith.constant 0 : i32
      %dma_wait3A_104 = tpu.memref_slice %arg3[%dma_wait3A_102, %dma_wait3A_103] : memref<4000x80xi32, #tpu.memory_space<hbm>> -> memref<1x80xi32, #tpu.memory_space<hbm>>
      %dma_wait3A_105 = arith.constant 0 : i32
      %dma_wait3A_106 = arith.constant 0 : i32
      %dma_wait3A_107 = tpu.memref_slice %arg6[%dma_wait3A_105, %dma_wait3A_106] : memref<3x80xi32, #tpu.memory_space<vmem>> -> memref<1x80xi32, #tpu.memory_space<vmem>>
      %dma_wait3A_108 = arith.constant 0 : i32
      %dma_wait3A_109 = arith.constant 0 : i32
      %dma_wait3A_110 = tpu.memref_slice %arg3[%dma_wait3A_108, %dma_wait3A_109] : memref<4000x80xi32, #tpu.memory_space<hbm>> -> memref<1x80xi32, #tpu.memory_space<hbm>>
      tpu.wait_dma2 semaphore(%arg14 : memref<!tpu.dma_semaphore, #tpu.memory_space<semaphore_mem>>) src(%dma_wait3A_110 : memref<1x80xi32, #tpu.memory_space<hbm>>) dst(%dma_wait3A_107 : memref<1x80xi32, #tpu.memory_space<vmem>>)
      %dma_wait3A_111 = arith.constant 0 : i32
      %dma_wait3A_112 = tpu.memref_slice %arg2[%mul3A_2, %dma_wait3A_111] : memref<320000x128xf32, #tpu.memory_space<hbm>> -> memref<80x128xf32, #tpu.memory_space<hbm>>
      %dma_wait3A_113 = arith.constant 0 : i32
      %dma_wait3A_114 = tpu.memref_slice %arg2[%mul3A_2, %dma_wait3A_113] : memref<320000x128xf32, #tpu.memory_space<hbm>> -> memref<80x128xf32, #tpu.memory_space<hbm>>
      tpu.wait_dma2 semaphore(%arg11 : memref<!tpu.dma_semaphore, #tpu.memory_space<semaphore_mem>>) src(%dma_wait3A_114 : memref<80x128xf32, #tpu.memory_space<hbm>>) dst(%arg7 : memref<80x128xf32, #tpu.memory_space<vmem>>)
      %run_scoped3A_115 = arith.constant 0 : i32
      "tpu.region"() ({
        %run_scoped3A_176 = tpu.sem_alloc : memref<!tpu.dma_semaphore, #tpu.memory_space<semaphore_mem>>
        %dma_start3A_177 = arith.constant 0 : i32
        %dma_start3A_178 = tpu.memref_slice %arg6[%run_scoped3A_115, %dma_start3A_177] : memref<3x80xi32, #tpu.memory_space<vmem>> -> memref<1x80xi32, #tpu.memory_space<vmem>>
        %dma_start3A_179 = tpu.memref_squeeze %dma_start3A_178 : memref<1x80xi32, #tpu.memory_space<vmem>> -> memref<80xi32, #tpu.memory_space<vmem>>
        %dma_start3A_180 = arith.constant 0 : i32
        %dma_start3A_181 = arith.constant 0 : i32
        %dma_start3A_182 = tpu.memref_slice %arg5[%dma_start3A_180, %dma_start3A_181] : memref<10000x128xf32, #tpu.memory_space<vmem_shared>> -> memref<10000x128xf32, #tpu.memory_space<vmem_shared>>
        tpu.enqueue_indirect_dma source(%arg7 : memref<80x128xf32, #tpu.memory_space<vmem>>) target(%dma_start3A_182 : memref<10000x128xf32, #tpu.memory_space<vmem_shared>>) offsets(%dma_start3A_179 : memref<80xi32, #tpu.memory_space<vmem>>) semaphore(%run_scoped3A_176 : memref<!tpu.dma_semaphore, #tpu.memory_space<semaphore_mem>>) {add = true}
        %dma_wait3A_183 = arith.constant 0 : i32
        %dma_wait3A_184 = tpu.memref_slice %arg6[%run_scoped3A_115, %dma_wait3A_183] : memref<3x80xi32, #tpu.memory_space<vmem>> -> memref<1x80xi32, #tpu.memory_space<vmem>>
        %dma_wait3A_185 = tpu.memref_squeeze %dma_wait3A_184 : memref<1x80xi32, #tpu.memory_space<vmem>> -> memref<80xi32, #tpu.memory_space<vmem>>
        %dma_wait3A_186 = arith.constant 0 : i32
        %dma_wait3A_187 = arith.constant 0 : i32
        %dma_wait3A_188 = tpu.memref_slice %arg5[%dma_wait3A_186, %dma_wait3A_187] : memref<10000x128xf32, #tpu.memory_space<vmem_shared>> -> memref<10000x128xf32, #tpu.memory_space<vmem_shared>>
        tpu.wait_indirect_dma semaphore(%run_scoped3A_176 : memref<!tpu.dma_semaphore, #tpu.memory_space<semaphore_mem>>) src(%arg7 : memref<80x128xf32, #tpu.memory_space<vmem>>) dst(%dma_wait3A_188 : memref<10000x128xf32, #tpu.memory_space<vmem_shared>>)
        tpu.yield
      }) : () -> ()
      %add3A_116 = arith.constant 2 : i32
      %add3A_117 = arith.addi %add3A_98, %add3A_116 : i32
      %lt3A = arith.constant 125 : i32
      %lt3A_118 = arith.cmpi slt, %add3A_117, %lt3A : i32
      %convert_element_type3A = arith.extui %lt3A_118 : i1 to i32
      %cond3A = arith.constant 0 : i32
      %cond3A_119 = arith.cmpi ne, %convert_element_type3A, %cond3A : i32
      scf.if %cond3A_119 {
        %add3A_176 = arith.constant 2 : i32
        %add3A_177 = arith.addi %add3A_98, %add3A_176 : i32
        %mul3A_178 = arith.constant 125 : i32
        %mul3A_179 = arith.muli %add3A, %mul3A_178 : i32
        %add3A_180 = arith.addi %mul3A_179, %add3A_177 : i32
        %dma_start3A_181 = arith.constant 2 : i32
        %dma_start3A_182 = arith.constant 0 : i32
        %dma_start3A_183 = tpu.memref_slice %arg6[%dma_start3A_181, %dma_start3A_182] : memref<3x80xi32, #tpu.memory_space<vmem>> -> memref<1x80xi32, #tpu.memory_space<vmem>>
        %dma_start3A_184 = arith.constant 0 : i32
        %dma_start3A_185 = tpu.memref_slice %arg3[%add3A_180, %dma_start3A_184] : memref<4000x80xi32, #tpu.memory_space<hbm>> -> memref<1x80xi32, #tpu.memory_space<hbm>>
        %dma_start3A_186 = arith.constant 2 : i32
        %dma_start3A_187 = arith.constant 0 : i32
        %dma_start3A_188 = tpu.memref_slice %arg6[%dma_start3A_186, %dma_start3A_187] : memref<3x80xi32, #tpu.memory_space<vmem>> -> memref<1x80xi32, #tpu.memory_space<vmem>>
        %dma_start3A_189 = arith.constant 0 : i32
        %dma_start3A_190 = tpu.memref_slice %arg3[%add3A_180, %dma_start3A_189] : memref<4000x80xi32, #tpu.memory_space<hbm>> -> memref<1x80xi32, #tpu.memory_space<hbm>>
        tpu.enqueue_dma source(%dma_start3A_190 : memref<1x80xi32, #tpu.memory_space<hbm>>) target(%dma_start3A_188 : memref<1x80xi32, #tpu.memory_space<vmem>>) target_semaphore(%arg16 : memref<!tpu.dma_semaphore, #tpu.memory_space<semaphore_mem>>)
        %mul3A_191 = arith.constant 80 : i32
        %mul3A_192 = arith.muli %add3A_177, %mul3A_191 : i32
        %add3A_193 = arith.addi %mul3A_2, %mul3A_192 : i32
        %dma_start3A_194 = arith.constant 0 : i32
        %dma_start3A_195 = tpu.memref_slice %arg2[%add3A_193, %dma_start3A_194] : memref<320000x128xf32, #tpu.memory_space<hbm>> -> memref<80x128xf32, #tpu.memory_space<hbm>>
        %dma_start3A_196 = arith.constant 0 : i32
        %dma_start3A_197 = tpu.memref_slice %arg2[%add3A_193, %dma_start3A_196] : memref<320000x128xf32, #tpu.memory_space<hbm>> -> memref<80x128xf32, #tpu.memory_space<hbm>>
        tpu.enqueue_dma source(%dma_start3A_197 : memref<80x128xf32, #tpu.memory_space<hbm>>) target(%arg9 : memref<80x128xf32, #tpu.memory_space<vmem>>) target_semaphore(%arg13 : memref<!tpu.dma_semaphore, #tpu.memory_space<semaphore_mem>>)
      } else {
      }
      %mul3A_120 = arith.constant 3 : i32
      %mul3A_121 = arith.muli %scan3A_94, %mul3A_120 : i32
      %add3A_122 = arith.constant 1 : i32
      %add3A_123 = arith.addi %mul3A_121, %add3A_122 : i32
      %dma_wait3A_124 = arith.constant 1 : i32
      %dma_wait3A_125 = arith.constant 0 : i32
      %dma_wait3A_126 = tpu.memref_slice %arg6[%dma_wait3A_124, %dma_wait3A_125] : memref<3x80xi32, #tpu.memory_space<vmem>> -> memref<1x80xi32, #tpu.memory_space<vmem>>
      %dma_wait3A_127 = arith.constant 0 : i32
      %dma_wait3A_128 = arith.constant 0 : i32
      %dma_wait3A_129 = tpu.memref_slice %arg3[%dma_wait3A_127, %dma_wait3A_128] : memref<4000x80xi32, #tpu.memory_space<hbm>> -> memref<1x80xi32, #tpu.memory_space<hbm>>
      %dma_wait3A_130 = arith.constant 1 : i32
      %dma_wait3A_131 = arith.constant 0 : i32
      %dma_wait3A_132 = tpu.memref_slice %arg6[%dma_wait3A_130, %dma_wait3A_131] : memref<3x80xi32, #tpu.memory_space<vmem>> -> memref<1x80xi32, #tpu.memory_space<vmem>>
      %dma_wait3A_133 = arith.constant 0 : i32
      %dma_wait3A_134 = arith.constant 0 : i32
      %dma_wait3A_135 = tpu.memref_slice %arg3[%dma_wait3A_133, %dma_wait3A_134] : memref<4000x80xi32, #tpu.memory_space<hbm>> -> memref<1x80xi32, #tpu.memory_space<hbm>>
      tpu.wait_dma2 semaphore(%arg15 : memref<!tpu.dma_semaphore, #tpu.memory_space<semaphore_mem>>) src(%dma_wait3A_135 : memref<1x80xi32, #tpu.memory_space<hbm>>) dst(%dma_wait3A_132 : memref<1x80xi32, #tpu.memory_space<vmem>>)
      %dma_wait3A_136 = arith.constant 0 : i32
      %dma_wait3A_137 = tpu.memref_slice %arg2[%mul3A_2, %dma_wait3A_136] : memref<320000x128xf32, #tpu.memory_space<hbm>> -> memref<80x128xf32, #tpu.memory_space<hbm>>
      %dma_wait3A_138 = arith.constant 0 : i32
      %dma_wait3A_139 = tpu.memref_slice %arg2[%mul3A_2, %dma_wait3A_138] : memref<320000x128xf32, #tpu.memory_space<hbm>> -> memref<80x128xf32, #tpu.memory_space<hbm>>
      tpu.wait_dma2 semaphore(%arg12 : memref<!tpu.dma_semaphore, #tpu.memory_space<semaphore_mem>>) src(%dma_wait3A_139 : memref<80x128xf32, #tpu.memory_space<hbm>>) dst(%arg8 : memref<80x128xf32, #tpu.memory_space<vmem>>)
      %run_scoped3A_140 = arith.constant 1 : i32
      "tpu.region"() ({
        %run_scoped3A_176 = tpu.sem_alloc : memref<!tpu.dma_semaphore, #tpu.memory_space<semaphore_mem>>
        %dma_start3A_177 = arith.constant 0 : i32
        %dma_start3A_178 = tpu.memref_slice %arg6[%run_scoped3A_140, %dma_start3A_177] : memref<3x80xi32, #tpu.memory_space<vmem>> -> memref<1x80xi32, #tpu.memory_space<vmem>>
        %dma_start3A_179 = tpu.memref_squeeze %dma_start3A_178 : memref<1x80xi32, #tpu.memory_space<vmem>> -> memref<80xi32, #tpu.memory_space<vmem>>
        %dma_start3A_180 = arith.constant 0 : i32
        %dma_start3A_181 = arith.constant 0 : i32
        %dma_start3A_182 = tpu.memref_slice %arg5[%dma_start3A_180, %dma_start3A_181] : memref<10000x128xf32, #tpu.memory_space<vmem_shared>> -> memref<10000x128xf32, #tpu.memory_space<vmem_shared>>
        tpu.enqueue_indirect_dma source(%arg8 : memref<80x128xf32, #tpu.memory_space<vmem>>) target(%dma_start3A_182 : memref<10000x128xf32, #tpu.memory_space<vmem_shared>>) offsets(%dma_start3A_179 : memref<80xi32, #tpu.memory_space<vmem>>) semaphore(%run_scoped3A_176 : memref<!tpu.dma_semaphore, #tpu.memory_space<semaphore_mem>>) {add = true}
        %dma_wait3A_183 = arith.constant 0 : i32
        %dma_wait3A_184 = tpu.memref_slice %arg6[%run_scoped3A_140, %dma_wait3A_183] : memref<3x80xi32, #tpu.memory_space<vmem>> -> memref<1x80xi32, #tpu.memory_space<vmem>>
        %dma_wait3A_185 = tpu.memref_squeeze %dma_wait3A_184 : memref<1x80xi32, #tpu.memory_space<vmem>> -> memref<80xi32, #tpu.memory_space<vmem>>
        %dma_wait3A_186 = arith.constant 0 : i32
        %dma_wait3A_187 = arith.constant 0 : i32
        %dma_wait3A_188 = tpu.memref_slice %arg5[%dma_wait3A_186, %dma_wait3A_187] : memref<10000x128xf32, #tpu.memory_space<vmem_shared>> -> memref<10000x128xf32, #tpu.memory_space<vmem_shared>>
        tpu.wait_indirect_dma semaphore(%run_scoped3A_176 : memref<!tpu.dma_semaphore, #tpu.memory_space<semaphore_mem>>) src(%arg8 : memref<80x128xf32, #tpu.memory_space<vmem>>) dst(%dma_wait3A_188 : memref<10000x128xf32, #tpu.memory_space<vmem_shared>>)
        tpu.yield
      }) : () -> ()
      %add3A_141 = arith.constant 2 : i32
      %add3A_142 = arith.addi %add3A_123, %add3A_141 : i32
      %lt3A_143 = arith.constant 125 : i32
      %lt3A_144 = arith.cmpi slt, %add3A_142, %lt3A_143 : i32
      %convert_element_type3A_145 = arith.extui %lt3A_144 : i1 to i32
      %cond3A_146 = arith.constant 0 : i32
      %cond3A_147 = arith.cmpi ne, %convert_element_type3A_145, %cond3A_146 : i32
      scf.if %cond3A_147 {
        %add3A_176 = arith.constant 2 : i32
        %add3A_177 = arith.addi %add3A_123, %add3A_176 : i32
        %mul3A_178 = arith.constant 125 : i32
        %mul3A_179 = arith.muli %add3A, %mul3A_178 : i32
        %add3A_180 = arith.addi %mul3A_179, %add3A_177 : i32
        %dma_start3A_181 = arith.constant 0 : i32
        %dma_start3A_182 = arith.constant 0 : i32
        %dma_start3A_183 = tpu.memref_slice %arg6[%dma_start3A_181, %dma_start3A_182] : memref<3x80xi32, #tpu.memory_space<vmem>> -> memref<1x80xi32, #tpu.memory_space<vmem>>
        %dma_start3A_184 = arith.constant 0 : i32
        %dma_start3A_185 = tpu.memref_slice %arg3[%add3A_180, %dma_start3A_184] : memref<4000x80xi32, #tpu.memory_space<hbm>> -> memref<1x80xi32, #tpu.memory_space<hbm>>
        %dma_start3A_186 = arith.constant 0 : i32
        %dma_start3A_187 = arith.constant 0 : i32
        %dma_start3A_188 = tpu.memref_slice %arg6[%dma_start3A_186, %dma_start3A_187] : memref<3x80xi32, #tpu.memory_space<vmem>> -> memref<1x80xi32, #tpu.memory_space<vmem>>
        %dma_start3A_189 = arith.constant 0 : i32
        %dma_start3A_190 = tpu.memref_slice %arg3[%add3A_180, %dma_start3A_189] : memref<4000x80xi32, #tpu.memory_space<hbm>> -> memref<1x80xi32, #tpu.memory_space<hbm>>
        tpu.enqueue_dma source(%dma_start3A_190 : memref<1x80xi32, #tpu.memory_space<hbm>>) target(%dma_start3A_188 : memref<1x80xi32, #tpu.memory_space<vmem>>) target_semaphore(%arg14 : memref<!tpu.dma_semaphore, #tpu.memory_space<semaphore_mem>>)
        %mul3A_191 = arith.constant 80 : i32
        %mul3A_192 = arith.muli %add3A_177, %mul3A_191 : i32
        %add3A_193 = arith.addi %mul3A_2, %mul3A_192 : i32
        %dma_start3A_194 = arith.constant 0 : i32
        %dma_start3A_195 = tpu.memref_slice %arg2[%add3A_193, %dma_start3A_194] : memref<320000x128xf32, #tpu.memory_space<hbm>> -> memref<80x128xf32, #tpu.memory_space<hbm>>
        %dma_start3A_196 = arith.constant 0 : i32
        %dma_start3A_197 = tpu.memref_slice %arg2[%add3A_193, %dma_start3A_196] : memref<320000x128xf32, #tpu.memory_space<hbm>> -> memref<80x128xf32, #tpu.memory_space<hbm>>
        tpu.enqueue_dma source(%dma_start3A_197 : memref<80x128xf32, #tpu.memory_space<hbm>>) target(%arg7 : memref<80x128xf32, #tpu.memory_space<vmem>>) target_semaphore(%arg11 : memref<!tpu.dma_semaphore, #tpu.memory_space<semaphore_mem>>)
      } else {
      }
      %mul3A_148 = arith.constant 3 : i32
      %mul3A_149 = arith.muli %scan3A_94, %mul3A_148 : i32
      %add3A_150 = arith.constant 2 : i32
      %add3A_151 = arith.addi %mul3A_149, %add3A_150 : i32
      %dma_wait3A_152 = arith.constant 2 : i32
      %dma_wait3A_153 = arith.constant 0 : i32
      %dma_wait3A_154 = tpu.memref_slice %arg6[%dma_wait3A_152, %dma_wait3A_153] : memref<3x80xi32, #tpu.memory_space<vmem>> -> memref<1x80xi32, #tpu.memory_space<vmem>>
      %dma_wait3A_155 = arith.constant 0 : i32
      %dma_wait3A_156 = arith.constant 0 : i32
      %dma_wait3A_157 = tpu.memref_slice %arg3[%dma_wait3A_155, %dma_wait3A_156] : memref<4000x80xi32, #tpu.memory_space<hbm>> -> memref<1x80xi32, #tpu.memory_space<hbm>>
      %dma_wait3A_158 = arith.constant 2 : i32
      %dma_wait3A_159 = arith.constant 0 : i32
      %dma_wait3A_160 = tpu.memref_slice %arg6[%dma_wait3A_158, %dma_wait3A_159] : memref<3x80xi32, #tpu.memory_space<vmem>> -> memref<1x80xi32, #tpu.memory_space<vmem>>
      %dma_wait3A_161 = arith.constant 0 : i32
      %dma_wait3A_162 = arith.constant 0 : i32
      %dma_wait3A_163 = tpu.memref_slice %arg3[%dma_wait3A_161, %dma_wait3A_162] : memref<4000x80xi32, #tpu.memory_space<hbm>> -> memref<1x80xi32, #tpu.memory_space<hbm>>
      tpu.wait_dma2 semaphore(%arg16 : memref<!tpu.dma_semaphore, #tpu.memory_space<semaphore_mem>>) src(%dma_wait3A_163 : memref<1x80xi32, #tpu.memory_space<hbm>>) dst(%dma_wait3A_160 : memref<1x80xi32, #tpu.memory_space<vmem>>)
      %dma_wait3A_164 = arith.constant 0 : i32
      %dma_wait3A_165 = tpu.memref_slice %arg2[%mul3A_2, %dma_wait3A_164] : memref<320000x128xf32, #tpu.memory_space<hbm>> -> memref<80x128xf32, #tpu.memory_space<hbm>>
      %dma_wait3A_166 = arith.constant 0 : i32
      %dma_wait3A_167 = tpu.memref_slice %arg2[%mul3A_2, %dma_wait3A_166] : memref<320000x128xf32, #tpu.memory_space<hbm>> -> memref<80x128xf32, #tpu.memory_space<hbm>>
      tpu.wait_dma2 semaphore(%arg13 : memref<!tpu.dma_semaphore, #tpu.memory_space<semaphore_mem>>) src(%dma_wait3A_167 : memref<80x128xf32, #tpu.memory_space<hbm>>) dst(%arg9 : memref<80x128xf32, #tpu.memory_space<vmem>>)
      %run_scoped3A_168 = arith.constant 2 : i32
      "tpu.region"() ({
        %run_scoped3A_176 = tpu.sem_alloc : memref<!tpu.dma_semaphore, #tpu.memory_space<semaphore_mem>>
        %dma_start3A_177 = arith.constant 0 : i32
        %dma_start3A_178 = tpu.memref_slice %arg6[%run_scoped3A_168, %dma_start3A_177] : memref<3x80xi32, #tpu.memory_space<vmem>> -> memref<1x80xi32, #tpu.memory_space<vmem>>
        %dma_start3A_179 = tpu.memref_squeeze %dma_start3A_178 : memref<1x80xi32, #tpu.memory_space<vmem>> -> memref<80xi32, #tpu.memory_space<vmem>>
        %dma_start3A_180 = arith.constant 0 : i32
        %dma_start3A_181 = arith.constant 0 : i32
        %dma_start3A_182 = tpu.memref_slice %arg5[%dma_start3A_180, %dma_start3A_181] : memref<10000x128xf32, #tpu.memory_space<vmem_shared>> -> memref<10000x128xf32, #tpu.memory_space<vmem_shared>>
        tpu.enqueue_indirect_dma source(%arg9 : memref<80x128xf32, #tpu.memory_space<vmem>>) target(%dma_start3A_182 : memref<10000x128xf32, #tpu.memory_space<vmem_shared>>) offsets(%dma_start3A_179 : memref<80xi32, #tpu.memory_space<vmem>>) semaphore(%run_scoped3A_176 : memref<!tpu.dma_semaphore, #tpu.memory_space<semaphore_mem>>) {add = true}
        %dma_wait3A_183 = arith.constant 0 : i32
        %dma_wait3A_184 = tpu.memref_slice %arg6[%run_scoped3A_168, %dma_wait3A_183] : memref<3x80xi32, #tpu.memory_space<vmem>> -> memref<1x80xi32, #tpu.memory_space<vmem>>
        %dma_wait3A_185 = tpu.memref_squeeze %dma_wait3A_184 : memref<1x80xi32, #tpu.memory_space<vmem>> -> memref<80xi32, #tpu.memory_space<vmem>>
        %dma_wait3A_186 = arith.constant 0 : i32
        %dma_wait3A_187 = arith.constant 0 : i32
        %dma_wait3A_188 = tpu.memref_slice %arg5[%dma_wait3A_186, %dma_wait3A_187] : memref<10000x128xf32, #tpu.memory_space<vmem_shared>> -> memref<10000x128xf32, #tpu.memory_space<vmem_shared>>
        tpu.wait_indirect_dma semaphore(%run_scoped3A_176 : memref<!tpu.dma_semaphore, #tpu.memory_space<semaphore_mem>>) src(%arg9 : memref<80x128xf32, #tpu.memory_space<vmem>>) dst(%dma_wait3A_188 : memref<10000x128xf32, #tpu.memory_space<vmem_shared>>)
        tpu.yield
      }) : () -> ()
      %add3A_169 = arith.constant 2 : i32
      %add3A_170 = arith.addi %add3A_151, %add3A_169 : i32
      %lt3A_171 = arith.constant 125 : i32
      %lt3A_172 = arith.cmpi slt, %add3A_170, %lt3A_171 : i32
      %convert_element_type3A_173 = arith.extui %lt3A_172 : i1 to i32
      %cond3A_174 = arith.constant 0 : i32
      %cond3A_175 = arith.cmpi ne, %convert_element_type3A_173, %cond3A_174 : i32
      scf.if %cond3A_175 {
        %add3A_176 = arith.constant 2 : i32
        %add3A_177 = arith.addi %add3A_151, %add3A_176 : i32
        %mul3A_178 = arith.constant 125 : i32
        %mul3A_179 = arith.muli %add3A, %mul3A_178 : i32
        %add3A_180 = arith.addi %mul3A_179, %add3A_177 : i32
        %dma_start3A_181 = arith.constant 1 : i32
        %dma_start3A_182 = arith.constant 0 : i32
        %dma_start3A_183 = tpu.memref_slice %arg6[%dma_start3A_181, %dma_start3A_182] : memref<3x80xi32, #tpu.memory_space<vmem>> -> memref<1x80xi32, #tpu.memory_space<vmem>>
        %dma_start3A_184 = arith.constant 0 : i32
        %dma_start3A_185 = tpu.memref_slice %arg3[%add3A_180, %dma_start3A_184] : memref<4000x80xi32, #tpu.memory_space<hbm>> -> memref<1x80xi32, #tpu.memory_space<hbm>>
        %dma_start3A_186 = arith.constant 1 : i32
        %dma_start3A_187 = arith.constant 0 : i32
        %dma_start3A_188 = tpu.memref_slice %arg6[%dma_start3A_186, %dma_start3A_187] : memref<3x80xi32, #tpu.memory_space<vmem>> -> memref<1x80xi32, #tpu.memory_space<vmem>>
        %dma_start3A_189 = arith.constant 0 : i32
        %dma_start3A_190 = tpu.memref_slice %arg3[%add3A_180, %dma_start3A_189] : memref<4000x80xi32, #tpu.memory_space<hbm>> -> memref<1x80xi32, #tpu.memory_space<hbm>>
        tpu.enqueue_dma source(%dma_start3A_190 : memref<1x80xi32, #tpu.memory_space<hbm>>) target(%dma_start3A_188 : memref<1x80xi32, #tpu.memory_space<vmem>>) target_semaphore(%arg15 : memref<!tpu.dma_semaphore, #tpu.memory_space<semaphore_mem>>)
        %mul3A_191 = arith.constant 80 : i32
        %mul3A_192 = arith.muli %add3A_177, %mul3A_191 : i32
        %add3A_193 = arith.addi %mul3A_2, %mul3A_192 : i32
        %dma_start3A_194 = arith.constant 0 : i32
        %dma_start3A_195 = tpu.memref_slice %arg2[%add3A_193, %dma_start3A_194] : memref<320000x128xf32, #tpu.memory_space<hbm>> -> memref<80x128xf32, #tpu.memory_space<hbm>>
        %dma_start3A_196 = arith.constant 0 : i32
        %dma_start3A_197 = tpu.memref_slice %arg2[%add3A_193, %dma_start3A_196] : memref<320000x128xf32, #tpu.memory_space<hbm>> -> memref<80x128xf32, #tpu.memory_space<hbm>>
        tpu.enqueue_dma source(%dma_start3A_197 : memref<80x128xf32, #tpu.memory_space<hbm>>) target(%arg8 : memref<80x128xf32, #tpu.memory_space<vmem>>) target_semaphore(%arg12 : memref<!tpu.dma_semaphore, #tpu.memory_space<semaphore_mem>>)
      } else {
      }
    }
    %scan3A_55 = arith.constant 41 : i32
    %dma_wait3A = arith.constant 0 : i32
    %dma_wait3A_56 = arith.constant 0 : i32
    %dma_wait3A_57 = tpu.memref_slice %arg6[%dma_wait3A, %dma_wait3A_56] : memref<3x80xi32, #tpu.memory_space<vmem>> -> memref<1x80xi32, #tpu.memory_space<vmem>>
    %dma_wait3A_58 = arith.constant 0 : i32
    %dma_wait3A_59 = arith.constant 0 : i32
    %dma_wait3A_60 = tpu.memref_slice %arg3[%dma_wait3A_58, %dma_wait3A_59] : memref<4000x80xi32, #tpu.memory_space<hbm>> -> memref<1x80xi32, #tpu.memory_space<hbm>>
    %dma_wait3A_61 = arith.constant 0 : i32
    %dma_wait3A_62 = arith.constant 0 : i32
    %dma_wait3A_63 = tpu.memref_slice %arg6[%dma_wait3A_61, %dma_wait3A_62] : memref<3x80xi32, #tpu.memory_space<vmem>> -> memref<1x80xi32, #tpu.memory_space<vmem>>
    %dma_wait3A_64 = arith.constant 0 : i32
    %dma_wait3A_65 = arith.constant 0 : i32
    %dma_wait3A_66 = tpu.memref_slice %arg3[%dma_wait3A_64, %dma_wait3A_65] : memref<4000x80xi32, #tpu.memory_space<hbm>> -> memref<1x80xi32, #tpu.memory_space<hbm>>
    tpu.wait_dma2 semaphore(%arg14 : memref<!tpu.dma_semaphore, #tpu.memory_space<semaphore_mem>>) src(%dma_wait3A_66 : memref<1x80xi32, #tpu.memory_space<hbm>>) dst(%dma_wait3A_63 : memref<1x80xi32, #tpu.memory_space<vmem>>)
    %dma_wait3A_67 = arith.constant 0 : i32
    %dma_wait3A_68 = tpu.memref_slice %arg2[%mul3A_2, %dma_wait3A_67] : memref<320000x128xf32, #tpu.memory_space<hbm>> -> memref<80x128xf32, #tpu.memory_space<hbm>>
    %dma_wait3A_69 = arith.constant 0 : i32
    %dma_wait3A_70 = tpu.memref_slice %arg2[%mul3A_2, %dma_wait3A_69] : memref<320000x128xf32, #tpu.memory_space<hbm>> -> memref<80x128xf32, #tpu.memory_space<hbm>>
    tpu.wait_dma2 semaphore(%arg11 : memref<!tpu.dma_semaphore, #tpu.memory_space<semaphore_mem>>) src(%dma_wait3A_70 : memref<80x128xf32, #tpu.memory_space<hbm>>) dst(%arg7 : memref<80x128xf32, #tpu.memory_space<vmem>>)
    %run_scoped3A = arith.constant 0 : i32
    "tpu.region"() ({
      %run_scoped3A_94 = tpu.sem_alloc : memref<!tpu.dma_semaphore, #tpu.memory_space<semaphore_mem>>
      %dma_start3A_95 = arith.constant 0 : i32
      %dma_start3A_96 = tpu.memref_slice %arg6[%run_scoped3A, %dma_start3A_95] : memref<3x80xi32, #tpu.memory_space<vmem>> -> memref<1x80xi32, #tpu.memory_space<vmem>>
      %dma_start3A_97 = tpu.memref_squeeze %dma_start3A_96 : memref<1x80xi32, #tpu.memory_space<vmem>> -> memref<80xi32, #tpu.memory_space<vmem>>
      %dma_start3A_98 = arith.constant 0 : i32
      %dma_start3A_99 = arith.constant 0 : i32
      %dma_start3A_100 = tpu.memref_slice %arg5[%dma_start3A_98, %dma_start3A_99] : memref<10000x128xf32, #tpu.memory_space<vmem_shared>> -> memref<10000x128xf32, #tpu.memory_space<vmem_shared>>
      tpu.enqueue_indirect_dma source(%arg7 : memref<80x128xf32, #tpu.memory_space<vmem>>) target(%dma_start3A_100 : memref<10000x128xf32, #tpu.memory_space<vmem_shared>>) offsets(%dma_start3A_97 : memref<80xi32, #tpu.memory_space<vmem>>) semaphore(%run_scoped3A_94 : memref<!tpu.dma_semaphore, #tpu.memory_space<semaphore_mem>>) {add = true}
      %dma_wait3A_101 = arith.constant 0 : i32
      %dma_wait3A_102 = tpu.memref_slice %arg6[%run_scoped3A, %dma_wait3A_101] : memref<3x80xi32, #tpu.memory_space<vmem>> -> memref<1x80xi32, #tpu.memory_space<vmem>>
      %dma_wait3A_103 = tpu.memref_squeeze %dma_wait3A_102 : memref<1x80xi32, #tpu.memory_space<vmem>> -> memref<80xi32, #tpu.memory_space<vmem>>
      %dma_wait3A_104 = arith.constant 0 : i32
      %dma_wait3A_105 = arith.constant 0 : i32
      %dma_wait3A_106 = tpu.memref_slice %arg5[%dma_wait3A_104, %dma_wait3A_105] : memref<10000x128xf32, #tpu.memory_space<vmem_shared>> -> memref<10000x128xf32, #tpu.memory_space<vmem_shared>>
      tpu.wait_indirect_dma semaphore(%run_scoped3A_94 : memref<!tpu.dma_semaphore, #tpu.memory_space<semaphore_mem>>) src(%arg7 : memref<80x128xf32, #tpu.memory_space<vmem>>) dst(%dma_wait3A_106 : memref<10000x128xf32, #tpu.memory_space<vmem_shared>>)
      tpu.yield
    }) : () -> ()
    %dma_wait3A_71 = arith.constant 1 : i32
    %dma_wait3A_72 = arith.constant 0 : i32
    %dma_wait3A_73 = tpu.memref_slice %arg6[%dma_wait3A_71, %dma_wait3A_72] : memref<3x80xi32, #tpu.memory_space<vmem>> -> memref<1x80xi32, #tpu.memory_space<vmem>>
    %dma_wait3A_74 = arith.constant 0 : i32
    %dma_wait3A_75 = arith.constant 0 : i32
    %dma_wait3A_76 = tpu.memref_slice %arg3[%dma_wait3A_74, %dma_wait3A_75] : memref<4000x80xi32, #tpu.memory_space<hbm>> -> memref<1x80xi32, #tpu.memory_space<hbm>>
    %dma_wait3A_77 = arith.constant 1 : i32
    %dma_wait3A_78 = arith.constant 0 : i32
    %dma_wait3A_79 = tpu.memref_slice %arg6[%dma_wait3A_77, %dma_wait3A_78] : memref<3x80xi32, #tpu.memory_space<vmem>> -> memref<1x80xi32, #tpu.memory_space<vmem>>
    %dma_wait3A_80 = arith.constant 0 : i32
    %dma_wait3A_81 = arith.constant 0 : i32
    %dma_wait3A_82 = tpu.memref_slice %arg3[%dma_wait3A_80, %dma_wait3A_81] : memref<4000x80xi32, #tpu.memory_space<hbm>> -> memref<1x80xi32, #tpu.memory_space<hbm>>
    tpu.wait_dma2 semaphore(%arg15 : memref<!tpu.dma_semaphore, #tpu.memory_space<semaphore_mem>>) src(%dma_wait3A_82 : memref<1x80xi32, #tpu.memory_space<hbm>>) dst(%dma_wait3A_79 : memref<1x80xi32, #tpu.memory_space<vmem>>)
    %dma_wait3A_83 = arith.constant 0 : i32
    %dma_wait3A_84 = tpu.memref_slice %arg2[%mul3A_2, %dma_wait3A_83] : memref<320000x128xf32, #tpu.memory_space<hbm>> -> memref<80x128xf32, #tpu.memory_space<hbm>>
    %dma_wait3A_85 = arith.constant 0 : i32
    %dma_wait3A_86 = tpu.memref_slice %arg2[%mul3A_2, %dma_wait3A_85] : memref<320000x128xf32, #tpu.memory_space<hbm>> -> memref<80x128xf32, #tpu.memory_space<hbm>>
    tpu.wait_dma2 semaphore(%arg12 : memref<!tpu.dma_semaphore, #tpu.memory_space<semaphore_mem>>) src(%dma_wait3A_86 : memref<80x128xf32, #tpu.memory_space<hbm>>) dst(%arg8 : memref<80x128xf32, #tpu.memory_space<vmem>>)
    %run_scoped3A_87 = arith.constant 1 : i32
    "tpu.region"() ({
      %run_scoped3A_94 = tpu.sem_alloc : memref<!tpu.dma_semaphore, #tpu.memory_space<semaphore_mem>>
      %dma_start3A_95 = arith.constant 0 : i32
      %dma_start3A_96 = tpu.memref_slice %arg6[%run_scoped3A_87, %dma_start3A_95] : memref<3x80xi32, #tpu.memory_space<vmem>> -> memref<1x80xi32, #tpu.memory_space<vmem>>
      %dma_start3A_97 = tpu.memref_squeeze %dma_start3A_96 : memref<1x80xi32, #tpu.memory_space<vmem>> -> memref<80xi32, #tpu.memory_space<vmem>>
      %dma_start3A_98 = arith.constant 0 : i32
      %dma_start3A_99 = arith.constant 0 : i32
      %dma_start3A_100 = tpu.memref_slice %arg5[%dma_start3A_98, %dma_start3A_99] : memref<10000x128xf32, #tpu.memory_space<vmem_shared>> -> memref<10000x128xf32, #tpu.memory_space<vmem_shared>>
      tpu.enqueue_indirect_dma source(%arg8 : memref<80x128xf32, #tpu.memory_space<vmem>>) target(%dma_start3A_100 : memref<10000x128xf32, #tpu.memory_space<vmem_shared>>) offsets(%dma_start3A_97 : memref<80xi32, #tpu.memory_space<vmem>>) semaphore(%run_scoped3A_94 : memref<!tpu.dma_semaphore, #tpu.memory_space<semaphore_mem>>) {add = true}
      %dma_wait3A_101 = arith.constant 0 : i32
      %dma_wait3A_102 = tpu.memref_slice %arg6[%run_scoped3A_87, %dma_wait3A_101] : memref<3x80xi32, #tpu.memory_space<vmem>> -> memref<1x80xi32, #tpu.memory_space<vmem>>
      %dma_wait3A_103 = tpu.memref_squeeze %dma_wait3A_102 : memref<1x80xi32, #tpu.memory_space<vmem>> -> memref<80xi32, #tpu.memory_space<vmem>>
      %dma_wait3A_104 = arith.constant 0 : i32
      %dma_wait3A_105 = arith.constant 0 : i32
      %dma_wait3A_106 = tpu.memref_slice %arg5[%dma_wait3A_104, %dma_wait3A_105] : memref<10000x128xf32, #tpu.memory_space<vmem_shared>> -> memref<10000x128xf32, #tpu.memory_space<vmem_shared>>
      tpu.wait_indirect_dma semaphore(%run_scoped3A_94 : memref<!tpu.dma_semaphore, #tpu.memory_space<semaphore_mem>>) src(%arg8 : memref<80x128xf32, #tpu.memory_space<vmem>>) dst(%dma_wait3A_106 : memref<10000x128xf32, #tpu.memory_space<vmem_shared>>)
      tpu.yield
    }) : () -> ()
    %barrier3A_88 = arith.constant 0 : index
    tpu.barrier barrier_id(%barrier3A_88)
    %scan3A_89 = arith.constant 0 : i32
    %scan3A_90 = arith.constant 16 : i32
    %scan3A_91 = arith.addi %scan3A_89, %scan3A_90 : i32
    %scan3A_92 = arith.constant 1 : i32
    scf.for %scan3A_94 = %scan3A_89 to %scan3A_91 step %scan3A_92  : i32 {
      %mul3A_95 = arith.constant 16 : i32
      %mul3A_96 = arith.muli %scan3A_94, %mul3A_95 : i32
      %add3A_97 = arith.addi %mul3A_96, %arg1 : i32
      %lt3A = arith.constant 250 : i32
      %lt3A_98 = arith.cmpi slt, %add3A_97, %lt3A : i32
      %convert_element_type3A = arith.extui %lt3A_98 : i1 to i32
      %cond3A = arith.constant 0 : i32
      %cond3A_99 = arith.cmpi ne, %convert_element_type3A, %cond3A : i32
      scf.if %cond3A_99 {
        %mul3A_100 = arith.constant 40 : i32
        %mul3A_101 = arith.muli %add3A_97, %mul3A_100 : i32
        %multiple_of3A = tpu.assume_multiple %mul3A_101, 8 : i32
        "tpu.region"() ({
          %run_scoped3A_102 = tpu.sem_alloc : memref<!tpu.dma_semaphore, #tpu.memory_space<semaphore_mem>>
          %dma_start3A_103 = arith.constant 0 : i32
          %dma_start3A_104 = tpu.memref_slice %arg4[%arg0, %multiple_of3A, %dma_start3A_103] : memref<2x10000x128xf32, #tpu.memory_space<hbm>> -> memref<1x40x128xf32, #tpu.memory_space<hbm>>
          %dma_start3A_105 = tpu.memref_squeeze %dma_start3A_104 : memref<1x40x128xf32, #tpu.memory_space<hbm>> -> memref<40x128xf32, #tpu.memory_space<hbm>>
          %dma_start3A_106 = arith.constant 0 : i32
          %dma_start3A_107 = tpu.memref_slice %arg5[%multiple_of3A, %dma_start3A_106] : memref<10000x128xf32, #tpu.memory_space<vmem_shared>> -> memref<40x128xf32, #tpu.memory_space<vmem_shared>>
          tpu.enqueue_dma source(%dma_start3A_107 : memref<40x128xf32, #tpu.memory_space<vmem_shared>>) target(%dma_start3A_105 : memref<40x128xf32, #tpu.memory_space<hbm>>) target_semaphore(%run_scoped3A_102 : memref<!tpu.dma_semaphore, #tpu.memory_space<semaphore_mem>>)
          %dma_wait3A_108 = arith.constant 0 : i32
          %dma_wait3A_109 = tpu.memref_slice %arg4[%arg0, %multiple_of3A, %dma_wait3A_108] : memref<2x10000x128xf32, #tpu.memory_space<hbm>> -> memref<1x40x128xf32, #tpu.memory_space<hbm>>
          %dma_wait3A_110 = tpu.memref_squeeze %dma_wait3A_109 : memref<1x40x128xf32, #tpu.memory_space<hbm>> -> memref<40x128xf32, #tpu.memory_space<hbm>>
          %dma_wait3A_111 = arith.constant 0 : i32
          %dma_wait3A_112 = tpu.memref_slice %arg5[%multiple_of3A, %dma_wait3A_111] : memref<10000x128xf32, #tpu.memory_space<vmem_shared>> -> memref<40x128xf32, #tpu.memory_space<vmem_shared>>
          tpu.wait_dma2 semaphore(%run_scoped3A_102 : memref<!tpu.dma_semaphore, #tpu.memory_space<semaphore_mem>>) src(%dma_wait3A_112 : memref<40x128xf32, #tpu.memory_space<vmem_shared>>) dst(%dma_wait3A_110 : memref<40x128xf32, #tpu.memory_space<hbm>>)
          tpu.yield
        }) : () -> ()
      } else {
      }
    }
    %scan3A_93 = arith.constant 16 : i32
    return
  }
}

#map = affine_map<(d0, d1) -> (0, 0)>
#map1 = affine_map<(d0, d1) -> (0, 0, 0)>
module attributes {stable_mosaic.version = 14 : i64} {
  func.func @_scatter_body(%arg0: i32, %arg1: i32, %arg2: memref<320000x128xf32, #tpu.memory_space<hbm>>, %arg3: memref<4000x80xi32, #tpu.memory_space<hbm>>, %arg4: memref<2x10000x128xf32, #tpu.memory_space<hbm>>, %arg5: memref<10000x128xf32, #tpu.memory_space<vmem_shared>>, %arg6: memref<3x80xi32, #tpu.memory_space<vmem>>, %arg7: memref<80x128xf32, #tpu.memory_space<vmem>>, %arg8: memref<80x128xf32, #tpu.memory_space<vmem>>, %arg9: memref<80x128xf32, #tpu.memory_space<vmem>>, %arg10: memref<40x128xf32, #tpu.memory_space<vmem>>, %arg11: memref<!tpu.dma_semaphore, #tpu.memory_space<semaphore_mem>>, %arg12: memref<!tpu.dma_semaphore, #tpu.memory_space<semaphore_mem>>, %arg13: memref<!tpu.dma_semaphore, #tpu.memory_space<semaphore_mem>>, %arg14: memref<!tpu.dma_semaphore, #tpu.memory_space<semaphore_mem>>, %arg15: memref<!tpu.dma_semaphore, #tpu.memory_space<semaphore_mem>>, %arg16: memref<!tpu.dma_semaphore, #tpu.memory_space<semaphore_mem>>, %arg17: memref<!tpu.dma_semaphore, #tpu.memory_space<semaphore_mem>>, %arg18: memref<!tpu.dma_semaphore, #tpu.memory_space<semaphore_mem>>, %arg19: memref<!tpu.dma_semaphore, #tpu.memory_space<semaphore_mem>>) attributes {dimension_semantics = [#tpu.dimension_semantics<core_parallel>, #tpu.dimension_semantics<subcore_parallel>], iteration_bounds = array<i64: 2, 16>, scalar_prefetch = 0 : i64, scratch_operands = 15 : i64, tpu.core_type = #tpu.core_type<sc_vector_subcore>, window_params = [{transform_indices = #map}, {transform_indices = #map}, {transform_indices = #map1}]} {
    %mul3A = arith.constant 2 : i32
    %mul3A_0 = arith.muli %arg1, %mul3A : i32
    %add3A = arith.addi %mul3A_0, %arg0 : i32
    %mul3A_1 = arith.constant 10000 : i32
    %mul3A_2 = arith.muli %add3A, %mul3A_1 : i32
    %scan3A = arith.constant 0 : i32
    %scan3A_3 = arith.constant 40 : i32
    %scan3A_4 = arith.addi %scan3A, %scan3A_3 : i32
    %scan3A_5 = arith.constant 1 : i32
    scf.for %scan3A_94 = %scan3A to %scan3A_4 step %scan3A_5  : i32 {
      %broadcast_in_dim3A = arith.constant 0.000000e+00 : f32
      %broadcast_in_dim3A_95 = vector.broadcast %broadcast_in_dim3A : f32 to vector<16xf32>
      %swap3A = arith.index_cast %scan3A_94 : i32 to index
      %swap3A_96 = arith.constant 0 : index
      %swap3A_97 = tpu.vector_load %arg10[%swap3A, %swap3A_96] {strides = array<i32>} : memref<40x128xf32, #tpu.memory_space<vmem>>, vector<1x16xf32>,
      %swap3A_98 = vector.shape_cast %swap3A_97 : vector<1x16xf32> to vector<16xf32>
      %swap3A_99 = vector.shape_cast %broadcast_in_dim3A_95 : vector<16xf32> to vector<1x16xf32>
      tpu.vector_store %arg10[%swap3A, %swap3A_96], %swap3A_99 {strides = array<i32>} : memref<40x128xf32, #tpu.memory_space<vmem>>, vector<1x16xf32>,
      %broadcast_in_dim3A_100 = arith.constant 0.000000e+00 : f32
      %broadcast_in_dim3A_101 = vector.broadcast %broadcast_in_dim3A_100 : f32 to vector<16xf32>
      %swap3A_102 = arith.index_cast %scan3A_94 : i32 to index
      %swap3A_103 = arith.constant 16 : index
      %swap3A_104 = tpu.vector_load %arg10[%swap3A_102, %swap3A_103] {strides = array<i32>} : memref<40x128xf32, #tpu.memory_space<vmem>>, vector<1x16xf32>,
      %swap3A_105 = vector.shape_cast %swap3A_104 : vector<1x16xf32> to vector<16xf32>
      %swap3A_106 = vector.shape_cast %broadcast_in_dim3A_101 : vector<16xf32> to vector<1x16xf32>
      tpu.vector_store %arg10[%swap3A_102, %swap3A_103], %swap3A_106 {strides = array<i32>} : memref<40x128xf32, #tpu.memory_space<vmem>>, vector<1x16xf32>,
      %broadcast_in_dim3A_107 = arith.constant 0.000000e+00 : f32
      %broadcast_in_dim3A_108 = vector.broadcast %broadcast_in_dim3A_107 : f32 to vector<16xf32>
      %swap3A_109 = arith.index_cast %scan3A_94 : i32 to index
      %swap3A_110 = arith.constant 32 : index
      %swap3A_111 = tpu.vector_load %arg10[%swap3A_109, %swap3A_110] {strides = array<i32>} : memref<40x128xf32, #tpu.memory_space<vmem>>, vector<1x16xf32>,
      %swap3A_112 = vector.shape_cast %swap3A_111 : vector<1x16xf32> to vector<16xf32>
      %swap3A_113 = vector.shape_cast %broadcast_in_dim3A_108 : vector<16xf32> to vector<1x16xf32>
      tpu.vector_store %arg10[%swap3A_109, %swap3A_110], %swap3A_113 {strides = array<i32>} : memref<40x128xf32, #tpu.memory_space<vmem>>, vector<1x16xf32>,
      %broadcast_in_dim3A_114 = arith.constant 0.000000e+00 : f32
      %broadcast_in_dim3A_115 = vector.broadcast %broadcast_in_dim3A_114 : f32 to vector<16xf32>
      %swap3A_116 = arith.index_cast %scan3A_94 : i32 to index
      %swap3A_117 = arith.constant 48 : index
      %swap3A_118 = tpu.vector_load %arg10[%swap3A_116, %swap3A_117] {strides = array<i32>} : memref<40x128xf32, #tpu.memory_space<vmem>>, vector<1x16xf32>,
      %swap3A_119 = vector.shape_cast %swap3A_118 : vector<1x16xf32> to vector<16xf32>
      %swap3A_120 = vector.shape_cast %broadcast_in_dim3A_115 : vector<16xf32> to vector<1x16xf32>
      tpu.vector_store %arg10[%swap3A_116, %swap3A_117], %swap3A_120 {strides = array<i32>} : memref<40x128xf32, #tpu.memory_space<vmem>>, vector<1x16xf32>,
      %broadcast_in_dim3A_121 = arith.constant 0.000000e+00 : f32
      %broadcast_in_dim3A_122 = vector.broadcast %broadcast_in_dim3A_121 : f32 to vector<16xf32>
      %swap3A_123 = arith.index_cast %scan3A_94 : i32 to index
      %swap3A_124 = arith.constant 64 : index
      %swap3A_125 = tpu.vector_load %arg10[%swap3A_123, %swap3A_124] {strides = array<i32>} : memref<40x128xf32, #tpu.memory_space<vmem>>, vector<1x16xf32>,
      %swap3A_126 = vector.shape_cast %swap3A_125 : vector<1x16xf32> to vector<16xf32>
      %swap3A_127 = vector.shape_cast %broadcast_in_dim3A_122 : vector<16xf32> to vector<1x16xf32>
      tpu.vector_store %arg10[%swap3A_123, %swap3A_124], %swap3A_127 {strides = array<i32>} : memref<40x128xf32, #tpu.memory_space<vmem>>, vector<1x16xf32>,
      %broadcast_in_dim3A_128 = arith.constant 0.000000e+00 : f32
      %broadcast_in_dim3A_129 = vector.broadcast %broadcast_in_dim3A_128 : f32 to vector<16xf32>
      %swap3A_130 = arith.index_cast %scan3A_94 : i32 to index
      %swap3A_131 = arith.constant 80 : index
      %swap3A_132 = tpu.vector_load %arg10[%swap3A_130, %swap3A_131] {strides = array<i32>} : memref<40x128xf32, #tpu.memory_space<vmem>>, vector<1x16xf32>,
      %swap3A_133 = vector.shape_cast %swap3A_132 : vector<1x16xf32> to vector<16xf32>
      %swap3A_134 = vector.shape_cast %broadcast_in_dim3A_129 : vector<16xf32> to vector<1x16xf32>
      tpu.vector_store %arg10[%swap3A_130, %swap3A_131], %swap3A_134 {strides = array<i32>} : memref<40x128xf32, #tpu.memory_space<vmem>>, vector<1x16xf32>,
      %broadcast_in_dim3A_135 = arith.constant 0.000000e+00 : f32
      %broadcast_in_dim3A_136 = vector.broadcast %broadcast_in_dim3A_135 : f32 to vector<16xf32>
      %swap3A_137 = arith.index_cast %scan3A_94 : i32 to index
      %swap3A_138 = arith.constant 96 : index
      %swap3A_139 = tpu.vector_load %arg10[%swap3A_137, %swap3A_138] {strides = array<i32>} : memref<40x128xf32, #tpu.memory_space<vmem>>, vector<1x16xf32>,
      %swap3A_140 = vector.shape_cast %swap3A_139 : vector<1x16xf32> to vector<16xf32>
      %swap3A_141 = vector.shape_cast %broadcast_in_dim3A_136 : vector<16xf32> to vector<1x16xf32>
      tpu.vector_store %arg10[%swap3A_137, %swap3A_138], %swap3A_141 {strides = array<i32>} : memref<40x128xf32, #tpu.memory_space<vmem>>, vector<1x16xf32>,
      %broadcast_in_dim3A_142 = arith.constant 0.000000e+00 : f32
      %broadcast_in_dim3A_143 = vector.broadcast %broadcast_in_dim3A_142 : f32 to vector<16xf32>
      %swap3A_144 = arith.index_cast %scan3A_94 : i32 to index
      %swap3A_145 = arith.constant 112 : index
      %swap3A_146 = tpu.vector_load %arg10[%swap3A_144, %swap3A_145] {strides = array<i32>} : memref<40x128xf32, #tpu.memory_space<vmem>>, vector<1x16xf32>,
      %swap3A_147 = vector.shape_cast %swap3A_146 : vector<1x16xf32> to vector<16xf32>
      %swap3A_148 = vector.shape_cast %broadcast_in_dim3A_143 : vector<16xf32> to vector<1x16xf32>
      tpu.vector_store %arg10[%swap3A_144, %swap3A_145], %swap3A_148 {strides = array<i32>} : memref<40x128xf32, #tpu.memory_space<vmem>>, vector<1x16xf32>,
    }
    %scan3A_6 = arith.constant 40 : i32
    %scan3A_7 = arith.constant 0 : i32
    %scan3A_8 = arith.constant 16 : i32
    %scan3A_9 = arith.addi %scan3A_7, %scan3A_8 : i32
    %scan3A_10 = arith.constant 1 : i32
    scf.for %scan3A_94 = %scan3A_7 to %scan3A_9 step %scan3A_10  : i32 {
      %mul3A_95 = arith.constant 16 : i32
      %mul3A_96 = arith.muli %scan3A_94, %mul3A_95 : i32
      %add3A_97 = arith.addi %mul3A_96, %arg1 : i32
      %lt3A = arith.constant 250 : i32
      %lt3A_98 = arith.cmpi slt, %add3A_97, %lt3A : i32
      %convert_element_type3A = arith.extui %lt3A_98 : i1 to i32
      %cond3A = arith.constant 0 : i32
      %cond3A_99 = arith.cmpi ne, %convert_element_type3A, %cond3A : i32
      scf.if %cond3A_99 {
        %mul3A_100 = arith.constant 40 : i32
        %mul3A_101 = arith.muli %add3A_97, %mul3A_100 : i32
        %multiple_of3A = tpu.assume_multiple %mul3A_101, 8 : i32
        "tpu.region"() ({
          %run_scoped3A_102 = tpu.sem_alloc : memref<!tpu.dma_semaphore, #tpu.memory_space<semaphore_mem>>
          %dma_start3A_103 = arith.constant 0 : i32
          %dma_start3A_104 = tpu.memref_slice %arg5[%multiple_of3A, %dma_start3A_103] : memref<10000x128xf32, #tpu.memory_space<vmem_shared>> -> memref<40x128xf32, #tpu.memory_space<vmem_shared>>
          %dma_start3A_105 = arith.constant 0 : i32
          %dma_start3A_106 = tpu.memref_slice %arg5[%multiple_of3A, %dma_start3A_105] : memref<10000x128xf32, #tpu.memory_space<vmem_shared>> -> memref<40x128xf32, #tpu.memory_space<vmem_shared>>
          tpu.enqueue_dma source(%arg10 : memref<40x128xf32, #tpu.memory_space<vmem>>) target(%dma_start3A_106 : memref<40x128xf32, #tpu.memory_space<vmem_shared>>) target_semaphore(%run_scoped3A_102 : memref<!tpu.dma_semaphore, #tpu.memory_space<semaphore_mem>>)
          %dma_wait3A_107 = arith.constant 0 : i32
          %dma_wait3A_108 = tpu.memref_slice %arg5[%multiple_of3A, %dma_wait3A_107] : memref<10000x128xf32, #tpu.memory_space<vmem_shared>> -> memref<40x128xf32, #tpu.memory_space<vmem_shared>>
          %dma_wait3A_109 = arith.constant 0 : i32
          %dma_wait3A_110 = tpu.memref_slice %arg5[%multiple_of3A, %dma_wait3A_109] : memref<10000x128xf32, #tpu.memory_space<vmem_shared>> -> memref<40x128xf32, #tpu.memory_space<vmem_shared>>
          tpu.wait_dma2 semaphore(%run_scoped3A_102 : memref<!tpu.dma_semaphore, #tpu.memory_space<semaphore_mem>>) src(%arg10 : memref<40x128xf32, #tpu.memory_space<vmem>>) dst(%dma_wait3A_110 : memref<40x128xf32, #tpu.memory_space<vmem_shared>>)
          tpu.yield
        }) : () -> ()
      } else {
      }
    }
    %scan3A_11 = arith.constant 16 : i32
    %barrier3A = arith.constant 0 : index
    tpu.barrier barrier_id(%barrier3A)
    %mul3A_12 = arith.constant 125 : i32
    %mul3A_13 = arith.muli %add3A, %mul3A_12 : i32
    %add3A_14 = arith.constant 0 : i32
    %add3A_15 = arith.addi %mul3A_13, %add3A_14 : i32
    %dma_start3A = arith.constant 0 : i32
    %dma_start3A_16 = arith.constant 0 : i32
    %dma_start3A_17 = tpu.memref_slice %arg6[%dma_start3A, %dma_start3A_16] : memref<3x80xi32, #tpu.memory_space<vmem>> -> memref<1x80xi32, #tpu.memory_space<vmem>>
    %dma_start3A_18 = arith.constant 0 : i32
    %dma_start3A_19 = tpu.memref_slice %arg3[%add3A_15, %dma_start3A_18] : memref<4000x80xi32, #tpu.memory_space<hbm>> -> memref<1x80xi32, #tpu.memory_space<hbm>>
    %dma_start3A_20 = arith.constant 0 : i32
    %dma_start3A_21 = arith.constant 0 : i32
    %dma_start3A_22 = tpu.memref_slice %arg6[%dma_start3A_20, %dma_start3A_21] : memref<3x80xi32, #tpu.memory_space<vmem>> -> memref<1x80xi32, #tpu.memory_space<vmem>>
    %dma_start3A_23 = arith.constant 0 : i32
    %dma_start3A_24 = tpu.memref_slice %arg3[%add3A_15, %dma_start3A_23] : memref<4000x80xi32, #tpu.memory_space<hbm>> -> memref<1x80xi32, #tpu.memory_space<hbm>>
    tpu.enqueue_dma source(%dma_start3A_24 : memref<1x80xi32, #tpu.memory_space<hbm>>) target(%dma_start3A_22 : memref<1x80xi32, #tpu.memory_space<vmem>>) target_semaphore(%arg14 : memref<!tpu.dma_semaphore, #tpu.memory_space<semaphore_mem>>)
    %add3A_25 = arith.constant 0 : i32
    %add3A_26 = arith.addi %mul3A_2, %add3A_25 : i32
    %dma_start3A_27 = arith.constant 0 : i32
    %dma_start3A_28 = tpu.memref_slice %arg2[%add3A_26, %dma_start3A_27] : memref<320000x128xf32, #tpu.memory_space<hbm>> -> memref<80x128xf32, #tpu.memory_space<hbm>>
    %dma_start3A_29 = arith.constant 0 : i32
    %dma_start3A_30 = tpu.memref_slice %arg2[%add3A_26, %dma_start3A_29] : memref<320000x128xf32, #tpu.memory_space<hbm>> -> memref<80x128xf32, #tpu.memory_space<hbm>>
    tpu.enqueue_dma source(%dma_start3A_30 : memref<80x128xf32, #tpu.memory_space<hbm>>) target(%arg7 : memref<80x128xf32, #tpu.memory_space<vmem>>) target_semaphore(%arg11 : memref<!tpu.dma_semaphore, #tpu.memory_space<semaphore_mem>>)
    %mul3A_31 = arith.constant 125 : i32
    %mul3A_32 = arith.muli %add3A, %mul3A_31 : i32
    %add3A_33 = arith.constant 1 : i32
    %add3A_34 = arith.addi %mul3A_32, %add3A_33 : i32
    %dma_start3A_35 = arith.constant 1 : i32
    %dma_start3A_36 = arith.constant 0 : i32
    %dma_start3A_37 = tpu.memref_slice %arg6[%dma_start3A_35, %dma_start3A_36] : memref<3x80xi32, #tpu.memory_space<vmem>> -> memref<1x80xi32, #tpu.memory_space<vmem>>
    %dma_start3A_38 = arith.constant 0 : i32
    %dma_start3A_39 = tpu.memref_slice %arg3[%add3A_34, %dma_start3A_38] : memref<4000x80xi32, #tpu.memory_space<hbm>> -> memref<1x80xi32, #tpu.memory_space<hbm>>
    %dma_start3A_40 = arith.constant 1 : i32
    %dma_start3A_41 = arith.constant 0 : i32
    %dma_start3A_42 = tpu.memref_slice %arg6[%dma_start3A_40, %dma_start3A_41] : memref<3x80xi32, #tpu.memory_space<vmem>> -> memref<1x80xi32, #tpu.memory_space<vmem>>
    %dma_start3A_43 = arith.constant 0 : i32
    %dma_start3A_44 = tpu.memref_slice %arg3[%add3A_34, %dma_start3A_43] : memref<4000x80xi32, #tpu.memory_space<hbm>> -> memref<1x80xi32, #tpu.memory_space<hbm>>
    tpu.enqueue_dma source(%dma_start3A_44 : memref<1x80xi32, #tpu.memory_space<hbm>>) target(%dma_start3A_42 : memref<1x80xi32, #tpu.memory_space<vmem>>) target_semaphore(%arg15 : memref<!tpu.dma_semaphore, #tpu.memory_space<semaphore_mem>>)
    %add3A_45 = arith.constant 80 : i32
    %add3A_46 = arith.addi %mul3A_2, %add3A_45 : i32
    %dma_start3A_47 = arith.constant 0 : i32
    %dma_start3A_48 = tpu.memref_slice %arg2[%add3A_46, %dma_start3A_47] : memref<320000x128xf32, #tpu.memory_space<hbm>> -> memref<80x128xf32, #tpu.memory_space<hbm>>
    %dma_start3A_49 = arith.constant 0 : i32
    %dma_start3A_50 = tpu.memref_slice %arg2[%add3A_46, %dma_start3A_49] : memref<320000x128xf32, #tpu.memory_space<hbm>> -> memref<80x128xf32, #tpu.memory_space<hbm>>
    tpu.enqueue_dma source(%dma_start3A_50 : memref<80x128xf32, #tpu.memory_space<hbm>>) target(%arg8 : memref<80x128xf32, #tpu.memory_space<vmem>>) target_semaphore(%arg12 : memref<!tpu.dma_semaphore, #tpu.memory_space<semaphore_mem>>)
    %scan3A_51 = arith.constant 0 : i32
    %scan3A_52 = arith.constant 41 : i32
    %scan3A_53 = arith.addi %scan3A_51, %scan3A_52 : i32
    %scan3A_54 = arith.constant 1 : i32
    scf.for %scan3A_94 = %scan3A_51 to %scan3A_53 step %scan3A_54  : i32 {
      %mul3A_95 = arith.constant 3 : i32
      %mul3A_96 = arith.muli %scan3A_94, %mul3A_95 : i32
      %add3A_97 = arith.constant 0 : i32
      %add3A_98 = arith.addi %mul3A_96, %add3A_97 : i32
      %dma_wait3A_99 = arith.constant 0 : i32
      %dma_wait3A_100 = arith.constant 0 : i32
      %dma_wait3A_101 = tpu.memref_slice %arg6[%dma_wait3A_99, %dma_wait3A_100] : memref<3x80xi32, #tpu.memory_space<vmem>> -> memref<1x80xi32, #tpu.memory_space<vmem>>
      %dma_wait3A_102 = arith.constant 0 : i32
      %dma_wait3A_103 = arith.constant 0 : i32
      %dma_wait3A_104 = tpu.memref_slice %arg3[%dma_wait3A_102, %dma_wait3A_103] : memref<4000x80xi32, #tpu.memory_space<hbm>> -> memref<1x80xi32, #tpu.memory_space<hbm>>
      %dma_wait3A_105 = arith.constant 0 : i32
      %dma_wait3A_106 = arith.constant 0 : i32
      %dma_wait3A_107 = tpu.memref_slice %arg6[%dma_wait3A_105, %dma_wait3A_106] : memref<3x80xi32, #tpu.memory_space<vmem>> -> memref<1x80xi32, #tpu.memory_space<vmem>>
      %dma_wait3A_108 = arith.constant 0 : i32
      %dma_wait3A_109 = arith.constant 0 : i32
      %dma_wait3A_110 = tpu.memref_slice %arg3[%dma_wait3A_108, %dma_wait3A_109] : memref<4000x80xi32, #tpu.memory_space<hbm>> -> memref<1x80xi32, #tpu.memory_space<hbm>>
      tpu.wait_dma2 semaphore(%arg14 : memref<!tpu.dma_semaphore, #tpu.memory_space<semaphore_mem>>) src(%dma_wait3A_110 : memref<1x80xi32, #tpu.memory_space<hbm>>) dst(%dma_wait3A_107 : memref<1x80xi32, #tpu.memory_space<vmem>>)
      %dma_wait3A_111 = arith.constant 0 : i32
      %dma_wait3A_112 = tpu.memref_slice %arg2[%mul3A_2, %dma_wait3A_111] : memref<320000x128xf32, #tpu.memory_space<hbm>> -> memref<80x128xf32, #tpu.memory_space<hbm>>
      %dma_wait3A_113 = arith.constant 0 : i32
      %dma_wait3A_114 = tpu.memref_slice %arg2[%mul3A_2, %dma_wait3A_113] : memref<320000x128xf32, #tpu.memory_space<hbm>> -> memref<80x128xf32, #tpu.memory_space<hbm>>
      tpu.wait_dma2 semaphore(%arg11 : memref<!tpu.dma_semaphore, #tpu.memory_space<semaphore_mem>>) src(%dma_wait3A_114 : memref<80x128xf32, #tpu.memory_space<hbm>>) dst(%arg7 : memref<80x128xf32, #tpu.memory_space<vmem>>)
      %run_scoped3A_115 = arith.constant 0 : i32
      "tpu.region"() ({
        %run_scoped3A_176 = tpu.sem_alloc : memref<!tpu.dma_semaphore, #tpu.memory_space<semaphore_mem>>
        %dma_start3A_177 = arith.constant 0 : i32
        %dma_start3A_178 = tpu.memref_slice %arg6[%run_scoped3A_115, %dma_start3A_177] : memref<3x80xi32, #tpu.memory_space<vmem>> -> memref<1x80xi32, #tpu.memory_space<vmem>>
        %dma_start3A_179 = tpu.memref_squeeze %dma_start3A_178 : memref<1x80xi32, #tpu.memory_space<vmem>> -> memref<80xi32, #tpu.memory_space<vmem>>
        %dma_start3A_180 = arith.constant 0 : i32
        %dma_start3A_181 = arith.constant 0 : i32
        %dma_start3A_182 = tpu.memref_slice %arg5[%dma_start3A_180, %dma_start3A_181] : memref<10000x128xf32, #tpu.memory_space<vmem_shared>> -> memref<10000x128xf32, #tpu.memory_space<vmem_shared>>
        tpu.enqueue_indirect_dma source(%arg7 : memref<80x128xf32, #tpu.memory_space<vmem>>) target(%dma_start3A_182 : memref<10000x128xf32, #tpu.memory_space<vmem_shared>>) offsets(%dma_start3A_179 : memref<80xi32, #tpu.memory_space<vmem>>) semaphore(%run_scoped3A_176 : memref<!tpu.dma_semaphore, #tpu.memory_space<semaphore_mem>>) {add = true}
        %dma_wait3A_183 = arith.constant 0 : i32
        %dma_wait3A_184 = tpu.memref_slice %arg6[%run_scoped3A_115, %dma_wait3A_183] : memref<3x80xi32, #tpu.memory_space<vmem>> -> memref<1x80xi32, #tpu.memory_space<vmem>>
        %dma_wait3A_185 = tpu.memref_squeeze %dma_wait3A_184 : memref<1x80xi32, #tpu.memory_space<vmem>> -> memref<80xi32, #tpu.memory_space<vmem>>
        %dma_wait3A_186 = arith.constant 0 : i32
        %dma_wait3A_187 = arith.constant 0 : i32
        %dma_wait3A_188 = tpu.memref_slice %arg5[%dma_wait3A_186, %dma_wait3A_187] : memref<10000x128xf32, #tpu.memory_space<vmem_shared>> -> memref<10000x128xf32, #tpu.memory_space<vmem_shared>>
        tpu.wait_indirect_dma semaphore(%run_scoped3A_176 : memref<!tpu.dma_semaphore, #tpu.memory_space<semaphore_mem>>) src(%arg7 : memref<80x128xf32, #tpu.memory_space<vmem>>) dst(%dma_wait3A_188 : memref<10000x128xf32, #tpu.memory_space<vmem_shared>>)
        tpu.yield
      }) : () -> ()
      %add3A_116 = arith.constant 2 : i32
      %add3A_117 = arith.addi %add3A_98, %add3A_116 : i32
      %lt3A = arith.constant 125 : i32
      %lt3A_118 = arith.cmpi slt, %add3A_117, %lt3A : i32
      %convert_element_type3A = arith.extui %lt3A_118 : i1 to i32
      %cond3A = arith.constant 0 : i32
      %cond3A_119 = arith.cmpi ne, %convert_element_type3A, %cond3A : i32
      scf.if %cond3A_119 {
        %add3A_176 = arith.constant 2 : i32
        %add3A_177 = arith.addi %add3A_98, %add3A_176 : i32
        %mul3A_178 = arith.constant 125 : i32
        %mul3A_179 = arith.muli %add3A, %mul3A_178 : i32
        %add3A_180 = arith.addi %mul3A_179, %add3A_177 : i32
        %dma_start3A_181 = arith.constant 2 : i32
        %dma_start3A_182 = arith.constant 0 : i32
        %dma_start3A_183 = tpu.memref_slice %arg6[%dma_start3A_181, %dma_start3A_182] : memref<3x80xi32, #tpu.memory_space<vmem>> -> memref<1x80xi32, #tpu.memory_space<vmem>>
        %dma_start3A_184 = arith.constant 0 : i32
        %dma_start3A_185 = tpu.memref_slice %arg3[%add3A_180, %dma_start3A_184] : memref<4000x80xi32, #tpu.memory_space<hbm>> -> memref<1x80xi32, #tpu.memory_space<hbm>>
        %dma_start3A_186 = arith.constant 2 : i32
        %dma_start3A_187 = arith.constant 0 : i32
        %dma_start3A_188 = tpu.memref_slice %arg6[%dma_start3A_186, %dma_start3A_187] : memref<3x80xi32, #tpu.memory_space<vmem>> -> memref<1x80xi32, #tpu.memory_space<vmem>>
        %dma_start3A_189 = arith.constant 0 : i32
        %dma_start3A_190 = tpu.memref_slice %arg3[%add3A_180, %dma_start3A_189] : memref<4000x80xi32, #tpu.memory_space<hbm>> -> memref<1x80xi32, #tpu.memory_space<hbm>>
        tpu.enqueue_dma source(%dma_start3A_190 : memref<1x80xi32, #tpu.memory_space<hbm>>) target(%dma_start3A_188 : memref<1x80xi32, #tpu.memory_space<vmem>>) target_semaphore(%arg16 : memref<!tpu.dma_semaphore, #tpu.memory_space<semaphore_mem>>)
        %mul3A_191 = arith.constant 80 : i32
        %mul3A_192 = arith.muli %add3A_177, %mul3A_191 : i32
        %add3A_193 = arith.addi %mul3A_2, %mul3A_192 : i32
        %dma_start3A_194 = arith.constant 0 : i32
        %dma_start3A_195 = tpu.memref_slice %arg2[%add3A_193, %dma_start3A_194] : memref<320000x128xf32, #tpu.memory_space<hbm>> -> memref<80x128xf32, #tpu.memory_space<hbm>>
        %dma_start3A_196 = arith.constant 0 : i32
        %dma_start3A_197 = tpu.memref_slice %arg2[%add3A_193, %dma_start3A_196] : memref<320000x128xf32, #tpu.memory_space<hbm>> -> memref<80x128xf32, #tpu.memory_space<hbm>>
        tpu.enqueue_dma source(%dma_start3A_197 : memref<80x128xf32, #tpu.memory_space<hbm>>) target(%arg9 : memref<80x128xf32, #tpu.memory_space<vmem>>) target_semaphore(%arg13 : memref<!tpu.dma_semaphore, #tpu.memory_space<semaphore_mem>>)
      } else {
      }
      %mul3A_120 = arith.constant 3 : i32
      %mul3A_121 = arith.muli %scan3A_94, %mul3A_120 : i32
      %add3A_122 = arith.constant 1 : i32
      %add3A_123 = arith.addi %mul3A_121, %add3A_122 : i32
      %dma_wait3A_124 = arith.constant 1 : i32
      %dma_wait3A_125 = arith.constant 0 : i32
      %dma_wait3A_126 = tpu.memref_slice %arg6[%dma_wait3A_124, %dma_wait3A_125] : memref<3x80xi32, #tpu.memory_space<vmem>> -> memref<1x80xi32, #tpu.memory_space<vmem>>
      %dma_wait3A_127 = arith.constant 0 : i32
      %dma_wait3A_128 = arith.constant 0 : i32
      %dma_wait3A_129 = tpu.memref_slice %arg3[%dma_wait3A_127, %dma_wait3A_128] : memref<4000x80xi32, #tpu.memory_space<hbm>> -> memref<1x80xi32, #tpu.memory_space<hbm>>
      %dma_wait3A_130 = arith.constant 1 : i32
      %dma_wait3A_131 = arith.constant 0 : i32
      %dma_wait3A_132 = tpu.memref_slice %arg6[%dma_wait3A_130, %dma_wait3A_131] : memref<3x80xi32, #tpu.memory_space<vmem>> -> memref<1x80xi32, #tpu.memory_space<vmem>>
      %dma_wait3A_133 = arith.constant 0 : i32
      %dma_wait3A_134 = arith.constant 0 : i32
      %dma_wait3A_135 = tpu.memref_slice %arg3[%dma_wait3A_133, %dma_wait3A_134] : memref<4000x80xi32, #tpu.memory_space<hbm>> -> memref<1x80xi32, #tpu.memory_space<hbm>>
      tpu.wait_dma2 semaphore(%arg15 : memref<!tpu.dma_semaphore, #tpu.memory_space<semaphore_mem>>) src(%dma_wait3A_135 : memref<1x80xi32, #tpu.memory_space<hbm>>) dst(%dma_wait3A_132 : memref<1x80xi32, #tpu.memory_space<vmem>>)
      %dma_wait3A_136 = arith.constant 0 : i32
      %dma_wait3A_137 = tpu.memref_slice %arg2[%mul3A_2, %dma_wait3A_136] : memref<320000x128xf32, #tpu.memory_space<hbm>> -> memref<80x128xf32, #tpu.memory_space<hbm>>
      %dma_wait3A_138 = arith.constant 0 : i32
      %dma_wait3A_139 = tpu.memref_slice %arg2[%mul3A_2, %dma_wait3A_138] : memref<320000x128xf32, #tpu.memory_space<hbm>> -> memref<80x128xf32, #tpu.memory_space<hbm>>
      tpu.wait_dma2 semaphore(%arg12 : memref<!tpu.dma_semaphore, #tpu.memory_space<semaphore_mem>>) src(%dma_wait3A_139 : memref<80x128xf32, #tpu.memory_space<hbm>>) dst(%arg8 : memref<80x128xf32, #tpu.memory_space<vmem>>)
      %run_scoped3A_140 = arith.constant 1 : i32
      "tpu.region"() ({
        %run_scoped3A_176 = tpu.sem_alloc : memref<!tpu.dma_semaphore, #tpu.memory_space<semaphore_mem>>
        %dma_start3A_177 = arith.constant 0 : i32
        %dma_start3A_178 = tpu.memref_slice %arg6[%run_scoped3A_140, %dma_start3A_177] : memref<3x80xi32, #tpu.memory_space<vmem>> -> memref<1x80xi32, #tpu.memory_space<vmem>>
        %dma_start3A_179 = tpu.memref_squeeze %dma_start3A_178 : memref<1x80xi32, #tpu.memory_space<vmem>> -> memref<80xi32, #tpu.memory_space<vmem>>
        %dma_start3A_180 = arith.constant 0 : i32
        %dma_start3A_181 = arith.constant 0 : i32
        %dma_start3A_182 = tpu.memref_slice %arg5[%dma_start3A_180, %dma_start3A_181] : memref<10000x128xf32, #tpu.memory_space<vmem_shared>> -> memref<10000x128xf32, #tpu.memory_space<vmem_shared>>
        tpu.enqueue_indirect_dma source(%arg8 : memref<80x128xf32, #tpu.memory_space<vmem>>) target(%dma_start3A_182 : memref<10000x128xf32, #tpu.memory_space<vmem_shared>>) offsets(%dma_start3A_179 : memref<80xi32, #tpu.memory_space<vmem>>) semaphore(%run_scoped3A_176 : memref<!tpu.dma_semaphore, #tpu.memory_space<semaphore_mem>>) {add = true}
        %dma_wait3A_183 = arith.constant 0 : i32
        %dma_wait3A_184 = tpu.memref_slice %arg6[%run_scoped3A_140, %dma_wait3A_183] : memref<3x80xi32, #tpu.memory_space<vmem>> -> memref<1x80xi32, #tpu.memory_space<vmem>>
        %dma_wait3A_185 = tpu.memref_squeeze %dma_wait3A_184 : memref<1x80xi32, #tpu.memory_space<vmem>> -> memref<80xi32, #tpu.memory_space<vmem>>
        %dma_wait3A_186 = arith.constant 0 : i32
        %dma_wait3A_187 = arith.constant 0 : i32
        %dma_wait3A_188 = tpu.memref_slice %arg5[%dma_wait3A_186, %dma_wait3A_187] : memref<10000x128xf32, #tpu.memory_space<vmem_shared>> -> memref<10000x128xf32, #tpu.memory_space<vmem_shared>>
        tpu.wait_indirect_dma semaphore(%run_scoped3A_176 : memref<!tpu.dma_semaphore, #tpu.memory_space<semaphore_mem>>) src(%arg8 : memref<80x128xf32, #tpu.memory_space<vmem>>) dst(%dma_wait3A_188 : memref<10000x128xf32, #tpu.memory_space<vmem_shared>>)
        tpu.yield
      }) : () -> ()
      %add3A_141 = arith.constant 2 : i32
      %add3A_142 = arith.addi %add3A_123, %add3A_141 : i32
      %lt3A_143 = arith.constant 125 : i32
      %lt3A_144 = arith.cmpi slt, %add3A_142, %lt3A_143 : i32
      %convert_element_type3A_145 = arith.extui %lt3A_144 : i1 to i32
      %cond3A_146 = arith.constant 0 : i32
      %cond3A_147 = arith.cmpi ne, %convert_element_type3A_145, %cond3A_146 : i32
      scf.if %cond3A_147 {
        %add3A_176 = arith.constant 2 : i32
        %add3A_177 = arith.addi %add3A_123, %add3A_176 : i32
        %mul3A_178 = arith.constant 125 : i32
        %mul3A_179 = arith.muli %add3A, %mul3A_178 : i32
        %add3A_180 = arith.addi %mul3A_179, %add3A_177 : i32
        %dma_start3A_181 = arith.constant 0 : i32
        %dma_start3A_182 = arith.constant 0 : i32
        %dma_start3A_183 = tpu.memref_slice %arg6[%dma_start3A_181, %dma_start3A_182] : memref<3x80xi32, #tpu.memory_space<vmem>> -> memref<1x80xi32, #tpu.memory_space<vmem>>
        %dma_start3A_184 = arith.constant 0 : i32
        %dma_start3A_185 = tpu.memref_slice %arg3[%add3A_180, %dma_start3A_184] : memref<4000x80xi32, #tpu.memory_space<hbm>> -> memref<1x80xi32, #tpu.memory_space<hbm>>
        %dma_start3A_186 = arith.constant 0 : i32
        %dma_start3A_187 = arith.constant 0 : i32
        %dma_start3A_188 = tpu.memref_slice %arg6[%dma_start3A_186, %dma_start3A_187] : memref<3x80xi32, #tpu.memory_space<vmem>> -> memref<1x80xi32, #tpu.memory_space<vmem>>
        %dma_start3A_189 = arith.constant 0 : i32
        %dma_start3A_190 = tpu.memref_slice %arg3[%add3A_180, %dma_start3A_189] : memref<4000x80xi32, #tpu.memory_space<hbm>> -> memref<1x80xi32, #tpu.memory_space<hbm>>
        tpu.enqueue_dma source(%dma_start3A_190 : memref<1x80xi32, #tpu.memory_space<hbm>>) target(%dma_start3A_188 : memref<1x80xi32, #tpu.memory_space<vmem>>) target_semaphore(%arg14 : memref<!tpu.dma_semaphore, #tpu.memory_space<semaphore_mem>>)
        %mul3A_191 = arith.constant 80 : i32
        %mul3A_192 = arith.muli %add3A_177, %mul3A_191 : i32
        %add3A_193 = arith.addi %mul3A_2, %mul3A_192 : i32
        %dma_start3A_194 = arith.constant 0 : i32
        %dma_start3A_195 = tpu.memref_slice %arg2[%add3A_193, %dma_start3A_194] : memref<320000x128xf32, #tpu.memory_space<hbm>> -> memref<80x128xf32, #tpu.memory_space<hbm>>
        %dma_start3A_196 = arith.constant 0 : i32
        %dma_start3A_197 = tpu.memref_slice %arg2[%add3A_193, %dma_start3A_196] : memref<320000x128xf32, #tpu.memory_space<hbm>> -> memref<80x128xf32, #tpu.memory_space<hbm>>
        tpu.enqueue_dma source(%dma_start3A_197 : memref<80x128xf32, #tpu.memory_space<hbm>>) target(%arg7 : memref<80x128xf32, #tpu.memory_space<vmem>>) target_semaphore(%arg11 : memref<!tpu.dma_semaphore, #tpu.memory_space<semaphore_mem>>)
      } else {
      }
      %mul3A_148 = arith.constant 3 : i32
      %mul3A_149 = arith.muli %scan3A_94, %mul3A_148 : i32
      %add3A_150 = arith.constant 2 : i32
      %add3A_151 = arith.addi %mul3A_149, %add3A_150 : i32
      %dma_wait3A_152 = arith.constant 2 : i32
      %dma_wait3A_153 = arith.constant 0 : i32
      %dma_wait3A_154 = tpu.memref_slice %arg6[%dma_wait3A_152, %dma_wait3A_153] : memref<3x80xi32, #tpu.memory_space<vmem>> -> memref<1x80xi32, #tpu.memory_space<vmem>>
      %dma_wait3A_155 = arith.constant 0 : i32
      %dma_wait3A_156 = arith.constant 0 : i32
      %dma_wait3A_157 = tpu.memref_slice %arg3[%dma_wait3A_155, %dma_wait3A_156] : memref<4000x80xi32, #tpu.memory_space<hbm>> -> memref<1x80xi32, #tpu.memory_space<hbm>>
      %dma_wait3A_158 = arith.constant 2 : i32
      %dma_wait3A_159 = arith.constant 0 : i32
      %dma_wait3A_160 = tpu.memref_slice %arg6[%dma_wait3A_158, %dma_wait3A_159] : memref<3x80xi32, #tpu.memory_space<vmem>> -> memref<1x80xi32, #tpu.memory_space<vmem>>
      %dma_wait3A_161 = arith.constant 0 : i32
      %dma_wait3A_162 = arith.constant 0 : i32
      %dma_wait3A_163 = tpu.memref_slice %arg3[%dma_wait3A_161, %dma_wait3A_162] : memref<4000x80xi32, #tpu.memory_space<hbm>> -> memref<1x80xi32, #tpu.memory_space<hbm>>
      tpu.wait_dma2 semaphore(%arg16 : memref<!tpu.dma_semaphore, #tpu.memory_space<semaphore_mem>>) src(%dma_wait3A_163 : memref<1x80xi32, #tpu.memory_space<hbm>>) dst(%dma_wait3A_160 : memref<1x80xi32, #tpu.memory_space<vmem>>)
      %dma_wait3A_164 = arith.constant 0 : i32
      %dma_wait3A_165 = tpu.memref_slice %arg2[%mul3A_2, %dma_wait3A_164] : memref<320000x128xf32, #tpu.memory_space<hbm>> -> memref<80x128xf32, #tpu.memory_space<hbm>>
      %dma_wait3A_166 = arith.constant 0 : i32
      %dma_wait3A_167 = tpu.memref_slice %arg2[%mul3A_2, %dma_wait3A_166] : memref<320000x128xf32, #tpu.memory_space<hbm>> -> memref<80x128xf32, #tpu.memory_space<hbm>>
      tpu.wait_dma2 semaphore(%arg13 : memref<!tpu.dma_semaphore, #tpu.memory_space<semaphore_mem>>) src(%dma_wait3A_167 : memref<80x128xf32, #tpu.memory_space<hbm>>) dst(%arg9 : memref<80x128xf32, #tpu.memory_space<vmem>>)
      %run_scoped3A_168 = arith.constant 2 : i32
      "tpu.region"() ({
        %run_scoped3A_176 = tpu.sem_alloc : memref<!tpu.dma_semaphore, #tpu.memory_space<semaphore_mem>>
        %dma_start3A_177 = arith.constant 0 : i32
        %dma_start3A_178 = tpu.memref_slice %arg6[%run_scoped3A_168, %dma_start3A_177] : memref<3x80xi32, #tpu.memory_space<vmem>> -> memref<1x80xi32, #tpu.memory_space<vmem>>
        %dma_start3A_179 = tpu.memref_squeeze %dma_start3A_178 : memref<1x80xi32, #tpu.memory_space<vmem>> -> memref<80xi32, #tpu.memory_space<vmem>>
        %dma_start3A_180 = arith.constant 0 : i32
        %dma_start3A_181 = arith.constant 0 : i32
        %dma_start3A_182 = tpu.memref_slice %arg5[%dma_start3A_180, %dma_start3A_181] : memref<10000x128xf32, #tpu.memory_space<vmem_shared>> -> memref<10000x128xf32, #tpu.memory_space<vmem_shared>>
        tpu.enqueue_indirect_dma source(%arg9 : memref<80x128xf32, #tpu.memory_space<vmem>>) target(%dma_start3A_182 : memref<10000x128xf32, #tpu.memory_space<vmem_shared>>) offsets(%dma_start3A_179 : memref<80xi32, #tpu.memory_space<vmem>>) semaphore(%run_scoped3A_176 : memref<!tpu.dma_semaphore, #tpu.memory_space<semaphore_mem>>) {add = true}
        %dma_wait3A_183 = arith.constant 0 : i32
        %dma_wait3A_184 = tpu.memref_slice %arg6[%run_scoped3A_168, %dma_wait3A_183] : memref<3x80xi32, #tpu.memory_space<vmem>> -> memref<1x80xi32, #tpu.memory_space<vmem>>
        %dma_wait3A_185 = tpu.memref_squeeze %dma_wait3A_184 : memref<1x80xi32, #tpu.memory_space<vmem>> -> memref<80xi32, #tpu.memory_space<vmem>>
        %dma_wait3A_186 = arith.constant 0 : i32
        %dma_wait3A_187 = arith.constant 0 : i32
        %dma_wait3A_188 = tpu.memref_slice %arg5[%dma_wait3A_186, %dma_wait3A_187] : memref<10000x128xf32, #tpu.memory_space<vmem_shared>> -> memref<10000x128xf32, #tpu.memory_space<vmem_shared>>
        tpu.wait_indirect_dma semaphore(%run_scoped3A_176 : memref<!tpu.dma_semaphore, #tpu.memory_space<semaphore_mem>>) src(%arg9 : memref<80x128xf32, #tpu.memory_space<vmem>>) dst(%dma_wait3A_188 : memref<10000x128xf32, #tpu.memory_space<vmem_shared>>)
        tpu.yield
      }) : () -> ()
      %add3A_169 = arith.constant 2 : i32
      %add3A_170 = arith.addi %add3A_151, %add3A_169 : i32
      %lt3A_171 = arith.constant 125 : i32
      %lt3A_172 = arith.cmpi slt, %add3A_170, %lt3A_171 : i32
      %convert_element_type3A_173 = arith.extui %lt3A_172 : i1 to i32
      %cond3A_174 = arith.constant 0 : i32
      %cond3A_175 = arith.cmpi ne, %convert_element_type3A_173, %cond3A_174 : i32
      scf.if %cond3A_175 {
        %add3A_176 = arith.constant 2 : i32
        %add3A_177 = arith.addi %add3A_151, %add3A_176 : i32
        %mul3A_178 = arith.constant 125 : i32
        %mul3A_179 = arith.muli %add3A, %mul3A_178 : i32
        %add3A_180 = arith.addi %mul3A_179, %add3A_177 : i32
        %dma_start3A_181 = arith.constant 1 : i32
        %dma_start3A_182 = arith.constant 0 : i32
        %dma_start3A_183 = tpu.memref_slice %arg6[%dma_start3A_181, %dma_start3A_182] : memref<3x80xi32, #tpu.memory_space<vmem>> -> memref<1x80xi32, #tpu.memory_space<vmem>>
        %dma_start3A_184 = arith.constant 0 : i32
        %dma_start3A_185 = tpu.memref_slice %arg3[%add3A_180, %dma_start3A_184] : memref<4000x80xi32, #tpu.memory_space<hbm>> -> memref<1x80xi32, #tpu.memory_space<hbm>>
        %dma_start3A_186 = arith.constant 1 : i32
        %dma_start3A_187 = arith.constant 0 : i32
        %dma_start3A_188 = tpu.memref_slice %arg6[%dma_start3A_186, %dma_start3A_187] : memref<3x80xi32, #tpu.memory_space<vmem>> -> memref<1x80xi32, #tpu.memory_space<vmem>>
        %dma_start3A_189 = arith.constant 0 : i32
        %dma_start3A_190 = tpu.memref_slice %arg3[%add3A_180, %dma_start3A_189] : memref<4000x80xi32, #tpu.memory_space<hbm>> -> memref<1x80xi32, #tpu.memory_space<hbm>>
        tpu.enqueue_dma source(%dma_start3A_190 : memref<1x80xi32, #tpu.memory_space<hbm>>) target(%dma_start3A_188 : memref<1x80xi32, #tpu.memory_space<vmem>>) target_semaphore(%arg15 : memref<!tpu.dma_semaphore, #tpu.memory_space<semaphore_mem>>)
        %mul3A_191 = arith.constant 80 : i32
        %mul3A_192 = arith.muli %add3A_177, %mul3A_191 : i32
        %add3A_193 = arith.addi %mul3A_2, %mul3A_192 : i32
        %dma_start3A_194 = arith.constant 0 : i32
        %dma_start3A_195 = tpu.memref_slice %arg2[%add3A_193, %dma_start3A_194] : memref<320000x128xf32, #tpu.memory_space<hbm>> -> memref<80x128xf32, #tpu.memory_space<hbm>>
        %dma_start3A_196 = arith.constant 0 : i32
        %dma_start3A_197 = tpu.memref_slice %arg2[%add3A_193, %dma_start3A_196] : memref<320000x128xf32, #tpu.memory_space<hbm>> -> memref<80x128xf32, #tpu.memory_space<hbm>>
        tpu.enqueue_dma source(%dma_start3A_197 : memref<80x128xf32, #tpu.memory_space<hbm>>) target(%arg8 : memref<80x128xf32, #tpu.memory_space<vmem>>) target_semaphore(%arg12 : memref<!tpu.dma_semaphore, #tpu.memory_space<semaphore_mem>>)
      } else {
      }
    }
    %scan3A_55 = arith.constant 41 : i32
    %dma_wait3A = arith.constant 0 : i32
    %dma_wait3A_56 = arith.constant 0 : i32
    %dma_wait3A_57 = tpu.memref_slice %arg6[%dma_wait3A, %dma_wait3A_56] : memref<3x80xi32, #tpu.memory_space<vmem>> -> memref<1x80xi32, #tpu.memory_space<vmem>>
    %dma_wait3A_58 = arith.constant 0 : i32
    %dma_wait3A_59 = arith.constant 0 : i32
    %dma_wait3A_60 = tpu.memref_slice %arg3[%dma_wait3A_58, %dma_wait3A_59] : memref<4000x80xi32, #tpu.memory_space<hbm>> -> memref<1x80xi32, #tpu.memory_space<hbm>>
    %dma_wait3A_61 = arith.constant 0 : i32
    %dma_wait3A_62 = arith.constant 0 : i32
    %dma_wait3A_63 = tpu.memref_slice %arg6[%dma_wait3A_61, %dma_wait3A_62] : memref<3x80xi32, #tpu.memory_space<vmem>> -> memref<1x80xi32, #tpu.memory_space<vmem>>
    %dma_wait3A_64 = arith.constant 0 : i32
    %dma_wait3A_65 = arith.constant 0 : i32
    %dma_wait3A_66 = tpu.memref_slice %arg3[%dma_wait3A_64, %dma_wait3A_65] : memref<4000x80xi32, #tpu.memory_space<hbm>> -> memref<1x80xi32, #tpu.memory_space<hbm>>
    tpu.wait_dma2 semaphore(%arg14 : memref<!tpu.dma_semaphore, #tpu.memory_space<semaphore_mem>>) src(%dma_wait3A_66 : memref<1x80xi32, #tpu.memory_space<hbm>>) dst(%dma_wait3A_63 : memref<1x80xi32, #tpu.memory_space<vmem>>)
    %dma_wait3A_67 = arith.constant 0 : i32
    %dma_wait3A_68 = tpu.memref_slice %arg2[%mul3A_2, %dma_wait3A_67] : memref<320000x128xf32, #tpu.memory_space<hbm>> -> memref<80x128xf32, #tpu.memory_space<hbm>>
    %dma_wait3A_69 = arith.constant 0 : i32
    %dma_wait3A_70 = tpu.memref_slice %arg2[%mul3A_2, %dma_wait3A_69] : memref<320000x128xf32, #tpu.memory_space<hbm>> -> memref<80x128xf32, #tpu.memory_space<hbm>>
    tpu.wait_dma2 semaphore(%arg11 : memref<!tpu.dma_semaphore, #tpu.memory_space<semaphore_mem>>) src(%dma_wait3A_70 : memref<80x128xf32, #tpu.memory_space<hbm>>) dst(%arg7 : memref<80x128xf32, #tpu.memory_space<vmem>>)
    %run_scoped3A = arith.constant 0 : i32
    "tpu.region"() ({
      %run_scoped3A_94 = tpu.sem_alloc : memref<!tpu.dma_semaphore, #tpu.memory_space<semaphore_mem>>
      %dma_start3A_95 = arith.constant 0 : i32
      %dma_start3A_96 = tpu.memref_slice %arg6[%run_scoped3A, %dma_start3A_95] : memref<3x80xi32, #tpu.memory_space<vmem>> -> memref<1x80xi32, #tpu.memory_space<vmem>>
      %dma_start3A_97 = tpu.memref_squeeze %dma_start3A_96 : memref<1x80xi32, #tpu.memory_space<vmem>> -> memref<80xi32, #tpu.memory_space<vmem>>
      %dma_start3A_98 = arith.constant 0 : i32
      %dma_start3A_99 = arith.constant 0 : i32
      %dma_start3A_100 = tpu.memref_slice %arg5[%dma_start3A_98, %dma_start3A_99] : memref<10000x128xf32, #tpu.memory_space<vmem_shared>> -> memref<10000x128xf32, #tpu.memory_space<vmem_shared>>
      tpu.enqueue_indirect_dma source(%arg7 : memref<80x128xf32, #tpu.memory_space<vmem>>) target(%dma_start3A_100 : memref<10000x128xf32, #tpu.memory_space<vmem_shared>>) offsets(%dma_start3A_97 : memref<80xi32, #tpu.memory_space<vmem>>) semaphore(%run_scoped3A_94 : memref<!tpu.dma_semaphore, #tpu.memory_space<semaphore_mem>>) {add = true}
      %dma_wait3A_101 = arith.constant 0 : i32
      %dma_wait3A_102 = tpu.memref_slice %arg6[%run_scoped3A, %dma_wait3A_101] : memref<3x80xi32, #tpu.memory_space<vmem>> -> memref<1x80xi32, #tpu.memory_space<vmem>>
      %dma_wait3A_103 = tpu.memref_squeeze %dma_wait3A_102 : memref<1x80xi32, #tpu.memory_space<vmem>> -> memref<80xi32, #tpu.memory_space<vmem>>
      %dma_wait3A_104 = arith.constant 0 : i32
      %dma_wait3A_105 = arith.constant 0 : i32
      %dma_wait3A_106 = tpu.memref_slice %arg5[%dma_wait3A_104, %dma_wait3A_105] : memref<10000x128xf32, #tpu.memory_space<vmem_shared>> -> memref<10000x128xf32, #tpu.memory_space<vmem_shared>>
      tpu.wait_indirect_dma semaphore(%run_scoped3A_94 : memref<!tpu.dma_semaphore, #tpu.memory_space<semaphore_mem>>) src(%arg7 : memref<80x128xf32, #tpu.memory_space<vmem>>) dst(%dma_wait3A_106 : memref<10000x128xf32, #tpu.memory_space<vmem_shared>>)
      tpu.yield
    }) : () -> ()
    %dma_wait3A_71 = arith.constant 1 : i32
    %dma_wait3A_72 = arith.constant 0 : i32
    %dma_wait3A_73 = tpu.memref_slice %arg6[%dma_wait3A_71, %dma_wait3A_72] : memref<3x80xi32, #tpu.memory_space<vmem>> -> memref<1x80xi32, #tpu.memory_space<vmem>>
    %dma_wait3A_74 = arith.constant 0 : i32
    %dma_wait3A_75 = arith.constant 0 : i32
    %dma_wait3A_76 = tpu.memref_slice %arg3[%dma_wait3A_74, %dma_wait3A_75] : memref<4000x80xi32, #tpu.memory_space<hbm>> -> memref<1x80xi32, #tpu.memory_space<hbm>>
    %dma_wait3A_77 = arith.constant 1 : i32
    %dma_wait3A_78 = arith.constant 0 : i32
    %dma_wait3A_79 = tpu.memref_slice %arg6[%dma_wait3A_77, %dma_wait3A_78] : memref<3x80xi32, #tpu.memory_space<vmem>> -> memref<1x80xi32, #tpu.memory_space<vmem>>
    %dma_wait3A_80 = arith.constant 0 : i32
    %dma_wait3A_81 = arith.constant 0 : i32
    %dma_wait3A_82 = tpu.memref_slice %arg3[%dma_wait3A_80, %dma_wait3A_81] : memref<4000x80xi32, #tpu.memory_space<hbm>> -> memref<1x80xi32, #tpu.memory_space<hbm>>
    tpu.wait_dma2 semaphore(%arg15 : memref<!tpu.dma_semaphore, #tpu.memory_space<semaphore_mem>>) src(%dma_wait3A_82 : memref<1x80xi32, #tpu.memory_space<hbm>>) dst(%dma_wait3A_79 : memref<1x80xi32, #tpu.memory_space<vmem>>)
    %dma_wait3A_83 = arith.constant 0 : i32
    %dma_wait3A_84 = tpu.memref_slice %arg2[%mul3A_2, %dma_wait3A_83] : memref<320000x128xf32, #tpu.memory_space<hbm>> -> memref<80x128xf32, #tpu.memory_space<hbm>>
    %dma_wait3A_85 = arith.constant 0 : i32
    %dma_wait3A_86 = tpu.memref_slice %arg2[%mul3A_2, %dma_wait3A_85] : memref<320000x128xf32, #tpu.memory_space<hbm>> -> memref<80x128xf32, #tpu.memory_space<hbm>>
    tpu.wait_dma2 semaphore(%arg12 : memref<!tpu.dma_semaphore, #tpu.memory_space<semaphore_mem>>) src(%dma_wait3A_86 : memref<80x128xf32, #tpu.memory_space<hbm>>) dst(%arg8 : memref<80x128xf32, #tpu.memory_space<vmem>>)
    %run_scoped3A_87 = arith.constant 1 : i32
    "tpu.region"() ({
      %run_scoped3A_94 = tpu.sem_alloc : memref<!tpu.dma_semaphore, #tpu.memory_space<semaphore_mem>>
      %dma_start3A_95 = arith.constant 0 : i32
      %dma_start3A_96 = tpu.memref_slice %arg6[%run_scoped3A_87, %dma_start3A_95] : memref<3x80xi32, #tpu.memory_space<vmem>> -> memref<1x80xi32, #tpu.memory_space<vmem>>
      %dma_start3A_97 = tpu.memref_squeeze %dma_start3A_96 : memref<1x80xi32, #tpu.memory_space<vmem>> -> memref<80xi32, #tpu.memory_space<vmem>>
      %dma_start3A_98 = arith.constant 0 : i32
      %dma_start3A_99 = arith.constant 0 : i32
      %dma_start3A_100 = tpu.memref_slice %arg5[%dma_start3A_98, %dma_start3A_99] : memref<10000x128xf32, #tpu.memory_space<vmem_shared>> -> memref<10000x128xf32, #tpu.memory_space<vmem_shared>>
      tpu.enqueue_indirect_dma source(%arg8 : memref<80x128xf32, #tpu.memory_space<vmem>>) target(%dma_start3A_100 : memref<10000x128xf32, #tpu.memory_space<vmem_shared>>) offsets(%dma_start3A_97 : memref<80xi32, #tpu.memory_space<vmem>>) semaphore(%run_scoped3A_94 : memref<!tpu.dma_semaphore, #tpu.memory_space<semaphore_mem>>) {add = true}
      %dma_wait3A_101 = arith.constant 0 : i32
      %dma_wait3A_102 = tpu.memref_slice %arg6[%run_scoped3A_87, %dma_wait3A_101] : memref<3x80xi32, #tpu.memory_space<vmem>> -> memref<1x80xi32, #tpu.memory_space<vmem>>
      %dma_wait3A_103 = tpu.memref_squeeze %dma_wait3A_102 : memref<1x80xi32, #tpu.memory_space<vmem>> -> memref<80xi32, #tpu.memory_space<vmem>>
      %dma_wait3A_104 = arith.constant 0 : i32
      %dma_wait3A_105 = arith.constant 0 : i32
      %dma_wait3A_106 = tpu.memref_slice %arg5[%dma_wait3A_104, %dma_wait3A_105] : memref<10000x128xf32, #tpu.memory_space<vmem_shared>> -> memref<10000x128xf32, #tpu.memory_space<vmem_shared>>
      tpu.wait_indirect_dma semaphore(%run_scoped3A_94 : memref<!tpu.dma_semaphore, #tpu.memory_space<semaphore_mem>>) src(%arg8 : memref<80x128xf32, #tpu.memory_space<vmem>>) dst(%dma_wait3A_106 : memref<10000x128xf32, #tpu.memory_space<vmem_shared>>)
      tpu.yield
    }) : () -> ()
    %barrier3A_88 = arith.constant 0 : index
    tpu.barrier barrier_id(%barrier3A_88)
    %scan3A_89 = arith.constant 0 : i32
    %scan3A_90 = arith.constant 16 : i32
    %scan3A_91 = arith.addi %scan3A_89, %scan3A_90 : i32
    %scan3A_92 = arith.constant 1 : i32
    scf.for %scan3A_94 = %scan3A_89 to %scan3A_91 step %scan3A_92  : i32 {
      %mul3A_95 = arith.constant 16 : i32
      %mul3A_96 = arith.muli %scan3A_94, %mul3A_95 : i32
      %add3A_97 = arith.addi %mul3A_96, %arg1 : i32
      %lt3A = arith.constant 250 : i32
      %lt3A_98 = arith.cmpi slt, %add3A_97, %lt3A : i32
      %convert_element_type3A = arith.extui %lt3A_98 : i1 to i32
      %cond3A = arith.constant 0 : i32
      %cond3A_99 = arith.cmpi ne, %convert_element_type3A, %cond3A : i32
      scf.if %cond3A_99 {
        %mul3A_100 = arith.constant 40 : i32
        %mul3A_101 = arith.muli %add3A_97, %mul3A_100 : i32
        %multiple_of3A = tpu.assume_multiple %mul3A_101, 8 : i32
        "tpu.region"() ({
          %run_scoped3A_102 = tpu.sem_alloc : memref<!tpu.dma_semaphore, #tpu.memory_space<semaphore_mem>>
          %dma_start3A_103 = arith.constant 0 : i32
          %dma_start3A_104 = tpu.memref_slice %arg4[%arg0, %multiple_of3A, %dma_start3A_103] : memref<2x10000x128xf32, #tpu.memory_space<hbm>> -> memref<1x40x128xf32, #tpu.memory_space<hbm>>
          %dma_start3A_105 = tpu.memref_squeeze %dma_start3A_104 : memref<1x40x128xf32, #tpu.memory_space<hbm>> -> memref<40x128xf32, #tpu.memory_space<hbm>>
          %dma_start3A_106 = arith.constant 0 : i32
          %dma_start3A_107 = tpu.memref_slice %arg5[%multiple_of3A, %dma_start3A_106] : memref<10000x128xf32, #tpu.memory_space<vmem_shared>> -> memref<40x128xf32, #tpu.memory_space<vmem_shared>>
          tpu.enqueue_dma source(%dma_start3A_107 : memref<40x128xf32, #tpu.memory_space<vmem_shared>>) target(%dma_start3A_105 : memref<40x128xf32, #tpu.memory_space<hbm>>) target_semaphore(%run_scoped3A_102 : memref<!tpu.dma_semaphore, #tpu.memory_space<semaphore_mem>>)
          %dma_wait3A_108 = arith.constant 0 : i32
          %dma_wait3A_109 = tpu.memref_slice %arg4[%arg0, %multiple_of3A, %dma_wait3A_108] : memref<2x10000x128xf32, #tpu.memory_space<hbm>> -> memref<1x40x128xf32, #tpu.memory_space<hbm>>
          %dma_wait3A_110 = tpu.memref_squeeze %dma_wait3A_109 : memref<1x40x128xf32, #tpu.memory_space<hbm>> -> memref<40x128xf32, #tpu.memory_space<hbm>>
          %dma_wait3A_111 = arith.constant 0 : i32
          %dma_wait3A_112 = tpu.memref_slice %arg5[%multiple_of3A, %dma_wait3A_111] : memref<10000x128xf32, #tpu.memory_space<vmem_shared>> -> memref<40x128xf32, #tpu.memory_space<vmem_shared>>
          tpu.wait_dma2 semaphore(%run_scoped3A_102 : memref<!tpu.dma_semaphore, #tpu.memory_space<semaphore_mem>>) src(%dma_wait3A_112 : memref<40x128xf32, #tpu.memory_space<vmem_shared>>) dst(%dma_wait3A_110 : memref<40x128xf32, #tpu.memory_space<hbm>>)
          tpu.yield
        }) : () -> ()
      } else {
      }
    }
    %scan3A_93 = arith.constant 16 : i32
    return
  }
}

module attributes {stable_mosaic.version = 14 : i64} {
  func.func @_prep_body(%arg0: memref<10000x128xf32, #tpu.memory_space<vmem>>, %arg1: memref<10000x8xf32, #tpu.memory_space<vmem>>, %arg2: memref<10000x8xf32, #tpu.memory_space<vmem>>, %arg3: memref<10000x128xf32, #tpu.memory_space<vmem>>, %arg4: memref<128x32xf32, #tpu.memory_space<vmem>>, %arg5: memref<8x32xf32, #tpu.memory_space<vmem>>, %arg6: memref<8x32xf32, #tpu.memory_space<vmem>>, %arg7: memref<1x32xf32, #tpu.memory_space<vmem>>, %arg8: memref<128x32xf32, #tpu.memory_space<vmem>>, %arg9: memref<8x32xf32, #tpu.memory_space<vmem>>, %arg10: memref<8x32xf32, #tpu.memory_space<vmem>>, %arg11: memref<1x32xf32, #tpu.memory_space<vmem>>, %arg12: memref<10000x128xf32, #tpu.memory_space<vmem>>, %arg13: memref<10000x128xf32, #tpu.memory_space<vmem>>) attributes {dimension_semantics = [], scalar_prefetch = 0 : i64, scratch_operands = 0 : i64, tpu.core_type = #tpu.core_type<tc>} {
    %get3A = arith.constant 0 : index
    %get3A_0 = arith.constant 0 : index
    %get3A_1 = vector.load %arg1[%get3A, %get3A_0] : memref<10000x8xf32, #tpu.memory_space<vmem>>, vector<10000x8xf32>
    %get3A_2 = arith.constant 0 : index
    %get3A_3 = arith.constant 0 : index
    %get3A_4 = vector.load %arg5[%get3A_2, %get3A_3] : memref<8x32xf32, #tpu.memory_space<vmem>>, vector<8x32xf32>
    %dot_general3A = arith.constant dense<0.000000e+00> : vector<10000x32xf32>
    %dot_general3A_5 = tpu.matmul %get3A_1, %get3A_4, %dot_general3A {dimension_numbers = #tpu.dot_dimension_numbers<[1], [0], [0], [1], [0, 0, 1, 1], [], []>, transpose_lhs_hint = false} : vector<10000x8xf32>, vector<8x32xf32>, vector<10000x32xf32> -> vector<10000x32xf32>
    %get3A_6 = arith.constant 0 : index
    %get3A_7 = arith.constant 0 : index
    %get3A_8 = vector.load %arg0[%get3A_6, %get3A_7] : memref<10000x128xf32, #tpu.memory_space<vmem>>, vector<10000x128xf32>
    %get3A_9 = arith.constant 0 : index
    %get3A_10 = arith.constant 0 : index
    %get3A_11 = vector.load %arg4[%get3A_9, %get3A_10] : memref<128x32xf32, #tpu.memory_space<vmem>>, vector<128x32xf32>
    %dot_general3A_12 = arith.constant dense<0.000000e+00> : vector<10000x32xf32>
    %dot_general3A_13 = tpu.matmul %get3A_8, %get3A_11, %dot_general3A_12 {dimension_numbers = #tpu.dot_dimension_numbers<[1], [0], [0], [1], [0, 0, 1, 1], [], []>, transpose_lhs_hint = false} : vector<10000x128xf32>, vector<128x32xf32>, vector<10000x32xf32> -> vector<10000x32xf32>
    %add3A = arith.addf %dot_general3A_5, %dot_general3A_13 : vector<10000x32xf32>
    %get3A_14 = arith.constant 0 : index
    %get3A_15 = arith.constant 0 : index
    %get3A_16 = vector.load %arg7[%get3A_14, %get3A_15] : memref<1x32xf32, #tpu.memory_space<vmem>>, vector<1x32xf32>
    %add3A_17 = vector.broadcast %get3A_16 : vector<1x32xf32> to vector<10000x32xf32>
    %add3A_18 = arith.addf %add3A, %add3A_17 : vector<10000x32xf32>
    %get3A_19 = arith.constant 0 : index
    %get3A_20 = arith.constant 0 : index
    %get3A_21 = vector.load %arg2[%get3A_19, %get3A_20] : memref<10000x8xf32, #tpu.memory_space<vmem>>, vector<10000x8xf32>
    %get3A_22 = arith.constant 0 : index
    %get3A_23 = arith.constant 0 : index
    %get3A_24 = vector.load %arg6[%get3A_22, %get3A_23] : memref<8x32xf32, #tpu.memory_space<vmem>>, vector<8x32xf32>
    %dot_general3A_25 = arith.constant dense<0.000000e+00> : vector<10000x32xf32>
    %dot_general3A_26 = tpu.matmul %get3A_21, %get3A_24, %dot_general3A_25 {dimension_numbers = #tpu.dot_dimension_numbers<[1], [0], [0], [1], [0, 0, 1, 1], [], []>, transpose_lhs_hint = false} : vector<10000x8xf32>, vector<8x32xf32>, vector<10000x32xf32> -> vector<10000x32xf32>
    %get3A_27 = arith.constant 0 : index
    %get3A_28 = arith.constant 0 : index
    %get3A_29 = vector.load %arg2[%get3A_27, %get3A_28] : memref<10000x8xf32, #tpu.memory_space<vmem>>, vector<10000x8xf32>
    %get3A_30 = arith.constant 0 : index
    %get3A_31 = arith.constant 0 : index
    %get3A_32 = vector.load %arg9[%get3A_30, %get3A_31] : memref<8x32xf32, #tpu.memory_space<vmem>>, vector<8x32xf32>
    %dot_general3A_33 = arith.constant dense<0.000000e+00> : vector<10000x32xf32>
    %dot_general3A_34 = tpu.matmul %get3A_29, %get3A_32, %dot_general3A_33 {dimension_numbers = #tpu.dot_dimension_numbers<[1], [0], [0], [1], [0, 0, 1, 1], [], []>, transpose_lhs_hint = false} : vector<10000x8xf32>, vector<8x32xf32>, vector<10000x32xf32> -> vector<10000x32xf32>
    %get3A_35 = arith.constant 0 : index
    %get3A_36 = arith.constant 0 : index
    %get3A_37 = vector.load %arg3[%get3A_35, %get3A_36] : memref<10000x128xf32, #tpu.memory_space<vmem>>, vector<10000x128xf32>
    %get3A_38 = arith.constant 0 : index
    %get3A_39 = arith.constant 0 : index
    %get3A_40 = vector.load %arg8[%get3A_38, %get3A_39] : memref<128x32xf32, #tpu.memory_space<vmem>>, vector<128x32xf32>
    %dot_general3A_41 = arith.constant dense<0.000000e+00> : vector<10000x32xf32>
    %dot_general3A_42 = tpu.matmul %get3A_37, %get3A_40, %dot_general3A_41 {dimension_numbers = #tpu.dot_dimension_numbers<[1], [0], [0], [1], [0, 0, 1, 1], [], []>, transpose_lhs_hint = false} : vector<10000x128xf32>, vector<128x32xf32>, vector<10000x32xf32> -> vector<10000x32xf32>
    %add3A_43 = arith.addf %dot_general3A_34, %dot_general3A_42 : vector<10000x32xf32>
    %get3A_44 = arith.constant 0 : index
    %get3A_45 = arith.constant 0 : index
    %get3A_46 = vector.load %arg11[%get3A_44, %get3A_45] : memref<1x32xf32, #tpu.memory_space<vmem>>, vector<1x32xf32>
    %add3A_47 = vector.broadcast %get3A_46 : vector<1x32xf32> to vector<10000x32xf32>
    %add3A_48 = arith.addf %add3A_43, %add3A_47 : vector<10000x32xf32>
    %get3A_49 = arith.constant 0 : index
    %get3A_50 = arith.constant 0 : index
    %get3A_51 = vector.load %arg2[%get3A_49, %get3A_50] : memref<10000x8xf32, #tpu.memory_space<vmem>>, vector<10000x8xf32>
    %get3A_52 = arith.constant 0 : index
    %get3A_53 = arith.constant 0 : index
    %get3A_54 = vector.load %arg10[%get3A_52, %get3A_53] : memref<8x32xf32, #tpu.memory_space<vmem>>, vector<8x32xf32>
    %dot_general3A_55 = arith.constant dense<0.000000e+00> : vector<10000x32xf32>
    %dot_general3A_56 = tpu.matmul %get3A_51, %get3A_54, %dot_general3A_55 {dimension_numbers = #tpu.dot_dimension_numbers<[1], [0], [0], [1], [0, 0, 1, 1], [], []>, transpose_lhs_hint = false} : vector<10000x8xf32>, vector<8x32xf32>, vector<10000x32xf32> -> vector<10000x32xf32>
    %broadcast_in_dim3A = arith.constant 0.000000e+00 : f32
    %broadcast_in_dim3A_57 = vector.broadcast %broadcast_in_dim3A : f32 to vector<10000x64xf32>
    %concatenate3A = tpu.concatenate %add3A_18, %dot_general3A_26, %broadcast_in_dim3A_57 in 1 : vector<10000x32xf32>, vector<10000x32xf32>, vector<10000x64xf32> -> vector<10000x128xf32>
    %swap3A = arith.constant 0 : index
    %swap3A_58 = arith.constant 0 : index
    %swap3A_59 = vector.load %arg12[%swap3A, %swap3A_58] : memref<10000x128xf32, #tpu.memory_space<vmem>>, vector<10000x128xf32>
    tpu.vector_store %arg12[%swap3A, %swap3A_58], %concatenate3A {strides = array<i32>} : memref<10000x128xf32, #tpu.memory_space<vmem>>, vector<10000x128xf32>,
    %concatenate3A_60 = tpu.concatenate %add3A_48, %dot_general3A_56, %broadcast_in_dim3A_57 in 1 : vector<10000x32xf32>, vector<10000x32xf32>, vector<10000x64xf32> -> vector<10000x128xf32>
    %swap3A_61 = arith.constant 0 : index
    %swap3A_62 = arith.constant 0 : index
    %swap3A_63 = vector.load %arg13[%swap3A_61, %swap3A_62] : memref<10000x128xf32, #tpu.memory_space<vmem>>, vector<10000x128xf32>
    tpu.vector_store %arg13[%swap3A_61, %swap3A_62], %concatenate3A_60 {strides = array<i32>} : memref<10000x128xf32, #tpu.memory_space<vmem>>, vector<10000x128xf32>,
    return
  }
}

module attributes {stable_mosaic.version = 14 : i64} {
  func.func @_msg_body(%arg0: i32, %arg1: memref<1000x128xf32, #tpu.memory_space<vmem>>, %arg2: memref<128x512xf32, #tpu.memory_space<vmem>>, %arg3: memref<1x512xf32, #tpu.memory_space<vmem>>, %arg4: memref<4000x128xf32, #tpu.memory_space<vmem>>) attributes {dimension_semantics = [#tpu.dimension_semantics<arbitrary>], iteration_bounds = array<i64: 80>, scalar_prefetch = 0 : i64, scratch_operands = 0 : i64, tpu.core_type = #tpu.core_type<tc>, window_params = [{transform_indices = @transform_0, window_bounds = array<i64: 1000, 128>}, {pipeline_mode = #tpu.pipeline_mode<synchronous>, transform_indices = @transform_1, window_bounds = array<i64: 128, 512>}, {pipeline_mode = #tpu.pipeline_mode<synchronous>, transform_indices = @transform_2, window_bounds = array<i64: 1, 512>}, {transform_indices = @transform_3, window_bounds = array<i64: 4000, 128>}]} {
    %get3A = arith.constant 0 : index
    %get3A_0 = arith.constant 0 : index
    %get3A_1 = vector.load %arg1[%get3A, %get3A_0] : memref<1000x128xf32, #tpu.memory_space<vmem>>, vector<1000x128xf32>
    %get3A_2 = arith.constant 0 : index
    %get3A_3 = arith.constant 0 : index
    %get3A_4 = vector.load %arg2[%get3A_2, %get3A_3] : memref<128x512xf32, #tpu.memory_space<vmem>>, vector<128x512xf32>
    %dot_general3A = arith.constant dense<0.000000e+00> : vector<1000x512xf32>
    %dot_general3A_5 = tpu.matmul %get3A_1, %get3A_4, %dot_general3A {dimension_numbers = #tpu.dot_dimension_numbers<[1], [0], [0], [1], [0, 0, 1, 1], [], []>, transpose_lhs_hint = false} : vector<1000x128xf32>, vector<128x512xf32>, vector<1000x512xf32> -> vector<1000x512xf32>
    %get3A_6 = arith.constant 0 : index
    %get3A_7 = arith.constant 0 : index
    %get3A_8 = vector.load %arg3[%get3A_6, %get3A_7] : memref<1x512xf32, #tpu.memory_space<vmem>>, vector<1x512xf32>
    %add3A = vector.broadcast %get3A_8 : vector<1x512xf32> to vector<1000x512xf32>
    %add3A_9 = arith.addf %dot_general3A_5, %add3A : vector<1000x512xf32>
    %tanh3A = math.tanh %add3A_9 : vector<1000x512xf32>
    %reshape3A = vector.shape_cast %tanh3A : vector<1000x512xf32> to vector<4000x128xf32>
    %swap3A = arith.constant 0 : index
    %swap3A_10 = arith.constant 0 : index
    %swap3A_11 = vector.load %arg4[%swap3A, %swap3A_10] : memref<4000x128xf32, #tpu.memory_space<vmem>>, vector<4000x128xf32>
    tpu.vector_store %arg4[%swap3A, %swap3A_10], %reshape3A {strides = array<i32>} : memref<4000x128xf32, #tpu.memory_space<vmem>>, vector<4000x128xf32>,
    return
  }
  func.func @transform_0(%arg0: i32) -> (i32, i32) {
    %c0_i32 = arith.constant 0 : i32
    %c0_i32_0 = arith.constant 0 : i32
    return %arg0, %c0_i32 : i32, i32
  }
  func.func @transform_1(%arg0: i32) -> (i32, i32) {
    %c0_i32 = arith.constant 0 : i32
    %c0_i32_0 = arith.constant 0 : i32
    %c0_i32_1 = arith.constant 0 : i32
    return %c0_i32, %c0_i32_0 : i32, i32
  }
  func.func @transform_2(%arg0: i32) -> (i32, i32) {
    %c0_i32 = arith.constant 0 : i32
    %c0_i32_0 = arith.constant 0 : i32
    %c0_i32_1 = arith.constant 0 : i32
    return %c0_i32, %c0_i32_0 : i32, i32
  }
  func.func @transform_3(%arg0: i32) -> (i32, i32) {
    %c0_i32 = arith.constant 0 : i32
    %c0_i32_0 = arith.constant 0 : i32
    return %arg0, %c0_i32 : i32, i32
  }
}

module attributes {stable_mosaic.version = 14 : i64} {
  func.func @_final_body(%arg0: memref<10000x128xf32, #tpu.memory_space<vmem>>, %arg1: memref<10000x128xf32, #tpu.memory_space<vmem>>, %arg2: memref<10000x128xf32, #tpu.memory_space<vmem>>, %arg3: memref<10000x128xf32, #tpu.memory_space<vmem>>, %arg4: memref<10000x128xf32, #tpu.memory_space<vmem>>, %arg5: memref<128x32xf32, #tpu.memory_space<vmem>>, %arg6: memref<128x32xf32, #tpu.memory_space<vmem>>, %arg7: memref<128x32xf32, #tpu.memory_space<vmem>>, %arg8: memref<1x32xf32, #tpu.memory_space<vmem>>, %arg9: memref<32x128xf32, #tpu.memory_space<vmem>>, %arg10: memref<1x128xf32, #tpu.memory_space<vmem>>, %arg11: memref<10000x128xf32, #tpu.memory_space<vmem>>) attributes {dimension_semantics = [], scalar_prefetch = 0 : i64, scratch_operands = 0 : i64, tpu.core_type = #tpu.core_type<tc>} {
    %get3A = arith.constant 0 : index
    %get3A_0 = arith.constant 0 : index
    %get3A_1 = vector.load %arg1[%get3A, %get3A_0] : memref<10000x128xf32, #tpu.memory_space<vmem>>, vector<10000x128xf32>
    %get3A_2 = arith.constant 0 : index
    %get3A_3 = arith.constant 0 : index
    %get3A_4 = vector.load %arg2[%get3A_2, %get3A_3] : memref<10000x128xf32, #tpu.memory_space<vmem>>, vector<10000x128xf32>
    %add3A = arith.addf %get3A_1, %get3A_4 : vector<10000x128xf32>
    %get3A_5 = arith.constant 0 : index
    %get3A_6 = arith.constant 0 : index
    %get3A_7 = vector.load %arg3[%get3A_5, %get3A_6] : memref<10000x128xf32, #tpu.memory_space<vmem>>, vector<10000x128xf32>
    %get3A_8 = arith.constant 0 : index
    %get3A_9 = arith.constant 0 : index
    %get3A_10 = vector.load %arg4[%get3A_8, %get3A_9] : memref<10000x128xf32, #tpu.memory_space<vmem>>, vector<10000x128xf32>
    %add3A_11 = arith.addf %get3A_7, %get3A_10 : vector<10000x128xf32>
    %get3A_12 = arith.constant 0 : index
    %get3A_13 = arith.constant 0 : index
    %get3A_14 = vector.load %arg0[%get3A_12, %get3A_13] : memref<10000x128xf32, #tpu.memory_space<vmem>>, vector<10000x128xf32>
    %get3A_15 = arith.constant 0 : index
    %get3A_16 = arith.constant 0 : index
    %get3A_17 = vector.load %arg5[%get3A_15, %get3A_16] : memref<128x32xf32, #tpu.memory_space<vmem>>, vector<128x32xf32>
    %dot_general3A = arith.constant dense<0.000000e+00> : vector<10000x32xf32>
    %dot_general3A_18 = tpu.matmul %get3A_14, %get3A_17, %dot_general3A {dimension_numbers = #tpu.dot_dimension_numbers<[1], [0], [0], [1], [0, 0, 1, 1], [], []>, transpose_lhs_hint = false} : vector<10000x128xf32>, vector<128x32xf32>, vector<10000x32xf32> -> vector<10000x32xf32>
    %get3A_19 = arith.constant 0 : index
    %get3A_20 = arith.constant 0 : index
    %get3A_21 = vector.load %arg6[%get3A_19, %get3A_20] : memref<128x32xf32, #tpu.memory_space<vmem>>, vector<128x32xf32>
    %dot_general3A_22 = arith.constant dense<0.000000e+00> : vector<10000x32xf32>
    %dot_general3A_23 = tpu.matmul %add3A, %get3A_21, %dot_general3A_22 {dimension_numbers = #tpu.dot_dimension_numbers<[1], [0], [0], [1], [0, 0, 1, 1], [], []>, transpose_lhs_hint = false} : vector<10000x128xf32>, vector<128x32xf32>, vector<10000x32xf32> -> vector<10000x32xf32>
    %add3A_24 = arith.addf %dot_general3A_18, %dot_general3A_23 : vector<10000x32xf32>
    %get3A_25 = arith.constant 0 : index
    %get3A_26 = arith.constant 0 : index
    %get3A_27 = vector.load %arg7[%get3A_25, %get3A_26] : memref<128x32xf32, #tpu.memory_space<vmem>>, vector<128x32xf32>
    %dot_general3A_28 = arith.constant dense<0.000000e+00> : vector<10000x32xf32>
    %dot_general3A_29 = tpu.matmul %add3A_11, %get3A_27, %dot_general3A_28 {dimension_numbers = #tpu.dot_dimension_numbers<[1], [0], [0], [1], [0, 0, 1, 1], [], []>, transpose_lhs_hint = false} : vector<10000x128xf32>, vector<128x32xf32>, vector<10000x32xf32> -> vector<10000x32xf32>
    %add3A_30 = arith.addf %add3A_24, %dot_general3A_29 : vector<10000x32xf32>
    %get3A_31 = arith.constant 0 : index
    %get3A_32 = arith.constant 0 : index
    %get3A_33 = vector.load %arg8[%get3A_31, %get3A_32] : memref<1x32xf32, #tpu.memory_space<vmem>>, vector<1x32xf32>
    %add3A_34 = vector.broadcast %get3A_33 : vector<1x32xf32> to vector<10000x32xf32>
    %add3A_35 = arith.addf %add3A_30, %add3A_34 : vector<10000x32xf32>
    %max3A = arith.constant 0.000000e+00 : f32
    %max3A_36 = vector.broadcast %max3A : f32 to vector<10000x32xf32>
    %max3A_37 = arith.maximumf %add3A_35, %max3A_36 : vector<10000x32xf32>
    %get3A_38 = arith.constant 0 : index
    %get3A_39 = arith.constant 0 : index
    %get3A_40 = vector.load %arg9[%get3A_38, %get3A_39] : memref<32x128xf32, #tpu.memory_space<vmem>>, vector<32x128xf32>
    %dot_general3A_41 = arith.constant dense<0.000000e+00> : vector<10000x128xf32>
    %dot_general3A_42 = tpu.matmul %max3A_37, %get3A_40, %dot_general3A_41 {dimension_numbers = #tpu.dot_dimension_numbers<[1], [0], [0], [1], [0, 0, 1, 1], [], []>, transpose_lhs_hint = false} : vector<10000x32xf32>, vector<32x128xf32>, vector<10000x128xf32> -> vector<10000x128xf32>
    %get3A_43 = arith.constant 0 : index
    %get3A_44 = arith.constant 0 : index
    %get3A_45 = vector.load %arg10[%get3A_43, %get3A_44] : memref<1x128xf32, #tpu.memory_space<vmem>>, vector<1x128xf32>
    %add3A_46 = vector.broadcast %get3A_45 : vector<1x128xf32> to vector<10000x128xf32>
    %add3A_47 = arith.addf %dot_general3A_42, %add3A_46 : vector<10000x128xf32>
    %tanh3A = math.tanh %add3A_47 : vector<10000x128xf32>
    %swap3A = arith.constant 0 : index
    %swap3A_48 = arith.constant 0 : index
    %swap3A_49 = vector.load %arg11[%swap3A, %swap3A_48] : memref<10000x128xf32, #tpu.memory_space<vmem>>, vector<10000x128xf32>
    tpu.vector_store %arg11[%swap3A, %swap3A_48], %tanh3A {strides = array<i32>} : memref<10000x128xf32, #tpu.memory_space<vmem>>, vector<10000x128xf32>,
    return
  }
}

</mosaic_0001>

<sc_bundles>
// kernel: kernel.10.cloned.1.call-start
scs
__scs_entry_jumppad:
0x0: {  	(pc) =	sbr.rel $0x88, $3  }
0x1: {  	(tag) =	ssettag $0x0;
	lr =	simm.s32 $0x1  }
0x2: {  	[smem:$0x3F8F] =	sst lr;
	_ =	strace $0xD0000000  }
0x3: {  	_ = 	snop  }
0x4: {  	_ = 	snop  }
0x5: {  	_ = 	snop  }
0x6: {  	_ = 	snop  }
0x7: {  	_ = 	snop  }
__scs_overlays_trampoline_lowered:
0x8: {  	[smem:$0x3F9E] =	sst s0  }
0x9: {  	[smem:$0x3F9F] =	sst s1  }
0xa: {  	[smem:$0x3FA0] =	sst s2  }
0xb: {  	[smem:$0x3FA1] =	sst s3  }
0xc: {  	[smem:$0x3FA2] =	sst s4  }
0xd: {  	[smem:$0x3FA3] =	sst s5  }
0xe: {  	[smem:$0x3FA4] =	sst s6  }
0xf: {  	[smem:$0x3FA5] =	sst s7  }
0x10: {  	[smem:$0x3FA6] =	sst s8  }
0x11: {  	[smem:$0x3FA7] =	sst s9;
	s0 =	simm.s32 @!p0 $0x0  }
0x12: {  	s1 =	sld [smem:$0x3F8D];
	s0 =	simm.s32 @p0 $0x1  }
0x13: {  	[smem:$0x3FA8] =	sst s0;
	s0 =	simm.s32 @!p1 $0x0  }
0x14: {  	s2 =	sld [smem:$0x3F8C];
	s0 =	simm.s32 @p1 $0x1  }
0x15: {  	[smem:$0x3FA9] =	sst s0;
	s0 =	simm.s32 @!p2 $0x0  }
0x16: {  	s3 =	sld [smem:$0x3FDB];
	s0 =	simm.s32 @p2 $0x1  }
0x17: {  	s4 =	simm.s32 $0x1BF5;
	[smem:$0x3FAB] =	sst s0  }
0x18: {  	s0 =	sld [smem:$0x3F8E];
	_ =	swait.ge [sflag:s4], $0x0  }
0x19: {  	s7 =	sld [smem:$0x3F8F]  }
0x1a: {  	s8 =	sadd.s32 $0xFFFFE003, lr  }
0x1b: {  	s9 =	sadd.s32 $0xFFFFFEF7, lr;
	s5 =	simm.s32 $0xFFFFFFFF;
	p2 =	slt.u32 s8, $0xFFFFF086  }
0x1c: {  	p1 =	slt.u32 s9, $0xF7A;
	s5 =	simm.s32 @!p2 $0x0  }
0x1d: {  	s5 =	simm.s32 @p1 $0x1;
	p0 =	seq.s32 s7, s2  }
0x1e: {  	s7 =	smul.u32 @!p0 $0xF7A, s2;
	p2 =	seq.s32 @!p0 s5, $0x0  }
0x1f: {  	s9 =	smul.u32 $0xF7A, s1;
	s8 =	simm.s32 @!p0 $0x1BF5;
	p2 =	por !p2, p0  }
0x20: {  	[sflag:s8] =	ssyncset.s32 @!p0 $0xFFFFF086;
	s6 =	sadd.s32 @!p0 s3, s7;
	s7 =	simm.s32 @!p0 $0x108  }
0x21: {  	s3 =	sadd.s32 s3, s9;
	s6 =	sadd.s32 @!p0 $0x88, s6;
	s7 =	simm.s32 @p2 $0x1082  }
0x22: {  	[simem:s7], [sflag:s8] =	dma.local @!p0 [hbm:s6], $0xF7A  }
0x23: {  	s9 =	sor.u32 $0xD0000000, s2;
	s6 =	simm.s32 $0x108;
	_ =	swait.ge @!p0 [sflag:s8], $0x0  }
0x24: {  	s3 =	sadd.s32 $0x88, s3;
	s6 =	simm.s32 @!p1 $0x1082;
	[sflag:s4] =	ssyncset.s32 $0xFFFFF086  }
0x25: {  	[simem:s6], [sflag:s4] =	dma.local [hbm:s3], $0xF7A  }
0x26: {  	[smem:$0x3F8F] =	sst s1;
	(tag) =	ssettag s2;
	_ =	strace s9  }
0x27: {  	s1 =	sld [smem:$0x3F9F]  }
0x28: {  	s2 =	sld [smem:$0x3FA0]  }
0x29: {  	s4 =	sld [smem:$0x3FA2]  }
0x2a: {  	p0 =	seq.s32 s5, $0x0;
	s5 =	sld [smem:$0x3FA3]  }
0x2b: {  	s6 =	sld [smem:$0x3FA4]  }
0x2c: {  	s7 =	sld [smem:$0x3FA5]  }
0x2d: {  	s3 =	simm.s32 $0x108;
	s8 =	sld [smem:$0x3FA6]  }
0x2e: {  	s3 =	simm.s32 @!p0 $0x1082;
	s9 =	sld [smem:$0x3FA7]  }
0x2f: {  	lr =	sadd.s32 s0, s3;
	s0 =	sld [smem:$0x3F9E]  }
0x30: {  	s3 =	sld [smem:$0x3FA1]  }
0x31: {  	[smem:$0x3FAA] =	sst s10  }
0x32: {  	s10 =	sld [smem:$0x3FA8];
	_ =	sdelay $0x3  }
0x33: {  	p0 =	seq.s32 s10, $0x1;
	s10 =	sld [smem:$0x3FAA];
	_ =	sdelay $0x3  }
0x34: {  	[smem:$0x3FAA] =	sst s10  }
0x35: {  	s10 =	sld [smem:$0x3FA9];
	_ =	sdelay $0x3  }
0x36: {  	p1 =	seq.s32 s10, $0x1;
	s10 =	sld [smem:$0x3FAA];
	_ =	sdelay $0x3  }
0x37: {  	[smem:$0x3FAA] =	sst s10  }
0x38: {  	s10 =	sld [smem:$0x3FAB]  }
0x39: {  	_ = 	snop;
	(pc) =	sbr.ind lr, $3  }
0x3a: {  	_ = 	snop  }
0x3b: {  	_ = 	snop  }
0x3c: {  	p2 =	seq.s32 s10, $0x1;
	s10 =	sld [smem:$0x3FAA]  }
0x3d: {  	_ =	shalt  }
0x3e: {  	_ =	shalt  }
0x3f: {  	_ =	shalt  }
0x40: {  	_ =	shalt  }
0x41: {  	_ =	shalt  }
0x42: {  	_ =	shalt  }
0x43: {  	_ =	shalt  }
0x44: {  	_ =	shalt  }
0x45: {  	_ =	shalt  }
0x46: {  	_ =	shalt  }
0x47: {  	_ =	shalt  }
0x48: {  	_ =	shalt  }
0x49: {  	_ =	shalt  }
0x4a: {  	_ =	shalt  }
0x4b: {  	_ =	shalt  }
0x4c: {  	_ =	shalt  }
0x4d: {  	_ =	shalt  }
0x4e: {  	_ =	shalt  }
0x4f: {  	_ =	shalt  }
0x50: {  	_ =	shalt  }
0x51: {  	_ =	shalt  }
0x52: {  	_ =	shalt  }
0x53: {  	_ =	shalt  }
0x54: {  	_ =	shalt  }
0x55: {  	_ =	shalt  }
0x56: {  	_ =	shalt  }
0x57: {  	_ =	shalt  }
0x58: {  	_ =	shalt  }
0x59: {  	_ =	shalt  }
0x5a: {  	_ =	shalt  }
0x5b: {  	_ =	shalt  }
0x5c: {  	_ =	shalt  }
0x5d: {  	_ =	shalt  }
0x5e: {  	_ =	shalt  }
0x5f: {  	_ =	shalt  }
0x60: {  	_ =	shalt  }
0x61: {  	_ =	shalt  }
0x62: {  	_ =	shalt  }
0x63: {  	_ =	shalt  }
0x64: {  	_ =	shalt  }
0x65: {  	_ =	shalt  }
0x66: {  	_ =	shalt  }
0x67: {  	_ =	shalt  }
0x68: {  	_ =	shalt  }
0x69: {  	_ =	shalt  }
0x6a: {  	_ =	shalt  }
0x6b: {  	_ =	shalt  }
0x6c: {  	_ =	shalt  }
0x6d: {  	_ =	shalt  }
0x6e: {  	_ =	shalt  }
0x6f: {  	_ =	shalt  }
0x70: {  	_ =	shalt  }
0x71: {  	_ =	shalt  }
0x72: {  	_ =	shalt  }
0x73: {  	_ =	shalt  }
0x74: {  	_ =	shalt  }
0x75: {  	_ =	shalt  }
0x76: {  	_ =	shalt  }
0x77: {  	_ =	shalt  }
0x78: {  	_ =	shalt  }
0x79: {  	_ =	shalt  }
0x7a: {  	_ =	shalt  }
0x7b: {  	_ =	shalt  }
0x7c: {  	_ =	shalt  }
0x7d: {  	_ =	shalt  }
0x7e: {  	_ =	shalt  }
0x7f: {  	_ =	shalt  }
0x80: {  	_ =	shalt  }
0x81: {  	_ =	shalt  }
0x82: {  	_ =	shalt  }
0x83: {  	_ =	shalt  }
0x84: {  	_ =	shalt  }
0x85: {  	_ =	shalt  }
0x86: {  	_ =	shalt  }
0x87: {  	_ =	shalt  }
.Lfunc_end0:
.L_simem_size_0:
called_computation_lowered:
.L_overlay_start_0:
0x88: {  	s2 =	sld [smem:$0x3FD9]  }
0x89: {  	s3 =	sld [smem:$0x3FFE];
	_ =	sdelay $0x1  }
0x8a: {  	s1 =	srdreg.scid  }
0x8b: {  	s0 =	sand.u32 $0x1, s1  }
0x8c: {  	s16 =	sshll.u32 s0, $0xA;
	s2 =	sadd.s32 s3, s2  }
0x8d: {  	s2 =	sadd.s32 s2, s16  }
0x8e: {  	[smem:$0x3FB6] =	sst s2  }
0x8f: {  	_ = 	snop  }
0x90: {  	(tm) =	ssettm $0x1  }
0x91: {  	s17 =	sld [smem:$0x3FFB];
	_ =	sdelay $0x3  }
0x92: {  	_ =	strace s17  }
0x93: {  	s2 =	sld [smem:$0x3FFC];
	_ =	sdelay $0x3  }
0x94: {  	_ =	strace s2  }
0x95: {  	s2 =	sld [smem:$0x3FFD];
	_ =	sdelay $0x3  }
0x96: {  	_ =	strace s2  }
0x97: {  	_ =	strace $0x8FFFFFFF  }
0x98: {  	s18 =	sld [smem:$0x3FDB];
	_ =	sdelay $0x1  }
0x99: {  	s19 =	simm.s32 $_scs_section_size  }
0x9a: {  	s4 =	simm.s32 $_size__tile_overlayer_lowered;
	s5 =	simm.s32 $_tile_overlayer_lowered  }
0x9b: {  	s22 =	simm.s32 $0x1BFF;
	s21 =	sshll.u32 s5, $0x1;
	s2 =	sadd.s32 s19, s18  }
0x9c: {  	s6 =	simm.s32 $0x0;
	s20 =	sshll.u32 s4, $0x1;
	s4 =	sadd.s32 s21, s2  }
0x9d: {  	[timem:s6], [sflag:s22] =	dma.local [hbm:s4], s20  }
0x9e: {  	_ =	swait.ge [sflag:s22], s20  }
0x9f: {  	s3 =	ssub.s32 $0x0, s20;
	[sflag:s22] =	ssyncset.done $0x0  }
0xa0: {  	[sflag:s22] =	ssyncadd.s32 s3;
	_ =	sdelay $0x1  }
0xa1: {  	s23 =	simm.s32 $0x1B8B  }
0xa2: {  	_ =	swait.ge [sflag:s23], $0x1  }
0xa3: {  	[sflag:s23] =	ssyncset.done $0x0  }
0xa4: {  	s25 =	simm.s32 $0x1B8E;
	s24 =	sld [smem:$0x3FFE];
	[sflag:s23] =	ssyncadd.s32 $0xFFFFFFFF  }
0xa5: {  	s26 =	simm.s32 $execute0_lowered;
	[smem:$0x3FD2] =	sst s25  }
0xa6: {  	s4 =	sshll.u32 s26, $0x1;
	_ =	strace $0x80000046;
	[dreg:$0x1] =	wrdreg $0xFFFFFFFF  }
0xa7: {  	s28 =	simm.s32 $_size_execute0_lowered;
	s2 =	sadd.s32 s2, s4;
	[dreg:$0x0] =	wrdreg $0x0  }
0xa8: {  	s4 =	sshll.u32 s28, $0x1;
	[dreg:$0x2] =	wrdreg s2  }
0xa9: {  	[dreg:$0x3] =	wrdreg s4  }
0xaa: {  	[dreg:$0x4] =	wrdreg $0xC0  }
0xab: {  	_ =	task [dreg:s6], $0x5FFFF  }
0xac: {  	[dreg:$0x1] =	wrdreg $0xFFFFFFFF  }
0xad: {  	[dreg:$0x0] =	wrdreg $0x60  }
0xae: {  	[dreg:$0x2] =	wrdreg s24  }
0xaf: {  	[dreg:$0x3] =	wrdreg $0xA  }
0xb0: {  	_ =	task.clear_ibuf [dreg:s6], $0x4FFFF;
	_ =	strace $0x90000046  }
0xb1: {  	s29 =	simm.s32 $0xA;
	_ =	strace $0x80000048  }
0xb2: {  	_ =	swait.ge [sflag:s29], $0x1  }
0xb3: {  	[sflag:s29] =	ssyncadd.s32 $0xFFFFFFFF  }
0xb4: {  	_ =	strace $0x90000048  }
0xb5: {  	_ =	sfence  }
0xb6: {  	s30 =	sld [smem:$0x0];
	_ =	sdelay $0x2  }
0xb7: {  	s31 =	sshll.u32 s1, $0xD;
	s1 =	sshrl.u32 s1, $0x2  }
0xb8: {  	s3 =	sand.u32 $0x4000, s31;
	s1 =	sadd.s32 s1, s30  }
0xb9: {  	s0 =	sor.u32 s3, s0;
	s1 =	sshll.u32 s1, $0x11  }
0xba: {  	s0 =	sor.u32 s1, s0  }
0xbb: {  	s0 =	sadd.s32 $0x8F2B, s0  }
0xbc: {  	[sflag:s0] =	ssyncadd.remote.s32 $0x1  }
0xbd: {  	_ =	sfence.sel $0xFFFF  }
0xbe: {  	[dreg:$0x0] =	wrdreg $0xFFFFFFFF;
	(pc) =	sbr.abs _section_cstart, $3  }
0xbf: {  	[dreg:$0x1] =	wrdreg $0xFFFFFFFF  }
0xc0: {  	_ =	task.clear_ibuf [dreg:s6], $0x2FFFF;
	_ =	strace $0x9FFFFFFF  }
0xc1: {  	(tm) =	ssettm $0x7FFFFFFF  }
tec
execute0_lowered:
.L_overlay_start_1:
0x0: {  	(tag) =	ssettag $0x1  }
0x1: {  	s0 =	srdreg.scid  }
0x2: {  	s5 =	stileid.u32;
	s6 =	rddreg [dreg:$0x0]  }
0x3: {  	s2 =	simm.s32 $0x0;
	s10 =	simm.s32 $0x7;
	s11 =	simm.s32 $0x2780  }
0x4: {  	s12 =	simm.s32 $0x40;
	s15 =	simm.s32 $0x6F00;
	s16 =	simm.s32 $0x27C0  }
0x5: {  	s17 =	simm.s32 $0xCF00;
	s18 =	simm.s32 $0x1;
	s19 =	simm.s32 $0x10F00  }
0x6: {  	s20 =	simm.s32 $0x2;
	s21 =	simm.s32 $0x11700;
	s22 =	simm.s32 $0x3  }
0x7: {  	s23 =	simm.s32 $0x11F00;
	s24 =	simm.s32 $0x4;
	s25 =	simm.s32 $0x5  }
0x8: {  	s26 =	simm.s32 $0x6;
	s0 =	sand.u32 $0x1, s0;
	s1 =	sshll.u32 s5, $0x1  }
0x9: {  	s28 =	simm.s32 $0x0;
	[smem:$0x7FF] =	sst s2;
	s1 =	sor.u32 s0, s1  }
0xa: {  	s4 =	sadd.s32 $0x17A00, s6;
	p0 =	slt.u32 s5, $0x4;
	s3 =	smul.u32 $0x9C, s1  }
.Ltmp0:
0xb: {  	s0 =	ssub.s32 $0x2, s0;
	s1 =	smin.u32 s1, $0x8;
	(pc) =	sbr.rel .LBB2_1-.Ltmp0, $4  }
0xc: {  	s5 =	simm.s32 $0x9D;
	s7 =	sshrl.u32 s0, $0x1;
	s3 =	sadd.s32 s1, s3  }
0xd: {  	_ =	strace $0x80000047;
	s0 =	ssub.s32 s0, s7;
	s1 =	sshll.u32 s3, $0x3  }
0xe: {  	s5 =	simm.s32 @!p0 $0x9C;
	s9 =	smax.u32 s0, $0x1;
	s1 =	sadd.s32 s1, s6  }
0xf: {  	s6 =	sadd.s32 $0x3EC00, s6;
	s7 =	sadd.s32 $0xDC00, s1;
	s8 =	sadd.s32 $0x3E00, s1  }
.LBB2_15:
0x10: {  	_ =	swait.ge [sflag:s24], $0x800  }
0x11: {  	[sflag:s24] =	ssyncset.done $0x0  }
0x12: {  	s28 =	sadd.s32 $0x1, s28;
	[sflag:s24] =	ssyncadd.s32 $0xFFFFF800  }
0x13: {  	p0 =	sne.s32 s28, s9;
	_ =	swait.ge [sflag:s25], $0x800  }
.Ltmp1:
0x14: {  	[sflag:s25] =	ssyncset.done $0x0;
	(pc) =	sbr.rel @!p0 .LBB2_16-.Ltmp1, $4  }
0x15: {  	[sflag:s25] =	ssyncadd.s32 $0xFFFFF800  }
0x16: {  	_ =	swait.ge [sflag:s26], $0x800  }
0x17: {  	[sflag:s26] =	ssyncset.done $0x0  }
0x18: {  	[sflag:s26] =	ssyncadd.s32 $0xFFFFF800  }
.LBB2_1:
0x19: {  	[tilespmem:s2], [sflag:$0x7] =	stream.linear.gather [hbm4b:s7+s2], $0x2740, $0x38;
	[tilespmem:$0x12700] =	vst v63  }
0x1a: {  	_ =	swait.ge [sflag:s10], $0x2740  }
0x1b: {  	[sflag:s10] =	ssyncset.done $0x0  }
0x1c: {  	[sflag:s10] =	ssyncadd.s32 $0xFFFFD8C0  }
0x1d: {  	[tilespmem:s11], [sflag:$0x7] =	stream.linear.gather [hbm4b:s8+s2], $0x2740, $0x38;
	[tilespmem:$0x12700] =	vst v63  }
0x1e: {  	_ =	swait.ge [sflag:s10], $0x2740  }
0x1f: {  	[sflag:s10] =	ssyncset.done $0x0  }
0x20: {  	s0 =	simm.s32 $0x4F00;
	[sflag:s10] =	ssyncadd.s32 $0xFFFFD8C0  }
0x21: {  	[tilespmem:s0], [sflag:$0x1] =	stream.indirect.gather [hbm4b:s4+s12], $0x80, s2, s12, $0xb8;
	[tilespmem:$0x12700] =	vst v63  }
0x22: {  	s31 =	simm.s32 $0xAF00  }
0x23: {  	[tilespmem:s31], [sflag:$0x1] =	stream.indirect.gather [hbm4b:s4+s12], $0x80, s11, s12, $0xb8;
	[tilespmem:$0x12700] =	vst v63  }
.Ltmp2:
0x24: {  	_ = 	snop;
	(pc) =	sbr.rel .LBB2_2-.Ltmp2, $4  }
0x25: {  	_ = 	snop  }
0x26: {  	[tilespmem:s15], [sflag:$0x2] =	stream.indirect.gather [hbm4b:s4+s12], $0x80, s12, s12, $0xb8;
	[tilespmem:$0x12700] =	vst v63  }
0x27: {  	s29 =	simm.s32 $0x0  }
0x28: {  	[tilespmem:s17], [sflag:$0x2] =	stream.indirect.gather [hbm4b:s4+s12], $0x80, s16, s12, $0xb8;
	[tilespmem:$0x12700] =	vst v63  }
.LBB2_14:
0x29: {  	s29 =	sadd.s32 $0x1, s29  }
0x2a: {  	p0 =	sne.s32 s29, $0x35  }
.Ltmp3:
0x2b: {  	_ = 	snop;
	(pc) =	sbr.rel @!p0 .LBB2_15-.Ltmp3, $1  }
0x2c: {  	_ =	sdelay $0x3  }
.LBB2_2:
0x2d: {  	s30 =	smul.u32 $0x3, s29;
	_ =	sdelay $0x1  }
0x2e: {  	p0 =	sge.u32 s30, s5  }
.Ltmp4:
0x2f: {  	_ = 	snop;
	(pc) =	sbr.rel @p0 .LBB2_6-.Ltmp4, $1  }
0x30: {  	_ =	sdelay $0x3  }
0x31: {  	_ =	swait.ge [sflag:s18], $0x2000  }
0x32: {  	[sflag:s18] =	ssyncset.done $0x0  }
0x33: {  	s0 =	sadd.s32 $0x2, s30;
	[sflag:s18] =	ssyncadd.s32 $0xFFFFE000  }
0x34: {  	p0 =	sge.u32 s0, s5;
	_ =	swait.ge [sflag:s18], $0x2000  }
0x35: {  	s0 =	sshll.u32 @!p0 s0, $0x6;
	[sflag:s18] =	ssyncset.done $0x0  }
0x36: {  	s1 =	simm.s32 @!p0 $0x40;
	s13 =	simm.s32 @!p0 $0x8F00;
	[sflag:s18] =	ssyncadd.s32 $0xFFFFE000  }
0x37: {  	[tilespmem:s13], [sflag:$0x3] =	stream.indirect.gather @!p0 [hbm4b:s4+s1], $0x80, s0, s1, $0xb8;
	[tilespmem:$0x12700] =	vst v63  }
0x38: {  	s0 =	sadd.s32 @!p0 $0x2780, s0;
	s13 =	simm.s32 @!p0 $0xEF00  }
0x39: {  	[tilespmem:s13], [sflag:$0x3] =	stream.indirect.gather @!p0 [hbm4b:s4+s1], $0x80, s0, s1, $0xb8;
	[tilespmem:$0x12700] =	vst v63  }
0x3a: {  	p0 =	seq.s32 s29, $0x0  }
0x3b: {  	s0 =	simm.s32 @!p0 $0x4  }
0x3c: {  	_ =	swait.ge @!p0 [sflag:s0], $0x800  }
0x3d: {  	[sflag:s0] =	ssyncset.done @!p0 $0x0  }
0x3e: {  	s31 =	simm.s32 $0x4F10;
	[sflag:s0] =	ssyncadd.s32 @!p0 $0xFFFFF800  }
0x3f: {  	s1 =	simm.s32 $0xAF30;
	v0 =	vld [tilespmem:s31+$0xFFFFFFF0]  }
0x40: {  	v1 =	vld [tilespmem:s1+$0xFFFFFFF0];
	_ =	sdelay $0x4  }
0x41: {  	v0 =	vadd.f32 v1, v0  }
0x42: {  	s13 =	simm.s32 $0x0  }
0x43: {  	s14 =	sand.u32 $0x7E0, s13;
	v0 =	vmax.f32 v0, $0.0e+00  }
0x44: {  	[tilespmem:s14+$0x10F00] =	vst v0  }
0x45: {  	v0 =	vld [tilespmem:s31+$0x0]  }
0x46: {  	v1 =	vld [tilespmem:s1+$0x0];
	_ =	sdelay $0x4  }
0x47: {  	v0 =	vadd.f32 v1, v0  }
0x48: {  	s13 =	sadd.s32 $0x10F00, s14;
	s0 =	simm.s32 $0x20  }
.LBB2_4:
0x49: {  	p0 =	sne.s32 s0, $0x7E0;
	v0 =	vmax.f32 v0, $0.0e+00;
	s1 =	sadd.s32 $0x80, s1;
	s31 =	sadd.s32 $0x80, s31  }
0x4a: {  	[tilespmem:s13+$0x10] =	vst v0;
	s13 =	smov.u32 s0;
	s0 =	sadd.s32 $0x20, s0  }
0x4b: {  	v0 =	vld [tilespmem:s31+$0xFFFFFFF0]  }
0x4c: {  	v1 =	vld [tilespmem:s1+$0xFFFFFFF0];
	_ =	sdelay $0x4  }
0x4d: {  	v0 =	vadd.f32 v1, v0;
	_ =	sdelay $0x1  }
0x4e: {  	s13 =	sand.u32 $0x7E0, s13;
	v0 =	vmax.f32 v0, $0.0e+00  }
0x4f: {  	[tilespmem:s13+$0x10F00] =	vst v0  }
0x50: {  	v0 =	vld [tilespmem:s31+$0x0]  }
0x51: {  	v1 =	vld [tilespmem:s1+$0x0];
	_ =	sdelay $0x1  }
.Ltmp5:
0x52: {  	(pc) =	sbr.rel @p0 .LBB2_4-.Ltmp5, $3  }
0x53: {  	_ =	sdelay $0x1  }
0x54: {  	v0 =	vadd.f32 v1, v0  }
0x55: {  	s13 =	sadd.s32 $0x10F00, s13  }
0x56: {  	s0 =	sadd.s32 s3, s30  }
0x57: {  	s0 =	sshll.u32 s0, $0x8  }
0x58: {  	v0 =	vmax.f32 v0, $0.0e+00;
	s0 =	sand.u32 $0x1FFFFF00, s0  }
0x59: {  	[tilespmem:s13+$0x10] =	vst v0;
	s0 =	sadd.s32 s6, s0  }
0x5a: {  	[hbm4b:s0+s2] =	stream.linear.scatter [tilespmem:s19], [sflag:$0x4], $0x800, $0x38;
	[tilespmem:$0x12700] =	vst v63  }
.LBB2_6:
0x5b: {  	s31 =	sadd.s32 $0x1, s30  }
0x5c: {  	p0 =	sge.u32 s31, s5  }
.Ltmp6:
0x5d: {  	_ = 	snop;
	(pc) =	sbr.rel @p0 .LBB2_10-.Ltmp6, $1  }
0x5e: {  	_ =	sdelay $0x3  }
0x5f: {  	_ =	swait.ge [sflag:s20], $0x2000  }
0x60: {  	[sflag:s20] =	ssyncset.done $0x0  }
0x61: {  	s0 =	sadd.s32 $0x3, s30;
	[sflag:s20] =	ssyncadd.s32 $0xFFFFE000  }
0x62: {  	p0 =	sge.u32 s0, s5;
	_ =	swait.ge [sflag:s20], $0x2000  }
0x63: {  	s0 =	sshll.u32 @!p0 s0, $0x6;
	[sflag:s20] =	ssyncset.done $0x0  }
0x64: {  	s1 =	simm.s32 @!p0 $0x40;
	s13 =	simm.s32 @!p0 $0x4F00;
	[sflag:s20] =	ssyncadd.s32 $0xFFFFE000  }
0x65: {  	[tilespmem:s13], [sflag:$0x1] =	stream.indirect.gather @!p0 [hbm4b:s4+s1], $0x80, s0, s1, $0xb8;
	[tilespmem:$0x12700] =	vst v63  }
0x66: {  	s0 =	sadd.s32 @!p0 $0x2780, s0;
	s13 =	simm.s32 @!p0 $0xAF00  }
0x67: {  	[tilespmem:s13], [sflag:$0x1] =	stream.indirect.gather @!p0 [hbm4b:s4+s1], $0x80, s0, s1, $0xb8;
	[tilespmem:$0x12700] =	vst v63  }
0x68: {  	p0 =	seq.s32 s29, $0x0  }
0x69: {  	s0 =	simm.s32 @!p0 $0x5  }
0x6a: {  	_ =	swait.ge @!p0 [sflag:s0], $0x800  }
0x6b: {  	[sflag:s0] =	ssyncset.done @!p0 $0x0  }
0x6c: {  	s1 =	simm.s32 $0x6F10;
	[sflag:s0] =	ssyncadd.s32 @!p0 $0xFFFFF800  }
0x6d: {  	s0 =	simm.s32 $0xCF30;
	v0 =	vld [tilespmem:s1+$0xFFFFFFF0]  }
0x6e: {  	v1 =	vld [tilespmem:s0+$0xFFFFFFF0];
	_ =	sdelay $0x4  }
0x6f: {  	v0 =	vadd.f32 v1, v0  }
0x70: {  	s14 =	simm.s32 $0x0  }
0x71: {  	s14 =	sand.u32 $0x7E0, s14;
	v0 =	vmax.f32 v0, $0.0e+00  }
0x72: {  	[tilespmem:s14+$0x11700] =	vst v0  }
0x73: {  	v0 =	vld [tilespmem:s1+$0x0]  }
0x74: {  	v1 =	vld [tilespmem:s0+$0x0];
	_ =	sdelay $0x4  }
0x75: {  	v0 =	vadd.f32 v1, v0  }
0x76: {  	s13 =	simm.s32 $0x20;
	s14 =	sadd.s32 $0x11700, s14  }
.LBB2_8:
0x77: {  	p0 =	sne.s32 s13, $0x7E0;
	v0 =	vmax.f32 v0, $0.0e+00;
	s0 =	sadd.s32 $0x80, s0;
	s1 =	sadd.s32 $0x80, s1  }
0x78: {  	[tilespmem:s14+$0x10] =	vst v0;
	s14 =	smov.u32 s13;
	s13 =	sadd.s32 $0x20, s13  }
0x79: {  	v0 =	vld [tilespmem:s1+$0xFFFFFFF0]  }
0x7a: {  	v1 =	vld [tilespmem:s0+$0xFFFFFFF0];
	_ =	sdelay $0x4  }
0x7b: {  	v0 =	vadd.f32 v1, v0;
	_ =	sdelay $0x1  }
0x7c: {  	s14 =	sand.u32 $0x7E0, s14;
	v0 =	vmax.f32 v0, $0.0e+00  }
0x7d: {  	[tilespmem:s14+$0x11700] =	vst v0  }
0x7e: {  	v0 =	vld [tilespmem:s1+$0x0]  }
0x7f: {  	v1 =	vld [tilespmem:s0+$0x0];
	_ =	sdelay $0x1  }
.Ltmp7:
0x80: {  	(pc) =	sbr.rel @p0 .LBB2_8-.Ltmp7, $3  }
0x81: {  	_ =	sdelay $0x1  }
0x82: {  	v0 =	vadd.f32 v1, v0  }
0x83: {  	s14 =	sadd.s32 $0x11700, s14  }
0x84: {  	s0 =	sadd.s32 s3, s31  }
0x85: {  	s0 =	sshll.u32 s0, $0x8  }
0x86: {  	v0 =	vmax.f32 v0, $0.0e+00;
	s0 =	sand.u32 $0x1FFFFF00, s0  }
0x87: {  	[tilespmem:s14+$0x10] =	vst v0;
	s0 =	sadd.s32 s6, s0  }
0x88: {  	[hbm4b:s0+s2] =	stream.linear.scatter [tilespmem:s21], [sflag:$0x5], $0x800, $0x38;
	[tilespmem:$0x12700] =	vst v63  }
.LBB2_10:
0x89: {  	s31 =	sadd.s32 $0x2, s30  }
0x8a: {  	p0 =	sge.u32 s31, s5  }
.Ltmp8:
0x8b: {  	_ = 	snop;
	(pc) =	sbr.rel @p0 .LBB2_14-.Ltmp8, $1  }
0x8c: {  	_ =	sdelay $0x3  }
0x8d: {  	_ =	swait.ge [sflag:s22], $0x2000  }
0x8e: {  	[sflag:s22] =	ssyncset.done $0x0  }
0x8f: {  	s0 =	sadd.s32 $0x4, s30;
	[sflag:s22] =	ssyncadd.s32 $0xFFFFE000  }
0x90: {  	p0 =	sge.u32 s0, s5;
	_ =	swait.ge [sflag:s22], $0x2000  }
0x91: {  	s0 =	sshll.u32 @!p0 s0, $0x6;
	[sflag:s22] =	ssyncset.done $0x0  }
0x92: {  	s1 =	simm.s32 @!p0 $0x40;
	s13 =	simm.s32 @!p0 $0x6F00;
	[sflag:s22] =	ssyncadd.s32 $0xFFFFE000  }
0x93: {  	[tilespmem:s13], [sflag:$0x2] =	stream.indirect.gather @!p0 [hbm4b:s4+s1], $0x80, s0, s1, $0xb8;
	[tilespmem:$0x12700] =	vst v63  }
0x94: {  	s0 =	sadd.s32 @!p0 $0x2780, s0;
	s13 =	simm.s32 @!p0 $0xCF00  }
0x95: {  	[tilespmem:s13], [sflag:$0x2] =	stream.indirect.gather @!p0 [hbm4b:s4+s1], $0x80, s0, s1, $0xb8;
	[tilespmem:$0x12700] =	vst v63  }
0x96: {  	p0 =	seq.s32 s29, $0x0  }
0x97: {  	s0 =	simm.s32 @!p0 $0x6  }
0x98: {  	_ =	swait.ge @!p0 [sflag:s0], $0x800  }
0x99: {  	[sflag:s0] =	ssyncset.done @!p0 $0x0  }
0x9a: {  	s1 =	simm.s32 $0x8F10;
	[sflag:s0] =	ssyncadd.s32 @!p0 $0xFFFFF800  }
0x9b: {  	s0 =	simm.s32 $0xEF30;
	v0 =	vld [tilespmem:s1+$0xFFFFFFF0]  }
0x9c: {  	v1 =	vld [tilespmem:s0+$0xFFFFFFF0];
	_ =	sdelay $0x4  }
0x9d: {  	v0 =	vadd.f32 v1, v0  }
0x9e: {  	s30 =	simm.s32 $0x0  }
0x9f: {  	s14 =	sand.u32 $0x7E0, s30;
	v0 =	vmax.f32 v0, $0.0e+00  }
0xa0: {  	[tilespmem:s14+$0x11F00] =	vst v0  }
0xa1: {  	v0 =	vld [tilespmem:s1+$0x0]  }
0xa2: {  	v1 =	vld [tilespmem:s0+$0x0];
	_ =	sdelay $0x4  }
0xa3: {  	v0 =	vadd.f32 v1, v0  }
0xa4: {  	s13 =	simm.s32 $0x20;
	s14 =	sadd.s32 $0x11F00, s14  }
.LBB2_12:
0xa5: {  	p0 =	sne.s32 s13, $0x7E0;
	v0 =	vmax.f32 v0, $0.0e+00;
	s0 =	sadd.s32 $0x80, s0;
	s1 =	sadd.s32 $0x80, s1  }
0xa6: {  	[tilespmem:s14+$0x10] =	vst v0;
	s14 =	smov.u32 s13;
	s13 =	sadd.s32 $0x20, s13  }
0xa7: {  	v0 =	vld [tilespmem:s1+$0xFFFFFFF0]  }
0xa8: {  	v1 =	vld [tilespmem:s0+$0xFFFFFFF0];
	_ =	sdelay $0x4  }
0xa9: {  	v0 =	vadd.f32 v1, v0;
	_ =	sdelay $0x1  }
0xaa: {  	s14 =	sand.u32 $0x7E0, s14;
	v0 =	vmax.f32 v0, $0.0e+00  }
0xab: {  	[tilespmem:s14+$0x11F00] =	vst v0  }
0xac: {  	v0 =	vld [tilespmem:s1+$0x0]  }
0xad: {  	v1 =	vld [tilespmem:s0+$0x0];
	_ =	sdelay $0x1  }
.Ltmp9:
0xae: {  	(pc) =	sbr.rel @p0 .LBB2_12-.Ltmp9, $3  }
0xaf: {  	_ =	sdelay $0x1  }
0xb0: {  	v0 =	vadd.f32 v1, v0  }
0xb1: {  	s14 =	sadd.s32 $0x11F00, s14  }
.Ltmp10:
0xb2: {  	s0 =	sadd.s32 s3, s31;
	(pc) =	sbr.rel .LBB2_14-.Ltmp10, $4  }
0xb3: {  	s0 =	sshll.u32 s0, $0x8  }
0xb4: {  	v0 =	vmax.f32 v0, $0.0e+00;
	s0 =	sand.u32 $0x1FFFFF00, s0  }
0xb5: {  	[tilespmem:s14+$0x10] =	vst v0;
	s0 =	sadd.s32 s6, s0  }
0xb6: {  	[hbm4b:s0+s2] =	stream.linear.scatter [tilespmem:s23], [sflag:$0x6], $0x800, $0x38;
	[tilespmem:$0x12700] =	vst v63  }
.LBB2_16:
0xb7: {  	_ =	sfence.sel $0x180000  }
0xb8: {  	[bflag:$0x0] =	sbarrier.arrive $0xFFFF  }
0xb9: {  	_ =	strace $0x90000047  }
0xba: {  	s0 =	stileid.u32;
	[bflag:$0x2] =	sbarrier.arrive $0xFFFF  }
0xbb: {  	p0 =	sne.s32 s0, $0x0;
	s0 =	rddreg [dreg:$0x1]  }
0xbc: {  	s0 =	sadd.s32 @!p0 $0x100000, s0  }
0xbd: {  	[sflag:s0] =	ssyncadd.tile.s32 @!p0 $0x1;
	_ =	shalt  }
.Lfunc_end2:
_tile_overlayer_lowered:
.L_overlay_start_2:
0xbe: {  	(tag) =	ssettag $0x2  }
0xbf: {  	s0 =	rddreg [dreg:$0x0];
	s2 =	stileid.u32  }
0xc0: {  	s1 =	rddreg [dreg:$0x1];
	p0 =	sne.s32 s2, $0x0  }
0xc1: {  	s3 =	rddreg [dreg:$0x2];
	[bflag:$0x3] =	sbarrier.arrive $0xFFFF;
	s2 =	simm.s32 @!p0 $0x1C07  }
0xc2: {  	[timem:s3], [sflag:s2] =	dma.local @!p0 [hbm:s0], s1  }
0xc3: {  	s0 =	simm.s32 @!p0 $0x7  }
0xc4: {  	_ =	swait.ge @!p0 [sflag:s0], s1  }
0xc5: {  	s1 =	ssub.s32 @!p0 $0x0, s1;
	[sflag:s0] =	ssyncset.done @!p0 $0x0  }
0xc6: {  	[sflag:s0] =	ssyncadd.s32 @!p0 s1  }
0xc7: {  	[bflag:$0x3] =	sbarrier.arrive $0xFFFF  }
0xc8: {  	_ =	shalt  }

// kernel: kernel.13.cloned.1.call-start
scs
__scs_entry_jumppad:
0x0: {  	(pc) =	sbr.rel $0x88, $3  }
0x1: {  	(tag) =	ssettag $0x0;
	lr =	simm.s32 $0x1  }
0x2: {  	[smem:$0x3F8F] =	sst lr;
	_ =	strace $0xD0000000  }
0x3: {  	_ = 	snop  }
0x4: {  	_ = 	snop  }
0x5: {  	_ = 	snop  }
0x6: {  	_ = 	snop  }
0x7: {  	_ = 	snop  }
__scs_overlays_trampoline_lowered:
0x8: {  	[smem:$0x3F9E] =	sst s0  }
0x9: {  	[smem:$0x3F9F] =	sst s1  }
0xa: {  	[smem:$0x3FA0] =	sst s2  }
0xb: {  	[smem:$0x3FA1] =	sst s3  }
0xc: {  	[smem:$0x3FA2] =	sst s4  }
0xd: {  	[smem:$0x3FA3] =	sst s5  }
0xe: {  	[smem:$0x3FA4] =	sst s6  }
0xf: {  	[smem:$0x3FA5] =	sst s7  }
0x10: {  	[smem:$0x3FA6] =	sst s8  }
0x11: {  	[smem:$0x3FA7] =	sst s9;
	s0 =	simm.s32 @!p0 $0x0  }
0x12: {  	s1 =	sld [smem:$0x3F8D];
	s0 =	simm.s32 @p0 $0x1  }
0x13: {  	[smem:$0x3FA8] =	sst s0;
	s0 =	simm.s32 @!p1 $0x0  }
0x14: {  	s2 =	sld [smem:$0x3F8C];
	s0 =	simm.s32 @p1 $0x1  }
0x15: {  	[smem:$0x3FA9] =	sst s0;
	s0 =	simm.s32 @!p2 $0x0  }
0x16: {  	s3 =	sld [smem:$0x3FDB];
	s0 =	simm.s32 @p2 $0x1  }
0x17: {  	s4 =	simm.s32 $0x1BF5;
	[smem:$0x3FAB] =	sst s0  }
0x18: {  	s0 =	sld [smem:$0x3F8E];
	_ =	swait.ge [sflag:s4], $0x0  }
0x19: {  	s7 =	sld [smem:$0x3F8F]  }
0x1a: {  	s8 =	sadd.s32 $0xFFFFE003, lr  }
0x1b: {  	s9 =	sadd.s32 $0xFFFFFEF7, lr;
	s5 =	simm.s32 $0xFFFFFFFF;
	p2 =	slt.u32 s8, $0xFFFFF086  }
0x1c: {  	p1 =	slt.u32 s9, $0xF7A;
	s5 =	simm.s32 @!p2 $0x0  }
0x1d: {  	s5 =	simm.s32 @p1 $0x1;
	p0 =	seq.s32 s7, s2  }
0x1e: {  	s7 =	smul.u32 @!p0 $0xF7A, s2;
	p2 =	seq.s32 @!p0 s5, $0x0  }
0x1f: {  	s9 =	smul.u32 $0xF7A, s1;
	s8 =	simm.s32 @!p0 $0x1BF5;
	p2 =	por !p2, p0  }
0x20: {  	[sflag:s8] =	ssyncset.s32 @!p0 $0xFFFFF086;
	s6 =	sadd.s32 @!p0 s3, s7;
	s7 =	simm.s32 @!p0 $0x108  }
0x21: {  	s3 =	sadd.s32 s3, s9;
	s6 =	sadd.s32 @!p0 $0x88, s6;
	s7 =	simm.s32 @p2 $0x1082  }
0x22: {  	[simem:s7], [sflag:s8] =	dma.local @!p0 [hbm:s6], $0xF7A  }
0x23: {  	s9 =	sor.u32 $0xD0000000, s2;
	s6 =	simm.s32 $0x108;
	_ =	swait.ge @!p0 [sflag:s8], $0x0  }
0x24: {  	s3 =	sadd.s32 $0x88, s3;
	s6 =	simm.s32 @!p1 $0x1082;
	[sflag:s4] =	ssyncset.s32 $0xFFFFF086  }
0x25: {  	[simem:s6], [sflag:s4] =	dma.local [hbm:s3], $0xF7A  }
0x26: {  	[smem:$0x3F8F] =	sst s1;
	(tag) =	ssettag s2;
	_ =	strace s9  }
0x27: {  	s1 =	sld [smem:$0x3F9F]  }
0x28: {  	s2 =	sld [smem:$0x3FA0]  }
0x29: {  	s4 =	sld [smem:$0x3FA2]  }
0x2a: {  	p0 =	seq.s32 s5, $0x0;
	s5 =	sld [smem:$0x3FA3]  }
0x2b: {  	s6 =	sld [smem:$0x3FA4]  }
0x2c: {  	s7 =	sld [smem:$0x3FA5]  }
0x2d: {  	s3 =	simm.s32 $0x108;
	s8 =	sld [smem:$0x3FA6]  }
0x2e: {  	s3 =	simm.s32 @!p0 $0x1082;
	s9 =	sld [smem:$0x3FA7]  }
0x2f: {  	lr =	sadd.s32 s0, s3;
	s0 =	sld [smem:$0x3F9E]  }
0x30: {  	s3 =	sld [smem:$0x3FA1]  }
0x31: {  	[smem:$0x3FAA] =	sst s10  }
0x32: {  	s10 =	sld [smem:$0x3FA8];
	_ =	sdelay $0x3  }
0x33: {  	p0 =	seq.s32 s10, $0x1;
	s10 =	sld [smem:$0x3FAA];
	_ =	sdelay $0x3  }
0x34: {  	[smem:$0x3FAA] =	sst s10  }
0x35: {  	s10 =	sld [smem:$0x3FA9];
	_ =	sdelay $0x3  }
0x36: {  	p1 =	seq.s32 s10, $0x1;
	s10 =	sld [smem:$0x3FAA];
	_ =	sdelay $0x3  }
0x37: {  	[smem:$0x3FAA] =	sst s10  }
0x38: {  	s10 =	sld [smem:$0x3FAB]  }
0x39: {  	_ = 	snop;
	(pc) =	sbr.ind lr, $3  }
0x3a: {  	_ = 	snop  }
0x3b: {  	_ = 	snop  }
0x3c: {  	p2 =	seq.s32 s10, $0x1;
	s10 =	sld [smem:$0x3FAA]  }
0x3d: {  	_ =	shalt  }
0x3e: {  	_ =	shalt  }
0x3f: {  	_ =	shalt  }
0x40: {  	_ =	shalt  }
0x41: {  	_ =	shalt  }
0x42: {  	_ =	shalt  }
0x43: {  	_ =	shalt  }
0x44: {  	_ =	shalt  }
0x45: {  	_ =	shalt  }
0x46: {  	_ =	shalt  }
0x47: {  	_ =	shalt  }
0x48: {  	_ =	shalt  }
0x49: {  	_ =	shalt  }
0x4a: {  	_ =	shalt  }
0x4b: {  	_ =	shalt  }
0x4c: {  	_ =	shalt  }
0x4d: {  	_ =	shalt  }
0x4e: {  	_ =	shalt  }
0x4f: {  	_ =	shalt  }
0x50: {  	_ =	shalt  }
0x51: {  	_ =	shalt  }
0x52: {  	_ =	shalt  }
0x53: {  	_ =	shalt  }
0x54: {  	_ =	shalt  }
0x55: {  	_ =	shalt  }
0x56: {  	_ =	shalt  }
0x57: {  	_ =	shalt  }
0x58: {  	_ =	shalt  }
0x59: {  	_ =	shalt  }
0x5a: {  	_ =	shalt  }
0x5b: {  	_ =	shalt  }
0x5c: {  	_ =	shalt  }
0x5d: {  	_ =	shalt  }
0x5e: {  	_ =	shalt  }
0x5f: {  	_ =	shalt  }
0x60: {  	_ =	shalt  }
0x61: {  	_ =	shalt  }
0x62: {  	_ =	shalt  }
0x63: {  	_ =	shalt  }
0x64: {  	_ =	shalt  }
0x65: {  	_ =	shalt  }
0x66: {  	_ =	shalt  }
0x67: {  	_ =	shalt  }
0x68: {  	_ =	shalt  }
0x69: {  	_ =	shalt  }
0x6a: {  	_ =	shalt  }
0x6b: {  	_ =	shalt  }
0x6c: {  	_ =	shalt  }
0x6d: {  	_ =	shalt  }
0x6e: {  	_ =	shalt  }
0x6f: {  	_ =	shalt  }
0x70: {  	_ =	shalt  }
0x71: {  	_ =	shalt  }
0x72: {  	_ =	shalt  }
0x73: {  	_ =	shalt  }
0x74: {  	_ =	shalt  }
0x75: {  	_ =	shalt  }
0x76: {  	_ =	shalt  }
0x77: {  	_ =	shalt  }
0x78: {  	_ =	shalt  }
0x79: {  	_ =	shalt  }
0x7a: {  	_ =	shalt  }
0x7b: {  	_ =	shalt  }
0x7c: {  	_ =	shalt  }
0x7d: {  	_ =	shalt  }
0x7e: {  	_ =	shalt  }
0x7f: {  	_ =	shalt  }
0x80: {  	_ =	shalt  }
0x81: {  	_ =	shalt  }
0x82: {  	_ =	shalt  }
0x83: {  	_ =	shalt  }
0x84: {  	_ =	shalt  }
0x85: {  	_ =	shalt  }
0x86: {  	_ =	shalt  }
0x87: {  	_ =	shalt  }
.Lfunc_end0:
.L_simem_size_0:
called_computation.1_lowered:
.L_overlay_start_0:
0x88: {  	s2 =	sld [smem:$0x3FD9]  }
0x89: {  	s3 =	sld [smem:$0x3FFE];
	_ =	sdelay $0x1  }
0x8a: {  	s1 =	srdreg.scid  }
0x8b: {  	s0 =	sand.u32 $0x1, s1  }
0x8c: {  	s17 =	sshll.u32 s0, $0xA;
	s2 =	sadd.s32 s3, s2  }
0x8d: {  	s2 =	sadd.s32 s2, s17  }
0x8e: {  	[smem:$0x3FB6] =	sst s2  }
0x8f: {  	_ = 	snop  }
0x90: {  	s18 =	sld [smem:$0x3FD0];
	(tm) =	ssettm $0x1  }
0x91: {  	s19 =	sld [smem:$0x3FFB];
	_ =	sdelay $0x3  }
0x92: {  	_ =	strace s19  }
0x93: {  	s2 =	sld [smem:$0x3FFC];
	_ =	sdelay $0x3  }
0x94: {  	_ =	strace s2  }
0x95: {  	s2 =	sld [smem:$0x3FFD];
	_ =	sdelay $0x3  }
0x96: {  	_ =	strace s2  }
0x97: {  	_ =	strace $0x8FFFFFFF  }
0x98: {  	s20 =	sld [smem:$0x3FDB];
	_ =	sdelay $0x1  }
0x99: {  	s4 =	simm.s32 $_scs_section_size  }
0x9a: {  	s5 =	simm.s32 $_size__tile_overlayer_lowered;
	s6 =	simm.s32 $_tile_overlayer_lowered  }
0x9b: {  	s7 =	simm.s32 $0x1BFF;
	s21 =	sshll.u32 s6, $0x1;
	s4 =	sadd.s32 s4, s20  }
0x9c: {  	s22 =	simm.s32 $0x0;
	s5 =	sshll.u32 s5, $0x1;
	s6 =	sadd.s32 s21, s4  }
0x9d: {  	[timem:s22], [sflag:s7] =	dma.local [hbm:s6], s5  }
0x9e: {  	_ =	swait.ge [sflag:s7], s5  }
0x9f: {  	s5 =	ssub.s32 $0x0, s5;
	[sflag:s7] =	ssyncset.done $0x0  }
0xa0: {  	[sflag:s7] =	ssyncadd.s32 s5;
	_ =	sdelay $0x1  }
0xa1: {  	s23 =	simm.s32 $0x1B8B  }
0xa2: {  	_ =	swait.ge [sflag:s23], $0x1  }
0xa3: {  	[sflag:s23] =	ssyncset.done $0x0  }
0xa4: {  	[sflag:s23] =	ssyncadd.s32 $0xFFFFFFFF  }
0xa5: {  	s5 =	sld [smem:$0x0]  }
0xa6: {  	s6 =	sand.u32 $0xFFFFFFFE, s1  }
0xa7: {  	p0 =	sne.s32 s1, s6  }
0xa8: {  	s6 =	sshll.u32 @p0 s6, $0xE  }
0xa9: {  	s6 =	sadd.s32 @p0 $0x11B8D, s6;
	s7 =	sshll.u32 @p0 s5, $0x11  }
0xaa: {  	s6 =	sor.u32 @p0 s7, s6  }
0xab: {  	[sflag:s6] =	ssyncadd.remote.s32 @p0 $0x1;
	_ =	sdelay $0x1  }
0xac: {  	s6 =	simm.s32 @p0 $0x1B8D  }
0xad: {  	_ =	swait.eq @p0 [sflag:s6], $0x1  }
0xae: {  	[sflag:s6] =	ssyncadd.s32 @p0 $0xFFFFFFFF  }
0xaf: {  	s7 =	sshll.u32 @!p0 s1, $0xE  }
0xb0: {  	s7 =	sor.u32 @!p0 $0x4000, s7;
	s6 =	simm.s32 @!p0 $0x1B8D  }
0xb1: {  	s5 =	sshll.u32 @!p0 s5, $0x11;
	s7 =	sadd.s32 @!p0 $0x11B8D, s7;
	_ =	swait.eq @!p0 [sflag:s6], $0x1  }
0xb2: {  	s5 =	sor.u32 @!p0 s5, s7;
	[sflag:s6] =	ssyncadd.s32 @!p0 $0xFFFFFFFF  }
0xb3: {  	s25 =	simm.s32 $0x1B8E;
	s24 =	sld [smem:$0x3FFE];
	[sflag:s5] =	ssyncadd.remote.s32 @!p0 $0x1  }
0xb4: {  	s26 =	simm.s32 $execute0_lowered;
	[smem:$0x3FD2] =	sst s25  }
0xb5: {  	s6 =	sshll.u32 s26, $0x1;
	_ =	strace $0x80000049;
	[dreg:$0x1] =	wrdreg $0xFFFFFFFF  }
0xb6: {  	s28 =	simm.s32 $_size_execute0_lowered;
	s4 =	sadd.s32 s4, s6;
	[dreg:$0x0] =	wrdreg $0x0  }
0xb7: {  	s6 =	sshll.u32 s28, $0x1;
	[dreg:$0x2] =	wrdreg s4  }
0xb8: {  	[dreg:$0x3] =	wrdreg s6  }
0xb9: {  	[dreg:$0x4] =	wrdreg $0xC0  }
0xba: {  	_ =	task [dreg:s22], $0x5FFFF  }
0xbb: {  	[dreg:$0x1] =	wrdreg $0xFFFFFFFF  }
0xbc: {  	[dreg:$0x0] =	wrdreg $0x60  }
0xbd: {  	[dreg:$0x2] =	wrdreg s18  }
0xbe: {  	[dreg:$0x3] =	wrdreg s24  }
0xbf: {  	[dreg:$0x4] =	wrdreg $0x9  }
0xc0: {  	_ =	task.clear_ibuf [dreg:s22], $0x5FFFF;
	_ =	strace $0x90000049  }
0xc1: {  	s29 =	simm.s32 $0x9;
	_ =	strace $0x8000004B  }
0xc2: {  	_ =	swait.ge [sflag:s29], $0x1  }
0xc3: {  	[sflag:s29] =	ssyncadd.s32 $0xFFFFFFFF  }
0xc4: {  	_ =	strace $0x9000004B  }
0xc5: {  	_ =	sfence  }
0xc6: {  	s30 =	sld [smem:$0x0];
	_ =	sdelay $0x2  }
0xc7: {  	s31 =	sshll.u32 s1, $0xD;
	s1 =	sshrl.u32 s1, $0x2  }
0xc8: {  	s4 =	sand.u32 $0x4000, s31;
	s1 =	sadd.s32 s1, s30  }
0xc9: {  	s0 =	sor.u32 s4, s0;
	s1 =	sshll.u32 s1, $0x11  }
0xca: {  	s0 =	sor.u32 s1, s0  }
0xcb: {  	s0 =	sadd.s32 $0x8F2B, s0  }
0xcc: {  	[sflag:s0] =	ssyncadd.remote.s32 $0x1  }
0xcd: {  	_ =	sfence.sel $0xFFFF  }
0xce: {  	[dreg:$0x0] =	wrdreg $0xFFFFFFFF;
	(pc) =	sbr.abs _section_cstart, $3  }
0xcf: {  	[dreg:$0x1] =	wrdreg $0xFFFFFFFF  }
0xd0: {  	_ =	task.clear_ibuf [dreg:s22], $0x2FFFF;
	_ =	strace $0x9FFFFFFF  }
0xd1: {  	(tm) =	ssettm $0x7FFFFFFF  }
tec
execute0_lowered:
.L_overlay_start_1:
0x0: {  	(tag) =	ssettag $0x1  }
0x1: {  	s0 =	srdreg.scid  }
0x2: {  	s5 =	stileid.u32;
	s2 =	rddreg [dreg:$0x0]  }
0x3: {  	s6 =	rddreg [dreg:$0x1];
	s3 =	simm.s32 $0x0;
	s10 =	simm.s32 $0x7  }
0x4: {  	s11 =	simm.s32 $0x2780;
	s12 =	simm.s32 $0x40;
	s15 =	simm.s32 $0x6F00  }
0x5: {  	s16 =	simm.s32 $0x27C0;
	s17 =	simm.s32 $0xCF00;
	s18 =	simm.s32 $0x1  }
0x6: {  	s19 =	simm.s32 $0x10F00;
	s20 =	simm.s32 $0x2;
	s21 =	simm.s32 $0x11700  }
0x7: {  	s22 =	simm.s32 $0x3;
	s23 =	simm.s32 $0x11F00;
	s24 =	simm.s32 $0x4  }
0x8: {  	s25 =	simm.s32 $0x5;
	s0 =	sand.u32 $0x1, s0;
	s1 =	sshll.u32 s5, $0x1  }
0x9: {  	s26 =	simm.s32 $0x6;
	s28 =	simm.s32 $0x0;
	s1 =	sor.u32 s0, s1  }
0xa: {  	[smem:$0x7FF] =	sst s3;
	p0 =	slt.u32 s5, $0x4;
	s4 =	smul.u32 $0x9C, s1  }
.Ltmp0:
0xb: {  	s5 =	simm.s32 $0x9D;
	s1 =	smin.u32 s1, $0x8;
	(pc) =	sbr.rel .LBB2_1-.Ltmp0, $4  }
0xc: {  	_ =	strace $0x8000004A;
	s0 =	ssub.s32 $0x2, s0;
	s4 =	sadd.s32 s1, s4  }
0xd: {  	s5 =	simm.s32 @!p0 $0x9C;
	s7 =	sshrl.u32 s0, $0x1;
	s1 =	sshll.u32 s4, $0x3  }
0xe: {  	s0 =	ssub.s32 s0, s7;
	s1 =	sadd.s32 s1, s6;
	s6 =	sadd.s32 $0x194E00, s6  }
0xf: {  	s9 =	smax.u32 s0, $0x1;
	s7 =	sadd.s32 $0x18B000, s1;
	s8 =	sadd.s32 $0x181200, s1  }
.LBB2_15:
0x10: {  	_ =	swait.ge [sflag:s24], $0x800  }
0x11: {  	[sflag:s24] =	ssyncset.done $0x0  }
0x12: {  	s28 =	sadd.s32 $0x1, s28;
	[sflag:s24] =	ssyncadd.s32 $0xFFFFF800  }
0x13: {  	p0 =	sne.s32 s28, s9;
	_ =	swait.ge [sflag:s25], $0x800  }
.Ltmp1:
0x14: {  	[sflag:s25] =	ssyncset.done $0x0;
	(pc) =	sbr.rel @!p0 .LBB2_16-.Ltmp1, $4  }
0x15: {  	[sflag:s25] =	ssyncadd.s32 $0xFFFFF800  }
0x16: {  	_ =	swait.ge [sflag:s26], $0x800  }
0x17: {  	[sflag:s26] =	ssyncset.done $0x0  }
0x18: {  	[sflag:s26] =	ssyncadd.s32 $0xFFFFF800  }
.LBB2_1:
0x19: {  	[tilespmem:s3], [sflag:$0x7] =	stream.linear.gather [hbm4b:s7+s3], $0x2740, $0x38;
	[tilespmem:$0x12700] =	vst v63  }
0x1a: {  	_ =	swait.ge [sflag:s10], $0x2740  }
0x1b: {  	[sflag:s10] =	ssyncset.done $0x0  }
0x1c: {  	[sflag:s10] =	ssyncadd.s32 $0xFFFFD8C0  }
0x1d: {  	[tilespmem:s11], [sflag:$0x7] =	stream.linear.gather [hbm4b:s8+s3], $0x2740, $0x38;
	[tilespmem:$0x12700] =	vst v63  }
0x1e: {  	_ =	swait.ge [sflag:s10], $0x2740  }
0x1f: {  	[sflag:s10] =	ssyncset.done $0x0  }
0x20: {  	s0 =	simm.s32 $0x4F00;
	[sflag:s10] =	ssyncadd.s32 $0xFFFFD8C0  }
0x21: {  	[tilespmem:s0], [sflag:$0x1] =	stream.indirect.gather [hbm4b:s2+s12], $0x80, s3, s12, $0xb8;
	[tilespmem:$0x12700] =	vst v63  }
0x22: {  	s31 =	simm.s32 $0xAF00  }
0x23: {  	[tilespmem:s31], [sflag:$0x1] =	stream.indirect.gather [hbm4b:s2+s12], $0x80, s11, s12, $0xb8;
	[tilespmem:$0x12700] =	vst v63  }
.Ltmp2:
0x24: {  	_ = 	snop;
	(pc) =	sbr.rel .LBB2_2-.Ltmp2, $4  }
0x25: {  	_ = 	snop  }
0x26: {  	[tilespmem:s15], [sflag:$0x2] =	stream.indirect.gather [hbm4b:s2+s12], $0x80, s12, s12, $0xb8;
	[tilespmem:$0x12700] =	vst v63  }
0x27: {  	s29 =	simm.s32 $0x0  }
0x28: {  	[tilespmem:s17], [sflag:$0x2] =	stream.indirect.gather [hbm4b:s2+s12], $0x80, s16, s12, $0xb8;
	[tilespmem:$0x12700] =	vst v63  }
.LBB2_14:
0x29: {  	s29 =	sadd.s32 $0x1, s29  }
0x2a: {  	p0 =	sne.s32 s29, $0x35  }
.Ltmp3:
0x2b: {  	_ = 	snop;
	(pc) =	sbr.rel @!p0 .LBB2_15-.Ltmp3, $1  }
0x2c: {  	_ =	sdelay $0x3  }
.LBB2_2:
0x2d: {  	s30 =	smul.u32 $0x3, s29;
	_ =	sdelay $0x1  }
0x2e: {  	p0 =	sge.u32 s30, s5  }
.Ltmp4:
0x2f: {  	_ = 	snop;
	(pc) =	sbr.rel @p0 .LBB2_6-.Ltmp4, $1  }
0x30: {  	_ =	sdelay $0x3  }
0x31: {  	_ =	swait.ge [sflag:s18], $0x2000  }
0x32: {  	[sflag:s18] =	ssyncset.done $0x0  }
0x33: {  	s0 =	sadd.s32 $0x2, s30;
	[sflag:s18] =	ssyncadd.s32 $0xFFFFE000  }
0x34: {  	p0 =	sge.u32 s0, s5;
	_ =	swait.ge [sflag:s18], $0x2000  }
0x35: {  	s0 =	sshll.u32 @!p0 s0, $0x6;
	[sflag:s18] =	ssyncset.done $0x0  }
0x36: {  	s1 =	simm.s32 @!p0 $0x40;
	s13 =	simm.s32 @!p0 $0x8F00;
	[sflag:s18] =	ssyncadd.s32 $0xFFFFE000  }
0x37: {  	[tilespmem:s13], [sflag:$0x3] =	stream.indirect.gather @!p0 [hbm4b:s2+s1], $0x80, s0, s1, $0xb8;
	[tilespmem:$0x12700] =	vst v63  }
0x38: {  	s0 =	sadd.s32 @!p0 $0x2780, s0;
	s13 =	simm.s32 @!p0 $0xEF00  }
0x39: {  	[tilespmem:s13], [sflag:$0x3] =	stream.indirect.gather @!p0 [hbm4b:s2+s1], $0x80, s0, s1, $0xb8;
	[tilespmem:$0x12700] =	vst v63  }
0x3a: {  	p0 =	seq.s32 s29, $0x0  }
0x3b: {  	s0 =	simm.s32 @!p0 $0x4  }
0x3c: {  	_ =	swait.ge @!p0 [sflag:s0], $0x800  }
0x3d: {  	[sflag:s0] =	ssyncset.done @!p0 $0x0  }
0x3e: {  	s31 =	simm.s32 $0x4F10;
	[sflag:s0] =	ssyncadd.s32 @!p0 $0xFFFFF800  }
0x3f: {  	s1 =	simm.s32 $0xAF30;
	v0 =	vld [tilespmem:s31+$0xFFFFFFF0]  }
0x40: {  	v1 =	vld [tilespmem:s1+$0xFFFFFFF0];
	_ =	sdelay $0x4  }
0x41: {  	v0 =	vadd.f32 v1, v0  }
0x42: {  	s13 =	simm.s32 $0x0  }
0x43: {  	s14 =	sand.u32 $0x7E0, s13;
	v0 =	vmax.f32 v0, $0.0e+00  }
0x44: {  	[tilespmem:s14+$0x10F00] =	vst v0  }
0x45: {  	v0 =	vld [tilespmem:s31+$0x0]  }
0x46: {  	v1 =	vld [tilespmem:s1+$0x0];
	_ =	sdelay $0x4  }
0x47: {  	v0 =	vadd.f32 v1, v0  }
0x48: {  	s13 =	sadd.s32 $0x10F00, s14;
	s0 =	simm.s32 $0x20  }
.LBB2_4:
0x49: {  	p0 =	sne.s32 s0, $0x7E0;
	v0 =	vmax.f32 v0, $0.0e+00;
	s1 =	sadd.s32 $0x80, s1;
	s31 =	sadd.s32 $0x80, s31  }
0x4a: {  	[tilespmem:s13+$0x10] =	vst v0;
	s13 =	smov.u32 s0;
	s0 =	sadd.s32 $0x20, s0  }
0x4b: {  	v0 =	vld [tilespmem:s31+$0xFFFFFFF0]  }
0x4c: {  	v1 =	vld [tilespmem:s1+$0xFFFFFFF0];
	_ =	sdelay $0x4  }
0x4d: {  	v0 =	vadd.f32 v1, v0;
	_ =	sdelay $0x1  }
0x4e: {  	s13 =	sand.u32 $0x7E0, s13;
	v0 =	vmax.f32 v0, $0.0e+00  }
0x4f: {  	[tilespmem:s13+$0x10F00] =	vst v0  }
0x50: {  	v0 =	vld [tilespmem:s31+$0x0]  }
0x51: {  	v1 =	vld [tilespmem:s1+$0x0];
	_ =	sdelay $0x1  }
.Ltmp5:
0x52: {  	(pc) =	sbr.rel @p0 .LBB2_4-.Ltmp5, $3  }
0x53: {  	_ =	sdelay $0x1  }
0x54: {  	v0 =	vadd.f32 v1, v0  }
0x55: {  	s13 =	sadd.s32 $0x10F00, s13  }
0x56: {  	s0 =	sadd.s32 s4, s30  }
0x57: {  	s0 =	sshll.u32 s0, $0x8  }
0x58: {  	v0 =	vmax.f32 v0, $0.0e+00;
	s0 =	sand.u32 $0x1FFFFF00, s0  }
0x59: {  	[tilespmem:s13+$0x10] =	vst v0;
	s0 =	sadd.s32 s6, s0  }
0x5a: {  	[hbm4b:s0+s3] =	stream.linear.scatter [tilespmem:s19], [sflag:$0x4], $0x800, $0x38;
	[tilespmem:$0x12700] =	vst v63  }
.LBB2_6:
0x5b: {  	s31 =	sadd.s32 $0x1, s30  }
0x5c: {  	p0 =	sge.u32 s31, s5  }
.Ltmp6:
0x5d: {  	_ = 	snop;
	(pc) =	sbr.rel @p0 .LBB2_10-.Ltmp6, $1  }
0x5e: {  	_ =	sdelay $0x3  }
0x5f: {  	_ =	swait.ge [sflag:s20], $0x2000  }
0x60: {  	[sflag:s20] =	ssyncset.done $0x0  }
0x61: {  	s0 =	sadd.s32 $0x3, s30;
	[sflag:s20] =	ssyncadd.s32 $0xFFFFE000  }
0x62: {  	p0 =	sge.u32 s0, s5;
	_ =	swait.ge [sflag:s20], $0x2000  }
0x63: {  	s0 =	sshll.u32 @!p0 s0, $0x6;
	[sflag:s20] =	ssyncset.done $0x0  }
0x64: {  	s1 =	simm.s32 @!p0 $0x40;
	s13 =	simm.s32 @!p0 $0x4F00;
	[sflag:s20] =	ssyncadd.s32 $0xFFFFE000  }
0x65: {  	[tilespmem:s13], [sflag:$0x1] =	stream.indirect.gather @!p0 [hbm4b:s2+s1], $0x80, s0, s1, $0xb8;
	[tilespmem:$0x12700] =	vst v63  }
0x66: {  	s0 =	sadd.s32 @!p0 $0x2780, s0;
	s13 =	simm.s32 @!p0 $0xAF00  }
0x67: {  	[tilespmem:s13], [sflag:$0x1] =	stream.indirect.gather @!p0 [hbm4b:s2+s1], $0x80, s0, s1, $0xb8;
	[tilespmem:$0x12700] =	vst v63  }
0x68: {  	p0 =	seq.s32 s29, $0x0  }
0x69: {  	s0 =	simm.s32 @!p0 $0x5  }
0x6a: {  	_ =	swait.ge @!p0 [sflag:s0], $0x800  }
0x6b: {  	[sflag:s0] =	ssyncset.done @!p0 $0x0  }
0x6c: {  	s1 =	simm.s32 $0x6F10;
	[sflag:s0] =	ssyncadd.s32 @!p0 $0xFFFFF800  }
0x6d: {  	s0 =	simm.s32 $0xCF30;
	v0 =	vld [tilespmem:s1+$0xFFFFFFF0]  }
0x6e: {  	v1 =	vld [tilespmem:s0+$0xFFFFFFF0];
	_ =	sdelay $0x4  }
0x6f: {  	v0 =	vadd.f32 v1, v0  }
0x70: {  	s14 =	simm.s32 $0x0  }
0x71: {  	s14 =	sand.u32 $0x7E0, s14;
	v0 =	vmax.f32 v0, $0.0e+00  }
0x72: {  	[tilespmem:s14+$0x11700] =	vst v0  }
0x73: {  	v0 =	vld [tilespmem:s1+$0x0]  }
0x74: {  	v1 =	vld [tilespmem:s0+$0x0];
	_ =	sdelay $0x4  }
0x75: {  	v0 =	vadd.f32 v1, v0  }
0x76: {  	s13 =	simm.s32 $0x20;
	s14 =	sadd.s32 $0x11700, s14  }
.LBB2_8:
0x77: {  	p0 =	sne.s32 s13, $0x7E0;
	v0 =	vmax.f32 v0, $0.0e+00;
	s0 =	sadd.s32 $0x80, s0;
	s1 =	sadd.s32 $0x80, s1  }
0x78: {  	[tilespmem:s14+$0x10] =	vst v0;
	s14 =	smov.u32 s13;
	s13 =	sadd.s32 $0x20, s13  }
0x79: {  	v0 =	vld [tilespmem:s1+$0xFFFFFFF0]  }
0x7a: {  	v1 =	vld [tilespmem:s0+$0xFFFFFFF0];
	_ =	sdelay $0x4  }
0x7b: {  	v0 =	vadd.f32 v1, v0;
	_ =	sdelay $0x1  }
0x7c: {  	s14 =	sand.u32 $0x7E0, s14;
	v0 =	vmax.f32 v0, $0.0e+00  }
0x7d: {  	[tilespmem:s14+$0x11700] =	vst v0  }
0x7e: {  	v0 =	vld [tilespmem:s1+$0x0]  }
0x7f: {  	v1 =	vld [tilespmem:s0+$0x0];
	_ =	sdelay $0x1  }
.Ltmp7:
0x80: {  	(pc) =	sbr.rel @p0 .LBB2_8-.Ltmp7, $3  }
0x81: {  	_ =	sdelay $0x1  }
0x82: {  	v0 =	vadd.f32 v1, v0  }
0x83: {  	s14 =	sadd.s32 $0x11700, s14  }
0x84: {  	s0 =	sadd.s32 s4, s31  }
0x85: {  	s0 =	sshll.u32 s0, $0x8  }
0x86: {  	v0 =	vmax.f32 v0, $0.0e+00;
	s0 =	sand.u32 $0x1FFFFF00, s0  }
0x87: {  	[tilespmem:s14+$0x10] =	vst v0;
	s0 =	sadd.s32 s6, s0  }
0x88: {  	[hbm4b:s0+s3] =	stream.linear.scatter [tilespmem:s21], [sflag:$0x5], $0x800, $0x38;
	[tilespmem:$0x12700] =	vst v63  }
.LBB2_10:
0x89: {  	s31 =	sadd.s32 $0x2, s30  }
0x8a: {  	p0 =	sge.u32 s31, s5  }
.Ltmp8:
0x8b: {  	_ = 	snop;
	(pc) =	sbr.rel @p0 .LBB2_14-.Ltmp8, $1  }
0x8c: {  	_ =	sdelay $0x3  }
0x8d: {  	_ =	swait.ge [sflag:s22], $0x2000  }
0x8e: {  	[sflag:s22] =	ssyncset.done $0x0  }
0x8f: {  	s0 =	sadd.s32 $0x4, s30;
	[sflag:s22] =	ssyncadd.s32 $0xFFFFE000  }
0x90: {  	p0 =	sge.u32 s0, s5;
	_ =	swait.ge [sflag:s22], $0x2000  }
0x91: {  	s0 =	sshll.u32 @!p0 s0, $0x6;
	[sflag:s22] =	ssyncset.done $0x0  }
0x92: {  	s1 =	simm.s32 @!p0 $0x40;
	s13 =	simm.s32 @!p0 $0x6F00;
	[sflag:s22] =	ssyncadd.s32 $0xFFFFE000  }
0x93: {  	[tilespmem:s13], [sflag:$0x2] =	stream.indirect.gather @!p0 [hbm4b:s2+s1], $0x80, s0, s1, $0xb8;
	[tilespmem:$0x12700] =	vst v63  }
0x94: {  	s0 =	sadd.s32 @!p0 $0x2780, s0;
	s13 =	simm.s32 @!p0 $0xCF00  }
0x95: {  	[tilespmem:s13], [sflag:$0x2] =	stream.indirect.gather @!p0 [hbm4b:s2+s1], $0x80, s0, s1, $0xb8;
	[tilespmem:$0x12700] =	vst v63  }
0x96: {  	p0 =	seq.s32 s29, $0x0  }
0x97: {  	s0 =	simm.s32 @!p0 $0x6  }
0x98: {  	_ =	swait.ge @!p0 [sflag:s0], $0x800  }
0x99: {  	[sflag:s0] =	ssyncset.done @!p0 $0x0  }
0x9a: {  	s1 =	simm.s32 $0x8F10;
	[sflag:s0] =	ssyncadd.s32 @!p0 $0xFFFFF800  }
0x9b: {  	s0 =	simm.s32 $0xEF30;
	v0 =	vld [tilespmem:s1+$0xFFFFFFF0]  }
0x9c: {  	v1 =	vld [tilespmem:s0+$0xFFFFFFF0];
	_ =	sdelay $0x4  }
0x9d: {  	v0 =	vadd.f32 v1, v0  }
0x9e: {  	s30 =	simm.s32 $0x0  }
0x9f: {  	s14 =	sand.u32 $0x7E0, s30;
	v0 =	vmax.f32 v0, $0.0e+00  }
0xa0: {  	[tilespmem:s14+$0x11F00] =	vst v0  }
0xa1: {  	v0 =	vld [tilespmem:s1+$0x0]  }
0xa2: {  	v1 =	vld [tilespmem:s0+$0x0];
	_ =	sdelay $0x4  }
0xa3: {  	v0 =	vadd.f32 v1, v0  }
0xa4: {  	s13 =	simm.s32 $0x20;
	s14 =	sadd.s32 $0x11F00, s14  }
.LBB2_12:
0xa5: {  	p0 =	sne.s32 s13, $0x7E0;
	v0 =	vmax.f32 v0, $0.0e+00;
	s0 =	sadd.s32 $0x80, s0;
	s1 =	sadd.s32 $0x80, s1  }
0xa6: {  	[tilespmem:s14+$0x10] =	vst v0;
	s14 =	smov.u32 s13;
	s13 =	sadd.s32 $0x20, s13  }
0xa7: {  	v0 =	vld [tilespmem:s1+$0xFFFFFFF0]  }
0xa8: {  	v1 =	vld [tilespmem:s0+$0xFFFFFFF0];
	_ =	sdelay $0x4  }
0xa9: {  	v0 =	vadd.f32 v1, v0;
	_ =	sdelay $0x1  }
0xaa: {  	s14 =	sand.u32 $0x7E0, s14;
	v0 =	vmax.f32 v0, $0.0e+00  }
0xab: {  	[tilespmem:s14+$0x11F00] =	vst v0  }
0xac: {  	v0 =	vld [tilespmem:s1+$0x0]  }
0xad: {  	v1 =	vld [tilespmem:s0+$0x0];
	_ =	sdelay $0x1  }
.Ltmp9:
0xae: {  	(pc) =	sbr.rel @p0 .LBB2_12-.Ltmp9, $3  }
0xaf: {  	_ =	sdelay $0x1  }
0xb0: {  	v0 =	vadd.f32 v1, v0  }
0xb1: {  	s14 =	sadd.s32 $0x11F00, s14  }
.Ltmp10:
0xb2: {  	s0 =	sadd.s32 s4, s31;
	(pc) =	sbr.rel .LBB2_14-.Ltmp10, $4  }
0xb3: {  	s0 =	sshll.u32 s0, $0x8  }
0xb4: {  	v0 =	vmax.f32 v0, $0.0e+00;
	s0 =	sand.u32 $0x1FFFFF00, s0  }
0xb5: {  	[tilespmem:s14+$0x10] =	vst v0;
	s0 =	sadd.s32 s6, s0  }
0xb6: {  	[hbm4b:s0+s3] =	stream.linear.scatter [tilespmem:s23], [sflag:$0x6], $0x800, $0x38;
	[tilespmem:$0x12700] =	vst v63  }
.LBB2_16:
0xb7: {  	_ =	sfence.sel $0x180000  }
0xb8: {  	[bflag:$0x0] =	sbarrier.arrive $0xFFFF  }
0xb9: {  	_ =	strace $0x9000004A  }
0xba: {  	s0 =	stileid.u32;
	[bflag:$0x2] =	sbarrier.arrive $0xFFFF  }
0xbb: {  	p0 =	sne.s32 s0, $0x0;
	s0 =	rddreg [dreg:$0x2]  }
0xbc: {  	s0 =	sadd.s32 @!p0 $0x100000, s0  }
0xbd: {  	[sflag:s0] =	ssyncadd.tile.s32 @!p0 $0x1;
	_ =	shalt  }
.Lfunc_end2:
_tile_overlayer_lowered:
.L_overlay_start_2:
0xbe: {  	(tag) =	ssettag $0x2  }
0xbf: {  	s0 =	rddreg [dreg:$0x0];
	s2 =	stileid.u32  }
0xc0: {  	s1 =	rddreg [dreg:$0x1];
	p0 =	sne.s32 s2, $0x0  }
0xc1: {  	s3 =	rddreg [dreg:$0x2];
	[bflag:$0x3] =	sbarrier.arrive $0xFFFF;
	s2 =	simm.s32 @!p0 $0x1C07  }
0xc2: {  	[timem:s3], [sflag:s2] =	dma.local @!p0 [hbm:s0], s1  }
0xc3: {  	s0 =	simm.s32 @!p0 $0x7  }
0xc4: {  	_ =	swait.ge @!p0 [sflag:s0], s1  }
0xc5: {  	s1 =	ssub.s32 @!p0 $0x0, s1;
	[sflag:s0] =	ssyncset.done @!p0 $0x0  }
0xc6: {  	[sflag:s0] =	ssyncadd.s32 @!p0 s1  }
0xc7: {  	[bflag:$0x3] =	sbarrier.arrive $0xFFFF  }
0xc8: {  	_ =	shalt  }

// kernel: kernel.16.cloned.1.call-start
scs
__scs_entry_jumppad:
0x0: {  	(pc) =	sbr.rel $0x88, $3  }
0x1: {  	(tag) =	ssettag $0x0;
	lr =	simm.s32 $0x1  }
0x2: {  	[smem:$0x3F8F] =	sst lr;
	_ =	strace $0xD0000000  }
0x3: {  	_ = 	snop  }
0x4: {  	_ = 	snop  }
0x5: {  	_ = 	snop  }
0x6: {  	_ = 	snop  }
0x7: {  	_ = 	snop  }
__scs_overlays_trampoline_lowered:
0x8: {  	[smem:$0x3F9E] =	sst s0  }
0x9: {  	[smem:$0x3F9F] =	sst s1  }
0xa: {  	[smem:$0x3FA0] =	sst s2  }
0xb: {  	[smem:$0x3FA1] =	sst s3  }
0xc: {  	[smem:$0x3FA2] =	sst s4  }
0xd: {  	[smem:$0x3FA3] =	sst s5  }
0xe: {  	[smem:$0x3FA4] =	sst s6  }
0xf: {  	[smem:$0x3FA5] =	sst s7  }
0x10: {  	[smem:$0x3FA6] =	sst s8  }
0x11: {  	[smem:$0x3FA7] =	sst s9;
	s0 =	simm.s32 @!p0 $0x0  }
0x12: {  	s1 =	sld [smem:$0x3F8D];
	s0 =	simm.s32 @p0 $0x1  }
0x13: {  	[smem:$0x3FA8] =	sst s0;
	s0 =	simm.s32 @!p1 $0x0  }
0x14: {  	s2 =	sld [smem:$0x3F8C];
	s0 =	simm.s32 @p1 $0x1  }
0x15: {  	[smem:$0x3FA9] =	sst s0;
	s0 =	simm.s32 @!p2 $0x0  }
0x16: {  	s3 =	sld [smem:$0x3FDB];
	s0 =	simm.s32 @p2 $0x1  }
0x17: {  	s4 =	simm.s32 $0x1BF5;
	[smem:$0x3FAB] =	sst s0  }
0x18: {  	s0 =	sld [smem:$0x3F8E];
	_ =	swait.ge [sflag:s4], $0x0  }
0x19: {  	s7 =	sld [smem:$0x3F8F]  }
0x1a: {  	s8 =	sadd.s32 $0xFFFFE003, lr  }
0x1b: {  	s9 =	sadd.s32 $0xFFFFFEF7, lr;
	s5 =	simm.s32 $0xFFFFFFFF;
	p2 =	slt.u32 s8, $0xFFFFF086  }
0x1c: {  	p1 =	slt.u32 s9, $0xF7A;
	s5 =	simm.s32 @!p2 $0x0  }
0x1d: {  	s5 =	simm.s32 @p1 $0x1;
	p0 =	seq.s32 s7, s2  }
0x1e: {  	s7 =	smul.u32 @!p0 $0xF7A, s2;
	p2 =	seq.s32 @!p0 s5, $0x0  }
0x1f: {  	s9 =	smul.u32 $0xF7A, s1;
	s8 =	simm.s32 @!p0 $0x1BF5;
	p2 =	por !p2, p0  }
0x20: {  	[sflag:s8] =	ssyncset.s32 @!p0 $0xFFFFF086;
	s6 =	sadd.s32 @!p0 s3, s7;
	s7 =	simm.s32 @!p0 $0x108  }
0x21: {  	s3 =	sadd.s32 s3, s9;
	s6 =	sadd.s32 @!p0 $0x88, s6;
	s7 =	simm.s32 @p2 $0x1082  }
0x22: {  	[simem:s7], [sflag:s8] =	dma.local @!p0 [hbm:s6], $0xF7A  }
0x23: {  	s9 =	sor.u32 $0xD0000000, s2;
	s6 =	simm.s32 $0x108;
	_ =	swait.ge @!p0 [sflag:s8], $0x0  }
0x24: {  	s3 =	sadd.s32 $0x88, s3;
	s6 =	simm.s32 @!p1 $0x1082;
	[sflag:s4] =	ssyncset.s32 $0xFFFFF086  }
0x25: {  	[simem:s6], [sflag:s4] =	dma.local [hbm:s3], $0xF7A  }
0x26: {  	[smem:$0x3F8F] =	sst s1;
	(tag) =	ssettag s2;
	_ =	strace s9  }
0x27: {  	s1 =	sld [smem:$0x3F9F]  }
0x28: {  	s2 =	sld [smem:$0x3FA0]  }
0x29: {  	s4 =	sld [smem:$0x3FA2]  }
0x2a: {  	p0 =	seq.s32 s5, $0x0;
	s5 =	sld [smem:$0x3FA3]  }
0x2b: {  	s6 =	sld [smem:$0x3FA4]  }
0x2c: {  	s7 =	sld [smem:$0x3FA5]  }
0x2d: {  	s3 =	simm.s32 $0x108;
	s8 =	sld [smem:$0x3FA6]  }
0x2e: {  	s3 =	simm.s32 @!p0 $0x1082;
	s9 =	sld [smem:$0x3FA7]  }
0x2f: {  	lr =	sadd.s32 s0, s3;
	s0 =	sld [smem:$0x3F9E]  }
0x30: {  	s3 =	sld [smem:$0x3FA1]  }
0x31: {  	[smem:$0x3FAA] =	sst s10  }
0x32: {  	s10 =	sld [smem:$0x3FA8];
	_ =	sdelay $0x3  }
0x33: {  	p0 =	seq.s32 s10, $0x1;
	s10 =	sld [smem:$0x3FAA];
	_ =	sdelay $0x3  }
0x34: {  	[smem:$0x3FAA] =	sst s10  }
0x35: {  	s10 =	sld [smem:$0x3FA9];
	_ =	sdelay $0x3  }
0x36: {  	p1 =	seq.s32 s10, $0x1;
	s10 =	sld [smem:$0x3FAA];
	_ =	sdelay $0x3  }
0x37: {  	[smem:$0x3FAA] =	sst s10  }
0x38: {  	s10 =	sld [smem:$0x3FAB]  }
0x39: {  	_ = 	snop;
	(pc) =	sbr.ind lr, $3  }
0x3a: {  	_ = 	snop  }
0x3b: {  	_ = 	snop  }
0x3c: {  	p2 =	seq.s32 s10, $0x1;
	s10 =	sld [smem:$0x3FAA]  }
0x3d: {  	_ =	shalt  }
0x3e: {  	_ =	shalt  }
0x3f: {  	_ =	shalt  }
0x40: {  	_ =	shalt  }
0x41: {  	_ =	shalt  }
0x42: {  	_ =	shalt  }
0x43: {  	_ =	shalt  }
0x44: {  	_ =	shalt  }
0x45: {  	_ =	shalt  }
0x46: {  	_ =	shalt  }
0x47: {  	_ =	shalt  }
0x48: {  	_ =	shalt  }
0x49: {  	_ =	shalt  }
0x4a: {  	_ =	shalt  }
0x4b: {  	_ =	shalt  }
0x4c: {  	_ =	shalt  }
0x4d: {  	_ =	shalt  }
0x4e: {  	_ =	shalt  }
0x4f: {  	_ =	shalt  }
0x50: {  	_ =	shalt  }
0x51: {  	_ =	shalt  }
0x52: {  	_ =	shalt  }
0x53: {  	_ =	shalt  }
0x54: {  	_ =	shalt  }
0x55: {  	_ =	shalt  }
0x56: {  	_ =	shalt  }
0x57: {  	_ =	shalt  }
0x58: {  	_ =	shalt  }
0x59: {  	_ =	shalt  }
0x5a: {  	_ =	shalt  }
0x5b: {  	_ =	shalt  }
0x5c: {  	_ =	shalt  }
0x5d: {  	_ =	shalt  }
0x5e: {  	_ =	shalt  }
0x5f: {  	_ =	shalt  }
0x60: {  	_ =	shalt  }
0x61: {  	_ =	shalt  }
0x62: {  	_ =	shalt  }
0x63: {  	_ =	shalt  }
0x64: {  	_ =	shalt  }
0x65: {  	_ =	shalt  }
0x66: {  	_ =	shalt  }
0x67: {  	_ =	shalt  }
0x68: {  	_ =	shalt  }
0x69: {  	_ =	shalt  }
0x6a: {  	_ =	shalt  }
0x6b: {  	_ =	shalt  }
0x6c: {  	_ =	shalt  }
0x6d: {  	_ =	shalt  }
0x6e: {  	_ =	shalt  }
0x6f: {  	_ =	shalt  }
0x70: {  	_ =	shalt  }
0x71: {  	_ =	shalt  }
0x72: {  	_ =	shalt  }
0x73: {  	_ =	shalt  }
0x74: {  	_ =	shalt  }
0x75: {  	_ =	shalt  }
0x76: {  	_ =	shalt  }
0x77: {  	_ =	shalt  }
0x78: {  	_ =	shalt  }
0x79: {  	_ =	shalt  }
0x7a: {  	_ =	shalt  }
0x7b: {  	_ =	shalt  }
0x7c: {  	_ =	shalt  }
0x7d: {  	_ =	shalt  }
0x7e: {  	_ =	shalt  }
0x7f: {  	_ =	shalt  }
0x80: {  	_ =	shalt  }
0x81: {  	_ =	shalt  }
0x82: {  	_ =	shalt  }
0x83: {  	_ =	shalt  }
0x84: {  	_ =	shalt  }
0x85: {  	_ =	shalt  }
0x86: {  	_ =	shalt  }
0x87: {  	_ =	shalt  }
.Lfunc_end0:
.L_simem_size_0:
called_computation.2_lowered:
.L_overlay_start_0:
0x88: {  	s2 =	sld [smem:$0x3FD9]  }
0x89: {  	s3 =	sld [smem:$0x3FFE];
	_ =	sdelay $0x1  }
0x8a: {  	s1 =	srdreg.scid  }
0x8b: {  	s0 =	sand.u32 $0x1, s1  }
0x8c: {  	s17 =	sshll.u32 s0, $0xA;
	s2 =	sadd.s32 s3, s2  }
0x8d: {  	s2 =	sadd.s32 s2, s17  }
0x8e: {  	[smem:$0x3FB6] =	sst s2  }
0x8f: {  	_ = 	snop  }
0x90: {  	(tm) =	ssettm $0x1  }
0x91: {  	s18 =	sld [smem:$0x3FFB];
	_ =	sdelay $0x3  }
0x92: {  	_ =	strace s18  }
0x93: {  	s2 =	sld [smem:$0x3FFC];
	_ =	sdelay $0x3  }
0x94: {  	_ =	strace s2  }
0x95: {  	s2 =	sld [smem:$0x3FFD];
	_ =	sdelay $0x3  }
0x96: {  	_ =	strace s2  }
0x97: {  	_ =	strace $0x8FFFFFFF  }
0x98: {  	s19 =	sld [smem:$0x3FDB];
	_ =	sdelay $0x1  }
0x99: {  	s20 =	simm.s32 $_scs_section_size  }
0x9a: {  	s4 =	simm.s32 $_size__tile_overlayer_lowered;
	s5 =	simm.s32 $_tile_overlayer_lowered  }
0x9b: {  	s6 =	simm.s32 $0x1BFF;
	s21 =	sshll.u32 s5, $0x1;
	s3 =	sadd.s32 s20, s19  }
0x9c: {  	s22 =	simm.s32 $0x0;
	s4 =	sshll.u32 s4, $0x1;
	s5 =	sadd.s32 s21, s3  }
0x9d: {  	[timem:s22], [sflag:s6] =	dma.local [hbm:s5], s4  }
0x9e: {  	_ =	swait.ge [sflag:s6], s4  }
0x9f: {  	s4 =	ssub.s32 $0x0, s4;
	[sflag:s6] =	ssyncset.done $0x0  }
0xa0: {  	[sflag:s6] =	ssyncadd.s32 s4;
	_ =	sdelay $0x1  }
0xa1: {  	s23 =	simm.s32 $0x1B8B  }
0xa2: {  	_ =	swait.ge [sflag:s23], $0x1  }
0xa3: {  	[sflag:s23] =	ssyncset.done $0x0  }
0xa4: {  	[sflag:s23] =	ssyncadd.s32 $0xFFFFFFFF  }
0xa5: {  	s4 =	sld [smem:$0x0]  }
0xa6: {  	s5 =	sand.u32 $0xFFFFFFFE, s1  }
0xa7: {  	p0 =	sne.s32 s1, s5  }
0xa8: {  	s5 =	sshll.u32 @p0 s5, $0xE  }
0xa9: {  	s5 =	sadd.s32 @p0 $0x11B8D, s5;
	s6 =	sshll.u32 @p0 s4, $0x11  }
0xaa: {  	s5 =	sor.u32 @p0 s6, s5  }
0xab: {  	[sflag:s5] =	ssyncadd.remote.s32 @p0 $0x1;
	_ =	sdelay $0x1  }
0xac: {  	s5 =	simm.s32 @p0 $0x1B8D  }
0xad: {  	_ =	swait.eq @p0 [sflag:s5], $0x1  }
0xae: {  	[sflag:s5] =	ssyncadd.s32 @p0 $0xFFFFFFFF  }
0xaf: {  	s6 =	sshll.u32 @!p0 s1, $0xE  }
0xb0: {  	s6 =	sor.u32 @!p0 $0x4000, s6;
	s5 =	simm.s32 @!p0 $0x1B8D  }
0xb1: {  	s4 =	sshll.u32 @!p0 s4, $0x11;
	s6 =	sadd.s32 @!p0 $0x11B8D, s6;
	_ =	swait.eq @!p0 [sflag:s5], $0x1  }
0xb2: {  	s4 =	sor.u32 @!p0 s4, s6;
	[sflag:s5] =	ssyncadd.s32 @!p0 $0xFFFFFFFF  }
0xb3: {  	s25 =	simm.s32 $0x1B8E;
	s24 =	sld [smem:$0x3FFE];
	[sflag:s4] =	ssyncadd.remote.s32 @!p0 $0x1  }
0xb4: {  	s26 =	simm.s32 $execute0_lowered;
	[smem:$0x3FD2] =	sst s25  }
0xb5: {  	s5 =	sshll.u32 s26, $0x1;
	_ =	strace $0x8000004C;
	[dreg:$0x1] =	wrdreg $0xFFFFFFFF  }
0xb6: {  	s28 =	simm.s32 $_size_execute0_lowered;
	s3 =	sadd.s32 s3, s5;
	[dreg:$0x0] =	wrdreg $0x0  }
0xb7: {  	s5 =	sshll.u32 s28, $0x1;
	[dreg:$0x2] =	wrdreg s3  }
0xb8: {  	[dreg:$0x3] =	wrdreg s5  }
0xb9: {  	[dreg:$0x4] =	wrdreg $0xC0  }
0xba: {  	_ =	task [dreg:s22], $0x5FFFF  }
0xbb: {  	[dreg:$0x1] =	wrdreg $0xFFFFFFFF  }
0xbc: {  	[dreg:$0x0] =	wrdreg $0x60  }
0xbd: {  	[dreg:$0x2] =	wrdreg s24  }
0xbe: {  	[dreg:$0x3] =	wrdreg $0x0  }
0xbf: {  	[dreg:$0x4] =	wrdreg $0xA  }
0xc0: {  	_ =	task.clear_ibuf [dreg:s22], $0x5FFFF;
	_ =	strace $0x9000004C  }
0xc1: {  	s29 =	simm.s32 $0xA;
	_ =	strace $0x8000004E  }
0xc2: {  	_ =	swait.ge [sflag:s29], $0x1  }
0xc3: {  	[sflag:s29] =	ssyncadd.s32 $0xFFFFFFFF  }
0xc4: {  	_ =	strace $0x9000004E  }
0xc5: {  	_ =	sfence  }
0xc6: {  	s30 =	sld [smem:$0x0];
	_ =	sdelay $0x2  }
0xc7: {  	s31 =	sshll.u32 s1, $0xD;
	s1 =	sshrl.u32 s1, $0x2  }
0xc8: {  	s4 =	sand.u32 $0x4000, s31;
	s1 =	sadd.s32 s1, s30  }
0xc9: {  	s0 =	sor.u32 s4, s0;
	s1 =	sshll.u32 s1, $0x11  }
0xca: {  	s0 =	sor.u32 s1, s0  }
0xcb: {  	s0 =	sadd.s32 $0x8F2B, s0  }
0xcc: {  	[sflag:s0] =	ssyncadd.remote.s32 $0x1  }
0xcd: {  	_ =	sfence.sel $0xFFFF  }
0xce: {  	[dreg:$0x0] =	wrdreg $0xFFFFFFFF;
	(pc) =	sbr.abs _section_cstart, $3  }
0xcf: {  	[dreg:$0x1] =	wrdreg $0xFFFFFFFF  }
0xd0: {  	_ =	task.clear_ibuf [dreg:s22], $0x2FFFF;
	_ =	strace $0x9FFFFFFF  }
0xd1: {  	(tm) =	ssettm $0x7FFFFFFF  }
tec
execute0_lowered:
.L_overlay_start_1:
0x0: {  	(tag) =	ssettag $0x1  }
0x1: {  	s1 =	stileid.u32  }
0x2: {  	s0 =	rddreg [dreg:$0x0];
	s7 =	smul.u32 $0x1400, s1  }
0x3: {  	s3 =	srdreg.scid;
	s22 =	smul.u32 $0x5000, s1  }
0x4: {  	s2 =	rddreg [dreg:$0x1];
	s15 =	simm.s32 $0x13880;
	s24 =	smul.u32 $0xFA, s1  }
0x5: {  	s16 =	simm.s32 $0x13A80;
	s4 =	sand.u32 $0x1, s3;
	s13 =	smul.u32 $0x4E200, s1  }
0x6: {  	s17 =	simm.s32 $0x13900;
	s18 =	simm.s32 $0x16280;
	s5 =	smul.u32 $0x138800, s4  }
0x7: {  	s28 =	simm.s32 $0x6;
	s6 =	sshll.u32 s1, $0x1;
	s25 =	smul.u32 $0x7D, s4  }
0x8: {  	s6 =	sor.u32 s4, s6;
	s11 =	ssub.s32 $0x2, s4;
	s4 =	smul.u32 $0x27100, s4  }
0x9: {  	s29 =	simm.s32 $0x3;
	s30 =	simm.s32 $0x0;
	s8 =	smul.u32 $0x3E80, s6  }
0xa: {  	s3 =	simm.s32 $0x0;
	s9 =	sadd.s32 $0x2DF000, s0;
	s19 =	smul.u32 $0x280, s6  }
0xb: {  	s10 =	sadd.s32 $0x2CD600, s0;
	[smem:$0x7FF] =	sst s3;
	s21 =	smul.u32 $0x27100, s6  }
0xc: {  	_ =	strace $0x8000004D;
	s12 =	sshrl.u32 s11, $0x1;
	s6 =	smul.u32 $0x138800, s6  }
0xd: {  	s5 =	sadd.s32 s7, s5;
	s11 =	ssub.s32 s11, s12;
	s26 =	sadd.s32 s25, s24  }
0xe: {  	s24 =	simm.s32 $0x18A80;
	s25 =	simm.s32 $0x5;
	s5 =	sshrl.u32 s5, $0x3  }
0xf: {  	s20 =	sand.u32 $0x7FC00, s8;
	s7 =	sand.u32 $0x380, s19;
	s23 =	sshrl.u32 s8, $0x3  }
0x10: {  	s6 =	sshrl.u32 s6, $0x3;
	s31 =	smax.u32 s11, $0x1;
	s19 =	simm.s32 $0x4  }
0x11: {  	s0 =	sadd.s32 s5, s0;
	s5 =	sor.u32 s7, s20;
	s7 =	sadd.s32 s9, s21  }
0x12: {  	s6 =	sadd.s32 s9, s6;
	[dreg:$0x7] =	wrdreg s31;
	s9 =	sadd.s32 s13, s9  }
0x13: {  	s20 =	simm.s32 $0x1;
	s21 =	simm.s32 $0x50;
	s5 =	sshrl.u32 s5, $0x3  }
0x14: {  	[dreg:$0x4] =	wrdreg s7;
	s7 =	sadd.s32 s10, s23;
	s6 =	sadd.s32 $0x500, s6  }
0x15: {  	s4 =	sadd.s32 s4, s9;
	s14 =	sadd.s32 $0x3E00, s0;
	s23 =	simm.s32 $0x13980  }
0x16: {  	s5 =	sadd.s32 s10, s5;
	s7 =	sadd.s32 $0x10, s7;
	[dreg:$0x6] =	wrdreg s6  }
0x17: {  	s6 =	sshll.u32 s26, $0x4;
	s4 =	sadd.s32 $0x1400, s4;
	[dreg:$0x3] =	wrdreg s5  }
0x18: {  	s26 =	simm.s32 $0x2;
	[dreg:$0x5] =	wrdreg s7;
	s5 =	sshrl.u32 s22, $0x2  }
0x19: {  	s6 =	sadd.s32 s6, s10;
	s22 =	simm.s32 $0x7;
	s9 =	sadd.s32 s5, s2  }
0x1a: {  	v0 =	vimm.f32 $0.0e+00;
	s10 =	sadd.s32 $0x40, s6;
	s12 =	sadd.s32 $0x30, s6;
	s13 =	sadd.s32 $0x20, s6  }
.LBB2_1:
0x1b: {  	s0 =	simm.s32 $0x0;
	s5 =	simm.s32 $0x200  }
.LBB2_2:
0x1c: {  	p0 =	sne.s32 s5, $0x4E00;
	[tilespmem:s0+$0x1B2F0] =	vst v0  }
0x1d: {  	[tilespmem:s0+$0x1B280] =	vst v0  }
0x1e: {  	[tilespmem:s0+$0x1B290] =	vst v0  }
.Ltmp0:
0x1f: {  	[tilespmem:s0+$0x1B2A0] =	vst v0;
	(pc) =	sbr.rel @p0 .LBB2_2-.Ltmp0, $4  }
0x20: {  	[tilespmem:s0+$0x1B2B0] =	vst v0  }
0x21: {  	[tilespmem:s0+$0x1B2C0] =	vst v0  }
0x22: {  	[tilespmem:s0+$0x1B2D0] =	vst v0  }
0x23: {  	[tilespmem:s0+$0x1B2E0] =	vst v0;
	s0 =	sshra.s32 s5, $0x2;
	s5 =	sadd.s32 $0x200, s5  }
0x24: {  	[tilespmem:s0+$0x1B2F0] =	vst v0  }
0x25: {  	[tilespmem:s0+$0x1B280] =	vst v0  }
0x26: {  	[tilespmem:s0+$0x1B290] =	vst v0  }
0x27: {  	[tilespmem:s0+$0x1B2A0] =	vst v0  }
0x28: {  	[tilespmem:s0+$0x1B2B0] =	vst v0  }
0x29: {  	[tilespmem:s0+$0x1B2C0] =	vst v0;
	s5 =	sadd.s32 $0x0, s1  }
0x2a: {  	[tilespmem:s0+$0x1B2D0] =	vst v0;
	p0 =	sgt.u32 s5, $0xF9  }
0x2b: {  	[tilespmem:s0+$0x1B2E0] =	vst v0;
	s0 =	simm.s32 @!p0 $0x1B280;
	s31 =	simm.s32 @!p0 $0x7  }
0x2c: {  	[spmem:s9] =	stream.linear.scatter @!p0 [tilespmem:s0], [sflag:$0x7], $0x1400, $0x38;
	[tilespmem:$0x1C680] =	vst v63  }
0x2d: {  	s11 =	simm.s32 $0x20;
	_ =	swait.ge @!p0 [sflag:s31], $0x1400  }
0x2e: {  	s5 =	simm.s32 $0x10;
	s0 =	sadd.s32 $0x14000, s9;
	[sflag:s31] =	ssyncset.done @!p0 $0x0  }
.LBB2_4:
0x2f: {  	s6 =	sadd.s32 s5, s1;
	s5 =	smov.u32 s11;
	s11 =	sadd.s32 $0x10, s11  }
0x30: {  	[sflag:s31] =	ssyncadd.s32 @!p0 $0xFFFFEC00;
	p1 =	sne.s32 s11, $0x100  }
.Ltmp1:
0x31: {  	p0 =	sgt.u32 s6, $0xF9;
	(pc) =	sbr.rel @p1 .LBB2_4-.Ltmp1, $4  }
0x32: {  	s6 =	simm.s32 @!p0 $0x1B280;
	s31 =	simm.s32 @!p0 $0x7  }
0x33: {  	[spmem:s0] =	stream.linear.scatter @!p0 [tilespmem:s6], [sflag:$0x7], $0x1400, $0x38;
	[tilespmem:$0x1C680] =	vst v63  }
0x34: {  	_ =	swait.ge @!p0 [sflag:s31], $0x1400  }
0x35: {  	s0 =	sadd.s32 $0x14000, s0;
	[sflag:s31] =	ssyncset.done @!p0 $0x0  }
0x36: {  	s5 =	sadd.s32 s5, s1  }
0x37: {  	p1 =	sgt.u32 s5, $0xF9  }
0x38: {  	[sflag:s31] =	ssyncadd.s32 @!p0 $0xFFFFEC00;
	s5 =	simm.s32 @!p1 $0x1B280;
	s6 =	simm.s32 @!p1 $0x7  }
0x39: {  	[spmem:s0] =	stream.linear.scatter @!p1 [tilespmem:s5], [sflag:$0x7], $0x1400, $0x38;
	[tilespmem:$0x1C680] =	vst v63  }
0x3a: {  	_ =	swait.ge @!p1 [sflag:s6], $0x1400  }
0x3b: {  	[sflag:s6] =	ssyncset.done @!p1 $0x0  }
0x3c: {  	[sflag:s6] =	ssyncadd.s32 @!p1 $0xFFFFEC00  }
0x3d: {  	[bflag:$0x0] =	sbarrier.arrive $0xFFFF  }
0x3e: {  	s0 =	simm.s32 $0x0;
	s6 =	rddreg [dreg:$0x3]  }
0x3f: {  	[tilespmem:s15], [sflag:$0x4] =	stream.linear.gather [hbm4b:s6+s0], $0x80, $0x38;
	[tilespmem:$0x1C680] =	vst v63  }
0x40: {  	s7 =	rddreg [dreg:$0x4]  }
0x41: {  	[tilespmem:s16], [sflag:$0x1] =	stream.linear.gather [hbm4b:s7+s0], $0x2800, $0x38;
	[tilespmem:$0x1C680] =	vst v63  }
0x42: {  	s8 =	rddreg [dreg:$0x5]  }
0x43: {  	[tilespmem:s17], [sflag:$0x5] =	stream.linear.gather [hbm4b:s8+s0], $0x80, $0x38;
	[tilespmem:$0x1C680] =	vst v63  }
0x44: {  	s11 =	rddreg [dreg:$0x6]  }
0x45: {  	[tilespmem:s18], [sflag:$0x2] =	stream.linear.gather [hbm4b:s11+s0], $0x2800, $0x38;
	[tilespmem:$0x1C680] =	vst v63  }
0x46: {  	_ =	swait.ge [sflag:s19], $0x80  }
0x47: {  	[sflag:s19] =	ssyncset.done $0x0  }
0x48: {  	[sflag:s19] =	ssyncadd.s32 $0xFFFFFF80  }
0x49: {  	_ =	swait.ge [sflag:s20], $0x2800  }
0x4a: {  	[sflag:s20] =	ssyncset.done $0x0  }
0x4b: {  	[sflag:s20] =	ssyncadd.s32 $0xFFFFD800  }
0x4c: {  	[spmem:s2] =	stream.indirect.scatter.add.f32 [tilespmem:s16], [sflag:$0x7], $0x80, s15, s21, $0xb8;
	[tilespmem:$0x1C680] =	vst v63  }
0x4d: {  	_ =	swait.ge [sflag:s22], $0x2800  }
0x4e: {  	[sflag:s22] =	ssyncset.done $0x0  }
0x4f: {  	s5 =	sadd.s32 $0x0, s13;
	[sflag:s22] =	ssyncadd.s32 $0xFFFFD800  }
0x50: {  	[tilespmem:s23], [sflag:$0x6] =	stream.linear.gather [hbm4b:s5+s3], $0x80, $0x38;
	[tilespmem:$0x1C680] =	vst v63  }
0x51: {  	s6 =	sadd.s32 $0xFFFFF600, s4  }
0x52: {  	[tilespmem:s24], [sflag:$0x3] =	stream.linear.gather [hbm4b:s6+s3], $0x2800, $0x38;
	[tilespmem:$0x1C680] =	vst v63  }
0x53: {  	_ =	swait.ge [sflag:s25], $0x80  }
0x54: {  	[sflag:s25] =	ssyncset.done $0x0  }
0x55: {  	[sflag:s25] =	ssyncadd.s32 $0xFFFFFF80  }
0x56: {  	_ =	swait.ge [sflag:s26], $0x2800  }
0x57: {  	[sflag:s26] =	ssyncset.done $0x0  }
0x58: {  	[sflag:s26] =	ssyncadd.s32 $0xFFFFD800  }
0x59: {  	[spmem:s2] =	stream.indirect.scatter.add.f32 [tilespmem:s18], [sflag:$0x7], $0x80, s17, s21, $0xb8;
	[tilespmem:$0x1C680] =	vst v63  }
0x5a: {  	_ =	swait.ge [sflag:s22], $0x2800  }
0x5b: {  	[sflag:s22] =	ssyncset.done $0x0  }
0x5c: {  	s7 =	sadd.s32 $0x0, s12;
	[sflag:s22] =	ssyncadd.s32 $0xFFFFD800  }
0x5d: {  	[tilespmem:s15], [sflag:$0x4] =	stream.linear.gather [hbm4b:s7+s3], $0x80, $0x38;
	[tilespmem:$0x1C680] =	vst v63  }
0x5e: {  	s8 =	sadd.s32 $0xFFFFFB00, s4  }
0x5f: {  	[tilespmem:s16], [sflag:$0x1] =	stream.linear.gather [hbm4b:s8+s3], $0x2800, $0x38;
	[tilespmem:$0x1C680] =	vst v63  }
0x60: {  	_ =	swait.ge [sflag:s28], $0x80  }
0x61: {  	[sflag:s28] =	ssyncset.done $0x0  }
0x62: {  	[sflag:s28] =	ssyncadd.s32 $0xFFFFFF80  }
0x63: {  	_ =	swait.ge [sflag:s29], $0x2800  }
0x64: {  	[sflag:s29] =	ssyncset.done $0x0  }
0x65: {  	[sflag:s29] =	ssyncadd.s32 $0xFFFFD800  }
0x66: {  	[spmem:s2] =	stream.indirect.scatter.add.f32 [tilespmem:s24], [sflag:$0x7], $0x80, s23, s21, $0xb8;
	[tilespmem:$0x1C680] =	vst v63  }
0x67: {  	_ =	swait.ge [sflag:s22], $0x2800  }
0x68: {  	[sflag:s22] =	ssyncset.done $0x0  }
0x69: {  	s11 =	sadd.s32 $0x0, s10;
	[sflag:s22] =	ssyncadd.s32 $0xFFFFD800  }
0x6a: {  	[tilespmem:s17], [sflag:$0x5] =	stream.linear.gather [hbm4b:s11+s3], $0x80, $0x38;
	[tilespmem:$0x1C680] =	vst v63  }
0x6b: {  	s31 =	simm.s32 $0x30;
	s0 =	sadd.s32 $0xF00, s4;
	s11 =	smov.u32 s4  }
.LBB2_6:
0x6c: {  	[tilespmem:s18], [sflag:$0x2] =	stream.linear.gather [hbm4b:s11+s3], $0x2800, $0x38;
	[tilespmem:$0x1C680] =	vst v63  }
0x6d: {  	s5 =	smov.u32 s31;
	s11 =	smov.u32 s0  }
0x6e: {  	p0 =	sne.s32 s31, $0x780;
	s31 =	sadd.s32 $0x30, s31;
	_ =	swait.ge [sflag:s19], $0x80  }
0x6f: {  	[sflag:s19] =	ssyncset.done $0x0  }
0x70: {  	[sflag:s19] =	ssyncadd.s32 $0xFFFFFF80  }
0x71: {  	_ =	swait.ge [sflag:s20], $0x2800  }
0x72: {  	[sflag:s20] =	ssyncset.done $0x0  }
0x73: {  	[sflag:s20] =	ssyncadd.s32 $0xFFFFD800  }
0x74: {  	[spmem:s2] =	stream.indirect.scatter.add.f32 [tilespmem:s16], [sflag:$0x7], $0x80, s15, s21, $0xb8;
	[tilespmem:$0x1C680] =	vst v63  }
0x75: {  	_ =	swait.ge [sflag:s22], $0x2800  }
0x76: {  	[sflag:s22] =	ssyncset.done $0x0  }
0x77: {  	s6 =	sadd.s32 s5, s13;
	[sflag:s22] =	ssyncadd.s32 $0xFFFFD800  }
0x78: {  	[tilespmem:s23], [sflag:$0x6] =	stream.linear.gather [hbm4b:s6+s3], $0x80, $0x38;
	[tilespmem:$0x1C680] =	vst v63  }
0x79: {  	s6 =	sadd.s32 $0xFFFFF600, s0  }
0x7a: {  	[tilespmem:s24], [sflag:$0x3] =	stream.linear.gather [hbm4b:s6+s3], $0x2800, $0x38;
	[tilespmem:$0x1C680] =	vst v63  }
0x7b: {  	_ =	swait.ge [sflag:s25], $0x80  }
0x7c: {  	[sflag:s25] =	ssyncset.done $0x0  }
0x7d: {  	[sflag:s25] =	ssyncadd.s32 $0xFFFFFF80  }
0x7e: {  	_ =	swait.ge [sflag:s26], $0x2800  }
0x7f: {  	[sflag:s26] =	ssyncset.done $0x0  }
0x80: {  	[sflag:s26] =	ssyncadd.s32 $0xFFFFD800  }
0x81: {  	[spmem:s2] =	stream.indirect.scatter.add.f32 [tilespmem:s18], [sflag:$0x7], $0x80, s17, s21, $0xb8;
	[tilespmem:$0x1C680] =	vst v63  }
0x82: {  	_ =	swait.ge [sflag:s22], $0x2800  }
0x83: {  	[sflag:s22] =	ssyncset.done $0x0  }
0x84: {  	s6 =	sadd.s32 s5, s12;
	[sflag:s22] =	ssyncadd.s32 $0xFFFFD800  }
0x85: {  	[tilespmem:s15], [sflag:$0x4] =	stream.linear.gather [hbm4b:s6+s3], $0x80, $0x38;
	[tilespmem:$0x1C680] =	vst v63  }
0x86: {  	s6 =	sadd.s32 $0xFFFFFB00, s0  }
0x87: {  	[tilespmem:s16], [sflag:$0x1] =	stream.linear.gather [hbm4b:s6+s3], $0x2800, $0x38;
	[tilespmem:$0x1C680] =	vst v63  }
0x88: {  	_ =	swait.ge [sflag:s28], $0x80  }
0x89: {  	[sflag:s28] =	ssyncset.done $0x0  }
0x8a: {  	[sflag:s28] =	ssyncadd.s32 $0xFFFFFF80  }
0x8b: {  	_ =	swait.ge [sflag:s29], $0x2800  }
0x8c: {  	[sflag:s29] =	ssyncset.done $0x0  }
0x8d: {  	[sflag:s29] =	ssyncadd.s32 $0xFFFFD800  }
0x8e: {  	[spmem:s2] =	stream.indirect.scatter.add.f32 [tilespmem:s24], [sflag:$0x7], $0x80, s23, s21, $0xb8;
	[tilespmem:$0x1C680] =	vst v63  }
.Ltmp2:
0x8f: {  	_ =	swait.ge [sflag:s22], $0x2800;
	(pc) =	sbr.rel @p0 .LBB2_6-.Ltmp2, $4  }
0x90: {  	[sflag:s22] =	ssyncset.done $0x0  }
0x91: {  	s5 =	sadd.s32 s5, s10;
	[sflag:s22] =	ssyncadd.s32 $0xFFFFD800  }
0x92: {  	[tilespmem:s17], [sflag:$0x5] =	stream.linear.gather [hbm4b:s5+s3], $0x80, $0x38;
	[tilespmem:$0x1C680] =	vst v63  }
0x93: {  	s0 =	sadd.s32 $0xF00, s0  }
0x94: {  	[tilespmem:s18], [sflag:$0x2] =	stream.linear.gather [hbm4b:s11+s3], $0x2800, $0x38;
	[tilespmem:$0x1C680] =	vst v63  }
0x95: {  	_ =	swait.ge [sflag:s19], $0x80  }
0x96: {  	[sflag:s19] =	ssyncset.done $0x0  }
0x97: {  	[sflag:s19] =	ssyncadd.s32 $0xFFFFFF80  }
0x98: {  	_ =	swait.ge [sflag:s20], $0x2800  }
0x99: {  	[sflag:s20] =	ssyncset.done $0x0  }
0x9a: {  	[sflag:s20] =	ssyncadd.s32 $0xFFFFD800  }
0x9b: {  	[spmem:s2] =	stream.indirect.scatter.add.f32 [tilespmem:s16], [sflag:$0x7], $0x80, s15, s21, $0xb8;
	[tilespmem:$0x1C680] =	vst v63  }
0x9c: {  	_ =	swait.ge [sflag:s22], $0x2800  }
0x9d: {  	[sflag:s22] =	ssyncset.done $0x0  }
0x9e: {  	[sflag:s22] =	ssyncadd.s32 $0xFFFFD800  }
0x9f: {  	_ =	swait.ge [sflag:s25], $0x80  }
0xa0: {  	[sflag:s25] =	ssyncset.done $0x0  }
0xa1: {  	[sflag:s25] =	ssyncadd.s32 $0xFFFFFF80  }
0xa2: {  	_ =	swait.ge [sflag:s26], $0x2800  }
0xa3: {  	[sflag:s26] =	ssyncset.done $0x0  }
0xa4: {  	[sflag:s26] =	ssyncadd.s32 $0xFFFFD800  }
0xa5: {  	[spmem:s2] =	stream.indirect.scatter.add.f32 [tilespmem:s18], [sflag:$0x7], $0x80, s17, s21, $0xb8;
	[tilespmem:$0x1C680] =	vst v63  }
0xa6: {  	s0 =	sadd.s32 $0x0, s1;
	_ =	swait.ge [sflag:s22], $0x2800  }
0xa7: {  	p0 =	sgt.u32 s0, $0xF9;
	[sflag:s22] =	ssyncset.done $0x0  }
0xa8: {  	s0 =	sshll.u32 @!p0 s1, $0x6;
	s5 =	sshrl.u32 @!p0 s9, $0x3;
	[sflag:s22] =	ssyncadd.s32 $0xFFFFD800  }
0xa9: {  	s31 =	simm.s32 @!p0 $0x7;
	s0 =	sor.u32 @!p0 $0x1C07, s0;
	[bflag:$0x0] =	sbarrier.arrive $0xFFFF  }
0xaa: {  	[hbm:s14], [sflag:s0] =	dma.local @!p0 [spmem:s5], $0x280  }
0xab: {  	s11 =	simm.s32 $0x20;
	s6 =	sadd.s32 $0x10, s1;
	_ =	swait.ge @!p0 [sflag:s31], $0x280  }
0xac: {  	s0 =	sadd.s32 $0x14000, s9;
	s5 =	sadd.s32 $0x2800, s14;
	[sflag:s31] =	ssyncset.done @!p0 $0x0  }
.LBB2_8:
0xad: {  	[sflag:s31] =	ssyncadd.s32 @!p0 $0xFFFFFD80  }
0xae: {  	p0 =	sgt.u32 s6, $0xF9;
	s6 =	smov.u32 s11;
	s11 =	sadd.s32 $0x10, s11  }
0xaf: {  	p1 =	sne.s32 s11, $0x100  }
.Ltmp3:
0xb0: {  	s31 =	sshll.u32 @!p0 s1, $0x6;
	s7 =	sshrl.u32 @!p0 s0, $0x3;
	(pc) =	sbr.rel @p1 .LBB2_8-.Ltmp3, $4  }
0xb1: {  	s8 =	sor.u32 @!p0 $0x1C07, s31;
	s31 =	simm.s32 @!p0 $0x7  }
0xb2: {  	[hbm:s5], [sflag:s8] =	dma.local @!p0 [spmem:s7], $0x280  }
0xb3: {  	s0 =	sadd.s32 $0x14000, s0;
	_ =	swait.ge @!p0 [sflag:s31], $0x280  }
0xb4: {  	s6 =	sadd.s32 s6, s1;
	s5 =	sadd.s32 $0x2800, s5;
	[sflag:s31] =	ssyncset.done @!p0 $0x0  }
0xb5: {  	p1 =	sgt.u32 s6, $0xF9  }
0xb6: {  	[sflag:s31] =	ssyncadd.s32 @!p0 $0xFFFFFD80;
	s6 =	sshll.u32 @!p1 s1, $0x6  }
0xb7: {  	s0 =	sshrl.u32 @!p1 s0, $0x3;
	s7 =	simm.s32 @!p1 $0x7;
	s6 =	sor.u32 @!p1 $0x1C07, s6  }
0xb8: {  	[hbm:s5], [sflag:s6] =	dma.local @!p1 [spmem:s0], $0x280  }
0xb9: {  	_ =	swait.ge @!p1 [sflag:s7], $0x280  }
0xba: {  	s30 =	sadd.s32 $0x1, s30;
	s31 =	rddreg [dreg:$0x7]  }
0xbb: {  	p0 =	sne.s32 s30, s31  }
.Ltmp4:
0xbc: {  	_ = 	snop;
	(pc) =	sbr.rel @p0 .LBB2_1-.Ltmp4, $3  }
0xbd: {  	_ =	sdelay $0x1  }
0xbe: {  	[sflag:s7] =	ssyncset.done @!p1 $0x0  }
0xbf: {  	[sflag:s7] =	ssyncadd.s32 @!p1 $0xFFFFFD80  }
0xc0: {  	_ =	sfence.sel $0x180000  }
0xc1: {  	[bflag:$0x0] =	sbarrier.arrive $0xFFFF  }
0xc2: {  	_ =	strace $0x9000004D  }
0xc3: {  	[bflag:$0x2] =	sbarrier.arrive $0xFFFF  }
0xc4: {  	p0 =	sne.s32 s1, $0x0;
	s0 =	rddreg [dreg:$0x2]  }
0xc5: {  	s0 =	sadd.s32 @!p0 $0x100000, s0  }
0xc6: {  	[sflag:s0] =	ssyncadd.tile.s32 @!p0 $0x1;
	_ =	shalt  }
.Lfunc_end2:
_tile_overlayer_lowered:
.L_overlay_start_2:
0xc7: {  	(tag) =	ssettag $0x2  }
0xc8: {  	s0 =	rddreg [dreg:$0x0];
	s2 =	stileid.u32  }
0xc9: {  	s1 =	rddreg [dreg:$0x1];
	p0 =	sne.s32 s2, $0x0  }
0xca: {  	s3 =	rddreg [dreg:$0x2];
	[bflag:$0x3] =	sbarrier.arrive $0xFFFF;
	s2 =	simm.s32 @!p0 $0x1C07  }
0xcb: {  	[timem:s3], [sflag:s2] =	dma.local @!p0 [hbm:s0], s1  }
0xcc: {  	s0 =	simm.s32 @!p0 $0x7  }
0xcd: {  	_ =	swait.ge @!p0 [sflag:s0], s1  }
0xce: {  	s1 =	ssub.s32 @!p0 $0x0, s1;
	[sflag:s0] =	ssyncset.done @!p0 $0x0  }
0xcf: {  	[sflag:s0] =	ssyncadd.s32 @!p0 s1  }
0xd0: {  	[bflag:$0x3] =	sbarrier.arrive $0xFFFF  }
0xd1: {  	_ =	shalt  }

// kernel: kernel.19.cloned.1.call-start
scs
__scs_entry_jumppad:
0x0: {  	(pc) =	sbr.rel $0x88, $3  }
0x1: {  	(tag) =	ssettag $0x0;
	lr =	simm.s32 $0x1  }
0x2: {  	[smem:$0x3F8F] =	sst lr;
	_ =	strace $0xD0000000  }
0x3: {  	_ = 	snop  }
0x4: {  	_ = 	snop  }
0x5: {  	_ = 	snop  }
0x6: {  	_ = 	snop  }
0x7: {  	_ = 	snop  }
__scs_overlays_trampoline_lowered:
0x8: {  	[smem:$0x3F9E] =	sst s0  }
0x9: {  	[smem:$0x3F9F] =	sst s1  }
0xa: {  	[smem:$0x3FA0] =	sst s2  }
0xb: {  	[smem:$0x3FA1] =	sst s3  }
0xc: {  	[smem:$0x3FA2] =	sst s4  }
0xd: {  	[smem:$0x3FA3] =	sst s5  }
0xe: {  	[smem:$0x3FA4] =	sst s6  }
0xf: {  	[smem:$0x3FA5] =	sst s7  }
0x10: {  	[smem:$0x3FA6] =	sst s8  }
0x11: {  	[smem:$0x3FA7] =	sst s9;
	s0 =	simm.s32 @!p0 $0x0  }
0x12: {  	s1 =	sld [smem:$0x3F8D];
	s0 =	simm.s32 @p0 $0x1  }
0x13: {  	[smem:$0x3FA8] =	sst s0;
	s0 =	simm.s32 @!p1 $0x0  }
0x14: {  	s2 =	sld [smem:$0x3F8C];
	s0 =	simm.s32 @p1 $0x1  }
0x15: {  	[smem:$0x3FA9] =	sst s0;
	s0 =	simm.s32 @!p2 $0x0  }
0x16: {  	s3 =	sld [smem:$0x3FDB];
	s0 =	simm.s32 @p2 $0x1  }
0x17: {  	s4 =	simm.s32 $0x1BF5;
	[smem:$0x3FAB] =	sst s0  }
0x18: {  	s0 =	sld [smem:$0x3F8E];
	_ =	swait.ge [sflag:s4], $0x0  }
0x19: {  	s7 =	sld [smem:$0x3F8F]  }
0x1a: {  	s8 =	sadd.s32 $0xFFFFE003, lr  }
0x1b: {  	s9 =	sadd.s32 $0xFFFFFEF7, lr;
	s5 =	simm.s32 $0xFFFFFFFF;
	p2 =	slt.u32 s8, $0xFFFFF086  }
0x1c: {  	p1 =	slt.u32 s9, $0xF7A;
	s5 =	simm.s32 @!p2 $0x0  }
0x1d: {  	s5 =	simm.s32 @p1 $0x1;
	p0 =	seq.s32 s7, s2  }
0x1e: {  	s7 =	smul.u32 @!p0 $0xF7A, s2;
	p2 =	seq.s32 @!p0 s5, $0x0  }
0x1f: {  	s9 =	smul.u32 $0xF7A, s1;
	s8 =	simm.s32 @!p0 $0x1BF5;
	p2 =	por !p2, p0  }
0x20: {  	[sflag:s8] =	ssyncset.s32 @!p0 $0xFFFFF086;
	s6 =	sadd.s32 @!p0 s3, s7;
	s7 =	simm.s32 @!p0 $0x108  }
0x21: {  	s3 =	sadd.s32 s3, s9;
	s6 =	sadd.s32 @!p0 $0x88, s6;
	s7 =	simm.s32 @p2 $0x1082  }
0x22: {  	[simem:s7], [sflag:s8] =	dma.local @!p0 [hbm:s6], $0xF7A  }
0x23: {  	s9 =	sor.u32 $0xD0000000, s2;
	s6 =	simm.s32 $0x108;
	_ =	swait.ge @!p0 [sflag:s8], $0x0  }
0x24: {  	s3 =	sadd.s32 $0x88, s3;
	s6 =	simm.s32 @!p1 $0x1082;
	[sflag:s4] =	ssyncset.s32 $0xFFFFF086  }
0x25: {  	[simem:s6], [sflag:s4] =	dma.local [hbm:s3], $0xF7A  }
0x26: {  	[smem:$0x3F8F] =	sst s1;
	(tag) =	ssettag s2;
	_ =	strace s9  }
0x27: {  	s1 =	sld [smem:$0x3F9F]  }
0x28: {  	s2 =	sld [smem:$0x3FA0]  }
0x29: {  	s4 =	sld [smem:$0x3FA2]  }
0x2a: {  	p0 =	seq.s32 s5, $0x0;
	s5 =	sld [smem:$0x3FA3]  }
0x2b: {  	s6 =	sld [smem:$0x3FA4]  }
0x2c: {  	s7 =	sld [smem:$0x3FA5]  }
0x2d: {  	s3 =	simm.s32 $0x108;
	s8 =	sld [smem:$0x3FA6]  }
0x2e: {  	s3 =	simm.s32 @!p0 $0x1082;
	s9 =	sld [smem:$0x3FA7]  }
0x2f: {  	lr =	sadd.s32 s0, s3;
	s0 =	sld [smem:$0x3F9E]  }
0x30: {  	s3 =	sld [smem:$0x3FA1]  }
0x31: {  	[smem:$0x3FAA] =	sst s10  }
0x32: {  	s10 =	sld [smem:$0x3FA8];
	_ =	sdelay $0x3  }
0x33: {  	p0 =	seq.s32 s10, $0x1;
	s10 =	sld [smem:$0x3FAA];
	_ =	sdelay $0x3  }
0x34: {  	[smem:$0x3FAA] =	sst s10  }
0x35: {  	s10 =	sld [smem:$0x3FA9];
	_ =	sdelay $0x3  }
0x36: {  	p1 =	seq.s32 s10, $0x1;
	s10 =	sld [smem:$0x3FAA];
	_ =	sdelay $0x3  }
0x37: {  	[smem:$0x3FAA] =	sst s10  }
0x38: {  	s10 =	sld [smem:$0x3FAB]  }
0x39: {  	_ = 	snop;
	(pc) =	sbr.ind lr, $3  }
0x3a: {  	_ = 	snop  }
0x3b: {  	_ = 	snop  }
0x3c: {  	p2 =	seq.s32 s10, $0x1;
	s10 =	sld [smem:$0x3FAA]  }
0x3d: {  	_ =	shalt  }
0x3e: {  	_ =	shalt  }
0x3f: {  	_ =	shalt  }
0x40: {  	_ =	shalt  }
0x41: {  	_ =	shalt  }
0x42: {  	_ =	shalt  }
0x43: {  	_ =	shalt  }
0x44: {  	_ =	shalt  }
0x45: {  	_ =	shalt  }
0x46: {  	_ =	shalt  }
0x47: {  	_ =	shalt  }
0x48: {  	_ =	shalt  }
0x49: {  	_ =	shalt  }
0x4a: {  	_ =	shalt  }
0x4b: {  	_ =	shalt  }
0x4c: {  	_ =	shalt  }
0x4d: {  	_ =	shalt  }
0x4e: {  	_ =	shalt  }
0x4f: {  	_ =	shalt  }
0x50: {  	_ =	shalt  }
0x51: {  	_ =	shalt  }
0x52: {  	_ =	shalt  }
0x53: {  	_ =	shalt  }
0x54: {  	_ =	shalt  }
0x55: {  	_ =	shalt  }
0x56: {  	_ =	shalt  }
0x57: {  	_ =	shalt  }
0x58: {  	_ =	shalt  }
0x59: {  	_ =	shalt  }
0x5a: {  	_ =	shalt  }
0x5b: {  	_ =	shalt  }
0x5c: {  	_ =	shalt  }
0x5d: {  	_ =	shalt  }
0x5e: {  	_ =	shalt  }
0x5f: {  	_ =	shalt  }
0x60: {  	_ =	shalt  }
0x61: {  	_ =	shalt  }
0x62: {  	_ =	shalt  }
0x63: {  	_ =	shalt  }
0x64: {  	_ =	shalt  }
0x65: {  	_ =	shalt  }
0x66: {  	_ =	shalt  }
0x67: {  	_ =	shalt  }
0x68: {  	_ =	shalt  }
0x69: {  	_ =	shalt  }
0x6a: {  	_ =	shalt  }
0x6b: {  	_ =	shalt  }
0x6c: {  	_ =	shalt  }
0x6d: {  	_ =	shalt  }
0x6e: {  	_ =	shalt  }
0x6f: {  	_ =	shalt  }
0x70: {  	_ =	shalt  }
0x71: {  	_ =	shalt  }
0x72: {  	_ =	shalt  }
0x73: {  	_ =	shalt  }
0x74: {  	_ =	shalt  }
0x75: {  	_ =	shalt  }
0x76: {  	_ =	shalt  }
0x77: {  	_ =	shalt  }
0x78: {  	_ =	shalt  }
0x79: {  	_ =	shalt  }
0x7a: {  	_ =	shalt  }
0x7b: {  	_ =	shalt  }
0x7c: {  	_ =	shalt  }
0x7d: {  	_ =	shalt  }
0x7e: {  	_ =	shalt  }
0x7f: {  	_ =	shalt  }
0x80: {  	_ =	shalt  }
0x81: {  	_ =	shalt  }
0x82: {  	_ =	shalt  }
0x83: {  	_ =	shalt  }
0x84: {  	_ =	shalt  }
0x85: {  	_ =	shalt  }
0x86: {  	_ =	shalt  }
0x87: {  	_ =	shalt  }
.Lfunc_end0:
.L_simem_size_0:
called_computation.3_lowered:
.L_overlay_start_0:
0x88: {  	s2 =	sld [smem:$0x3FD9]  }
0x89: {  	s3 =	sld [smem:$0x3FFE];
	_ =	sdelay $0x1  }
0x8a: {  	s1 =	srdreg.scid  }
0x8b: {  	s0 =	sand.u32 $0x1, s1  }
0x8c: {  	s17 =	sshll.u32 s0, $0xA;
	s2 =	sadd.s32 s3, s2  }
0x8d: {  	s2 =	sadd.s32 s2, s17  }
0x8e: {  	[smem:$0x3FB6] =	sst s2  }
0x8f: {  	_ = 	snop  }
0x90: {  	(tm) =	ssettm $0x1  }
0x91: {  	s18 =	sld [smem:$0x3FFB];
	_ =	sdelay $0x3  }
0x92: {  	_ =	strace s18  }
0x93: {  	s2 =	sld [smem:$0x3FFC];
	_ =	sdelay $0x3  }
0x94: {  	_ =	strace s2  }
0x95: {  	s2 =	sld [smem:$0x3FFD];
	_ =	sdelay $0x3  }
0x96: {  	_ =	strace s2  }
0x97: {  	_ =	strace $0x8FFFFFFF  }
0x98: {  	s19 =	sld [smem:$0x3FDB];
	_ =	sdelay $0x1  }
0x99: {  	s20 =	simm.s32 $_scs_section_size  }
0x9a: {  	s4 =	simm.s32 $_size__tile_overlayer_lowered;
	s5 =	simm.s32 $_tile_overlayer_lowered  }
0x9b: {  	s6 =	simm.s32 $0x1BFF;
	s21 =	sshll.u32 s5, $0x1;
	s3 =	sadd.s32 s20, s19  }
0x9c: {  	s22 =	simm.s32 $0x0;
	s4 =	sshll.u32 s4, $0x1;
	s5 =	sadd.s32 s21, s3  }
0x9d: {  	[timem:s22], [sflag:s6] =	dma.local [hbm:s5], s4  }
0x9e: {  	_ =	swait.ge [sflag:s6], s4  }
0x9f: {  	s4 =	ssub.s32 $0x0, s4;
	[sflag:s6] =	ssyncset.done $0x0  }
0xa0: {  	[sflag:s6] =	ssyncadd.s32 s4;
	_ =	sdelay $0x1  }
0xa1: {  	s23 =	simm.s32 $0x1B8B  }
0xa2: {  	_ =	swait.ge [sflag:s23], $0x1  }
0xa3: {  	[sflag:s23] =	ssyncset.done $0x0  }
0xa4: {  	[sflag:s23] =	ssyncadd.s32 $0xFFFFFFFF  }
0xa5: {  	s4 =	sld [smem:$0x0]  }
0xa6: {  	s5 =	sand.u32 $0xFFFFFFFE, s1  }
0xa7: {  	p0 =	sne.s32 s1, s5  }
0xa8: {  	s5 =	sshll.u32 @p0 s5, $0xE  }
0xa9: {  	s5 =	sadd.s32 @p0 $0x11B8D, s5;
	s6 =	sshll.u32 @p0 s4, $0x11  }
0xaa: {  	s5 =	sor.u32 @p0 s6, s5  }
0xab: {  	[sflag:s5] =	ssyncadd.remote.s32 @p0 $0x1;
	_ =	sdelay $0x1  }
0xac: {  	s5 =	simm.s32 @p0 $0x1B8D  }
0xad: {  	_ =	swait.eq @p0 [sflag:s5], $0x1  }
0xae: {  	[sflag:s5] =	ssyncadd.s32 @p0 $0xFFFFFFFF  }
0xaf: {  	s6 =	sshll.u32 @!p0 s1, $0xE  }
0xb0: {  	s6 =	sor.u32 @!p0 $0x4000, s6;
	s5 =	simm.s32 @!p0 $0x1B8D  }
0xb1: {  	s4 =	sshll.u32 @!p0 s4, $0x11;
	s6 =	sadd.s32 @!p0 $0x11B8D, s6;
	_ =	swait.eq @!p0 [sflag:s5], $0x1  }
0xb2: {  	s4 =	sor.u32 @!p0 s4, s6;
	[sflag:s5] =	ssyncadd.s32 @!p0 $0xFFFFFFFF  }
0xb3: {  	s25 =	simm.s32 $0x1B8E;
	s24 =	sld [smem:$0x3FFE];
	[sflag:s4] =	ssyncadd.remote.s32 @!p0 $0x1  }
0xb4: {  	s26 =	simm.s32 $execute0_lowered;
	[smem:$0x3FD2] =	sst s25  }
0xb5: {  	s5 =	sshll.u32 s26, $0x1;
	_ =	strace $0x8000004F;
	[dreg:$0x1] =	wrdreg $0xFFFFFFFF  }
0xb6: {  	s28 =	simm.s32 $_size_execute0_lowered;
	s3 =	sadd.s32 s3, s5;
	[dreg:$0x0] =	wrdreg $0x0  }
0xb7: {  	s5 =	sshll.u32 s28, $0x1;
	[dreg:$0x2] =	wrdreg s3  }
0xb8: {  	[dreg:$0x3] =	wrdreg s5  }
0xb9: {  	[dreg:$0x4] =	wrdreg $0xC0  }
0xba: {  	_ =	task [dreg:s22], $0x5FFFF  }
0xbb: {  	[dreg:$0x1] =	wrdreg $0xFFFFFFFF  }
0xbc: {  	[dreg:$0x0] =	wrdreg $0x60  }
0xbd: {  	[dreg:$0x2] =	wrdreg s24  }
0xbe: {  	[dreg:$0x3] =	wrdreg $0x0  }
0xbf: {  	[dreg:$0x4] =	wrdreg $0x9  }
0xc0: {  	_ =	task.clear_ibuf [dreg:s22], $0x5FFFF;
	_ =	strace $0x9000004F  }
0xc1: {  	s29 =	simm.s32 $0x9;
	_ =	strace $0x80000051  }
0xc2: {  	_ =	swait.ge [sflag:s29], $0x1  }
0xc3: {  	[sflag:s29] =	ssyncadd.s32 $0xFFFFFFFF  }
0xc4: {  	_ =	strace $0x90000051  }
0xc5: {  	_ =	sfence  }
0xc6: {  	s30 =	sld [smem:$0x0];
	_ =	sdelay $0x2  }
0xc7: {  	s31 =	sshll.u32 s1, $0xD;
	s1 =	sshrl.u32 s1, $0x2  }
0xc8: {  	s4 =	sand.u32 $0x4000, s31;
	s1 =	sadd.s32 s1, s30  }
0xc9: {  	s0 =	sor.u32 s4, s0;
	s1 =	sshll.u32 s1, $0x11  }
0xca: {  	s0 =	sor.u32 s1, s0  }
0xcb: {  	s0 =	sadd.s32 $0x8F2B, s0  }
0xcc: {  	[sflag:s0] =	ssyncadd.remote.s32 $0x1  }
0xcd: {  	_ =	sfence.sel $0xFFFF  }
0xce: {  	[dreg:$0x0] =	wrdreg $0xFFFFFFFF;
	(pc) =	sbr.abs _section_cstart, $3  }
0xcf: {  	[dreg:$0x1] =	wrdreg $0xFFFFFFFF  }
0xd0: {  	_ =	task.clear_ibuf [dreg:s22], $0x2FFFF;
	_ =	strace $0x9FFFFFFF  }
0xd1: {  	(tm) =	ssettm $0x7FFFFFFF  }
tec
execute0_lowered:
.L_overlay_start_1:
0x0: {  	(tag) =	ssettag $0x1  }
0x1: {  	s1 =	stileid.u32  }
0x2: {  	s0 =	rddreg [dreg:$0x0];
	s7 =	smul.u32 $0x1400, s1  }
0x3: {  	s3 =	srdreg.scid;
	s22 =	smul.u32 $0x5000, s1  }
0x4: {  	s2 =	rddreg [dreg:$0x1];
	s15 =	simm.s32 $0x13880;
	s24 =	smul.u32 $0xFA, s1  }
0x5: {  	s16 =	simm.s32 $0x13A80;
	s4 =	sand.u32 $0x1, s3;
	s13 =	smul.u32 $0x4E200, s1  }
0x6: {  	s17 =	simm.s32 $0x13900;
	s18 =	simm.s32 $0x16280;
	s5 =	smul.u32 $0x138800, s4  }
0x7: {  	s28 =	simm.s32 $0x6;
	s6 =	sshll.u32 s1, $0x1;
	s25 =	smul.u32 $0x7D, s4  }
0x8: {  	s6 =	sor.u32 s4, s6;
	s11 =	ssub.s32 $0x2, s4;
	s4 =	smul.u32 $0x27100, s4  }
0x9: {  	s29 =	simm.s32 $0x3;
	s30 =	simm.s32 $0x0;
	s8 =	smul.u32 $0x3E80, s6  }
0xa: {  	s3 =	simm.s32 $0x0;
	s9 =	sadd.s32 $0x7C1000, s0;
	s19 =	smul.u32 $0x280, s6  }
0xb: {  	s10 =	sadd.s32 $0x52000, s0;
	[smem:$0x7FF] =	sst s3;
	s21 =	smul.u32 $0x27100, s6  }
0xc: {  	_ =	strace $0x80000050;
	s12 =	sshrl.u32 s11, $0x1;
	s6 =	smul.u32 $0x138800, s6  }
0xd: {  	s5 =	sadd.s32 s7, s5;
	s11 =	ssub.s32 s11, s12;
	s26 =	sadd.s32 s25, s24  }
0xe: {  	s24 =	simm.s32 $0x18A80;
	s25 =	simm.s32 $0x5;
	s5 =	sshrl.u32 s5, $0x3  }
0xf: {  	s20 =	sand.u32 $0x7FC00, s8;
	s7 =	sand.u32 $0x380, s19;
	s23 =	sshrl.u32 s8, $0x3  }
0x10: {  	s6 =	sshrl.u32 s6, $0x3;
	s31 =	smax.u32 s11, $0x1;
	s19 =	simm.s32 $0x4  }
0x11: {  	s0 =	sadd.s32 s5, s0;
	s5 =	sor.u32 s7, s20;
	s7 =	sadd.s32 s9, s21  }
0x12: {  	s6 =	sadd.s32 s9, s6;
	[dreg:$0x7] =	wrdreg s31;
	s9 =	sadd.s32 s13, s9  }
0x13: {  	s20 =	simm.s32 $0x1;
	s21 =	simm.s32 $0x50;
	s5 =	sshrl.u32 s5, $0x3  }
0x14: {  	[dreg:$0x4] =	wrdreg s7;
	s7 =	sadd.s32 s10, s23;
	s6 =	sadd.s32 $0x500, s6  }
0x15: {  	s4 =	sadd.s32 s4, s9;
	s14 =	sadd.s32 $0x61A00, s0;
	s23 =	simm.s32 $0x13980  }
0x16: {  	s5 =	sadd.s32 s10, s5;
	s7 =	sadd.s32 $0x10, s7;
	[dreg:$0x6] =	wrdreg s6  }
0x17: {  	s6 =	sshll.u32 s26, $0x4;
	s4 =	sadd.s32 $0x1400, s4;
	[dreg:$0x3] =	wrdreg s5  }
0x18: {  	s26 =	simm.s32 $0x2;
	[dreg:$0x5] =	wrdreg s7;
	s5 =	sshrl.u32 s22, $0x2  }
0x19: {  	s6 =	sadd.s32 s6, s10;
	s22 =	simm.s32 $0x7;
	s9 =	sadd.s32 s5, s2  }
0x1a: {  	v0 =	vimm.f32 $0.0e+00;
	s10 =	sadd.s32 $0x40, s6;
	s12 =	sadd.s32 $0x30, s6;
	s13 =	sadd.s32 $0x20, s6  }
.LBB2_1:
0x1b: {  	s0 =	simm.s32 $0x0;
	s5 =	simm.s32 $0x200  }
.LBB2_2:
0x1c: {  	p0 =	sne.s32 s5, $0x4E00;
	[tilespmem:s0+$0x1B2F0] =	vst v0  }
0x1d: {  	[tilespmem:s0+$0x1B280] =	vst v0  }
0x1e: {  	[tilespmem:s0+$0x1B290] =	vst v0  }
.Ltmp0:
0x1f: {  	[tilespmem:s0+$0x1B2A0] =	vst v0;
	(pc) =	sbr.rel @p0 .LBB2_2-.Ltmp0, $4  }
0x20: {  	[tilespmem:s0+$0x1B2B0] =	vst v0  }
0x21: {  	[tilespmem:s0+$0x1B2C0] =	vst v0  }
0x22: {  	[tilespmem:s0+$0x1B2D0] =	vst v0  }
0x23: {  	[tilespmem:s0+$0x1B2E0] =	vst v0;
	s0 =	sshra.s32 s5, $0x2;
	s5 =	sadd.s32 $0x200, s5  }
0x24: {  	[tilespmem:s0+$0x1B2F0] =	vst v0  }
0x25: {  	[tilespmem:s0+$0x1B280] =	vst v0  }
0x26: {  	[tilespmem:s0+$0x1B290] =	vst v0  }
0x27: {  	[tilespmem:s0+$0x1B2A0] =	vst v0  }
0x28: {  	[tilespmem:s0+$0x1B2B0] =	vst v0  }
0x29: {  	[tilespmem:s0+$0x1B2C0] =	vst v0;
	s5 =	sadd.s32 $0x0, s1  }
0x2a: {  	[tilespmem:s0+$0x1B2D0] =	vst v0;
	p0 =	sgt.u32 s5, $0xF9  }
0x2b: {  	[tilespmem:s0+$0x1B2E0] =	vst v0;
	s0 =	simm.s32 @!p0 $0x1B280;
	s31 =	simm.s32 @!p0 $0x7  }
0x2c: {  	[spmem:s9] =	stream.linear.scatter @!p0 [tilespmem:s0], [sflag:$0x7], $0x1400, $0x38;
	[tilespmem:$0x1C680] =	vst v63  }
0x2d: {  	s11 =	simm.s32 $0x20;
	_ =	swait.ge @!p0 [sflag:s31], $0x1400  }
0x2e: {  	s5 =	simm.s32 $0x10;
	s0 =	sadd.s32 $0x14000, s9;
	[sflag:s31] =	ssyncset.done @!p0 $0x0  }
.LBB2_4:
0x2f: {  	s6 =	sadd.s32 s5, s1;
	s5 =	smov.u32 s11;
	s11 =	sadd.s32 $0x10, s11  }
0x30: {  	[sflag:s31] =	ssyncadd.s32 @!p0 $0xFFFFEC00;
	p1 =	sne.s32 s11, $0x100  }
.Ltmp1:
0x31: {  	p0 =	sgt.u32 s6, $0xF9;
	(pc) =	sbr.rel @p1 .LBB2_4-.Ltmp1, $4  }
0x32: {  	s6 =	simm.s32 @!p0 $0x1B280;
	s31 =	simm.s32 @!p0 $0x7  }
0x33: {  	[spmem:s0] =	stream.linear.scatter @!p0 [tilespmem:s6], [sflag:$0x7], $0x1400, $0x38;
	[tilespmem:$0x1C680] =	vst v63  }
0x34: {  	_ =	swait.ge @!p0 [sflag:s31], $0x1400  }
0x35: {  	s0 =	sadd.s32 $0x14000, s0;
	[sflag:s31] =	ssyncset.done @!p0 $0x0  }
0x36: {  	s5 =	sadd.s32 s5, s1  }
0x37: {  	p1 =	sgt.u32 s5, $0xF9  }
0x38: {  	[sflag:s31] =	ssyncadd.s32 @!p0 $0xFFFFEC00;
	s5 =	simm.s32 @!p1 $0x1B280;
	s6 =	simm.s32 @!p1 $0x7  }
0x39: {  	[spmem:s0] =	stream.linear.scatter @!p1 [tilespmem:s5], [sflag:$0x7], $0x1400, $0x38;
	[tilespmem:$0x1C680] =	vst v63  }
0x3a: {  	_ =	swait.ge @!p1 [sflag:s6], $0x1400  }
0x3b: {  	[sflag:s6] =	ssyncset.done @!p1 $0x0  }
0x3c: {  	[sflag:s6] =	ssyncadd.s32 @!p1 $0xFFFFEC00  }
0x3d: {  	[bflag:$0x0] =	sbarrier.arrive $0xFFFF  }
0x3e: {  	s0 =	simm.s32 $0x0;
	s6 =	rddreg [dreg:$0x3]  }
0x3f: {  	[tilespmem:s15], [sflag:$0x4] =	stream.linear.gather [hbm4b:s6+s0], $0x80, $0x38;
	[tilespmem:$0x1C680] =	vst v63  }
0x40: {  	s7 =	rddreg [dreg:$0x4]  }
0x41: {  	[tilespmem:s16], [sflag:$0x1] =	stream.linear.gather [hbm4b:s7+s0], $0x2800, $0x38;
	[tilespmem:$0x1C680] =	vst v63  }
0x42: {  	s8 =	rddreg [dreg:$0x5]  }
0x43: {  	[tilespmem:s17], [sflag:$0x5] =	stream.linear.gather [hbm4b:s8+s0], $0x80, $0x38;
	[tilespmem:$0x1C680] =	vst v63  }
0x44: {  	s11 =	rddreg [dreg:$0x6]  }
0x45: {  	[tilespmem:s18], [sflag:$0x2] =	stream.linear.gather [hbm4b:s11+s0], $0x2800, $0x38;
	[tilespmem:$0x1C680] =	vst v63  }
0x46: {  	_ =	swait.ge [sflag:s19], $0x80  }
0x47: {  	[sflag:s19] =	ssyncset.done $0x0  }
0x48: {  	[sflag:s19] =	ssyncadd.s32 $0xFFFFFF80  }
0x49: {  	_ =	swait.ge [sflag:s20], $0x2800  }
0x4a: {  	[sflag:s20] =	ssyncset.done $0x0  }
0x4b: {  	[sflag:s20] =	ssyncadd.s32 $0xFFFFD800  }
0x4c: {  	[spmem:s2] =	stream.indirect.scatter.add.f32 [tilespmem:s16], [sflag:$0x7], $0x80, s15, s21, $0xb8;
	[tilespmem:$0x1C680] =	vst v63  }
0x4d: {  	_ =	swait.ge [sflag:s22], $0x2800  }
0x4e: {  	[sflag:s22] =	ssyncset.done $0x0  }
0x4f: {  	s5 =	sadd.s32 $0x0, s13;
	[sflag:s22] =	ssyncadd.s32 $0xFFFFD800  }
0x50: {  	[tilespmem:s23], [sflag:$0x6] =	stream.linear.gather [hbm4b:s5+s3], $0x80, $0x38;
	[tilespmem:$0x1C680] =	vst v63  }
0x51: {  	s6 =	sadd.s32 $0xFFFFF600, s4  }
0x52: {  	[tilespmem:s24], [sflag:$0x3] =	stream.linear.gather [hbm4b:s6+s3], $0x2800, $0x38;
	[tilespmem:$0x1C680] =	vst v63  }
0x53: {  	_ =	swait.ge [sflag:s25], $0x80  }
0x54: {  	[sflag:s25] =	ssyncset.done $0x0  }
0x55: {  	[sflag:s25] =	ssyncadd.s32 $0xFFFFFF80  }
0x56: {  	_ =	swait.ge [sflag:s26], $0x2800  }
0x57: {  	[sflag:s26] =	ssyncset.done $0x0  }
0x58: {  	[sflag:s26] =	ssyncadd.s32 $0xFFFFD800  }
0x59: {  	[spmem:s2] =	stream.indirect.scatter.add.f32 [tilespmem:s18], [sflag:$0x7], $0x80, s17, s21, $0xb8;
	[tilespmem:$0x1C680] =	vst v63  }
0x5a: {  	_ =	swait.ge [sflag:s22], $0x2800  }
0x5b: {  	[sflag:s22] =	ssyncset.done $0x0  }
0x5c: {  	s7 =	sadd.s32 $0x0, s12;
	[sflag:s22] =	ssyncadd.s32 $0xFFFFD800  }
0x5d: {  	[tilespmem:s15], [sflag:$0x4] =	stream.linear.gather [hbm4b:s7+s3], $0x80, $0x38;
	[tilespmem:$0x1C680] =	vst v63  }
0x5e: {  	s8 =	sadd.s32 $0xFFFFFB00, s4  }
0x5f: {  	[tilespmem:s16], [sflag:$0x1] =	stream.linear.gather [hbm4b:s8+s3], $0x2800, $0x38;
	[tilespmem:$0x1C680] =	vst v63  }
0x60: {  	_ =	swait.ge [sflag:s28], $0x80  }
0x61: {  	[sflag:s28] =	ssyncset.done $0x0  }
0x62: {  	[sflag:s28] =	ssyncadd.s32 $0xFFFFFF80  }
0x63: {  	_ =	swait.ge [sflag:s29], $0x2800  }
0x64: {  	[sflag:s29] =	ssyncset.done $0x0  }
0x65: {  	[sflag:s29] =	ssyncadd.s32 $0xFFFFD800  }
0x66: {  	[spmem:s2] =	stream.indirect.scatter.add.f32 [tilespmem:s24], [sflag:$0x7], $0x80, s23, s21, $0xb8;
	[tilespmem:$0x1C680] =	vst v63  }
0x67: {  	_ =	swait.ge [sflag:s22], $0x2800  }
0x68: {  	[sflag:s22] =	ssyncset.done $0x0  }
0x69: {  	s11 =	sadd.s32 $0x0, s10;
	[sflag:s22] =	ssyncadd.s32 $0xFFFFD800  }
0x6a: {  	[tilespmem:s17], [sflag:$0x5] =	stream.linear.gather [hbm4b:s11+s3], $0x80, $0x38;
	[tilespmem:$0x1C680] =	vst v63  }
0x6b: {  	s31 =	simm.s32 $0x30;
	s0 =	sadd.s32 $0xF00, s4;
	s11 =	smov.u32 s4  }
.LBB2_6:
0x6c: {  	[tilespmem:s18], [sflag:$0x2] =	stream.linear.gather [hbm4b:s11+s3], $0x2800, $0x38;
	[tilespmem:$0x1C680] =	vst v63  }
0x6d: {  	s5 =	smov.u32 s31;
	s11 =	smov.u32 s0  }
0x6e: {  	p0 =	sne.s32 s31, $0x780;
	s31 =	sadd.s32 $0x30, s31;
	_ =	swait.ge [sflag:s19], $0x80  }
0x6f: {  	[sflag:s19] =	ssyncset.done $0x0  }
0x70: {  	[sflag:s19] =	ssyncadd.s32 $0xFFFFFF80  }
0x71: {  	_ =	swait.ge [sflag:s20], $0x2800  }
0x72: {  	[sflag:s20] =	ssyncset.done $0x0  }
0x73: {  	[sflag:s20] =	ssyncadd.s32 $0xFFFFD800  }
0x74: {  	[spmem:s2] =	stream.indirect.scatter.add.f32 [tilespmem:s16], [sflag:$0x7], $0x80, s15, s21, $0xb8;
	[tilespmem:$0x1C680] =	vst v63  }
0x75: {  	_ =	swait.ge [sflag:s22], $0x2800  }
0x76: {  	[sflag:s22] =	ssyncset.done $0x0  }
0x77: {  	s6 =	sadd.s32 s5, s13;
	[sflag:s22] =	ssyncadd.s32 $0xFFFFD800  }
0x78: {  	[tilespmem:s23], [sflag:$0x6] =	stream.linear.gather [hbm4b:s6+s3], $0x80, $0x38;
	[tilespmem:$0x1C680] =	vst v63  }
0x79: {  	s6 =	sadd.s32 $0xFFFFF600, s0  }
0x7a: {  	[tilespmem:s24], [sflag:$0x3] =	stream.linear.gather [hbm4b:s6+s3], $0x2800, $0x38;
	[tilespmem:$0x1C680] =	vst v63  }
0x7b: {  	_ =	swait.ge [sflag:s25], $0x80  }
0x7c: {  	[sflag:s25] =	ssyncset.done $0x0  }
0x7d: {  	[sflag:s25] =	ssyncadd.s32 $0xFFFFFF80  }
0x7e: {  	_ =	swait.ge [sflag:s26], $0x2800  }
0x7f: {  	[sflag:s26] =	ssyncset.done $0x0  }
0x80: {  	[sflag:s26] =	ssyncadd.s32 $0xFFFFD800  }
0x81: {  	[spmem:s2] =	stream.indirect.scatter.add.f32 [tilespmem:s18], [sflag:$0x7], $0x80, s17, s21, $0xb8;
	[tilespmem:$0x1C680] =	vst v63  }
0x82: {  	_ =	swait.ge [sflag:s22], $0x2800  }
0x83: {  	[sflag:s22] =	ssyncset.done $0x0  }
0x84: {  	s6 =	sadd.s32 s5, s12;
	[sflag:s22] =	ssyncadd.s32 $0xFFFFD800  }
0x85: {  	[tilespmem:s15], [sflag:$0x4] =	stream.linear.gather [hbm4b:s6+s3], $0x80, $0x38;
	[tilespmem:$0x1C680] =	vst v63  }
0x86: {  	s6 =	sadd.s32 $0xFFFFFB00, s0  }
0x87: {  	[tilespmem:s16], [sflag:$0x1] =	stream.linear.gather [hbm4b:s6+s3], $0x2800, $0x38;
	[tilespmem:$0x1C680] =	vst v63  }
0x88: {  	_ =	swait.ge [sflag:s28], $0x80  }
0x89: {  	[sflag:s28] =	ssyncset.done $0x0  }
0x8a: {  	[sflag:s28] =	ssyncadd.s32 $0xFFFFFF80  }
0x8b: {  	_ =	swait.ge [sflag:s29], $0x2800  }
0x8c: {  	[sflag:s29] =	ssyncset.done $0x0  }
0x8d: {  	[sflag:s29] =	ssyncadd.s32 $0xFFFFD800  }
0x8e: {  	[spmem:s2] =	stream.indirect.scatter.add.f32 [tilespmem:s24], [sflag:$0x7], $0x80, s23, s21, $0xb8;
	[tilespmem:$0x1C680] =	vst v63  }
.Ltmp2:
0x8f: {  	_ =	swait.ge [sflag:s22], $0x2800;
	(pc) =	sbr.rel @p0 .LBB2_6-.Ltmp2, $4  }
0x90: {  	[sflag:s22] =	ssyncset.done $0x0  }
0x91: {  	s5 =	sadd.s32 s5, s10;
	[sflag:s22] =	ssyncadd.s32 $0xFFFFD800  }
0x92: {  	[tilespmem:s17], [sflag:$0x5] =	stream.linear.gather [hbm4b:s5+s3], $0x80, $0x38;
	[tilespmem:$0x1C680] =	vst v63  }
0x93: {  	s0 =	sadd.s32 $0xF00, s0  }
0x94: {  	[tilespmem:s18], [sflag:$0x2] =	stream.linear.gather [hbm4b:s11+s3], $0x2800, $0x38;
	[tilespmem:$0x1C680] =	vst v63  }
0x95: {  	_ =	swait.ge [sflag:s19], $0x80  }
0x96: {  	[sflag:s19] =	ssyncset.done $0x0  }
0x97: {  	[sflag:s19] =	ssyncadd.s32 $0xFFFFFF80  }
0x98: {  	_ =	swait.ge [sflag:s20], $0x2800  }
0x99: {  	[sflag:s20] =	ssyncset.done $0x0  }
0x9a: {  	[sflag:s20] =	ssyncadd.s32 $0xFFFFD800  }
0x9b: {  	[spmem:s2] =	stream.indirect.scatter.add.f32 [tilespmem:s16], [sflag:$0x7], $0x80, s15, s21, $0xb8;
	[tilespmem:$0x1C680] =	vst v63  }
0x9c: {  	_ =	swait.ge [sflag:s22], $0x2800  }
0x9d: {  	[sflag:s22] =	ssyncset.done $0x0  }
0x9e: {  	[sflag:s22] =	ssyncadd.s32 $0xFFFFD800  }
0x9f: {  	_ =	swait.ge [sflag:s25], $0x80  }
0xa0: {  	[sflag:s25] =	ssyncset.done $0x0  }
0xa1: {  	[sflag:s25] =	ssyncadd.s32 $0xFFFFFF80  }
0xa2: {  	_ =	swait.ge [sflag:s26], $0x2800  }
0xa3: {  	[sflag:s26] =	ssyncset.done $0x0  }
0xa4: {  	[sflag:s26] =	ssyncadd.s32 $0xFFFFD800  }
0xa5: {  	[spmem:s2] =	stream.indirect.scatter.add.f32 [tilespmem:s18], [sflag:$0x7], $0x80, s17, s21, $0xb8;
	[tilespmem:$0x1C680] =	vst v63  }
0xa6: {  	s0 =	sadd.s32 $0x0, s1;
	_ =	swait.ge [sflag:s22], $0x2800  }
0xa7: {  	p0 =	sgt.u32 s0, $0xF9;
	[sflag:s22] =	ssyncset.done $0x0  }
0xa8: {  	s0 =	sshll.u32 @!p0 s1, $0x6;
	s5 =	sshrl.u32 @!p0 s9, $0x3;
	[sflag:s22] =	ssyncadd.s32 $0xFFFFD800  }
0xa9: {  	s31 =	simm.s32 @!p0 $0x7;
	s0 =	sor.u32 @!p0 $0x1C07, s0;
	[bflag:$0x0] =	sbarrier.arrive $0xFFFF  }
0xaa: {  	[hbm:s14], [sflag:s0] =	dma.local @!p0 [spmem:s5], $0x280  }
0xab: {  	s11 =	simm.s32 $0x20;
	s6 =	sadd.s32 $0x10, s1;
	_ =	swait.ge @!p0 [sflag:s31], $0x280  }
0xac: {  	s0 =	sadd.s32 $0x14000, s9;
	s5 =	sadd.s32 $0x2800, s14;
	[sflag:s31] =	ssyncset.done @!p0 $0x0  }
.LBB2_8:
0xad: {  	[sflag:s31] =	ssyncadd.s32 @!p0 $0xFFFFFD80  }
0xae: {  	p0 =	sgt.u32 s6, $0xF9;
	s6 =	smov.u32 s11;
	s11 =	sadd.s32 $0x10, s11  }
0xaf: {  	p1 =	sne.s32 s11, $0x100  }
.Ltmp3:
0xb0: {  	s31 =	sshll.u32 @!p0 s1, $0x6;
	s7 =	sshrl.u32 @!p0 s0, $0x3;
	(pc) =	sbr.rel @p1 .LBB2_8-.Ltmp3, $4  }
0xb1: {  	s8 =	sor.u32 @!p0 $0x1C07, s31;
	s31 =	simm.s32 @!p0 $0x7  }
0xb2: {  	[hbm:s5], [sflag:s8] =	dma.local @!p0 [spmem:s7], $0x280  }
0xb3: {  	s0 =	sadd.s32 $0x14000, s0;
	_ =	swait.ge @!p0 [sflag:s31], $0x280  }
0xb4: {  	s6 =	sadd.s32 s6, s1;
	s5 =	sadd.s32 $0x2800, s5;
	[sflag:s31] =	ssyncset.done @!p0 $0x0  }
0xb5: {  	p1 =	sgt.u32 s6, $0xF9  }
0xb6: {  	[sflag:s31] =	ssyncadd.s32 @!p0 $0xFFFFFD80;
	s6 =	sshll.u32 @!p1 s1, $0x6  }
0xb7: {  	s0 =	sshrl.u32 @!p1 s0, $0x3;
	s7 =	simm.s32 @!p1 $0x7;
	s6 =	sor.u32 @!p1 $0x1C07, s6  }
0xb8: {  	[hbm:s5], [sflag:s6] =	dma.local @!p1 [spmem:s0], $0x280  }
0xb9: {  	_ =	swait.ge @!p1 [sflag:s7], $0x280  }
0xba: {  	s30 =	sadd.s32 $0x1, s30;
	s31 =	rddreg [dreg:$0x7]  }
0xbb: {  	p0 =	sne.s32 s30, s31  }
.Ltmp4:
0xbc: {  	_ = 	snop;
	(pc) =	sbr.rel @p0 .LBB2_1-.Ltmp4, $3  }
0xbd: {  	_ =	sdelay $0x1  }
0xbe: {  	[sflag:s7] =	ssyncset.done @!p1 $0x0  }
0xbf: {  	[sflag:s7] =	ssyncadd.s32 @!p1 $0xFFFFFD80  }
0xc0: {  	_ =	sfence.sel $0x180000  }
0xc1: {  	[bflag:$0x0] =	sbarrier.arrive $0xFFFF  }
0xc2: {  	_ =	strace $0x90000050  }
0xc3: {  	[bflag:$0x2] =	sbarrier.arrive $0xFFFF  }
0xc4: {  	p0 =	sne.s32 s1, $0x0;
	s0 =	rddreg [dreg:$0x2]  }
0xc5: {  	s0 =	sadd.s32 @!p0 $0x100000, s0  }
0xc6: {  	[sflag:s0] =	ssyncadd.tile.s32 @!p0 $0x1;
	_ =	shalt  }
.Lfunc_end2:
_tile_overlayer_lowered:
.L_overlay_start_2:
0xc7: {  	(tag) =	ssettag $0x2  }
0xc8: {  	s0 =	rddreg [dreg:$0x0];
	s2 =	stileid.u32  }
0xc9: {  	s1 =	rddreg [dreg:$0x1];
	p0 =	sne.s32 s2, $0x0  }
0xca: {  	s3 =	rddreg [dreg:$0x2];
	[bflag:$0x3] =	sbarrier.arrive $0xFFFF;
	s2 =	simm.s32 @!p0 $0x1C07  }
0xcb: {  	[timem:s3], [sflag:s2] =	dma.local @!p0 [hbm:s0], s1  }
0xcc: {  	s0 =	simm.s32 @!p0 $0x7  }
0xcd: {  	_ =	swait.ge @!p0 [sflag:s0], s1  }
0xce: {  	s1 =	ssub.s32 @!p0 $0x0, s1;
	[sflag:s0] =	ssyncset.done @!p0 $0x0  }
0xcf: {  	[sflag:s0] =	ssyncadd.s32 @!p0 s1  }
0xd0: {  	[bflag:$0x3] =	sbarrier.arrive $0xFFFF  }
0xd1: {  	_ =	shalt  }

</sc_bundles>
